<compile_context>
chip_gen: v7x
topology: tpu7x:2x2x1
jax: 0.10.2.dev20260603
libtpu: 0.0.44.dev20260713+nightly
codegen_flags: <defaults>
</compile_context>

<pallas_src>
import functools

import jax
import jax.numpy as jnp
from jax import lax
from jax.experimental import pallas as pl
from jax.experimental.pallas import tpu as pltpu
import jax.experimental.pallas.tpu_sc as plsc

BN = 1000
NC, NS, L = 2, 16, 16
NW = NC * NS
CH = 80


def _mlp_kernel(x_ref, w1_ref, b1_ref, w2_ref, b2_ref,
                gf_ref, gw1_ref, gb1_ref, gw2_ref, gb2_ref,
                h2_ref, g_ref):
    x = x_ref[...]
    h = jnp.maximum(
        jnp.dot(x, w1_ref[...], preferred_element_type=jnp.float32)
        + b1_ref[...], 0.0)
    h2_ref[...] = (jnp.dot(h, w2_ref[...], preferred_element_type=jnp.float32)
                   + b2_ref[...])

    @pl.when(pl.program_id(0) == 0)
    def _():
        gh = jnp.maximum(
            jnp.dot(gf_ref[...], gw1_ref[...],
                    preferred_element_type=jnp.float32) + gb1_ref[...], 0.0)
        g_ref[...] = (jnp.dot(gh, gw2_ref[...],
                              preferred_element_type=jnp.float32)
                      + gb2_ref[...])


def _combine_kernel(x_ref, msg_ref, den_ref, g_ref,
                    w1_ref, b1_ref, w2_ref, b2_ref, out_ref):
    x = x_ref[...]
    h = jnp.maximum(
        jnp.dot(x, w1_ref[...], preferred_element_type=jnp.float32)
        + b1_ref[...], 0.0)
    h1 = (jnp.dot(h, w2_ref[...], preferred_element_type=jnp.float32)
          + b2_ref[...])
    msg = msg_ref[0] + msg_ref[1]
    den = jnp.sum(den_ref[...], axis=1)[:, None] + 1e-07
    inter = h1 + msg / den + g_ref[...]
    mean = jnp.mean(inter, axis=1, keepdims=True)
    var = jnp.mean((inter - mean) ** 2, axis=1, keepdims=True)
    normed = (inter - mean) * lax.rsqrt(var + 1e-05)
    out_ref[...] = x + jnp.maximum(normed, 0.0)


def _full_spec(shape):
    return pl.BlockSpec(shape, lambda i: (0,) * len(shape))


def _sc_edge_body(Np, N, d, NCH,
                  h2_hbm, epk_hbm, msg_hbm, den_hbm,
                  accum_sh, eba, ebb, sidxa, sidxb, siga, sigb,
                  rowsa, rowsb, denv, sem_e, sem_g, sem_s):
    c = lax.axis_index("c")
    s = lax.axis_index("s")
    wid = c * NS + s
    rows_per_s = Np // NS
    nwb = rows_per_s // CH

    z16 = jnp.zeros((L,), jnp.float32)

    def zero_den(i, _):
        denv[pl.ds(pl.multiple_of(i * L, L), L)] = z16
        return 0
    lax.fori_loop(0, N // L, zero_den, 0)

    def zero_rows(i, _):
        for j in range(d // L):
            rowsa[i, pl.ds(j * L, L)] = z16
        return 0
    lax.fori_loop(0, CH, zero_rows, 0)
    for k in range(nwb):
        pltpu.sync_copy(rowsa, accum_sh.at[pl.ds(s * rows_per_s + k * CH, CH)])
    plsc.subcore_barrier()

    def wait_gather(sem):
        pltpu.make_async_copy(h2_hbm.at[pl.ds(0, CH)], rowsa, sem).wait()

    def wait_scatter(sem):
        pltpu.make_async_copy(msg_hbm.at[0, pl.ds(0, CH)], rowsa, sem).wait()

    def wait_eb(sem):
        pltpu.make_async_copy(epk_hbm.at[0, 0], eba, sem).wait()

    def issue_e(ci, eb):
        pltpu.async_copy(epk_hbm.at[wid, ci], eb, sem_e)

    def issue_g(ci, eb, rows):
        pltpu.async_copy(h2_hbm.at[eb.at[1]], rows, sem_g)

    def consume_eb(eb, sidx, sig):
        for k in range(CH // L):
            sl = pl.ds(k * L, L)
            srcv = eb[0, sl]
            sidx[sl] = srcv
            efv = lax.bitcast_convert_type(eb[2, sl], jnp.float32)
            sg = 1.0 / (1.0 + jnp.exp(-efv))
            sig[sl] = sg
            plsc.addupdate_scatter(denv, [srcv], sg)

    def scale(rows, sig):
        def scale_group(gi, _):
            sg16 = sig[pl.ds(pl.multiple_of(gi * L, L), L)]
            rbase = gi * L
            for rr in range(L):
                sv = sg16[rr]
                for j in range(d // L):
                    rows[rbase + rr, pl.ds(j * L, L)] = (
                        rows[rbase + rr, pl.ds(j * L, L)] * sv)
            return 0
        lax.fori_loop(0, CH // L, scale_group, 0)

    def step(ci, ebp, sidxp, sigp, rowsp, ebq, rowsq):
        wait_gather(sem_g)
        consume_eb(ebp, sidxp, sigp)

        @pl.when(ci + 2 < NCH)
        def _():
            issue_e(ci + 2, ebp)

        @pl.when(ci > 0)
        def _():
            wait_scatter(sem_s)

        @pl.when(ci + 1 < NCH)
        def _():
            wait_eb(sem_e)
            issue_g(ci + 1, ebq, rowsq)

        scale(rowsp, sigp)
        pltpu.async_copy(rowsp, accum_sh.at[sidxp], sem_s, add=True)

    issue_e(0, eba)
    wait_eb(sem_e)
    issue_g(0, eba, rowsa)
    issue_e(1, ebb)

    def pair_body(t, _):
        c1 = 2 * t
        step(c1, eba, sidxa, siga, rowsa, ebb, rowsb)
        step(c1 + 1, ebb, sidxb, sigb, rowsb, eba, rowsa)
        return 0

    lax.fori_loop(0, NCH // 2, pair_body, 0)
    wait_scatter(sem_s)
    plsc.subcore_barrier()

    for k in range(nwb):
        start = s * rows_per_s + k * CH
        buf = rowsa if k % 2 == 0 else rowsb
        pltpu.sync_copy(accum_sh.at[pl.ds(start, CH)], buf)
        pltpu.sync_copy(buf, msg_hbm.at[c, pl.ds(start, CH)])
    pltpu.sync_copy(denv, den_hbm.at[wid])


def _sc_edge(h2, epk, N):
    d = h2.shape[1]
    NCH = epk.shape[1]
    Np = -(-N // (NS * 128)) * (NS * 128)
    mesh = plsc.VectorSubcoreMesh(core_axis_name="c", subcore_axis_name="s")
    f = pl.kernel(
        functools.partial(_sc_edge_body, Np, N, d, NCH),
        out_type=(jax.ShapeDtypeStruct((NC, Np, d), jnp.float32),
                  jax.ShapeDtypeStruct((NW, N), jnp.float32)),
        mesh=mesh,
        scratch_types=[
            pltpu.VMEM_SHARED((Np, d), jnp.float32),
            pltpu.VMEM((3, CH), jnp.int32),
            pltpu.VMEM((3, CH), jnp.int32),
            pltpu.VMEM((CH,), jnp.int32),
            pltpu.VMEM((CH,), jnp.int32),
            pltpu.VMEM((CH,), jnp.float32),
            pltpu.VMEM((CH,), jnp.float32),
            pltpu.VMEM((CH, d), jnp.float32),
            pltpu.VMEM((CH, d), jnp.float32),
            pltpu.VMEM((N,), jnp.float32),
            pltpu.SemaphoreType.DMA,
            pltpu.SemaphoreType.DMA,
            pltpu.SemaphoreType.DMA,
        ],
        compiler_params=pltpu.CompilerParams(needs_layout_passes=False,
                                             use_tc_tiling_on_sc=False),
    )
    return f(h2, epk)


def kernel(node_features, edge_index, edge_features, global_features,
           W1a, b1a, W2a, b2a, W1b, b1b, W2b, b2b, W1c, b1c, W2c, b2c):
    x = node_features[0]
    N, d = x.shape
    hdim = W1a.shape[0]
    src = edge_index[0, 0]
    dst = edge_index[0, 1]
    E = src.shape[0]
    NCH = 2 * E // (NW * CH)

    grid = N // BN
    row_spec = pl.BlockSpec((BN, d), lambda i: (i, 0))

    h2, g = pl.pallas_call(
        _mlp_kernel,
        grid=(grid,),
        in_specs=[
            row_spec,
            _full_spec((d, hdim)), _full_spec((1, hdim)),
            _full_spec((hdim, d)), _full_spec((1, d)),
            _full_spec((1, d)),
            _full_spec((d, hdim)), _full_spec((1, hdim)),
            _full_spec((hdim, d)), _full_spec((1, d)),
        ],
        out_specs=[row_spec, _full_spec((1, d))],
        out_shape=[jax.ShapeDtypeStruct((N, d), jnp.float32),
                   jax.ShapeDtypeStruct((1, d), jnp.float32)],
    )(x, W1b.T, b1b[None], W2b.T, b2b[None],
      global_features[0], W1c.T, b1c[None], W2c.T, b2c[None])

    ebits = lax.bitcast_convert_type(edge_features[0], jnp.int32)
    epk = jnp.stack([
        jnp.concatenate([src, dst]).reshape(NW, NCH, CH),
        jnp.concatenate([dst, src]).reshape(NW, NCH, CH),
        jnp.concatenate([ebits, ebits]).reshape(NW, NCH, CH),
    ], axis=2)

    msg2, den32 = _sc_edge(h2, epk, N)

    out = pl.pallas_call(
        _combine_kernel,
        grid=(grid,),
        in_specs=[
            row_spec,
            pl.BlockSpec((NC, BN, d), lambda i: (0, i, 0)),
            pl.BlockSpec((BN, NW), lambda i: (i, 0)),
            _full_spec((1, d)),
            _full_spec((d, hdim)), _full_spec((1, hdim)),
            _full_spec((hdim, d)), _full_spec((1, d)),
        ],
        out_specs=row_spec,
        out_shape=jax.ShapeDtypeStruct((N, d), jnp.float32),
    )(x, msg2, den32.T, g,
      W1a.T, b1a[None], W2a.T, b2a[None])

    return out[None]

# --- scband reference (transcript-rebuilt; emitter-appended) ---
"""Pipeline reference for scband-node-features-18047452578374 (READ-ONLY COPY).

The authoritative reference and input builder live on the scoring server;
editing this copy changes nothing except your own understanding.
"""

import jax, jax.numpy as jnp
import numpy as np


def _fcnn(x, W1, b1, W2, b2):
    h = jnp.maximum(x @ W1.T + b1, 0.0)
    return h @ W2.T + b2


def setup_inputs(seed: int = 0):
    key = jax.random.key(seed)
    N, E, d, hdim = 10000, 320000, 128, 256
    ks = jax.random.split(key, 20)
    inp = {}
    inp['node_features'] = jax.random.normal(ks[0], (1, N, d), dtype=jnp.float32)
    inp['edge_index'] = jax.random.randint(ks[1], (1, 2, E), 0, N, dtype=jnp.int32)
    inp['edge_features'] = jax.random.normal(ks[2], (1, E), dtype=jnp.float32)
    inp['global_features'] = jax.random.normal(ks[3], (1, 1, d), dtype=jnp.float32)
    # FCNN_one, FCNN_two, FCNN_three parameters (Linear: out_features x in_features)
    s1 = 1.0 / np.sqrt(d)
    s2 = 1.0 / np.sqrt(hdim)
    for tag, k0 in (('a', 4), ('b', 8), ('c', 12)):
        inp['W1' + tag] = jax.random.uniform(ks[k0], (hdim, d), jnp.float32, -s1, s1)
        inp['b1' + tag] = jax.random.uniform(ks[k0 + 1], (hdim,), jnp.float32, -s1, s1)
        inp['W2' + tag] = jax.random.uniform(ks[k0 + 2], (d, hdim), jnp.float32, -s2, s2)
        inp['b2' + tag] = jax.random.uniform(ks[k0 + 3], (d,), jnp.float32, -s2, s2)
    return inp


def reference(node_features, edge_index, edge_features, global_features,
              W1a, b1a, W2a, b2a, W1b, b1b, W2b, b2b, W1c, b1c, W2c, b2c):
    # Vectorized, mathematically faithful version of the per-node python loops.
    x = node_features[0]                      # [N, d]
    src = edge_index[0, 0]                    # [E]
    dst = edge_index[0, 1]                    # [E]
    sig_e = jax.nn.sigmoid(edge_features[0])  # [E]
    N, d = x.shape
    eps = 1e-07
    # per-node denominator: eps + sum of sigmoid(edge_feat) over all incident edges
    denom = jnp.zeros((N,), x.dtype).at[src].add(sig_e).at[dst].add(sig_e) + eps
    h1 = _fcnn(x, W1a, b1a, W2a, b2a)         # FCNN_one(x_i)
    h2 = _fcnn(x, W1b, b1b, W2b, b2b)         # FCNN_two(x_j) for neighbors
    # scatter-add weighted neighbor messages in both directions
    msg = jnp.zeros_like(x)
    msg = msg.at[src].add(sig_e[:, None] * h2[dst])
    msg = msg.at[dst].add(sig_e[:, None] * h2[src])
    g = _fcnn(global_features[0, 0], W1c, b1c, W2c, b2c)  # [d]
    inter = h1 + msg / denom[:, None] + g[None, :]
    # InstanceNorm1d on (1, d) input == normalize over the d features, no affine
    mean = jnp.mean(inter, axis=1, keepdims=True)
    var = jnp.var(inter, axis=1, keepdims=True)
    normed = (inter - mean) / jnp.sqrt(var + 1e-05)
    # dropout treated as identity (eval semantics)
    out = x + jnp.maximum(normed, 0.0)
    return out[None, :, :]

if __name__ == "__main__":
    import jax
    _d = setup_inputs()
    print(jax.jit(kernel)(*tuple(_d.values())))

</pallas_src>

<mosaic_0001>
#map = affine_map<(d0, d1) -> (0, 0)>
#map1 = affine_map<(d0, d1) -> (0, 0, 0, 0)>
#map2 = affine_map<(d0, d1) -> (0, 0, 0)>
module attributes {stable_mosaic.version = 14 : i64} {
  func.func @_sc_edge_body(%arg0: i32, %arg1: i32, %arg2: memref<10000x128xf32, #tpu.memory_space<hbm>>, %arg3: memref<32x250x3x80xi32, #tpu.memory_space<hbm>>, %arg4: memref<2x10240x128xf32, #tpu.memory_space<hbm>>, %arg5: memref<32x10000xf32, #tpu.memory_space<hbm>>, %arg6: memref<10240x128xf32, #tpu.memory_space<vmem_shared>>, %arg7: memref<3x80xi32, #tpu.memory_space<vmem>>, %arg8: memref<3x80xi32, #tpu.memory_space<vmem>>, %arg9: memref<80xi32, #tpu.memory_space<vmem>>, %arg10: memref<80xi32, #tpu.memory_space<vmem>>, %arg11: memref<80xf32, #tpu.memory_space<vmem>>, %arg12: memref<80xf32, #tpu.memory_space<vmem>>, %arg13: memref<80x128xf32, #tpu.memory_space<vmem>>, %arg14: memref<80x128xf32, #tpu.memory_space<vmem>>, %arg15: memref<10000xf32, #tpu.memory_space<vmem>>, %arg16: memref<!tpu.dma_semaphore, #tpu.memory_space<semaphore_mem>>, %arg17: memref<!tpu.dma_semaphore, #tpu.memory_space<semaphore_mem>>, %arg18: memref<!tpu.dma_semaphore, #tpu.memory_space<semaphore_mem>>) attributes {dimension_semantics = [#tpu.dimension_semantics<core_parallel>, #tpu.dimension_semantics<subcore_parallel>], iteration_bounds = array<i64: 2, 16>, scalar_prefetch = 0 : i64, scratch_operands = 13 : i64, tpu.core_type = #tpu.core_type<sc_vector_subcore>, window_params = [{transform_indices = #map}, {transform_indices = #map1}, {transform_indices = #map2}, {transform_indices = #map}]} {
    %mul3A = arith.constant 16 : i32
    %mul3A_0 = arith.muli %arg0, %mul3A : i32
    %add3A = arith.addi %mul3A_0, %arg1 : i32
    %broadcast_in_dim3A = arith.constant 0.000000e+00 : f32
    %broadcast_in_dim3A_1 = vector.broadcast %broadcast_in_dim3A : f32 to vector<16xf32>
    %scan3A = arith.constant 0 : i32
    %scan3A_2 = arith.constant 0 : i32
    %scan3A_3 = arith.constant 625 : i32
    %scan3A_4 = arith.addi %scan3A_2, %scan3A_3 : i32
    %scan3A_5 = arith.constant 1 : i32
    %scan3A_6 = scf.for %scan3A_129 = %scan3A_2 to %scan3A_4 step %scan3A_5 iter_args(%scan3A_130 = %scan3A) -> (i32)  : i32 {
      %mul3A_131 = arith.constant 16 : i32
      %mul3A_132 = arith.muli %scan3A_129, %mul3A_131 : i32
      %multiple_of3A = tpu.assume_multiple %mul3A_132, 16 : i32
      %swap3A = arith.index_cast %multiple_of3A : i32 to index
      %swap3A_133 = tpu.vector_load %arg15[%swap3A] {strides = array<i32>} : memref<10000xf32, #tpu.memory_space<vmem>>, vector<16xf32>,
      tpu.vector_store %arg15[%swap3A], %broadcast_in_dim3A_1 {strides = array<i32>} : memref<10000xf32, #tpu.memory_space<vmem>>, vector<16xf32>,
      %scan3A_134 = arith.constant 0 : i32
      scf.yield %scan3A_134 : i32
    }
    %scan3A_7 = arith.constant 625 : i32
    %scan3A_8 = arith.constant 0 : i32
    %scan3A_9 = arith.constant 0 : i32
    %scan3A_10 = arith.constant 80 : i32
    %scan3A_11 = arith.addi %scan3A_9, %scan3A_10 : i32
    %scan3A_12 = arith.constant 1 : i32
    %scan3A_13 = scf.for %scan3A_129 = %scan3A_9 to %scan3A_11 step %scan3A_12 iter_args(%scan3A_130 = %scan3A_8) -> (i32)  : i32 {
      %swap3A = arith.index_cast %scan3A_129 : i32 to index
      %swap3A_131 = arith.constant 0 : index
      %swap3A_132 = tpu.vector_load %arg13[%swap3A, %swap3A_131] {strides = array<i32>} : memref<80x128xf32, #tpu.memory_space<vmem>>, vector<16xf32>,
      tpu.vector_store %arg13[%swap3A, %swap3A_131], %broadcast_in_dim3A_1 {strides = array<i32>} : memref<80x128xf32, #tpu.memory_space<vmem>>, vector<16xf32>,
      %swap3A_133 = arith.index_cast %scan3A_129 : i32 to index
      %swap3A_134 = arith.constant 16 : index
      %swap3A_135 = tpu.vector_load %arg13[%swap3A_133, %swap3A_134] {strides = array<i32>} : memref<80x128xf32, #tpu.memory_space<vmem>>, vector<16xf32>,
      tpu.vector_store %arg13[%swap3A_133, %swap3A_134], %broadcast_in_dim3A_1 {strides = array<i32>} : memref<80x128xf32, #tpu.memory_space<vmem>>, vector<16xf32>,
      %swap3A_136 = arith.index_cast %scan3A_129 : i32 to index
      %swap3A_137 = arith.constant 32 : index
      %swap3A_138 = tpu.vector_load %arg13[%swap3A_136, %swap3A_137] {strides = array<i32>} : memref<80x128xf32, #tpu.memory_space<vmem>>, vector<16xf32>,
      tpu.vector_store %arg13[%swap3A_136, %swap3A_137], %broadcast_in_dim3A_1 {strides = array<i32>} : memref<80x128xf32, #tpu.memory_space<vmem>>, vector<16xf32>,
      %swap3A_139 = arith.index_cast %scan3A_129 : i32 to index
      %swap3A_140 = arith.constant 48 : index
      %swap3A_141 = tpu.vector_load %arg13[%swap3A_139, %swap3A_140] {strides = array<i32>} : memref<80x128xf32, #tpu.memory_space<vmem>>, vector<16xf32>,
      tpu.vector_store %arg13[%swap3A_139, %swap3A_140], %broadcast_in_dim3A_1 {strides = array<i32>} : memref<80x128xf32, #tpu.memory_space<vmem>>, vector<16xf32>,
      %swap3A_142 = arith.index_cast %scan3A_129 : i32 to index
      %swap3A_143 = arith.constant 64 : index
      %swap3A_144 = tpu.vector_load %arg13[%swap3A_142, %swap3A_143] {strides = array<i32>} : memref<80x128xf32, #tpu.memory_space<vmem>>, vector<16xf32>,
      tpu.vector_store %arg13[%swap3A_142, %swap3A_143], %broadcast_in_dim3A_1 {strides = array<i32>} : memref<80x128xf32, #tpu.memory_space<vmem>>, vector<16xf32>,
      %swap3A_145 = arith.index_cast %scan3A_129 : i32 to index
      %swap3A_146 = arith.constant 80 : index
      %swap3A_147 = tpu.vector_load %arg13[%swap3A_145, %swap3A_146] {strides = array<i32>} : memref<80x128xf32, #tpu.memory_space<vmem>>, vector<16xf32>,
      tpu.vector_store %arg13[%swap3A_145, %swap3A_146], %broadcast_in_dim3A_1 {strides = array<i32>} : memref<80x128xf32, #tpu.memory_space<vmem>>, vector<16xf32>,
      %swap3A_148 = arith.index_cast %scan3A_129 : i32 to index
      %swap3A_149 = arith.constant 96 : index
      %swap3A_150 = tpu.vector_load %arg13[%swap3A_148, %swap3A_149] {strides = array<i32>} : memref<80x128xf32, #tpu.memory_space<vmem>>, vector<16xf32>,
      tpu.vector_store %arg13[%swap3A_148, %swap3A_149], %broadcast_in_dim3A_1 {strides = array<i32>} : memref<80x128xf32, #tpu.memory_space<vmem>>, vector<16xf32>,
      %swap3A_151 = arith.index_cast %scan3A_129 : i32 to index
      %swap3A_152 = arith.constant 112 : index
      %swap3A_153 = tpu.vector_load %arg13[%swap3A_151, %swap3A_152] {strides = array<i32>} : memref<80x128xf32, #tpu.memory_space<vmem>>, vector<16xf32>,
      tpu.vector_store %arg13[%swap3A_151, %swap3A_152], %broadcast_in_dim3A_1 {strides = array<i32>} : memref<80x128xf32, #tpu.memory_space<vmem>>, vector<16xf32>,
      %scan3A_154 = arith.constant 0 : i32
      scf.yield %scan3A_154 : i32
    }
    %scan3A_14 = arith.constant 80 : i32
    %mul3A_15 = arith.constant 640 : i32
    %mul3A_16 = arith.muli %arg1, %mul3A_15 : i32
    %add3A_17 = arith.constant 0 : i32
    %add3A_18 = arith.addi %mul3A_16, %add3A_17 : i32
    "tpu.region"() ({
      %run_scoped3A = tpu.sem_alloc : memref<!tpu.dma_semaphore, #tpu.memory_space<semaphore_mem>>
      %dma_start3A_129 = arith.constant 0 : i32
      %dma_start3A_130 = tpu.memref_slice %arg6[%add3A_18, %dma_start3A_129] : memref<10240x128xf32, #tpu.memory_space<vmem_shared>> -> memref<80x128xf32, #tpu.memory_space<vmem_shared>>
      %dma_start3A_131 = arith.constant 0 : i32
      %dma_start3A_132 = tpu.memref_slice %arg6[%add3A_18, %dma_start3A_131] : memref<10240x128xf32, #tpu.memory_space<vmem_shared>> -> memref<80x128xf32, #tpu.memory_space<vmem_shared>>
      tpu.enqueue_dma source(%arg13 : memref<80x128xf32, #tpu.memory_space<vmem>>) target(%dma_start3A_132 : memref<80x128xf32, #tpu.memory_space<vmem_shared>>) target_semaphore(%run_scoped3A : memref<!tpu.dma_semaphore, #tpu.memory_space<semaphore_mem>>)
      %dma_wait3A_133 = arith.constant 0 : i32
      %dma_wait3A_134 = tpu.memref_slice %arg6[%add3A_18, %dma_wait3A_133] : memref<10240x128xf32, #tpu.memory_space<vmem_shared>> -> memref<80x128xf32, #tpu.memory_space<vmem_shared>>
      %dma_wait3A_135 = arith.constant 0 : i32
      %dma_wait3A_136 = tpu.memref_slice %arg6[%add3A_18, %dma_wait3A_135] : memref<10240x128xf32, #tpu.memory_space<vmem_shared>> -> memref<80x128xf32, #tpu.memory_space<vmem_shared>>
      tpu.wait_dma2 semaphore(%run_scoped3A : memref<!tpu.dma_semaphore, #tpu.memory_space<semaphore_mem>>) src(%arg13 : memref<80x128xf32, #tpu.memory_space<vmem>>) dst(%dma_wait3A_136 : memref<80x128xf32, #tpu.memory_space<vmem_shared>>)
      tpu.yield
    }) : () -> ()
    %mul3A_19 = arith.constant 640 : i32
    %mul3A_20 = arith.muli %arg1, %mul3A_19 : i32
    %add3A_21 = arith.constant 80 : i32
    %add3A_22 = arith.addi %mul3A_20, %add3A_21 : i32
    "tpu.region"() ({
      %run_scoped3A = tpu.sem_alloc : memref<!tpu.dma_semaphore, #tpu.memory_space<semaphore_mem>>
      %dma_start3A_129 = arith.constant 0 : i32
      %dma_start3A_130 = tpu.memref_slice %arg6[%add3A_22, %dma_start3A_129] : memref<10240x128xf32, #tpu.memory_space<vmem_shared>> -> memref<80x128xf32, #tpu.memory_space<vmem_shared>>
      %dma_start3A_131 = arith.constant 0 : i32
      %dma_start3A_132 = tpu.memref_slice %arg6[%add3A_22, %dma_start3A_131] : memref<10240x128xf32, #tpu.memory_space<vmem_shared>> -> memref<80x128xf32, #tpu.memory_space<vmem_shared>>
      tpu.enqueue_dma source(%arg13 : memref<80x128xf32, #tpu.memory_space<vmem>>) target(%dma_start3A_132 : memref<80x128xf32, #tpu.memory_space<vmem_shared>>) target_semaphore(%run_scoped3A : memref<!tpu.dma_semaphore, #tpu.memory_space<semaphore_mem>>)
      %dma_wait3A_133 = arith.constant 0 : i32
      %dma_wait3A_134 = tpu.memref_slice %arg6[%add3A_22, %dma_wait3A_133] : memref<10240x128xf32, #tpu.memory_space<vmem_shared>> -> memref<80x128xf32, #tpu.memory_space<vmem_shared>>
      %dma_wait3A_135 = arith.constant 0 : i32
      %dma_wait3A_136 = tpu.memref_slice %arg6[%add3A_22, %dma_wait3A_135] : memref<10240x128xf32, #tpu.memory_space<vmem_shared>> -> memref<80x128xf32, #tpu.memory_space<vmem_shared>>
      tpu.wait_dma2 semaphore(%run_scoped3A : memref<!tpu.dma_semaphore, #tpu.memory_space<semaphore_mem>>) src(%arg13 : memref<80x128xf32, #tpu.memory_space<vmem>>) dst(%dma_wait3A_136 : memref<80x128xf32, #tpu.memory_space<vmem_shared>>)
      tpu.yield
    }) : () -> ()
    %mul3A_23 = arith.constant 640 : i32
    %mul3A_24 = arith.muli %arg1, %mul3A_23 : i32
    %add3A_25 = arith.constant 160 : i32
    %add3A_26 = arith.addi %mul3A_24, %add3A_25 : i32
    "tpu.region"() ({
      %run_scoped3A = tpu.sem_alloc : memref<!tpu.dma_semaphore, #tpu.memory_space<semaphore_mem>>
      %dma_start3A_129 = arith.constant 0 : i32
      %dma_start3A_130 = tpu.memref_slice %arg6[%add3A_26, %dma_start3A_129] : memref<10240x128xf32, #tpu.memory_space<vmem_shared>> -> memref<80x128xf32, #tpu.memory_space<vmem_shared>>
      %dma_start3A_131 = arith.constant 0 : i32
      %dma_start3A_132 = tpu.memref_slice %arg6[%add3A_26, %dma_start3A_131] : memref<10240x128xf32, #tpu.memory_space<vmem_shared>> -> memref<80x128xf32, #tpu.memory_space<vmem_shared>>
      tpu.enqueue_dma source(%arg13 : memref<80x128xf32, #tpu.memory_space<vmem>>) target(%dma_start3A_132 : memref<80x128xf32, #tpu.memory_space<vmem_shared>>) target_semaphore(%run_scoped3A : memref<!tpu.dma_semaphore, #tpu.memory_space<semaphore_mem>>)
      %dma_wait3A_133 = arith.constant 0 : i32
      %dma_wait3A_134 = tpu.memref_slice %arg6[%add3A_26, %dma_wait3A_133] : memref<10240x128xf32, #tpu.memory_space<vmem_shared>> -> memref<80x128xf32, #tpu.memory_space<vmem_shared>>
      %dma_wait3A_135 = arith.constant 0 : i32
      %dma_wait3A_136 = tpu.memref_slice %arg6[%add3A_26, %dma_wait3A_135] : memref<10240x128xf32, #tpu.memory_space<vmem_shared>> -> memref<80x128xf32, #tpu.memory_space<vmem_shared>>
      tpu.wait_dma2 semaphore(%run_scoped3A : memref<!tpu.dma_semaphore, #tpu.memory_space<semaphore_mem>>) src(%arg13 : memref<80x128xf32, #tpu.memory_space<vmem>>) dst(%dma_wait3A_136 : memref<80x128xf32, #tpu.memory_space<vmem_shared>>)
      tpu.yield
    }) : () -> ()
    %mul3A_27 = arith.constant 640 : i32
    %mul3A_28 = arith.muli %arg1, %mul3A_27 : i32
    %add3A_29 = arith.constant 240 : i32
    %add3A_30 = arith.addi %mul3A_28, %add3A_29 : i32
    "tpu.region"() ({
      %run_scoped3A = tpu.sem_alloc : memref<!tpu.dma_semaphore, #tpu.memory_space<semaphore_mem>>
      %dma_start3A_129 = arith.constant 0 : i32
      %dma_start3A_130 = tpu.memref_slice %arg6[%add3A_30, %dma_start3A_129] : memref<10240x128xf32, #tpu.memory_space<vmem_shared>> -> memref<80x128xf32, #tpu.memory_space<vmem_shared>>
      %dma_start3A_131 = arith.constant 0 : i32
      %dma_start3A_132 = tpu.memref_slice %arg6[%add3A_30, %dma_start3A_131] : memref<10240x128xf32, #tpu.memory_space<vmem_shared>> -> memref<80x128xf32, #tpu.memory_space<vmem_shared>>
      tpu.enqueue_dma source(%arg13 : memref<80x128xf32, #tpu.memory_space<vmem>>) target(%dma_start3A_132 : memref<80x128xf32, #tpu.memory_space<vmem_shared>>) target_semaphore(%run_scoped3A : memref<!tpu.dma_semaphore, #tpu.memory_space<semaphore_mem>>)
      %dma_wait3A_133 = arith.constant 0 : i32
      %dma_wait3A_134 = tpu.memref_slice %arg6[%add3A_30, %dma_wait3A_133] : memref<10240x128xf32, #tpu.memory_space<vmem_shared>> -> memref<80x128xf32, #tpu.memory_space<vmem_shared>>
      %dma_wait3A_135 = arith.constant 0 : i32
      %dma_wait3A_136 = tpu.memref_slice %arg6[%add3A_30, %dma_wait3A_135] : memref<10240x128xf32, #tpu.memory_space<vmem_shared>> -> memref<80x128xf32, #tpu.memory_space<vmem_shared>>
      tpu.wait_dma2 semaphore(%run_scoped3A : memref<!tpu.dma_semaphore, #tpu.memory_space<semaphore_mem>>) src(%arg13 : memref<80x128xf32, #tpu.memory_space<vmem>>) dst(%dma_wait3A_136 : memref<80x128xf32, #tpu.memory_space<vmem_shared>>)
      tpu.yield
    }) : () -> ()
    %mul3A_31 = arith.constant 640 : i32
    %mul3A_32 = arith.muli %arg1, %mul3A_31 : i32
    %add3A_33 = arith.constant 320 : i32
    %add3A_34 = arith.addi %mul3A_32, %add3A_33 : i32
    "tpu.region"() ({
      %run_scoped3A = tpu.sem_alloc : memref<!tpu.dma_semaphore, #tpu.memory_space<semaphore_mem>>
      %dma_start3A_129 = arith.constant 0 : i32
      %dma_start3A_130 = tpu.memref_slice %arg6[%add3A_34, %dma_start3A_129] : memref<10240x128xf32, #tpu.memory_space<vmem_shared>> -> memref<80x128xf32, #tpu.memory_space<vmem_shared>>
      %dma_start3A_131 = arith.constant 0 : i32
      %dma_start3A_132 = tpu.memref_slice %arg6[%add3A_34, %dma_start3A_131] : memref<10240x128xf32, #tpu.memory_space<vmem_shared>> -> memref<80x128xf32, #tpu.memory_space<vmem_shared>>
      tpu.enqueue_dma source(%arg13 : memref<80x128xf32, #tpu.memory_space<vmem>>) target(%dma_start3A_132 : memref<80x128xf32, #tpu.memory_space<vmem_shared>>) target_semaphore(%run_scoped3A : memref<!tpu.dma_semaphore, #tpu.memory_space<semaphore_mem>>)
      %dma_wait3A_133 = arith.constant 0 : i32
      %dma_wait3A_134 = tpu.memref_slice %arg6[%add3A_34, %dma_wait3A_133] : memref<10240x128xf32, #tpu.memory_space<vmem_shared>> -> memref<80x128xf32, #tpu.memory_space<vmem_shared>>
      %dma_wait3A_135 = arith.constant 0 : i32
      %dma_wait3A_136 = tpu.memref_slice %arg6[%add3A_34, %dma_wait3A_135] : memref<10240x128xf32, #tpu.memory_space<vmem_shared>> -> memref<80x128xf32, #tpu.memory_space<vmem_shared>>
      tpu.wait_dma2 semaphore(%run_scoped3A : memref<!tpu.dma_semaphore, #tpu.memory_space<semaphore_mem>>) src(%arg13 : memref<80x128xf32, #tpu.memory_space<vmem>>) dst(%dma_wait3A_136 : memref<80x128xf32, #tpu.memory_space<vmem_shared>>)
      tpu.yield
    }) : () -> ()
    %mul3A_35 = arith.constant 640 : i32
    %mul3A_36 = arith.muli %arg1, %mul3A_35 : i32
    %add3A_37 = arith.constant 400 : i32
    %add3A_38 = arith.addi %mul3A_36, %add3A_37 : i32
    "tpu.region"() ({
      %run_scoped3A = tpu.sem_alloc : memref<!tpu.dma_semaphore, #tpu.memory_space<semaphore_mem>>
      %dma_start3A_129 = arith.constant 0 : i32
      %dma_start3A_130 = tpu.memref_slice %arg6[%add3A_38, %dma_start3A_129] : memref<10240x128xf32, #tpu.memory_space<vmem_shared>> -> memref<80x128xf32, #tpu.memory_space<vmem_shared>>
      %dma_start3A_131 = arith.constant 0 : i32
      %dma_start3A_132 = tpu.memref_slice %arg6[%add3A_38, %dma_start3A_131] : memref<10240x128xf32, #tpu.memory_space<vmem_shared>> -> memref<80x128xf32, #tpu.memory_space<vmem_shared>>
      tpu.enqueue_dma source(%arg13 : memref<80x128xf32, #tpu.memory_space<vmem>>) target(%dma_start3A_132 : memref<80x128xf32, #tpu.memory_space<vmem_shared>>) target_semaphore(%run_scoped3A : memref<!tpu.dma_semaphore, #tpu.memory_space<semaphore_mem>>)
      %dma_wait3A_133 = arith.constant 0 : i32
      %dma_wait3A_134 = tpu.memref_slice %arg6[%add3A_38, %dma_wait3A_133] : memref<10240x128xf32, #tpu.memory_space<vmem_shared>> -> memref<80x128xf32, #tpu.memory_space<vmem_shared>>
      %dma_wait3A_135 = arith.constant 0 : i32
      %dma_wait3A_136 = tpu.memref_slice %arg6[%add3A_38, %dma_wait3A_135] : memref<10240x128xf32, #tpu.memory_space<vmem_shared>> -> memref<80x128xf32, #tpu.memory_space<vmem_shared>>
      tpu.wait_dma2 semaphore(%run_scoped3A : memref<!tpu.dma_semaphore, #tpu.memory_space<semaphore_mem>>) src(%arg13 : memref<80x128xf32, #tpu.memory_space<vmem>>) dst(%dma_wait3A_136 : memref<80x128xf32, #tpu.memory_space<vmem_shared>>)
      tpu.yield
    }) : () -> ()
    %mul3A_39 = arith.constant 640 : i32
    %mul3A_40 = arith.muli %arg1, %mul3A_39 : i32
    %add3A_41 = arith.constant 480 : i32
    %add3A_42 = arith.addi %mul3A_40, %add3A_41 : i32
    "tpu.region"() ({
      %run_scoped3A = tpu.sem_alloc : memref<!tpu.dma_semaphore, #tpu.memory_space<semaphore_mem>>
      %dma_start3A_129 = arith.constant 0 : i32
      %dma_start3A_130 = tpu.memref_slice %arg6[%add3A_42, %dma_start3A_129] : memref<10240x128xf32, #tpu.memory_space<vmem_shared>> -> memref<80x128xf32, #tpu.memory_space<vmem_shared>>
      %dma_start3A_131 = arith.constant 0 : i32
      %dma_start3A_132 = tpu.memref_slice %arg6[%add3A_42, %dma_start3A_131] : memref<10240x128xf32, #tpu.memory_space<vmem_shared>> -> memref<80x128xf32, #tpu.memory_space<vmem_shared>>
      tpu.enqueue_dma source(%arg13 : memref<80x128xf32, #tpu.memory_space<vmem>>) target(%dma_start3A_132 : memref<80x128xf32, #tpu.memory_space<vmem_shared>>) target_semaphore(%run_scoped3A : memref<!tpu.dma_semaphore, #tpu.memory_space<semaphore_mem>>)
      %dma_wait3A_133 = arith.constant 0 : i32
      %dma_wait3A_134 = tpu.memref_slice %arg6[%add3A_42, %dma_wait3A_133] : memref<10240x128xf32, #tpu.memory_space<vmem_shared>> -> memref<80x128xf32, #tpu.memory_space<vmem_shared>>
      %dma_wait3A_135 = arith.constant 0 : i32
      %dma_wait3A_136 = tpu.memref_slice %arg6[%add3A_42, %dma_wait3A_135] : memref<10240x128xf32, #tpu.memory_space<vmem_shared>> -> memref<80x128xf32, #tpu.memory_space<vmem_shared>>
      tpu.wait_dma2 semaphore(%run_scoped3A : memref<!tpu.dma_semaphore, #tpu.memory_space<semaphore_mem>>) src(%arg13 : memref<80x128xf32, #tpu.memory_space<vmem>>) dst(%dma_wait3A_136 : memref<80x128xf32, #tpu.memory_space<vmem_shared>>)
      tpu.yield
    }) : () -> ()
    %mul3A_43 = arith.constant 640 : i32
    %mul3A_44 = arith.muli %arg1, %mul3A_43 : i32
    %add3A_45 = arith.constant 560 : i32
    %add3A_46 = arith.addi %mul3A_44, %add3A_45 : i32
    "tpu.region"() ({
      %run_scoped3A = tpu.sem_alloc : memref<!tpu.dma_semaphore, #tpu.memory_space<semaphore_mem>>
      %dma_start3A_129 = arith.constant 0 : i32
      %dma_start3A_130 = tpu.memref_slice %arg6[%add3A_46, %dma_start3A_129] : memref<10240x128xf32, #tpu.memory_space<vmem_shared>> -> memref<80x128xf32, #tpu.memory_space<vmem_shared>>
      %dma_start3A_131 = arith.constant 0 : i32
      %dma_start3A_132 = tpu.memref_slice %arg6[%add3A_46, %dma_start3A_131] : memref<10240x128xf32, #tpu.memory_space<vmem_shared>> -> memref<80x128xf32, #tpu.memory_space<vmem_shared>>
      tpu.enqueue_dma source(%arg13 : memref<80x128xf32, #tpu.memory_space<vmem>>) target(%dma_start3A_132 : memref<80x128xf32, #tpu.memory_space<vmem_shared>>) target_semaphore(%run_scoped3A : memref<!tpu.dma_semaphore, #tpu.memory_space<semaphore_mem>>)
      %dma_wait3A_133 = arith.constant 0 : i32
      %dma_wait3A_134 = tpu.memref_slice %arg6[%add3A_46, %dma_wait3A_133] : memref<10240x128xf32, #tpu.memory_space<vmem_shared>> -> memref<80x128xf32, #tpu.memory_space<vmem_shared>>
      %dma_wait3A_135 = arith.constant 0 : i32
      %dma_wait3A_136 = tpu.memref_slice %arg6[%add3A_46, %dma_wait3A_135] : memref<10240x128xf32, #tpu.memory_space<vmem_shared>> -> memref<80x128xf32, #tpu.memory_space<vmem_shared>>
      tpu.wait_dma2 semaphore(%run_scoped3A : memref<!tpu.dma_semaphore, #tpu.memory_space<semaphore_mem>>) src(%arg13 : memref<80x128xf32, #tpu.memory_space<vmem>>) dst(%dma_wait3A_136 : memref<80x128xf32, #tpu.memory_space<vmem_shared>>)
      tpu.yield
    }) : () -> ()
    %barrier3A = arith.constant 0 : index
    tpu.barrier barrier_id(%barrier3A)
    %dma_start3A = arith.constant 0 : i32
    %dma_start3A_47 = arith.constant 0 : i32
    %dma_start3A_48 = arith.constant 0 : i32
    %dma_start3A_49 = tpu.memref_slice %arg3[%add3A, %dma_start3A, %dma_start3A_47, %dma_start3A_48] : memref<32x250x3x80xi32, #tpu.memory_space<hbm>> -> memref<1x1x3x80xi32, #tpu.memory_space<hbm>>
    %dma_start3A_50 = tpu.memref_squeeze %dma_start3A_49 : memref<1x1x3x80xi32, #tpu.memory_space<hbm>> -> memref<3x80xi32, #tpu.memory_space<hbm>>
    %dma_start3A_51 = arith.constant 0 : i32
    %dma_start3A_52 = arith.constant 0 : i32
    %dma_start3A_53 = tpu.memref_slice %arg3[%add3A, %dma_start3A, %dma_start3A_51, %dma_start3A_52] : memref<32x250x3x80xi32, #tpu.memory_space<hbm>> -> memref<1x1x3x80xi32, #tpu.memory_space<hbm>>
    %dma_start3A_54 = tpu.memref_squeeze %dma_start3A_53 : memref<1x1x3x80xi32, #tpu.memory_space<hbm>> -> memref<3x80xi32, #tpu.memory_space<hbm>>
    tpu.enqueue_dma source(%dma_start3A_54 : memref<3x80xi32, #tpu.memory_space<hbm>>) target(%arg7 : memref<3x80xi32, #tpu.memory_space<vmem>>) target_semaphore(%arg16 : memref<!tpu.dma_semaphore, #tpu.memory_space<semaphore_mem>>)
    %dma_wait3A = arith.constant 0 : i32
    %dma_wait3A_55 = arith.constant 0 : i32
    %dma_wait3A_56 = arith.constant 0 : i32
    %dma_wait3A_57 = arith.constant 0 : i32
    %dma_wait3A_58 = tpu.memref_slice %arg3[%dma_wait3A, %dma_wait3A_55, %dma_wait3A_56, %dma_wait3A_57] : memref<32x250x3x80xi32, #tpu.memory_space<hbm>> -> memref<1x1x3x80xi32, #tpu.memory_space<hbm>>
    %dma_wait3A_59 = tpu.memref_squeeze %dma_wait3A_58 : memref<1x1x3x80xi32, #tpu.memory_space<hbm>> -> memref<3x80xi32, #tpu.memory_space<hbm>>
    %dma_wait3A_60 = arith.constant 0 : i32
    %dma_wait3A_61 = arith.constant 0 : i32
    %dma_wait3A_62 = tpu.memref_slice %arg3[%dma_wait3A, %dma_wait3A_55, %dma_wait3A_60, %dma_wait3A_61] : memref<32x250x3x80xi32, #tpu.memory_space<hbm>> -> memref<1x1x3x80xi32, #tpu.memory_space<hbm>>
    %dma_wait3A_63 = tpu.memref_squeeze %dma_wait3A_62 : memref<1x1x3x80xi32, #tpu.memory_space<hbm>> -> memref<3x80xi32, #tpu.memory_space<hbm>>
    tpu.wait_dma2 semaphore(%arg16 : memref<!tpu.dma_semaphore, #tpu.memory_space<semaphore_mem>>) src(%dma_wait3A_63 : memref<3x80xi32, #tpu.memory_space<hbm>>) dst(%arg7 : memref<3x80xi32, #tpu.memory_space<vmem>>)
    %dma_start3A_64 = arith.constant 1 : i32
    %dma_start3A_65 = arith.constant 0 : i32
    %dma_start3A_66 = tpu.memref_slice %arg7[%dma_start3A_64, %dma_start3A_65] : memref<3x80xi32, #tpu.memory_space<vmem>> -> memref<1x80xi32, #tpu.memory_space<vmem>>
    %dma_start3A_67 = tpu.memref_squeeze %dma_start3A_66 : memref<1x80xi32, #tpu.memory_space<vmem>> -> memref<80xi32, #tpu.memory_space<vmem>>
    %dma_start3A_68 = arith.constant 0 : i32
    %dma_start3A_69 = arith.constant 0 : i32
    %dma_start3A_70 = tpu.memref_slice %arg2[%dma_start3A_68, %dma_start3A_69] : memref<10000x128xf32, #tpu.memory_space<hbm>> -> memref<10000x128xf32, #tpu.memory_space<hbm>>
    tpu.enqueue_indirect_dma source(%dma_start3A_70 : memref<10000x128xf32, #tpu.memory_space<hbm>>) target(%arg13 : memref<80x128xf32, #tpu.memory_space<vmem>>) offsets(%dma_start3A_67 : memref<80xi32, #tpu.memory_space<vmem>>) semaphore(%arg17 : memref<!tpu.dma_semaphore, #tpu.memory_space<semaphore_mem>>)
    %dma_start3A_71 = arith.constant 1 : i32
    %dma_start3A_72 = arith.constant 0 : i32
    %dma_start3A_73 = arith.constant 0 : i32
    %dma_start3A_74 = tpu.memref_slice %arg3[%add3A, %dma_start3A_71, %dma_start3A_72, %dma_start3A_73] : memref<32x250x3x80xi32, #tpu.memory_space<hbm>> -> memref<1x1x3x80xi32, #tpu.memory_space<hbm>>
    %dma_start3A_75 = tpu.memref_squeeze %dma_start3A_74 : memref<1x1x3x80xi32, #tpu.memory_space<hbm>> -> memref<3x80xi32, #tpu.memory_space<hbm>>
    %dma_start3A_76 = arith.constant 0 : i32
    %dma_start3A_77 = arith.constant 0 : i32
    %dma_start3A_78 = tpu.memref_slice %arg3[%add3A, %dma_start3A_71, %dma_start3A_76, %dma_start3A_77] : memref<32x250x3x80xi32, #tpu.memory_space<hbm>> -> memref<1x1x3x80xi32, #tpu.memory_space<hbm>>
    %dma_start3A_79 = tpu.memref_squeeze %dma_start3A_78 : memref<1x1x3x80xi32, #tpu.memory_space<hbm>> -> memref<3x80xi32, #tpu.memory_space<hbm>>
    tpu.enqueue_dma source(%dma_start3A_79 : memref<3x80xi32, #tpu.memory_space<hbm>>) target(%arg8 : memref<3x80xi32, #tpu.memory_space<vmem>>) target_semaphore(%arg16 : memref<!tpu.dma_semaphore, #tpu.memory_space<semaphore_mem>>)
    %scan3A_80 = arith.constant 0 : i32
    %scan3A_81 = arith.constant 0 : i32
    %scan3A_82 = arith.constant 125 : i32
    %scan3A_83 = arith.addi %scan3A_81, %scan3A_82 : i32
    %scan3A_84 = arith.constant 1 : i32
    %scan3A_85 = scf.for %scan3A_129 = %scan3A_81 to %scan3A_83 step %scan3A_84 iter_args(%scan3A_130 = %scan3A_80) -> (i32)  : i32 {
      %mul3A_131 = arith.constant 2 : i32
      %mul3A_132 = arith.muli %mul3A_131, %scan3A_129 : i32
      %dma_wait3A_133 = arith.constant 0 : i32
      %dma_wait3A_134 = arith.constant 0 : i32
      %dma_wait3A_135 = tpu.memref_slice %arg2[%dma_wait3A_133, %dma_wait3A_134] : memref<10000x128xf32, #tpu.memory_space<hbm>> -> memref<80x128xf32, #tpu.memory_space<hbm>>
      %dma_wait3A_136 = arith.constant 0 : i32
      %dma_wait3A_137 = arith.constant 0 : i32
      %dma_wait3A_138 = tpu.memref_slice %arg2[%dma_wait3A_136, %dma_wait3A_137] : memref<10000x128xf32, #tpu.memory_space<hbm>> -> memref<80x128xf32, #tpu.memory_space<hbm>>
      tpu.wait_dma2 semaphore(%arg17 : memref<!tpu.dma_semaphore, #tpu.memory_space<semaphore_mem>>) src(%dma_wait3A_138 : memref<80x128xf32, #tpu.memory_space<hbm>>) dst(%arg13 : memref<80x128xf32, #tpu.memory_space<vmem>>)
      %get3A = arith.constant 0 : i32
      %get3A_139 = arith.index_cast %get3A : i32 to index
      %get3A_140 = arith.constant 0 : index
      %get3A_141 = tpu.vector_load %arg7[%get3A_139, %get3A_140] {strides = array<i32>} : memref<3x80xi32, #tpu.memory_space<vmem>>, vector<16xi32>,
      %swap3A = arith.constant 0 : index
      %swap3A_142 = tpu.vector_load %arg9[%swap3A] {strides = array<i32>} : memref<80xi32, #tpu.memory_space<vmem>>, vector<16xi32>,
      tpu.vector_store %arg9[%swap3A], %get3A_141 {strides = array<i32>} : memref<80xi32, #tpu.memory_space<vmem>>, vector<16xi32>,
      %get3A_143 = arith.constant 2 : i32
      %get3A_144 = arith.index_cast %get3A_143 : i32 to index
      %get3A_145 = arith.constant 0 : index
      %get3A_146 = tpu.vector_load %arg7[%get3A_144, %get3A_145] {strides = array<i32>} : memref<3x80xi32, #tpu.memory_space<vmem>>, vector<16xi32>,
      %bitcast_convert_type3A = tpu.bitcast %get3A_146 : vector<16xi32> -> vector<16xf32>
      %neg3A = arith.constant 0.000000e+00 : f32
      %neg3A_147 = vector.broadcast %neg3A : f32 to vector<16xf32>
      %neg3A_148 = arith.subf %neg3A_147, %bitcast_convert_type3A : vector<16xf32>
      %exp3A = math.exp %neg3A_148 : vector<16xf32>
      %add3A_149 = arith.constant 1.000000e+00 : f32
      %add3A_150 = vector.broadcast %add3A_149 : f32 to vector<16xf32>
      %add3A_151 = arith.addf %add3A_150, %exp3A : vector<16xf32>
      %div3A = arith.constant 1.000000e+00 : f32
      %div3A_152 = vector.broadcast %div3A : f32 to vector<16xf32>
      %div3A_153 = arith.divf %div3A_152, %add3A_151 : vector<16xf32>
      %swap3A_154 = arith.constant 0 : index
      %swap3A_155 = tpu.vector_load %arg11[%swap3A_154] {strides = array<i32>} : memref<80xf32, #tpu.memory_space<vmem>>, vector<16xf32>,
      tpu.vector_store %arg11[%swap3A_154], %div3A_153 {strides = array<i32>} : memref<80xf32, #tpu.memory_space<vmem>>, vector<16xf32>,
      tpu.vector_store_idx %arg15[%get3A_141], %div3A_153 {add = true} : memref<10000xf32, #tpu.memory_space<vmem>>[vector<16xi32>], vector<16xf32>,
      %get3A_156 = arith.constant 0 : i32
      %get3A_157 = arith.index_cast %get3A_156 : i32 to index
      %get3A_158 = arith.constant 16 : index
      %get3A_159 = tpu.vector_load %arg7[%get3A_157, %get3A_158] {strides = array<i32>} : memref<3x80xi32, #tpu.memory_space<vmem>>, vector<16xi32>,
      %swap3A_160 = arith.constant 16 : index
      %swap3A_161 = tpu.vector_load %arg9[%swap3A_160] {strides = array<i32>} : memref<80xi32, #tpu.memory_space<vmem>>, vector<16xi32>,
      tpu.vector_store %arg9[%swap3A_160], %get3A_159 {strides = array<i32>} : memref<80xi32, #tpu.memory_space<vmem>>, vector<16xi32>,
      %get3A_162 = arith.constant 2 : i32
      %get3A_163 = arith.index_cast %get3A_162 : i32 to index
      %get3A_164 = arith.constant 16 : index
      %get3A_165 = tpu.vector_load %arg7[%get3A_163, %get3A_164] {strides = array<i32>} : memref<3x80xi32, #tpu.memory_space<vmem>>, vector<16xi32>,
      %bitcast_convert_type3A_166 = tpu.bitcast %get3A_165 : vector<16xi32> -> vector<16xf32>
      %neg3A_167 = arith.constant 0.000000e+00 : f32
      %neg3A_168 = vector.broadcast %neg3A_167 : f32 to vector<16xf32>
      %neg3A_169 = arith.subf %neg3A_168, %bitcast_convert_type3A_166 : vector<16xf32>
      %exp3A_170 = math.exp %neg3A_169 : vector<16xf32>
      %add3A_171 = arith.constant 1.000000e+00 : f32
      %add3A_172 = vector.broadcast %add3A_171 : f32 to vector<16xf32>
      %add3A_173 = arith.addf %add3A_172, %exp3A_170 : vector<16xf32>
      %div3A_174 = arith.constant 1.000000e+00 : f32
      %div3A_175 = vector.broadcast %div3A_174 : f32 to vector<16xf32>
      %div3A_176 = arith.divf %div3A_175, %add3A_173 : vector<16xf32>
      %swap3A_177 = arith.constant 16 : index
      %swap3A_178 = tpu.vector_load %arg11[%swap3A_177] {strides = array<i32>} : memref<80xf32, #tpu.memory_space<vmem>>, vector<16xf32>,
      tpu.vector_store %arg11[%swap3A_177], %div3A_176 {strides = array<i32>} : memref<80xf32, #tpu.memory_space<vmem>>, vector<16xf32>,
      tpu.vector_store_idx %arg15[%get3A_159], %div3A_176 {add = true} : memref<10000xf32, #tpu.memory_space<vmem>>[vector<16xi32>], vector<16xf32>,
      %get3A_179 = arith.constant 0 : i32
      %get3A_180 = arith.index_cast %get3A_179 : i32 to index
      %get3A_181 = arith.constant 32 : index
      %get3A_182 = tpu.vector_load %arg7[%get3A_180, %get3A_181] {strides = array<i32>} : memref<3x80xi32, #tpu.memory_space<vmem>>, vector<16xi32>,
      %swap3A_183 = arith.constant 32 : index
      %swap3A_184 = tpu.vector_load %arg9[%swap3A_183] {strides = array<i32>} : memref<80xi32, #tpu.memory_space<vmem>>, vector<16xi32>,
      tpu.vector_store %arg9[%swap3A_183], %get3A_182 {strides = array<i32>} : memref<80xi32, #tpu.memory_space<vmem>>, vector<16xi32>,
      %get3A_185 = arith.constant 2 : i32
      %get3A_186 = arith.index_cast %get3A_185 : i32 to index
      %get3A_187 = arith.constant 32 : index
      %get3A_188 = tpu.vector_load %arg7[%get3A_186, %get3A_187] {strides = array<i32>} : memref<3x80xi32, #tpu.memory_space<vmem>>, vector<16xi32>,
      %bitcast_convert_type3A_189 = tpu.bitcast %get3A_188 : vector<16xi32> -> vector<16xf32>
      %neg3A_190 = arith.constant 0.000000e+00 : f32
      %neg3A_191 = vector.broadcast %neg3A_190 : f32 to vector<16xf32>
      %neg3A_192 = arith.subf %neg3A_191, %bitcast_convert_type3A_189 : vector<16xf32>
      %exp3A_193 = math.exp %neg3A_192 : vector<16xf32>
      %add3A_194 = arith.constant 1.000000e+00 : f32
      %add3A_195 = vector.broadcast %add3A_194 : f32 to vector<16xf32>
      %add3A_196 = arith.addf %add3A_195, %exp3A_193 : vector<16xf32>
      %div3A_197 = arith.constant 1.000000e+00 : f32
      %div3A_198 = vector.broadcast %div3A_197 : f32 to vector<16xf32>
      %div3A_199 = arith.divf %div3A_198, %add3A_196 : vector<16xf32>
      %swap3A_200 = arith.constant 32 : index
      %swap3A_201 = tpu.vector_load %arg11[%swap3A_200] {strides = array<i32>} : memref<80xf32, #tpu.memory_space<vmem>>, vector<16xf32>,
      tpu.vector_store %arg11[%swap3A_200], %div3A_199 {strides = array<i32>} : memref<80xf32, #tpu.memory_space<vmem>>, vector<16xf32>,
      tpu.vector_store_idx %arg15[%get3A_182], %div3A_199 {add = true} : memref<10000xf32, #tpu.memory_space<vmem>>[vector<16xi32>], vector<16xf32>,
      %get3A_202 = arith.constant 0 : i32
      %get3A_203 = arith.index_cast %get3A_202 : i32 to index
      %get3A_204 = arith.constant 48 : index
      %get3A_205 = tpu.vector_load %arg7[%get3A_203, %get3A_204] {strides = array<i32>} : memref<3x80xi32, #tpu.memory_space<vmem>>, vector<16xi32>,
      %swap3A_206 = arith.constant 48 : index
      %swap3A_207 = tpu.vector_load %arg9[%swap3A_206] {strides = array<i32>} : memref<80xi32, #tpu.memory_space<vmem>>, vector<16xi32>,
      tpu.vector_store %arg9[%swap3A_206], %get3A_205 {strides = array<i32>} : memref<80xi32, #tpu.memory_space<vmem>>, vector<16xi32>,
      %get3A_208 = arith.constant 2 : i32
      %get3A_209 = arith.index_cast %get3A_208 : i32 to index
      %get3A_210 = arith.constant 48 : index
      %get3A_211 = tpu.vector_load %arg7[%get3A_209, %get3A_210] {strides = array<i32>} : memref<3x80xi32, #tpu.memory_space<vmem>>, vector<16xi32>,
      %bitcast_convert_type3A_212 = tpu.bitcast %get3A_211 : vector<16xi32> -> vector<16xf32>
      %neg3A_213 = arith.constant 0.000000e+00 : f32
      %neg3A_214 = vector.broadcast %neg3A_213 : f32 to vector<16xf32>
      %neg3A_215 = arith.subf %neg3A_214, %bitcast_convert_type3A_212 : vector<16xf32>
      %exp3A_216 = math.exp %neg3A_215 : vector<16xf32>
      %add3A_217 = arith.constant 1.000000e+00 : f32
      %add3A_218 = vector.broadcast %add3A_217 : f32 to vector<16xf32>
      %add3A_219 = arith.addf %add3A_218, %exp3A_216 : vector<16xf32>
      %div3A_220 = arith.constant 1.000000e+00 : f32
      %div3A_221 = vector.broadcast %div3A_220 : f32 to vector<16xf32>
      %div3A_222 = arith.divf %div3A_221, %add3A_219 : vector<16xf32>
      %swap3A_223 = arith.constant 48 : index
      %swap3A_224 = tpu.vector_load %arg11[%swap3A_223] {strides = array<i32>} : memref<80xf32, #tpu.memory_space<vmem>>, vector<16xf32>,
      tpu.vector_store %arg11[%swap3A_223], %div3A_222 {strides = array<i32>} : memref<80xf32, #tpu.memory_space<vmem>>, vector<16xf32>,
      tpu.vector_store_idx %arg15[%get3A_205], %div3A_222 {add = true} : memref<10000xf32, #tpu.memory_space<vmem>>[vector<16xi32>], vector<16xf32>,
      %get3A_225 = arith.constant 0 : i32
      %get3A_226 = arith.index_cast %get3A_225 : i32 to index
      %get3A_227 = arith.constant 64 : index
      %get3A_228 = tpu.vector_load %arg7[%get3A_226, %get3A_227] {strides = array<i32>} : memref<3x80xi32, #tpu.memory_space<vmem>>, vector<16xi32>,
      %swap3A_229 = arith.constant 64 : index
      %swap3A_230 = tpu.vector_load %arg9[%swap3A_229] {strides = array<i32>} : memref<80xi32, #tpu.memory_space<vmem>>, vector<16xi32>,
      tpu.vector_store %arg9[%swap3A_229], %get3A_228 {strides = array<i32>} : memref<80xi32, #tpu.memory_space<vmem>>, vector<16xi32>,
      %get3A_231 = arith.constant 2 : i32
      %get3A_232 = arith.index_cast %get3A_231 : i32 to index
      %get3A_233 = arith.constant 64 : index
      %get3A_234 = tpu.vector_load %arg7[%get3A_232, %get3A_233] {strides = array<i32>} : memref<3x80xi32, #tpu.memory_space<vmem>>, vector<16xi32>,
      %bitcast_convert_type3A_235 = tpu.bitcast %get3A_234 : vector<16xi32> -> vector<16xf32>
      %neg3A_236 = arith.constant 0.000000e+00 : f32
      %neg3A_237 = vector.broadcast %neg3A_236 : f32 to vector<16xf32>
      %neg3A_238 = arith.subf %neg3A_237, %bitcast_convert_type3A_235 : vector<16xf32>
      %exp3A_239 = math.exp %neg3A_238 : vector<16xf32>
      %add3A_240 = arith.constant 1.000000e+00 : f32
      %add3A_241 = vector.broadcast %add3A_240 : f32 to vector<16xf32>
      %add3A_242 = arith.addf %add3A_241, %exp3A_239 : vector<16xf32>
      %div3A_243 = arith.constant 1.000000e+00 : f32
      %div3A_244 = vector.broadcast %div3A_243 : f32 to vector<16xf32>
      %div3A_245 = arith.divf %div3A_244, %add3A_242 : vector<16xf32>
      %swap3A_246 = arith.constant 64 : index
      %swap3A_247 = tpu.vector_load %arg11[%swap3A_246] {strides = array<i32>} : memref<80xf32, #tpu.memory_space<vmem>>, vector<16xf32>,
      tpu.vector_store %arg11[%swap3A_246], %div3A_245 {strides = array<i32>} : memref<80xf32, #tpu.memory_space<vmem>>, vector<16xf32>,
      tpu.vector_store_idx %arg15[%get3A_228], %div3A_245 {add = true} : memref<10000xf32, #tpu.memory_space<vmem>>[vector<16xi32>], vector<16xf32>,
      %add3A_248 = arith.constant 2 : i32
      %add3A_249 = arith.addi %mul3A_132, %add3A_248 : i32
      %lt3A = arith.constant 250 : i32
      %lt3A_250 = arith.cmpi slt, %add3A_249, %lt3A : i32
      %convert_element_type3A = arith.extui %lt3A_250 : i1 to i32
      %cond3A = arith.constant 0 : i32
      %cond3A_251 = arith.cmpi ne, %convert_element_type3A, %cond3A : i32
      scf.if %cond3A_251 {
        %add3A_426 = arith.constant 2 : i32
        %add3A_427 = arith.addi %mul3A_132, %add3A_426 : i32
        %dma_start3A_428 = arith.constant 0 : i32
        %dma_start3A_429 = arith.constant 0 : i32
        %dma_start3A_430 = tpu.memref_slice %arg3[%add3A, %add3A_427, %dma_start3A_428, %dma_start3A_429] : memref<32x250x3x80xi32, #tpu.memory_space<hbm>> -> memref<1x1x3x80xi32, #tpu.memory_space<hbm>>
        %dma_start3A_431 = tpu.memref_squeeze %dma_start3A_430 : memref<1x1x3x80xi32, #tpu.memory_space<hbm>> -> memref<3x80xi32, #tpu.memory_space<hbm>>
        %dma_start3A_432 = arith.constant 0 : i32
        %dma_start3A_433 = arith.constant 0 : i32
        %dma_start3A_434 = tpu.memref_slice %arg3[%add3A, %add3A_427, %dma_start3A_432, %dma_start3A_433] : memref<32x250x3x80xi32, #tpu.memory_space<hbm>> -> memref<1x1x3x80xi32, #tpu.memory_space<hbm>>
        %dma_start3A_435 = tpu.memref_squeeze %dma_start3A_434 : memref<1x1x3x80xi32, #tpu.memory_space<hbm>> -> memref<3x80xi32, #tpu.memory_space<hbm>>
        tpu.enqueue_dma source(%dma_start3A_435 : memref<3x80xi32, #tpu.memory_space<hbm>>) target(%arg7 : memref<3x80xi32, #tpu.memory_space<vmem>>) target_semaphore(%arg16 : memref<!tpu.dma_semaphore, #tpu.memory_space<semaphore_mem>>)
      } else {
      }
      %gt3A = arith.constant 0 : i32
      %gt3A_252 = arith.cmpi sgt, %mul3A_132, %gt3A : i32
      %convert_element_type3A_253 = arith.extui %gt3A_252 : i1 to i32
      %cond3A_254 = arith.constant 0 : i32
      %cond3A_255 = arith.cmpi ne, %convert_element_type3A_253, %cond3A_254 : i32
      scf.if %cond3A_255 {
        %dma_wait3A_426 = arith.constant 0 : i32
        %dma_wait3A_427 = arith.constant 0 : i32
        %dma_wait3A_428 = arith.constant 0 : i32
        %dma_wait3A_429 = tpu.memref_slice %arg4[%dma_wait3A_426, %dma_wait3A_427, %dma_wait3A_428] : memref<2x10240x128xf32, #tpu.memory_space<hbm>> -> memref<1x80x128xf32, #tpu.memory_space<hbm>>
        %dma_wait3A_430 = tpu.memref_squeeze %dma_wait3A_429 : memref<1x80x128xf32, #tpu.memory_space<hbm>> -> memref<80x128xf32, #tpu.memory_space<hbm>>
        %dma_wait3A_431 = arith.constant 0 : i32
        %dma_wait3A_432 = arith.constant 0 : i32
        %dma_wait3A_433 = tpu.memref_slice %arg4[%dma_wait3A_426, %dma_wait3A_431, %dma_wait3A_432] : memref<2x10240x128xf32, #tpu.memory_space<hbm>> -> memref<1x80x128xf32, #tpu.memory_space<hbm>>
        %dma_wait3A_434 = tpu.memref_squeeze %dma_wait3A_433 : memref<1x80x128xf32, #tpu.memory_space<hbm>> -> memref<80x128xf32, #tpu.memory_space<hbm>>
        tpu.wait_dma2 semaphore(%arg18 : memref<!tpu.dma_semaphore, #tpu.memory_space<semaphore_mem>>) src(%dma_wait3A_434 : memref<80x128xf32, #tpu.memory_space<hbm>>) dst(%arg13 : memref<80x128xf32, #tpu.memory_space<vmem>>)
      } else {
      }
      %add3A_256 = arith.constant 1 : i32
      %add3A_257 = arith.addi %mul3A_132, %add3A_256 : i32
      %lt3A_258 = arith.constant 250 : i32
      %lt3A_259 = arith.cmpi slt, %add3A_257, %lt3A_258 : i32
      %convert_element_type3A_260 = arith.extui %lt3A_259 : i1 to i32
      %cond3A_261 = arith.constant 0 : i32
      %cond3A_262 = arith.cmpi ne, %convert_element_type3A_260, %cond3A_261 : i32
      scf.if %cond3A_262 {
        %dma_wait3A_426 = arith.constant 0 : i32
        %dma_wait3A_427 = arith.constant 0 : i32
        %dma_wait3A_428 = arith.constant 0 : i32
        %dma_wait3A_429 = arith.constant 0 : i32
        %dma_wait3A_430 = tpu.memref_slice %arg3[%dma_wait3A_426, %dma_wait3A_427, %dma_wait3A_428, %dma_wait3A_429] : memref<32x250x3x80xi32, #tpu.memory_space<hbm>> -> memref<1x1x3x80xi32, #tpu.memory_space<hbm>>
        %dma_wait3A_431 = tpu.memref_squeeze %dma_wait3A_430 : memref<1x1x3x80xi32, #tpu.memory_space<hbm>> -> memref<3x80xi32, #tpu.memory_space<hbm>>
        %dma_wait3A_432 = arith.constant 0 : i32
        %dma_wait3A_433 = arith.constant 0 : i32
        %dma_wait3A_434 = tpu.memref_slice %arg3[%dma_wait3A_426, %dma_wait3A_427, %dma_wait3A_432, %dma_wait3A_433] : memref<32x250x3x80xi32, #tpu.memory_space<hbm>> -> memref<1x1x3x80xi32, #tpu.memory_space<hbm>>
        %dma_wait3A_435 = tpu.memref_squeeze %dma_wait3A_434 : memref<1x1x3x80xi32, #tpu.memory_space<hbm>> -> memref<3x80xi32, #tpu.memory_space<hbm>>
        tpu.wait_dma2 semaphore(%arg16 : memref<!tpu.dma_semaphore, #tpu.memory_space<semaphore_mem>>) src(%dma_wait3A_435 : memref<3x80xi32, #tpu.memory_space<hbm>>) dst(%arg7 : memref<3x80xi32, #tpu.memory_space<vmem>>)
        %add3A_436 = arith.constant 1 : i32
        %add3A_437 = arith.addi %mul3A_132, %add3A_436 : i32
        %dma_start3A_438 = arith.constant 1 : i32
        %dma_start3A_439 = arith.constant 0 : i32
        %dma_start3A_440 = tpu.memref_slice %arg8[%dma_start3A_438, %dma_start3A_439] : memref<3x80xi32, #tpu.memory_space<vmem>> -> memref<1x80xi32, #tpu.memory_space<vmem>>
        %dma_start3A_441 = tpu.memref_squeeze %dma_start3A_440 : memref<1x80xi32, #tpu.memory_space<vmem>> -> memref<80xi32, #tpu.memory_space<vmem>>
        %dma_start3A_442 = arith.constant 0 : i32
        %dma_start3A_443 = arith.constant 0 : i32
        %dma_start3A_444 = tpu.memref_slice %arg2[%dma_start3A_442, %dma_start3A_443] : memref<10000x128xf32, #tpu.memory_space<hbm>> -> memref<10000x128xf32, #tpu.memory_space<hbm>>
        tpu.enqueue_indirect_dma source(%dma_start3A_444 : memref<10000x128xf32, #tpu.memory_space<hbm>>) target(%arg14 : memref<80x128xf32, #tpu.memory_space<vmem>>) offsets(%dma_start3A_441 : memref<80xi32, #tpu.memory_space<vmem>>) semaphore(%arg17 : memref<!tpu.dma_semaphore, #tpu.memory_space<semaphore_mem>>)
      } else {
      }
      %scan3A_263 = arith.constant 0 : i32
      %scan3A_264 = arith.constant 0 : i32
      %scan3A_265 = arith.constant 5 : i32
      %scan3A_266 = arith.addi %scan3A_264, %scan3A_265 : i32
      %scan3A_267 = arith.constant 1 : i32
      %scan3A_268 = scf.for %scan3A_426 = %scan3A_264 to %scan3A_266 step %scan3A_267 iter_args(%scan3A_427 = %scan3A_263) -> (i32)  : i32 {
        %mul3A_428 = arith.constant 16 : i32
        %mul3A_429 = arith.muli %scan3A_426, %mul3A_428 : i32
        %multiple_of3A = tpu.assume_multiple %mul3A_429, 16 : i32
        %get3A_430 = arith.index_cast %multiple_of3A : i32 to index
        %get3A_431 = tpu.vector_load %arg11[%get3A_430] {strides = array<i32>} : memref<80xf32, #tpu.memory_space<vmem>>, vector<16xf32>,
        %mul3A_432 = arith.constant 16 : i32
        %mul3A_433 = arith.muli %scan3A_426, %mul3A_432 : i32
        %slice3A = vector.extract_strided_slice %get3A_431 {offsets = [0], sizes = [1], strides = [1]} : vector<16xf32> to vector<1xf32>
        %squeeze3A = vector.extract %slice3A[0] : f32 from vector<1xf32>
        %add3A_434 = arith.constant 0 : i32
        %add3A_435 = arith.addi %mul3A_433, %add3A_434 : i32
        %get3A_436 = arith.index_cast %add3A_435 : i32 to index
        %get3A_437 = arith.constant 0 : index
        %get3A_438 = tpu.vector_load %arg13[%get3A_436, %get3A_437] {strides = array<i32>} : memref<80x128xf32, #tpu.memory_space<vmem>>, vector<16xf32>,
        %mul3A_439 = vector.broadcast %squeeze3A : f32 to vector<16xf32>
        %mul3A_440 = arith.mulf %get3A_438, %mul3A_439 : vector<16xf32>
        %add3A_441 = arith.constant 0 : i32
        %add3A_442 = arith.addi %mul3A_433, %add3A_441 : i32
        %swap3A_443 = arith.index_cast %add3A_442 : i32 to index
        %swap3A_444 = arith.constant 0 : index
        %swap3A_445 = tpu.vector_load %arg13[%swap3A_443, %swap3A_444] {strides = array<i32>} : memref<80x128xf32, #tpu.memory_space<vmem>>, vector<16xf32>,
        tpu.vector_store %arg13[%swap3A_443, %swap3A_444], %mul3A_440 {strides = array<i32>} : memref<80x128xf32, #tpu.memory_space<vmem>>, vector<16xf32>,
        %add3A_446 = arith.constant 0 : i32
        %add3A_447 = arith.addi %mul3A_433, %add3A_446 : i32
        %get3A_448 = arith.index_cast %add3A_447 : i32 to index
        %get3A_449 = arith.constant 16 : index
        %get3A_450 = tpu.vector_load %arg13[%get3A_448, %get3A_449] {strides = array<i32>} : memref<80x128xf32, #tpu.memory_space<vmem>>, vector<16xf32>,
        %mul3A_451 = vector.broadcast %squeeze3A : f32 to vector<16xf32>
        %mul3A_452 = arith.mulf %get3A_450, %mul3A_451 : vector<16xf32>
        %add3A_453 = arith.constant 0 : i32
        %add3A_454 = arith.addi %mul3A_433, %add3A_453 : i32
        %swap3A_455 = arith.index_cast %add3A_454 : i32 to index
        %swap3A_456 = arith.constant 16 : index
        %swap3A_457 = tpu.vector_load %arg13[%swap3A_455, %swap3A_456] {strides = array<i32>} : memref<80x128xf32, #tpu.memory_space<vmem>>, vector<16xf32>,
        tpu.vector_store %arg13[%swap3A_455, %swap3A_456], %mul3A_452 {strides = array<i32>} : memref<80x128xf32, #tpu.memory_space<vmem>>, vector<16xf32>,
        %add3A_458 = arith.constant 0 : i32
        %add3A_459 = arith.addi %mul3A_433, %add3A_458 : i32
        %get3A_460 = arith.index_cast %add3A_459 : i32 to index
        %get3A_461 = arith.constant 32 : index
        %get3A_462 = tpu.vector_load %arg13[%get3A_460, %get3A_461] {strides = array<i32>} : memref<80x128xf32, #tpu.memory_space<vmem>>, vector<16xf32>,
        %mul3A_463 = vector.broadcast %squeeze3A : f32 to vector<16xf32>
        %mul3A_464 = arith.mulf %get3A_462, %mul3A_463 : vector<16xf32>
        %add3A_465 = arith.constant 0 : i32
        %add3A_466 = arith.addi %mul3A_433, %add3A_465 : i32
        %swap3A_467 = arith.index_cast %add3A_466 : i32 to index
        %swap3A_468 = arith.constant 32 : index
        %swap3A_469 = tpu.vector_load %arg13[%swap3A_467, %swap3A_468] {strides = array<i32>} : memref<80x128xf32, #tpu.memory_space<vmem>>, vector<16xf32>,
        tpu.vector_store %arg13[%swap3A_467, %swap3A_468], %mul3A_464 {strides = array<i32>} : memref<80x128xf32, #tpu.memory_space<vmem>>, vector<16xf32>,
        %add3A_470 = arith.constant 0 : i32
        %add3A_471 = arith.addi %mul3A_433, %add3A_470 : i32
        %get3A_472 = arith.index_cast %add3A_471 : i32 to index
        %get3A_473 = arith.constant 48 : index
        %get3A_474 = tpu.vector_load %arg13[%get3A_472, %get3A_473] {strides = array<i32>} : memref<80x128xf32, #tpu.memory_space<vmem>>, vector<16xf32>,
        %mul3A_475 = vector.broadcast %squeeze3A : f32 to vector<16xf32>
        %mul3A_476 = arith.mulf %get3A_474, %mul3A_475 : vector<16xf32>
        %add3A_477 = arith.constant 0 : i32
        %add3A_478 = arith.addi %mul3A_433, %add3A_477 : i32
        %swap3A_479 = arith.index_cast %add3A_478 : i32 to index
        %swap3A_480 = arith.constant 48 : index
        %swap3A_481 = tpu.vector_load %arg13[%swap3A_479, %swap3A_480] {strides = array<i32>} : memref<80x128xf32, #tpu.memory_space<vmem>>, vector<16xf32>,
        tpu.vector_store %arg13[%swap3A_479, %swap3A_480], %mul3A_476 {strides = array<i32>} : memref<80x128xf32, #tpu.memory_space<vmem>>, vector<16xf32>,
        %add3A_482 = arith.constant 0 : i32
        %add3A_483 = arith.addi %mul3A_433, %add3A_482 : i32
        %get3A_484 = arith.index_cast %add3A_483 : i32 to index
        %get3A_485 = arith.constant 64 : index
        %get3A_486 = tpu.vector_load %arg13[%get3A_484, %get3A_485] {strides = array<i32>} : memref<80x128xf32, #tpu.memory_space<vmem>>, vector<16xf32>,
        %mul3A_487 = vector.broadcast %squeeze3A : f32 to vector<16xf32>
        %mul3A_488 = arith.mulf %get3A_486, %mul3A_487 : vector<16xf32>
        %add3A_489 = arith.constant 0 : i32
        %add3A_490 = arith.addi %mul3A_433, %add3A_489 : i32
        %swap3A_491 = arith.index_cast %add3A_490 : i32 to index
        %swap3A_492 = arith.constant 64 : index
        %swap3A_493 = tpu.vector_load %arg13[%swap3A_491, %swap3A_492] {strides = array<i32>} : memref<80x128xf32, #tpu.memory_space<vmem>>, vector<16xf32>,
        tpu.vector_store %arg13[%swap3A_491, %swap3A_492], %mul3A_488 {strides = array<i32>} : memref<80x128xf32, #tpu.memory_space<vmem>>, vector<16xf32>,
        %add3A_494 = arith.constant 0 : i32
        %add3A_495 = arith.addi %mul3A_433, %add3A_494 : i32
        %get3A_496 = arith.index_cast %add3A_495 : i32 to index
        %get3A_497 = arith.constant 80 : index
        %get3A_498 = tpu.vector_load %arg13[%get3A_496, %get3A_497] {strides = array<i32>} : memref<80x128xf32, #tpu.memory_space<vmem>>, vector<16xf32>,
        %mul3A_499 = vector.broadcast %squeeze3A : f32 to vector<16xf32>
        %mul3A_500 = arith.mulf %get3A_498, %mul3A_499 : vector<16xf32>
        %add3A_501 = arith.constant 0 : i32
        %add3A_502 = arith.addi %mul3A_433, %add3A_501 : i32
        %swap3A_503 = arith.index_cast %add3A_502 : i32 to index
        %swap3A_504 = arith.constant 80 : index
        %swap3A_505 = tpu.vector_load %arg13[%swap3A_503, %swap3A_504] {strides = array<i32>} : memref<80x128xf32, #tpu.memory_space<vmem>>, vector<16xf32>,
        tpu.vector_store %arg13[%swap3A_503, %swap3A_504], %mul3A_500 {strides = array<i32>} : memref<80x128xf32, #tpu.memory_space<vmem>>, vector<16xf32>,
        %add3A_506 = arith.constant 0 : i32
        %add3A_507 = arith.addi %mul3A_433, %add3A_506 : i32
        %get3A_508 = arith.index_cast %add3A_507 : i32 to index
        %get3A_509 = arith.constant 96 : index
        %get3A_510 = tpu.vector_load %arg13[%get3A_508, %get3A_509] {strides = array<i32>} : memref<80x128xf32, #tpu.memory_space<vmem>>, vector<16xf32>,
        %mul3A_511 = vector.broadcast %squeeze3A : f32 to vector<16xf32>
        %mul3A_512 = arith.mulf %get3A_510, %mul3A_511 : vector<16xf32>
        %add3A_513 = arith.constant 0 : i32
        %add3A_514 = arith.addi %mul3A_433, %add3A_513 : i32
        %swap3A_515 = arith.index_cast %add3A_514 : i32 to index
        %swap3A_516 = arith.constant 96 : index
        %swap3A_517 = tpu.vector_load %arg13[%swap3A_515, %swap3A_516] {strides = array<i32>} : memref<80x128xf32, #tpu.memory_space<vmem>>, vector<16xf32>,
        tpu.vector_store %arg13[%swap3A_515, %swap3A_516], %mul3A_512 {strides = array<i32>} : memref<80x128xf32, #tpu.memory_space<vmem>>, vector<16xf32>,
        %add3A_518 = arith.constant 0 : i32
        %add3A_519 = arith.addi %mul3A_433, %add3A_518 : i32
        %get3A_520 = arith.index_cast %add3A_519 : i32 to index
        %get3A_521 = arith.constant 112 : index
        %get3A_522 = tpu.vector_load %arg13[%get3A_520, %get3A_521] {strides = array<i32>} : memref<80x128xf32, #tpu.memory_space<vmem>>, vector<16xf32>,
        %mul3A_523 = vector.broadcast %squeeze3A : f32 to vector<16xf32>
        %mul3A_524 = arith.mulf %get3A_522, %mul3A_523 : vector<16xf32>
        %add3A_525 = arith.constant 0 : i32
        %add3A_526 = arith.addi %mul3A_433, %add3A_525 : i32
        %swap3A_527 = arith.index_cast %add3A_526 : i32 to index
        %swap3A_528 = arith.constant 112 : index
        %swap3A_529 = tpu.vector_load %arg13[%swap3A_527, %swap3A_528] {strides = array<i32>} : memref<80x128xf32, #tpu.memory_space<vmem>>, vector<16xf32>,
        tpu.vector_store %arg13[%swap3A_527, %swap3A_528], %mul3A_524 {strides = array<i32>} : memref<80x128xf32, #tpu.memory_space<vmem>>, vector<16xf32>,
        %slice3A_530 = vector.extract_strided_slice %get3A_431 {offsets = [1], sizes = [1], strides = [1]} : vector<16xf32> to vector<1xf32>
        %squeeze3A_531 = vector.extract %slice3A_530[0] : f32 from vector<1xf32>
        %add3A_532 = arith.constant 1 : i32
        %add3A_533 = arith.addi %mul3A_433, %add3A_532 : i32
        %get3A_534 = arith.index_cast %add3A_533 : i32 to index
        %get3A_535 = arith.constant 0 : index
        %get3A_536 = tpu.vector_load %arg13[%get3A_534, %get3A_535] {strides = array<i32>} : memref<80x128xf32, #tpu.memory_space<vmem>>, vector<16xf32>,
        %mul3A_537 = vector.broadcast %squeeze3A_531 : f32 to vector<16xf32>
        %mul3A_538 = arith.mulf %get3A_536, %mul3A_537 : vector<16xf32>
        %add3A_539 = arith.constant 1 : i32
        %add3A_540 = arith.addi %mul3A_433, %add3A_539 : i32
        %swap3A_541 = arith.index_cast %add3A_540 : i32 to index
        %swap3A_542 = arith.constant 0 : index
        %swap3A_543 = tpu.vector_load %arg13[%swap3A_541, %swap3A_542] {strides = array<i32>} : memref<80x128xf32, #tpu.memory_space<vmem>>, vector<16xf32>,
        tpu.vector_store %arg13[%swap3A_541, %swap3A_542], %mul3A_538 {strides = array<i32>} : memref<80x128xf32, #tpu.memory_space<vmem>>, vector<16xf32>,
        %add3A_544 = arith.constant 1 : i32
        %add3A_545 = arith.addi %mul3A_433, %add3A_544 : i32
        %get3A_546 = arith.index_cast %add3A_545 : i32 to index
        %get3A_547 = arith.constant 16 : index
        %get3A_548 = tpu.vector_load %arg13[%get3A_546, %get3A_547] {strides = array<i32>} : memref<80x128xf32, #tpu.memory_space<vmem>>, vector<16xf32>,
        %mul3A_549 = vector.broadcast %squeeze3A_531 : f32 to vector<16xf32>
        %mul3A_550 = arith.mulf %get3A_548, %mul3A_549 : vector<16xf32>
        %add3A_551 = arith.constant 1 : i32
        %add3A_552 = arith.addi %mul3A_433, %add3A_551 : i32
        %swap3A_553 = arith.index_cast %add3A_552 : i32 to index
        %swap3A_554 = arith.constant 16 : index
        %swap3A_555 = tpu.vector_load %arg13[%swap3A_553, %swap3A_554] {strides = array<i32>} : memref<80x128xf32, #tpu.memory_space<vmem>>, vector<16xf32>,
        tpu.vector_store %arg13[%swap3A_553, %swap3A_554], %mul3A_550 {strides = array<i32>} : memref<80x128xf32, #tpu.memory_space<vmem>>, vector<16xf32>,
        %add3A_556 = arith.constant 1 : i32
        %add3A_557 = arith.addi %mul3A_433, %add3A_556 : i32
        %get3A_558 = arith.index_cast %add3A_557 : i32 to index
        %get3A_559 = arith.constant 32 : index
        %get3A_560 = tpu.vector_load %arg13[%get3A_558, %get3A_559] {strides = array<i32>} : memref<80x128xf32, #tpu.memory_space<vmem>>, vector<16xf32>,
        %mul3A_561 = vector.broadcast %squeeze3A_531 : f32 to vector<16xf32>
        %mul3A_562 = arith.mulf %get3A_560, %mul3A_561 : vector<16xf32>
        %add3A_563 = arith.constant 1 : i32
        %add3A_564 = arith.addi %mul3A_433, %add3A_563 : i32
        %swap3A_565 = arith.index_cast %add3A_564 : i32 to index
        %swap3A_566 = arith.constant 32 : index
        %swap3A_567 = tpu.vector_load %arg13[%swap3A_565, %swap3A_566] {strides = array<i32>} : memref<80x128xf32, #tpu.memory_space<vmem>>, vector<16xf32>,
        tpu.vector_store %arg13[%swap3A_565, %swap3A_566], %mul3A_562 {strides = array<i32>} : memref<80x128xf32, #tpu.memory_space<vmem>>, vector<16xf32>,
        %add3A_568 = arith.constant 1 : i32
        %add3A_569 = arith.addi %mul3A_433, %add3A_568 : i32
        %get3A_570 = arith.index_cast %add3A_569 : i32 to index
        %get3A_571 = arith.constant 48 : index
        %get3A_572 = tpu.vector_load %arg13[%get3A_570, %get3A_571] {strides = array<i32>} : memref<80x128xf32, #tpu.memory_space<vmem>>, vector<16xf32>,
        %mul3A_573 = vector.broadcast %squeeze3A_531 : f32 to vector<16xf32>
        %mul3A_574 = arith.mulf %get3A_572, %mul3A_573 : vector<16xf32>
        %add3A_575 = arith.constant 1 : i32
        %add3A_576 = arith.addi %mul3A_433, %add3A_575 : i32
        %swap3A_577 = arith.index_cast %add3A_576 : i32 to index
        %swap3A_578 = arith.constant 48 : index
        %swap3A_579 = tpu.vector_load %arg13[%swap3A_577, %swap3A_578] {strides = array<i32>} : memref<80x128xf32, #tpu.memory_space<vmem>>, vector<16xf32>,
        tpu.vector_store %arg13[%swap3A_577, %swap3A_578], %mul3A_574 {strides = array<i32>} : memref<80x128xf32, #tpu.memory_space<vmem>>, vector<16xf32>,
        %add3A_580 = arith.constant 1 : i32
        %add3A_581 = arith.addi %mul3A_433, %add3A_580 : i32
        %get3A_582 = arith.index_cast %add3A_581 : i32 to index
        %get3A_583 = arith.constant 64 : index
        %get3A_584 = tpu.vector_load %arg13[%get3A_582, %get3A_583] {strides = array<i32>} : memref<80x128xf32, #tpu.memory_space<vmem>>, vector<16xf32>,
        %mul3A_585 = vector.broadcast %squeeze3A_531 : f32 to vector<16xf32>
        %mul3A_586 = arith.mulf %get3A_584, %mul3A_585 : vector<16xf32>
        %add3A_587 = arith.constant 1 : i32
        %add3A_588 = arith.addi %mul3A_433, %add3A_587 : i32
        %swap3A_589 = arith.index_cast %add3A_588 : i32 to index
        %swap3A_590 = arith.constant 64 : index
        %swap3A_591 = tpu.vector_load %arg13[%swap3A_589, %swap3A_590] {strides = array<i32>} : memref<80x128xf32, #tpu.memory_space<vmem>>, vector<16xf32>,
        tpu.vector_store %arg13[%swap3A_589, %swap3A_590], %mul3A_586 {strides = array<i32>} : memref<80x128xf32, #tpu.memory_space<vmem>>, vector<16xf32>,
        %add3A_592 = arith.constant 1 : i32
        %add3A_593 = arith.addi %mul3A_433, %add3A_592 : i32
        %get3A_594 = arith.index_cast %add3A_593 : i32 to index
        %get3A_595 = arith.constant 80 : index
        %get3A_596 = tpu.vector_load %arg13[%get3A_594, %get3A_595] {strides = array<i32>} : memref<80x128xf32, #tpu.memory_space<vmem>>, vector<16xf32>,
        %mul3A_597 = vector.broadcast %squeeze3A_531 : f32 to vector<16xf32>
        %mul3A_598 = arith.mulf %get3A_596, %mul3A_597 : vector<16xf32>
        %add3A_599 = arith.constant 1 : i32
        %add3A_600 = arith.addi %mul3A_433, %add3A_599 : i32
        %swap3A_601 = arith.index_cast %add3A_600 : i32 to index
        %swap3A_602 = arith.constant 80 : index
        %swap3A_603 = tpu.vector_load %arg13[%swap3A_601, %swap3A_602] {strides = array<i32>} : memref<80x128xf32, #tpu.memory_space<vmem>>, vector<16xf32>,
        tpu.vector_store %arg13[%swap3A_601, %swap3A_602], %mul3A_598 {strides = array<i32>} : memref<80x128xf32, #tpu.memory_space<vmem>>, vector<16xf32>,
        %add3A_604 = arith.constant 1 : i32
        %add3A_605 = arith.addi %mul3A_433, %add3A_604 : i32
        %get3A_606 = arith.index_cast %add3A_605 : i32 to index
        %get3A_607 = arith.constant 96 : index
        %get3A_608 = tpu.vector_load %arg13[%get3A_606, %get3A_607] {strides = array<i32>} : memref<80x128xf32, #tpu.memory_space<vmem>>, vector<16xf32>,
        %mul3A_609 = vector.broadcast %squeeze3A_531 : f32 to vector<16xf32>
        %mul3A_610 = arith.mulf %get3A_608, %mul3A_609 : vector<16xf32>
        %add3A_611 = arith.constant 1 : i32
        %add3A_612 = arith.addi %mul3A_433, %add3A_611 : i32
        %swap3A_613 = arith.index_cast %add3A_612 : i32 to index
        %swap3A_614 = arith.constant 96 : index
        %swap3A_615 = tpu.vector_load %arg13[%swap3A_613, %swap3A_614] {strides = array<i32>} : memref<80x128xf32, #tpu.memory_space<vmem>>, vector<16xf32>,
        tpu.vector_store %arg13[%swap3A_613, %swap3A_614], %mul3A_610 {strides = array<i32>} : memref<80x128xf32, #tpu.memory_space<vmem>>, vector<16xf32>,
        %add3A_616 = arith.constant 1 : i32
        %add3A_617 = arith.addi %mul3A_433, %add3A_616 : i32
        %get3A_618 = arith.index_cast %add3A_617 : i32 to index
        %get3A_619 = arith.constant 112 : index
        %get3A_620 = tpu.vector_load %arg13[%get3A_618, %get3A_619] {strides = array<i32>} : memref<80x128xf32, #tpu.memory_space<vmem>>, vector<16xf32>,
        %mul3A_621 = vector.broadcast %squeeze3A_531 : f32 to vector<16xf32>
        %mul3A_622 = arith.mulf %get3A_620, %mul3A_621 : vector<16xf32>
        %add3A_623 = arith.constant 1 : i32
        %add3A_624 = arith.addi %mul3A_433, %add3A_623 : i32
        %swap3A_625 = arith.index_cast %add3A_624 : i32 to index
        %swap3A_626 = arith.constant 112 : index
        %swap3A_627 = tpu.vector_load %arg13[%swap3A_625, %swap3A_626] {strides = array<i32>} : memref<80x128xf32, #tpu.memory_space<vmem>>, vector<16xf32>,
        tpu.vector_store %arg13[%swap3A_625, %swap3A_626], %mul3A_622 {strides = array<i32>} : memref<80x128xf32, #tpu.memory_space<vmem>>, vector<16xf32>,
        %slice3A_628 = vector.extract_strided_slice %get3A_431 {offsets = [2], sizes = [1], strides = [1]} : vector<16xf32> to vector<1xf32>
        %squeeze3A_629 = vector.extract %slice3A_628[0] : f32 from vector<1xf32>
        %add3A_630 = arith.constant 2 : i32
        %add3A_631 = arith.addi %mul3A_433, %add3A_630 : i32
        %get3A_632 = arith.index_cast %add3A_631 : i32 to index
        %get3A_633 = arith.constant 0 : index
        %get3A_634 = tpu.vector_load %arg13[%get3A_632, %get3A_633] {strides = array<i32>} : memref<80x128xf32, #tpu.memory_space<vmem>>, vector<16xf32>,
        %mul3A_635 = vector.broadcast %squeeze3A_629 : f32 to vector<16xf32>
        %mul3A_636 = arith.mulf %get3A_634, %mul3A_635 : vector<16xf32>
        %add3A_637 = arith.constant 2 : i32
        %add3A_638 = arith.addi %mul3A_433, %add3A_637 : i32
        %swap3A_639 = arith.index_cast %add3A_638 : i32 to index
        %swap3A_640 = arith.constant 0 : index
        %swap3A_641 = tpu.vector_load %arg13[%swap3A_639, %swap3A_640] {strides = array<i32>} : memref<80x128xf32, #tpu.memory_space<vmem>>, vector<16xf32>,
        tpu.vector_store %arg13[%swap3A_639, %swap3A_640], %mul3A_636 {strides = array<i32>} : memref<80x128xf32, #tpu.memory_space<vmem>>, vector<16xf32>,
        %add3A_642 = arith.constant 2 : i32
        %add3A_643 = arith.addi %mul3A_433, %add3A_642 : i32
        %get3A_644 = arith.index_cast %add3A_643 : i32 to index
        %get3A_645 = arith.constant 16 : index
        %get3A_646 = tpu.vector_load %arg13[%get3A_644, %get3A_645] {strides = array<i32>} : memref<80x128xf32, #tpu.memory_space<vmem>>, vector<16xf32>,
        %mul3A_647 = vector.broadcast %squeeze3A_629 : f32 to vector<16xf32>
        %mul3A_648 = arith.mulf %get3A_646, %mul3A_647 : vector<16xf32>
        %add3A_649 = arith.constant 2 : i32
        %add3A_650 = arith.addi %mul3A_433, %add3A_649 : i32
        %swap3A_651 = arith.index_cast %add3A_650 : i32 to index
        %swap3A_652 = arith.constant 16 : index
        %swap3A_653 = tpu.vector_load %arg13[%swap3A_651, %swap3A_652] {strides = array<i32>} : memref<80x128xf32, #tpu.memory_space<vmem>>, vector<16xf32>,
        tpu.vector_store %arg13[%swap3A_651, %swap3A_652], %mul3A_648 {strides = array<i32>} : memref<80x128xf32, #tpu.memory_space<vmem>>, vector<16xf32>,
        %add3A_654 = arith.constant 2 : i32
        %add3A_655 = arith.addi %mul3A_433, %add3A_654 : i32
        %get3A_656 = arith.index_cast %add3A_655 : i32 to index
        %get3A_657 = arith.constant 32 : index
        %get3A_658 = tpu.vector_load %arg13[%get3A_656, %get3A_657] {strides = array<i32>} : memref<80x128xf32, #tpu.memory_space<vmem>>, vector<16xf32>,
        %mul3A_659 = vector.broadcast %squeeze3A_629 : f32 to vector<16xf32>
        %mul3A_660 = arith.mulf %get3A_658, %mul3A_659 : vector<16xf32>
        %add3A_661 = arith.constant 2 : i32
        %add3A_662 = arith.addi %mul3A_433, %add3A_661 : i32
        %swap3A_663 = arith.index_cast %add3A_662 : i32 to index
        %swap3A_664 = arith.constant 32 : index
        %swap3A_665 = tpu.vector_load %arg13[%swap3A_663, %swap3A_664] {strides = array<i32>} : memref<80x128xf32, #tpu.memory_space<vmem>>, vector<16xf32>,
        tpu.vector_store %arg13[%swap3A_663, %swap3A_664], %mul3A_660 {strides = array<i32>} : memref<80x128xf32, #tpu.memory_space<vmem>>, vector<16xf32>,
        %add3A_666 = arith.constant 2 : i32
        %add3A_667 = arith.addi %mul3A_433, %add3A_666 : i32
        %get3A_668 = arith.index_cast %add3A_667 : i32 to index
        %get3A_669 = arith.constant 48 : index
        %get3A_670 = tpu.vector_load %arg13[%get3A_668, %get3A_669] {strides = array<i32>} : memref<80x128xf32, #tpu.memory_space<vmem>>, vector<16xf32>,
        %mul3A_671 = vector.broadcast %squeeze3A_629 : f32 to vector<16xf32>
        %mul3A_672 = arith.mulf %get3A_670, %mul3A_671 : vector<16xf32>
        %add3A_673 = arith.constant 2 : i32
        %add3A_674 = arith.addi %mul3A_433, %add3A_673 : i32
        %swap3A_675 = arith.index_cast %add3A_674 : i32 to index
        %swap3A_676 = arith.constant 48 : index
        %swap3A_677 = tpu.vector_load %arg13[%swap3A_675, %swap3A_676] {strides = array<i32>} : memref<80x128xf32, #tpu.memory_space<vmem>>, vector<16xf32>,
        tpu.vector_store %arg13[%swap3A_675, %swap3A_676], %mul3A_672 {strides = array<i32>} : memref<80x128xf32, #tpu.memory_space<vmem>>, vector<16xf32>,
        %add3A_678 = arith.constant 2 : i32
        %add3A_679 = arith.addi %mul3A_433, %add3A_678 : i32
        %get3A_680 = arith.index_cast %add3A_679 : i32 to index
        %get3A_681 = arith.constant 64 : index
        %get3A_682 = tpu.vector_load %arg13[%get3A_680, %get3A_681] {strides = array<i32>} : memref<80x128xf32, #tpu.memory_space<vmem>>, vector<16xf32>,
        %mul3A_683 = vector.broadcast %squeeze3A_629 : f32 to vector<16xf32>
        %mul3A_684 = arith.mulf %get3A_682, %mul3A_683 : vector<16xf32>
        %add3A_685 = arith.constant 2 : i32
        %add3A_686 = arith.addi %mul3A_433, %add3A_685 : i32
        %swap3A_687 = arith.index_cast %add3A_686 : i32 to index
        %swap3A_688 = arith.constant 64 : index
        %swap3A_689 = tpu.vector_load %arg13[%swap3A_687, %swap3A_688] {strides = array<i32>} : memref<80x128xf32, #tpu.memory_space<vmem>>, vector<16xf32>,
        tpu.vector_store %arg13[%swap3A_687, %swap3A_688], %mul3A_684 {strides = array<i32>} : memref<80x128xf32, #tpu.memory_space<vmem>>, vector<16xf32>,
        %add3A_690 = arith.constant 2 : i32
        %add3A_691 = arith.addi %mul3A_433, %add3A_690 : i32
        %get3A_692 = arith.index_cast %add3A_691 : i32 to index
        %get3A_693 = arith.constant 80 : index
        %get3A_694 = tpu.vector_load %arg13[%get3A_692, %get3A_693] {strides = array<i32>} : memref<80x128xf32, #tpu.memory_space<vmem>>, vector<16xf32>,
        %mul3A_695 = vector.broadcast %squeeze3A_629 : f32 to vector<16xf32>
        %mul3A_696 = arith.mulf %get3A_694, %mul3A_695 : vector<16xf32>
        %add3A_697 = arith.constant 2 : i32
        %add3A_698 = arith.addi %mul3A_433, %add3A_697 : i32
        %swap3A_699 = arith.index_cast %add3A_698 : i32 to index
        %swap3A_700 = arith.constant 80 : index
        %swap3A_701 = tpu.vector_load %arg13[%swap3A_699, %swap3A_700] {strides = array<i32>} : memref<80x128xf32, #tpu.memory_space<vmem>>, vector<16xf32>,
        tpu.vector_store %arg13[%swap3A_699, %swap3A_700], %mul3A_696 {strides = array<i32>} : memref<80x128xf32, #tpu.memory_space<vmem>>, vector<16xf32>,
        %add3A_702 = arith.constant 2 : i32
        %add3A_703 = arith.addi %mul3A_433, %add3A_702 : i32
        %get3A_704 = arith.index_cast %add3A_703 : i32 to index
        %get3A_705 = arith.constant 96 : index
        %get3A_706 = tpu.vector_load %arg13[%get3A_704, %get3A_705] {strides = array<i32>} : memref<80x128xf32, #tpu.memory_space<vmem>>, vector<16xf32>,
        %mul3A_707 = vector.broadcast %squeeze3A_629 : f32 to vector<16xf32>
        %mul3A_708 = arith.mulf %get3A_706, %mul3A_707 : vector<16xf32>
        %add3A_709 = arith.constant 2 : i32
        %add3A_710 = arith.addi %mul3A_433, %add3A_709 : i32
        %swap3A_711 = arith.index_cast %add3A_710 : i32 to index
        %swap3A_712 = arith.constant 96 : index
        %swap3A_713 = tpu.vector_load %arg13[%swap3A_711, %swap3A_712] {strides = array<i32>} : memref<80x128xf32, #tpu.memory_space<vmem>>, vector<16xf32>,
        tpu.vector_store %arg13[%swap3A_711, %swap3A_712], %mul3A_708 {strides = array<i32>} : memref<80x128xf32, #tpu.memory_space<vmem>>, vector<16xf32>,
        %add3A_714 = arith.constant 2 : i32
        %add3A_715 = arith.addi %mul3A_433, %add3A_714 : i32
        %get3A_716 = arith.index_cast %add3A_715 : i32 to index
        %get3A_717 = arith.constant 112 : index
        %get3A_718 = tpu.vector_load %arg13[%get3A_716, %get3A_717] {strides = array<i32>} : memref<80x128xf32, #tpu.memory_space<vmem>>, vector<16xf32>,
        %mul3A_719 = vector.broadcast %squeeze3A_629 : f32 to vector<16xf32>
        %mul3A_720 = arith.mulf %get3A_718, %mul3A_719 : vector<16xf32>
        %add3A_721 = arith.constant 2 : i32
        %add3A_722 = arith.addi %mul3A_433, %add3A_721 : i32
        %swap3A_723 = arith.index_cast %add3A_722 : i32 to index
        %swap3A_724 = arith.constant 112 : index
        %swap3A_725 = tpu.vector_load %arg13[%swap3A_723, %swap3A_724] {strides = array<i32>} : memref<80x128xf32, #tpu.memory_space<vmem>>, vector<16xf32>,
        tpu.vector_store %arg13[%swap3A_723, %swap3A_724], %mul3A_720 {strides = array<i32>} : memref<80x128xf32, #tpu.memory_space<vmem>>, vector<16xf32>,
        %slice3A_726 = vector.extract_strided_slice %get3A_431 {offsets = [3], sizes = [1], strides = [1]} : vector<16xf32> to vector<1xf32>
        %squeeze3A_727 = vector.extract %slice3A_726[0] : f32 from vector<1xf32>
        %add3A_728 = arith.constant 3 : i32
        %add3A_729 = arith.addi %mul3A_433, %add3A_728 : i32
        %get3A_730 = arith.index_cast %add3A_729 : i32 to index
        %get3A_731 = arith.constant 0 : index
        %get3A_732 = tpu.vector_load %arg13[%get3A_730, %get3A_731] {strides = array<i32>} : memref<80x128xf32, #tpu.memory_space<vmem>>, vector<16xf32>,
        %mul3A_733 = vector.broadcast %squeeze3A_727 : f32 to vector<16xf32>
        %mul3A_734 = arith.mulf %get3A_732, %mul3A_733 : vector<16xf32>
        %add3A_735 = arith.constant 3 : i32
        %add3A_736 = arith.addi %mul3A_433, %add3A_735 : i32
        %swap3A_737 = arith.index_cast %add3A_736 : i32 to index
        %swap3A_738 = arith.constant 0 : index
        %swap3A_739 = tpu.vector_load %arg13[%swap3A_737, %swap3A_738] {strides = array<i32>} : memref<80x128xf32, #tpu.memory_space<vmem>>, vector<16xf32>,
        tpu.vector_store %arg13[%swap3A_737, %swap3A_738], %mul3A_734 {strides = array<i32>} : memref<80x128xf32, #tpu.memory_space<vmem>>, vector<16xf32>,
        %add3A_740 = arith.constant 3 : i32
        %add3A_741 = arith.addi %mul3A_433, %add3A_740 : i32
        %get3A_742 = arith.index_cast %add3A_741 : i32 to index
        %get3A_743 = arith.constant 16 : index
        %get3A_744 = tpu.vector_load %arg13[%get3A_742, %get3A_743] {strides = array<i32>} : memref<80x128xf32, #tpu.memory_space<vmem>>, vector<16xf32>,
        %mul3A_745 = vector.broadcast %squeeze3A_727 : f32 to vector<16xf32>
        %mul3A_746 = arith.mulf %get3A_744, %mul3A_745 : vector<16xf32>
        %add3A_747 = arith.constant 3 : i32
        %add3A_748 = arith.addi %mul3A_433, %add3A_747 : i32
        %swap3A_749 = arith.index_cast %add3A_748 : i32 to index
        %swap3A_750 = arith.constant 16 : index
        %swap3A_751 = tpu.vector_load %arg13[%swap3A_749, %swap3A_750] {strides = array<i32>} : memref<80x128xf32, #tpu.memory_space<vmem>>, vector<16xf32>,
        tpu.vector_store %arg13[%swap3A_749, %swap3A_750], %mul3A_746 {strides = array<i32>} : memref<80x128xf32, #tpu.memory_space<vmem>>, vector<16xf32>,
        %add3A_752 = arith.constant 3 : i32
        %add3A_753 = arith.addi %mul3A_433, %add3A_752 : i32
        %get3A_754 = arith.index_cast %add3A_753 : i32 to index
        %get3A_755 = arith.constant 32 : index
        %get3A_756 = tpu.vector_load %arg13[%get3A_754, %get3A_755] {strides = array<i32>} : memref<80x128xf32, #tpu.memory_space<vmem>>, vector<16xf32>,
        %mul3A_757 = vector.broadcast %squeeze3A_727 : f32 to vector<16xf32>
        %mul3A_758 = arith.mulf %get3A_756, %mul3A_757 : vector<16xf32>
        %add3A_759 = arith.constant 3 : i32
        %add3A_760 = arith.addi %mul3A_433, %add3A_759 : i32
        %swap3A_761 = arith.index_cast %add3A_760 : i32 to index
        %swap3A_762 = arith.constant 32 : index
        %swap3A_763 = tpu.vector_load %arg13[%swap3A_761, %swap3A_762] {strides = array<i32>} : memref<80x128xf32, #tpu.memory_space<vmem>>, vector<16xf32>,
        tpu.vector_store %arg13[%swap3A_761, %swap3A_762], %mul3A_758 {strides = array<i32>} : memref<80x128xf32, #tpu.memory_space<vmem>>, vector<16xf32>,
        %add3A_764 = arith.constant 3 : i32
        %add3A_765 = arith.addi %mul3A_433, %add3A_764 : i32
        %get3A_766 = arith.index_cast %add3A_765 : i32 to index
        %get3A_767 = arith.constant 48 : index
        %get3A_768 = tpu.vector_load %arg13[%get3A_766, %get3A_767] {strides = array<i32>} : memref<80x128xf32, #tpu.memory_space<vmem>>, vector<16xf32>,
        %mul3A_769 = vector.broadcast %squeeze3A_727 : f32 to vector<16xf32>
        %mul3A_770 = arith.mulf %get3A_768, %mul3A_769 : vector<16xf32>
        %add3A_771 = arith.constant 3 : i32
        %add3A_772 = arith.addi %mul3A_433, %add3A_771 : i32
        %swap3A_773 = arith.index_cast %add3A_772 : i32 to index
        %swap3A_774 = arith.constant 48 : index
        %swap3A_775 = tpu.vector_load %arg13[%swap3A_773, %swap3A_774] {strides = array<i32>} : memref<80x128xf32, #tpu.memory_space<vmem>>, vector<16xf32>,
        tpu.vector_store %arg13[%swap3A_773, %swap3A_774], %mul3A_770 {strides = array<i32>} : memref<80x128xf32, #tpu.memory_space<vmem>>, vector<16xf32>,
        %add3A_776 = arith.constant 3 : i32
        %add3A_777 = arith.addi %mul3A_433, %add3A_776 : i32
        %get3A_778 = arith.index_cast %add3A_777 : i32 to index
        %get3A_779 = arith.constant 64 : index
        %get3A_780 = tpu.vector_load %arg13[%get3A_778, %get3A_779] {strides = array<i32>} : memref<80x128xf32, #tpu.memory_space<vmem>>, vector<16xf32>,
        %mul3A_781 = vector.broadcast %squeeze3A_727 : f32 to vector<16xf32>
        %mul3A_782 = arith.mulf %get3A_780, %mul3A_781 : vector<16xf32>
        %add3A_783 = arith.constant 3 : i32
        %add3A_784 = arith.addi %mul3A_433, %add3A_783 : i32
        %swap3A_785 = arith.index_cast %add3A_784 : i32 to index
        %swap3A_786 = arith.constant 64 : index
        %swap3A_787 = tpu.vector_load %arg13[%swap3A_785, %swap3A_786] {strides = array<i32>} : memref<80x128xf32, #tpu.memory_space<vmem>>, vector<16xf32>,
        tpu.vector_store %arg13[%swap3A_785, %swap3A_786], %mul3A_782 {strides = array<i32>} : memref<80x128xf32, #tpu.memory_space<vmem>>, vector<16xf32>,
        %add3A_788 = arith.constant 3 : i32
        %add3A_789 = arith.addi %mul3A_433, %add3A_788 : i32
        %get3A_790 = arith.index_cast %add3A_789 : i32 to index
        %get3A_791 = arith.constant 80 : index
        %get3A_792 = tpu.vector_load %arg13[%get3A_790, %get3A_791] {strides = array<i32>} : memref<80x128xf32, #tpu.memory_space<vmem>>, vector<16xf32>,
        %mul3A_793 = vector.broadcast %squeeze3A_727 : f32 to vector<16xf32>
        %mul3A_794 = arith.mulf %get3A_792, %mul3A_793 : vector<16xf32>
        %add3A_795 = arith.constant 3 : i32
        %add3A_796 = arith.addi %mul3A_433, %add3A_795 : i32
        %swap3A_797 = arith.index_cast %add3A_796 : i32 to index
        %swap3A_798 = arith.constant 80 : index
        %swap3A_799 = tpu.vector_load %arg13[%swap3A_797, %swap3A_798] {strides = array<i32>} : memref<80x128xf32, #tpu.memory_space<vmem>>, vector<16xf32>,
        tpu.vector_store %arg13[%swap3A_797, %swap3A_798], %mul3A_794 {strides = array<i32>} : memref<80x128xf32, #tpu.memory_space<vmem>>, vector<16xf32>,
        %add3A_800 = arith.constant 3 : i32
        %add3A_801 = arith.addi %mul3A_433, %add3A_800 : i32
        %get3A_802 = arith.index_cast %add3A_801 : i32 to index
        %get3A_803 = arith.constant 96 : index
        %get3A_804 = tpu.vector_load %arg13[%get3A_802, %get3A_803] {strides = array<i32>} : memref<80x128xf32, #tpu.memory_space<vmem>>, vector<16xf32>,
        %mul3A_805 = vector.broadcast %squeeze3A_727 : f32 to vector<16xf32>
        %mul3A_806 = arith.mulf %get3A_804, %mul3A_805 : vector<16xf32>
        %add3A_807 = arith.constant 3 : i32
        %add3A_808 = arith.addi %mul3A_433, %add3A_807 : i32
        %swap3A_809 = arith.index_cast %add3A_808 : i32 to index
        %swap3A_810 = arith.constant 96 : index
        %swap3A_811 = tpu.vector_load %arg13[%swap3A_809, %swap3A_810] {strides = array<i32>} : memref<80x128xf32, #tpu.memory_space<vmem>>, vector<16xf32>,
        tpu.vector_store %arg13[%swap3A_809, %swap3A_810], %mul3A_806 {strides = array<i32>} : memref<80x128xf32, #tpu.memory_space<vmem>>, vector<16xf32>,
        %add3A_812 = arith.constant 3 : i32
        %add3A_813 = arith.addi %mul3A_433, %add3A_812 : i32
        %get3A_814 = arith.index_cast %add3A_813 : i32 to index
        %get3A_815 = arith.constant 112 : index
        %get3A_816 = tpu.vector_load %arg13[%get3A_814, %get3A_815] {strides = array<i32>} : memref<80x128xf32, #tpu.memory_space<vmem>>, vector<16xf32>,
        %mul3A_817 = vector.broadcast %squeeze3A_727 : f32 to vector<16xf32>
        %mul3A_818 = arith.mulf %get3A_816, %mul3A_817 : vector<16xf32>
        %add3A_819 = arith.constant 3 : i32
        %add3A_820 = arith.addi %mul3A_433, %add3A_819 : i32
        %swap3A_821 = arith.index_cast %add3A_820 : i32 to index
        %swap3A_822 = arith.constant 112 : index
        %swap3A_823 = tpu.vector_load %arg13[%swap3A_821, %swap3A_822] {strides = array<i32>} : memref<80x128xf32, #tpu.memory_space<vmem>>, vector<16xf32>,
        tpu.vector_store %arg13[%swap3A_821, %swap3A_822], %mul3A_818 {strides = array<i32>} : memref<80x128xf32, #tpu.memory_space<vmem>>, vector<16xf32>,
        %slice3A_824 = vector.extract_strided_slice %get3A_431 {offsets = [4], sizes = [1], strides = [1]} : vector<16xf32> to vector<1xf32>
        %squeeze3A_825 = vector.extract %slice3A_824[0] : f32 from vector<1xf32>
        %add3A_826 = arith.constant 4 : i32
        %add3A_827 = arith.addi %mul3A_433, %add3A_826 : i32
        %get3A_828 = arith.index_cast %add3A_827 : i32 to index
        %get3A_829 = arith.constant 0 : index
        %get3A_830 = tpu.vector_load %arg13[%get3A_828, %get3A_829] {strides = array<i32>} : memref<80x128xf32, #tpu.memory_space<vmem>>, vector<16xf32>,
        %mul3A_831 = vector.broadcast %squeeze3A_825 : f32 to vector<16xf32>
        %mul3A_832 = arith.mulf %get3A_830, %mul3A_831 : vector<16xf32>
        %add3A_833 = arith.constant 4 : i32
        %add3A_834 = arith.addi %mul3A_433, %add3A_833 : i32
        %swap3A_835 = arith.index_cast %add3A_834 : i32 to index
        %swap3A_836 = arith.constant 0 : index
        %swap3A_837 = tpu.vector_load %arg13[%swap3A_835, %swap3A_836] {strides = array<i32>} : memref<80x128xf32, #tpu.memory_space<vmem>>, vector<16xf32>,
        tpu.vector_store %arg13[%swap3A_835, %swap3A_836], %mul3A_832 {strides = array<i32>} : memref<80x128xf32, #tpu.memory_space<vmem>>, vector<16xf32>,
        %add3A_838 = arith.constant 4 : i32
        %add3A_839 = arith.addi %mul3A_433, %add3A_838 : i32
        %get3A_840 = arith.index_cast %add3A_839 : i32 to index
        %get3A_841 = arith.constant 16 : index
        %get3A_842 = tpu.vector_load %arg13[%get3A_840, %get3A_841] {strides = array<i32>} : memref<80x128xf32, #tpu.memory_space<vmem>>, vector<16xf32>,
        %mul3A_843 = vector.broadcast %squeeze3A_825 : f32 to vector<16xf32>
        %mul3A_844 = arith.mulf %get3A_842, %mul3A_843 : vector<16xf32>
        %add3A_845 = arith.constant 4 : i32
        %add3A_846 = arith.addi %mul3A_433, %add3A_845 : i32
        %swap3A_847 = arith.index_cast %add3A_846 : i32 to index
        %swap3A_848 = arith.constant 16 : index
        %swap3A_849 = tpu.vector_load %arg13[%swap3A_847, %swap3A_848] {strides = array<i32>} : memref<80x128xf32, #tpu.memory_space<vmem>>, vector<16xf32>,
        tpu.vector_store %arg13[%swap3A_847, %swap3A_848], %mul3A_844 {strides = array<i32>} : memref<80x128xf32, #tpu.memory_space<vmem>>, vector<16xf32>,
        %add3A_850 = arith.constant 4 : i32
        %add3A_851 = arith.addi %mul3A_433, %add3A_850 : i32
        %get3A_852 = arith.index_cast %add3A_851 : i32 to index
        %get3A_853 = arith.constant 32 : index
        %get3A_854 = tpu.vector_load %arg13[%get3A_852, %get3A_853] {strides = array<i32>} : memref<80x128xf32, #tpu.memory_space<vmem>>, vector<16xf32>,
        %mul3A_855 = vector.broadcast %squeeze3A_825 : f32 to vector<16xf32>
        %mul3A_856 = arith.mulf %get3A_854, %mul3A_855 : vector<16xf32>
        %add3A_857 = arith.constant 4 : i32
        %add3A_858 = arith.addi %mul3A_433, %add3A_857 : i32
        %swap3A_859 = arith.index_cast %add3A_858 : i32 to index
        %swap3A_860 = arith.constant 32 : index
        %swap3A_861 = tpu.vector_load %arg13[%swap3A_859, %swap3A_860] {strides = array<i32>} : memref<80x128xf32, #tpu.memory_space<vmem>>, vector<16xf32>,
        tpu.vector_store %arg13[%swap3A_859, %swap3A_860], %mul3A_856 {strides = array<i32>} : memref<80x128xf32, #tpu.memory_space<vmem>>, vector<16xf32>,
        %add3A_862 = arith.constant 4 : i32
        %add3A_863 = arith.addi %mul3A_433, %add3A_862 : i32
        %get3A_864 = arith.index_cast %add3A_863 : i32 to index
        %get3A_865 = arith.constant 48 : index
        %get3A_866 = tpu.vector_load %arg13[%get3A_864, %get3A_865] {strides = array<i32>} : memref<80x128xf32, #tpu.memory_space<vmem>>, vector<16xf32>,
        %mul3A_867 = vector.broadcast %squeeze3A_825 : f32 to vector<16xf32>
        %mul3A_868 = arith.mulf %get3A_866, %mul3A_867 : vector<16xf32>
        %add3A_869 = arith.constant 4 : i32
        %add3A_870 = arith.addi %mul3A_433, %add3A_869 : i32
        %swap3A_871 = arith.index_cast %add3A_870 : i32 to index
        %swap3A_872 = arith.constant 48 : index
        %swap3A_873 = tpu.vector_load %arg13[%swap3A_871, %swap3A_872] {strides = array<i32>} : memref<80x128xf32, #tpu.memory_space<vmem>>, vector<16xf32>,
        tpu.vector_store %arg13[%swap3A_871, %swap3A_872], %mul3A_868 {strides = array<i32>} : memref<80x128xf32, #tpu.memory_space<vmem>>, vector<16xf32>,
        %add3A_874 = arith.constant 4 : i32
        %add3A_875 = arith.addi %mul3A_433, %add3A_874 : i32
        %get3A_876 = arith.index_cast %add3A_875 : i32 to index
        %get3A_877 = arith.constant 64 : index
        %get3A_878 = tpu.vector_load %arg13[%get3A_876, %get3A_877] {strides = array<i32>} : memref<80x128xf32, #tpu.memory_space<vmem>>, vector<16xf32>,
        %mul3A_879 = vector.broadcast %squeeze3A_825 : f32 to vector<16xf32>
        %mul3A_880 = arith.mulf %get3A_878, %mul3A_879 : vector<16xf32>
        %add3A_881 = arith.constant 4 : i32
        %add3A_882 = arith.addi %mul3A_433, %add3A_881 : i32
        %swap3A_883 = arith.index_cast %add3A_882 : i32 to index
        %swap3A_884 = arith.constant 64 : index
        %swap3A_885 = tpu.vector_load %arg13[%swap3A_883, %swap3A_884] {strides = array<i32>} : memref<80x128xf32, #tpu.memory_space<vmem>>, vector<16xf32>,
        tpu.vector_store %arg13[%swap3A_883, %swap3A_884], %mul3A_880 {strides = array<i32>} : memref<80x128xf32, #tpu.memory_space<vmem>>, vector<16xf32>,
        %add3A_886 = arith.constant 4 : i32
        %add3A_887 = arith.addi %mul3A_433, %add3A_886 : i32
        %get3A_888 = arith.index_cast %add3A_887 : i32 to index
        %get3A_889 = arith.constant 80 : index
        %get3A_890 = tpu.vector_load %arg13[%get3A_888, %get3A_889] {strides = array<i32>} : memref<80x128xf32, #tpu.memory_space<vmem>>, vector<16xf32>,
        %mul3A_891 = vector.broadcast %squeeze3A_825 : f32 to vector<16xf32>
        %mul3A_892 = arith.mulf %get3A_890, %mul3A_891 : vector<16xf32>
        %add3A_893 = arith.constant 4 : i32
        %add3A_894 = arith.addi %mul3A_433, %add3A_893 : i32
        %swap3A_895 = arith.index_cast %add3A_894 : i32 to index
        %swap3A_896 = arith.constant 80 : index
        %swap3A_897 = tpu.vector_load %arg13[%swap3A_895, %swap3A_896] {strides = array<i32>} : memref<80x128xf32, #tpu.memory_space<vmem>>, vector<16xf32>,
        tpu.vector_store %arg13[%swap3A_895, %swap3A_896], %mul3A_892 {strides = array<i32>} : memref<80x128xf32, #tpu.memory_space<vmem>>, vector<16xf32>,
        %add3A_898 = arith.constant 4 : i32
        %add3A_899 = arith.addi %mul3A_433, %add3A_898 : i32
        %get3A_900 = arith.index_cast %add3A_899 : i32 to index
        %get3A_901 = arith.constant 96 : index
        %get3A_902 = tpu.vector_load %arg13[%get3A_900, %get3A_901] {strides = array<i32>} : memref<80x128xf32, #tpu.memory_space<vmem>>, vector<16xf32>,
        %mul3A_903 = vector.broadcast %squeeze3A_825 : f32 to vector<16xf32>
        %mul3A_904 = arith.mulf %get3A_902, %mul3A_903 : vector<16xf32>
        %add3A_905 = arith.constant 4 : i32
        %add3A_906 = arith.addi %mul3A_433, %add3A_905 : i32
        %swap3A_907 = arith.index_cast %add3A_906 : i32 to index
        %swap3A_908 = arith.constant 96 : index
        %swap3A_909 = tpu.vector_load %arg13[%swap3A_907, %swap3A_908] {strides = array<i32>} : memref<80x128xf32, #tpu.memory_space<vmem>>, vector<16xf32>,
        tpu.vector_store %arg13[%swap3A_907, %swap3A_908], %mul3A_904 {strides = array<i32>} : memref<80x128xf32, #tpu.memory_space<vmem>>, vector<16xf32>,
        %add3A_910 = arith.constant 4 : i32
        %add3A_911 = arith.addi %mul3A_433, %add3A_910 : i32
        %get3A_912 = arith.index_cast %add3A_911 : i32 to index
        %get3A_913 = arith.constant 112 : index
        %get3A_914 = tpu.vector_load %arg13[%get3A_912, %get3A_913] {strides = array<i32>} : memref<80x128xf32, #tpu.memory_space<vmem>>, vector<16xf32>,
        %mul3A_915 = vector.broadcast %squeeze3A_825 : f32 to vector<16xf32>
        %mul3A_916 = arith.mulf %get3A_914, %mul3A_915 : vector<16xf32>
        %add3A_917 = arith.constant 4 : i32
        %add3A_918 = arith.addi %mul3A_433, %add3A_917 : i32
        %swap3A_919 = arith.index_cast %add3A_918 : i32 to index
        %swap3A_920 = arith.constant 112 : index
        %swap3A_921 = tpu.vector_load %arg13[%swap3A_919, %swap3A_920] {strides = array<i32>} : memref<80x128xf32, #tpu.memory_space<vmem>>, vector<16xf32>,
        tpu.vector_store %arg13[%swap3A_919, %swap3A_920], %mul3A_916 {strides = array<i32>} : memref<80x128xf32, #tpu.memory_space<vmem>>, vector<16xf32>,
        %slice3A_922 = vector.extract_strided_slice %get3A_431 {offsets = [5], sizes = [1], strides = [1]} : vector<16xf32> to vector<1xf32>
        %squeeze3A_923 = vector.extract %slice3A_922[0] : f32 from vector<1xf32>
        %add3A_924 = arith.constant 5 : i32
        %add3A_925 = arith.addi %mul3A_433, %add3A_924 : i32
        %get3A_926 = arith.index_cast %add3A_925 : i32 to index
        %get3A_927 = arith.constant 0 : index
        %get3A_928 = tpu.vector_load %arg13[%get3A_926, %get3A_927] {strides = array<i32>} : memref<80x128xf32, #tpu.memory_space<vmem>>, vector<16xf32>,
        %mul3A_929 = vector.broadcast %squeeze3A_923 : f32 to vector<16xf32>
        %mul3A_930 = arith.mulf %get3A_928, %mul3A_929 : vector<16xf32>
        %add3A_931 = arith.constant 5 : i32
        %add3A_932 = arith.addi %mul3A_433, %add3A_931 : i32
        %swap3A_933 = arith.index_cast %add3A_932 : i32 to index
        %swap3A_934 = arith.constant 0 : index
        %swap3A_935 = tpu.vector_load %arg13[%swap3A_933, %swap3A_934] {strides = array<i32>} : memref<80x128xf32, #tpu.memory_space<vmem>>, vector<16xf32>,
        tpu.vector_store %arg13[%swap3A_933, %swap3A_934], %mul3A_930 {strides = array<i32>} : memref<80x128xf32, #tpu.memory_space<vmem>>, vector<16xf32>,
        %add3A_936 = arith.constant 5 : i32
        %add3A_937 = arith.addi %mul3A_433, %add3A_936 : i32
        %get3A_938 = arith.index_cast %add3A_937 : i32 to index
        %get3A_939 = arith.constant 16 : index
        %get3A_940 = tpu.vector_load %arg13[%get3A_938, %get3A_939] {strides = array<i32>} : memref<80x128xf32, #tpu.memory_space<vmem>>, vector<16xf32>,
        %mul3A_941 = vector.broadcast %squeeze3A_923 : f32 to vector<16xf32>
        %mul3A_942 = arith.mulf %get3A_940, %mul3A_941 : vector<16xf32>
        %add3A_943 = arith.constant 5 : i32
        %add3A_944 = arith.addi %mul3A_433, %add3A_943 : i32
        %swap3A_945 = arith.index_cast %add3A_944 : i32 to index
        %swap3A_946 = arith.constant 16 : index
        %swap3A_947 = tpu.vector_load %arg13[%swap3A_945, %swap3A_946] {strides = array<i32>} : memref<80x128xf32, #tpu.memory_space<vmem>>, vector<16xf32>,
        tpu.vector_store %arg13[%swap3A_945, %swap3A_946], %mul3A_942 {strides = array<i32>} : memref<80x128xf32, #tpu.memory_space<vmem>>, vector<16xf32>,
        %add3A_948 = arith.constant 5 : i32
        %add3A_949 = arith.addi %mul3A_433, %add3A_948 : i32
        %get3A_950 = arith.index_cast %add3A_949 : i32 to index
        %get3A_951 = arith.constant 32 : index
        %get3A_952 = tpu.vector_load %arg13[%get3A_950, %get3A_951] {strides = array<i32>} : memref<80x128xf32, #tpu.memory_space<vmem>>, vector<16xf32>,
        %mul3A_953 = vector.broadcast %squeeze3A_923 : f32 to vector<16xf32>
        %mul3A_954 = arith.mulf %get3A_952, %mul3A_953 : vector<16xf32>
        %add3A_955 = arith.constant 5 : i32
        %add3A_956 = arith.addi %mul3A_433, %add3A_955 : i32
        %swap3A_957 = arith.index_cast %add3A_956 : i32 to index
        %swap3A_958 = arith.constant 32 : index
        %swap3A_959 = tpu.vector_load %arg13[%swap3A_957, %swap3A_958] {strides = array<i32>} : memref<80x128xf32, #tpu.memory_space<vmem>>, vector<16xf32>,
        tpu.vector_store %arg13[%swap3A_957, %swap3A_958], %mul3A_954 {strides = array<i32>} : memref<80x128xf32, #tpu.memory_space<vmem>>, vector<16xf32>,
        %add3A_960 = arith.constant 5 : i32
        %add3A_961 = arith.addi %mul3A_433, %add3A_960 : i32
        %get3A_962 = arith.index_cast %add3A_961 : i32 to index
        %get3A_963 = arith.constant 48 : index
        %get3A_964 = tpu.vector_load %arg13[%get3A_962, %get3A_963] {strides = array<i32>} : memref<80x128xf32, #tpu.memory_space<vmem>>, vector<16xf32>,
        %mul3A_965 = vector.broadcast %squeeze3A_923 : f32 to vector<16xf32>
        %mul3A_966 = arith.mulf %get3A_964, %mul3A_965 : vector<16xf32>
        %add3A_967 = arith.constant 5 : i32
        %add3A_968 = arith.addi %mul3A_433, %add3A_967 : i32
        %swap3A_969 = arith.index_cast %add3A_968 : i32 to index
        %swap3A_970 = arith.constant 48 : index
        %swap3A_971 = tpu.vector_load %arg13[%swap3A_969, %swap3A_970] {strides = array<i32>} : memref<80x128xf32, #tpu.memory_space<vmem>>, vector<16xf32>,
        tpu.vector_store %arg13[%swap3A_969, %swap3A_970], %mul3A_966 {strides = array<i32>} : memref<80x128xf32, #tpu.memory_space<vmem>>, vector<16xf32>,
        %add3A_972 = arith.constant 5 : i32
        %add3A_973 = arith.addi %mul3A_433, %add3A_972 : i32
        %get3A_974 = arith.index_cast %add3A_973 : i32 to index
        %get3A_975 = arith.constant 64 : index
        %get3A_976 = tpu.vector_load %arg13[%get3A_974, %get3A_975] {strides = array<i32>} : memref<80x128xf32, #tpu.memory_space<vmem>>, vector<16xf32>,
        %mul3A_977 = vector.broadcast %squeeze3A_923 : f32 to vector<16xf32>
        %mul3A_978 = arith.mulf %get3A_976, %mul3A_977 : vector<16xf32>
        %add3A_979 = arith.constant 5 : i32
        %add3A_980 = arith.addi %mul3A_433, %add3A_979 : i32
        %swap3A_981 = arith.index_cast %add3A_980 : i32 to index
        %swap3A_982 = arith.constant 64 : index
        %swap3A_983 = tpu.vector_load %arg13[%swap3A_981, %swap3A_982] {strides = array<i32>} : memref<80x128xf32, #tpu.memory_space<vmem>>, vector<16xf32>,
        tpu.vector_store %arg13[%swap3A_981, %swap3A_982], %mul3A_978 {strides = array<i32>} : memref<80x128xf32, #tpu.memory_space<vmem>>, vector<16xf32>,
        %add3A_984 = arith.constant 5 : i32
        %add3A_985 = arith.addi %mul3A_433, %add3A_984 : i32
        %get3A_986 = arith.index_cast %add3A_985 : i32 to index
        %get3A_987 = arith.constant 80 : index
        %get3A_988 = tpu.vector_load %arg13[%get3A_986, %get3A_987] {strides = array<i32>} : memref<80x128xf32, #tpu.memory_space<vmem>>, vector<16xf32>,
        %mul3A_989 = vector.broadcast %squeeze3A_923 : f32 to vector<16xf32>
        %mul3A_990 = arith.mulf %get3A_988, %mul3A_989 : vector<16xf32>
        %add3A_991 = arith.constant 5 : i32
        %add3A_992 = arith.addi %mul3A_433, %add3A_991 : i32
        %swap3A_993 = arith.index_cast %add3A_992 : i32 to index
        %swap3A_994 = arith.constant 80 : index
        %swap3A_995 = tpu.vector_load %arg13[%swap3A_993, %swap3A_994] {strides = array<i32>} : memref<80x128xf32, #tpu.memory_space<vmem>>, vector<16xf32>,
        tpu.vector_store %arg13[%swap3A_993, %swap3A_994], %mul3A_990 {strides = array<i32>} : memref<80x128xf32, #tpu.memory_space<vmem>>, vector<16xf32>,
        %add3A_996 = arith.constant 5 : i32
        %add3A_997 = arith.addi %mul3A_433, %add3A_996 : i32
        %get3A_998 = arith.index_cast %add3A_997 : i32 to index
        %get3A_999 = arith.constant 96 : index
        %get3A_1000 = tpu.vector_load %arg13[%get3A_998, %get3A_999] {strides = array<i32>} : memref<80x128xf32, #tpu.memory_space<vmem>>, vector<16xf32>,
        %mul3A_1001 = vector.broadcast %squeeze3A_923 : f32 to vector<16xf32>
        %mul3A_1002 = arith.mulf %get3A_1000, %mul3A_1001 : vector<16xf32>
        %add3A_1003 = arith.constant 5 : i32
        %add3A_1004 = arith.addi %mul3A_433, %add3A_1003 : i32
        %swap3A_1005 = arith.index_cast %add3A_1004 : i32 to index
        %swap3A_1006 = arith.constant 96 : index
        %swap3A_1007 = tpu.vector_load %arg13[%swap3A_1005, %swap3A_1006] {strides = array<i32>} : memref<80x128xf32, #tpu.memory_space<vmem>>, vector<16xf32>,
        tpu.vector_store %arg13[%swap3A_1005, %swap3A_1006], %mul3A_1002 {strides = array<i32>} : memref<80x128xf32, #tpu.memory_space<vmem>>, vector<16xf32>,
        %add3A_1008 = arith.constant 5 : i32
        %add3A_1009 = arith.addi %mul3A_433, %add3A_1008 : i32
        %get3A_1010 = arith.index_cast %add3A_1009 : i32 to index
        %get3A_1011 = arith.constant 112 : index
        %get3A_1012 = tpu.vector_load %arg13[%get3A_1010, %get3A_1011] {strides = array<i32>} : memref<80x128xf32, #tpu.memory_space<vmem>>, vector<16xf32>,
        %mul3A_1013 = vector.broadcast %squeeze3A_923 : f32 to vector<16xf32>
        %mul3A_1014 = arith.mulf %get3A_1012, %mul3A_1013 : vector<16xf32>
        %add3A_1015 = arith.constant 5 : i32
        %add3A_1016 = arith.addi %mul3A_433, %add3A_1015 : i32
        %swap3A_1017 = arith.index_cast %add3A_1016 : i32 to index
        %swap3A_1018 = arith.constant 112 : index
        %swap3A_1019 = tpu.vector_load %arg13[%swap3A_1017, %swap3A_1018] {strides = array<i32>} : memref<80x128xf32, #tpu.memory_space<vmem>>, vector<16xf32>,
        tpu.vector_store %arg13[%swap3A_1017, %swap3A_1018], %mul3A_1014 {strides = array<i32>} : memref<80x128xf32, #tpu.memory_space<vmem>>, vector<16xf32>,
        %slice3A_1020 = vector.extract_strided_slice %get3A_431 {offsets = [6], sizes = [1], strides = [1]} : vector<16xf32> to vector<1xf32>
        %squeeze3A_1021 = vector.extract %slice3A_1020[0] : f32 from vector<1xf32>
        %add3A_1022 = arith.constant 6 : i32
        %add3A_1023 = arith.addi %mul3A_433, %add3A_1022 : i32
        %get3A_1024 = arith.index_cast %add3A_1023 : i32 to index
        %get3A_1025 = arith.constant 0 : index
        %get3A_1026 = tpu.vector_load %arg13[%get3A_1024, %get3A_1025] {strides = array<i32>} : memref<80x128xf32, #tpu.memory_space<vmem>>, vector<16xf32>,
        %mul3A_1027 = vector.broadcast %squeeze3A_1021 : f32 to vector<16xf32>
        %mul3A_1028 = arith.mulf %get3A_1026, %mul3A_1027 : vector<16xf32>
        %add3A_1029 = arith.constant 6 : i32
        %add3A_1030 = arith.addi %mul3A_433, %add3A_1029 : i32
        %swap3A_1031 = arith.index_cast %add3A_1030 : i32 to index
        %swap3A_1032 = arith.constant 0 : index
        %swap3A_1033 = tpu.vector_load %arg13[%swap3A_1031, %swap3A_1032] {strides = array<i32>} : memref<80x128xf32, #tpu.memory_space<vmem>>, vector<16xf32>,
        tpu.vector_store %arg13[%swap3A_1031, %swap3A_1032], %mul3A_1028 {strides = array<i32>} : memref<80x128xf32, #tpu.memory_space<vmem>>, vector<16xf32>,
        %add3A_1034 = arith.constant 6 : i32
        %add3A_1035 = arith.addi %mul3A_433, %add3A_1034 : i32
        %get3A_1036 = arith.index_cast %add3A_1035 : i32 to index
        %get3A_1037 = arith.constant 16 : index
        %get3A_1038 = tpu.vector_load %arg13[%get3A_1036, %get3A_1037] {strides = array<i32>} : memref<80x128xf32, #tpu.memory_space<vmem>>, vector<16xf32>,
        %mul3A_1039 = vector.broadcast %squeeze3A_1021 : f32 to vector<16xf32>
        %mul3A_1040 = arith.mulf %get3A_1038, %mul3A_1039 : vector<16xf32>
        %add3A_1041 = arith.constant 6 : i32
        %add3A_1042 = arith.addi %mul3A_433, %add3A_1041 : i32
        %swap3A_1043 = arith.index_cast %add3A_1042 : i32 to index
        %swap3A_1044 = arith.constant 16 : index
        %swap3A_1045 = tpu.vector_load %arg13[%swap3A_1043, %swap3A_1044] {strides = array<i32>} : memref<80x128xf32, #tpu.memory_space<vmem>>, vector<16xf32>,
        tpu.vector_store %arg13[%swap3A_1043, %swap3A_1044], %mul3A_1040 {strides = array<i32>} : memref<80x128xf32, #tpu.memory_space<vmem>>, vector<16xf32>,
        %add3A_1046 = arith.constant 6 : i32
        %add3A_1047 = arith.addi %mul3A_433, %add3A_1046 : i32
        %get3A_1048 = arith.index_cast %add3A_1047 : i32 to index
        %get3A_1049 = arith.constant 32 : index
        %get3A_1050 = tpu.vector_load %arg13[%get3A_1048, %get3A_1049] {strides = array<i32>} : memref<80x128xf32, #tpu.memory_space<vmem>>, vector<16xf32>,
        %mul3A_1051 = vector.broadcast %squeeze3A_1021 : f32 to vector<16xf32>
        %mul3A_1052 = arith.mulf %get3A_1050, %mul3A_1051 : vector<16xf32>
        %add3A_1053 = arith.constant 6 : i32
        %add3A_1054 = arith.addi %mul3A_433, %add3A_1053 : i32
        %swap3A_1055 = arith.index_cast %add3A_1054 : i32 to index
        %swap3A_1056 = arith.constant 32 : index
        %swap3A_1057 = tpu.vector_load %arg13[%swap3A_1055, %swap3A_1056] {strides = array<i32>} : memref<80x128xf32, #tpu.memory_space<vmem>>, vector<16xf32>,
        tpu.vector_store %arg13[%swap3A_1055, %swap3A_1056], %mul3A_1052 {strides = array<i32>} : memref<80x128xf32, #tpu.memory_space<vmem>>, vector<16xf32>,
        %add3A_1058 = arith.constant 6 : i32
        %add3A_1059 = arith.addi %mul3A_433, %add3A_1058 : i32
        %get3A_1060 = arith.index_cast %add3A_1059 : i32 to index
        %get3A_1061 = arith.constant 48 : index
        %get3A_1062 = tpu.vector_load %arg13[%get3A_1060, %get3A_1061] {strides = array<i32>} : memref<80x128xf32, #tpu.memory_space<vmem>>, vector<16xf32>,
        %mul3A_1063 = vector.broadcast %squeeze3A_1021 : f32 to vector<16xf32>
        %mul3A_1064 = arith.mulf %get3A_1062, %mul3A_1063 : vector<16xf32>
        %add3A_1065 = arith.constant 6 : i32
        %add3A_1066 = arith.addi %mul3A_433, %add3A_1065 : i32
        %swap3A_1067 = arith.index_cast %add3A_1066 : i32 to index
        %swap3A_1068 = arith.constant 48 : index
        %swap3A_1069 = tpu.vector_load %arg13[%swap3A_1067, %swap3A_1068] {strides = array<i32>} : memref<80x128xf32, #tpu.memory_space<vmem>>, vector<16xf32>,
        tpu.vector_store %arg13[%swap3A_1067, %swap3A_1068], %mul3A_1064 {strides = array<i32>} : memref<80x128xf32, #tpu.memory_space<vmem>>, vector<16xf32>,
        %add3A_1070 = arith.constant 6 : i32
        %add3A_1071 = arith.addi %mul3A_433, %add3A_1070 : i32
        %get3A_1072 = arith.index_cast %add3A_1071 : i32 to index
        %get3A_1073 = arith.constant 64 : index
        %get3A_1074 = tpu.vector_load %arg13[%get3A_1072, %get3A_1073] {strides = array<i32>} : memref<80x128xf32, #tpu.memory_space<vmem>>, vector<16xf32>,
        %mul3A_1075 = vector.broadcast %squeeze3A_1021 : f32 to vector<16xf32>
        %mul3A_1076 = arith.mulf %get3A_1074, %mul3A_1075 : vector<16xf32>
        %add3A_1077 = arith.constant 6 : i32
        %add3A_1078 = arith.addi %mul3A_433, %add3A_1077 : i32
        %swap3A_1079 = arith.index_cast %add3A_1078 : i32 to index
        %swap3A_1080 = arith.constant 64 : index
        %swap3A_1081 = tpu.vector_load %arg13[%swap3A_1079, %swap3A_1080] {strides = array<i32>} : memref<80x128xf32, #tpu.memory_space<vmem>>, vector<16xf32>,
        tpu.vector_store %arg13[%swap3A_1079, %swap3A_1080], %mul3A_1076 {strides = array<i32>} : memref<80x128xf32, #tpu.memory_space<vmem>>, vector<16xf32>,
        %add3A_1082 = arith.constant 6 : i32
        %add3A_1083 = arith.addi %mul3A_433, %add3A_1082 : i32
        %get3A_1084 = arith.index_cast %add3A_1083 : i32 to index
        %get3A_1085 = arith.constant 80 : index
        %get3A_1086 = tpu.vector_load %arg13[%get3A_1084, %get3A_1085] {strides = array<i32>} : memref<80x128xf32, #tpu.memory_space<vmem>>, vector<16xf32>,
        %mul3A_1087 = vector.broadcast %squeeze3A_1021 : f32 to vector<16xf32>
        %mul3A_1088 = arith.mulf %get3A_1086, %mul3A_1087 : vector<16xf32>
        %add3A_1089 = arith.constant 6 : i32
        %add3A_1090 = arith.addi %mul3A_433, %add3A_1089 : i32
        %swap3A_1091 = arith.index_cast %add3A_1090 : i32 to index
        %swap3A_1092 = arith.constant 80 : index
        %swap3A_1093 = tpu.vector_load %arg13[%swap3A_1091, %swap3A_1092] {strides = array<i32>} : memref<80x128xf32, #tpu.memory_space<vmem>>, vector<16xf32>,
        tpu.vector_store %arg13[%swap3A_1091, %swap3A_1092], %mul3A_1088 {strides = array<i32>} : memref<80x128xf32, #tpu.memory_space<vmem>>, vector<16xf32>,
        %add3A_1094 = arith.constant 6 : i32
        %add3A_1095 = arith.addi %mul3A_433, %add3A_1094 : i32
        %get3A_1096 = arith.index_cast %add3A_1095 : i32 to index
        %get3A_1097 = arith.constant 96 : index
        %get3A_1098 = tpu.vector_load %arg13[%get3A_1096, %get3A_1097] {strides = array<i32>} : memref<80x128xf32, #tpu.memory_space<vmem>>, vector<16xf32>,
        %mul3A_1099 = vector.broadcast %squeeze3A_1021 : f32 to vector<16xf32>
        %mul3A_1100 = arith.mulf %get3A_1098, %mul3A_1099 : vector<16xf32>
        %add3A_1101 = arith.constant 6 : i32
        %add3A_1102 = arith.addi %mul3A_433, %add3A_1101 : i32
        %swap3A_1103 = arith.index_cast %add3A_1102 : i32 to index
        %swap3A_1104 = arith.constant 96 : index
        %swap3A_1105 = tpu.vector_load %arg13[%swap3A_1103, %swap3A_1104] {strides = array<i32>} : memref<80x128xf32, #tpu.memory_space<vmem>>, vector<16xf32>,
        tpu.vector_store %arg13[%swap3A_1103, %swap3A_1104], %mul3A_1100 {strides = array<i32>} : memref<80x128xf32, #tpu.memory_space<vmem>>, vector<16xf32>,
        %add3A_1106 = arith.constant 6 : i32
        %add3A_1107 = arith.addi %mul3A_433, %add3A_1106 : i32
        %get3A_1108 = arith.index_cast %add3A_1107 : i32 to index
        %get3A_1109 = arith.constant 112 : index
        %get3A_1110 = tpu.vector_load %arg13[%get3A_1108, %get3A_1109] {strides = array<i32>} : memref<80x128xf32, #tpu.memory_space<vmem>>, vector<16xf32>,
        %mul3A_1111 = vector.broadcast %squeeze3A_1021 : f32 to vector<16xf32>
        %mul3A_1112 = arith.mulf %get3A_1110, %mul3A_1111 : vector<16xf32>
        %add3A_1113 = arith.constant 6 : i32
        %add3A_1114 = arith.addi %mul3A_433, %add3A_1113 : i32
        %swap3A_1115 = arith.index_cast %add3A_1114 : i32 to index
        %swap3A_1116 = arith.constant 112 : index
        %swap3A_1117 = tpu.vector_load %arg13[%swap3A_1115, %swap3A_1116] {strides = array<i32>} : memref<80x128xf32, #tpu.memory_space<vmem>>, vector<16xf32>,
        tpu.vector_store %arg13[%swap3A_1115, %swap3A_1116], %mul3A_1112 {strides = array<i32>} : memref<80x128xf32, #tpu.memory_space<vmem>>, vector<16xf32>,
        %slice3A_1118 = vector.extract_strided_slice %get3A_431 {offsets = [7], sizes = [1], strides = [1]} : vector<16xf32> to vector<1xf32>
        %squeeze3A_1119 = vector.extract %slice3A_1118[0] : f32 from vector<1xf32>
        %add3A_1120 = arith.constant 7 : i32
        %add3A_1121 = arith.addi %mul3A_433, %add3A_1120 : i32
        %get3A_1122 = arith.index_cast %add3A_1121 : i32 to index
        %get3A_1123 = arith.constant 0 : index
        %get3A_1124 = tpu.vector_load %arg13[%get3A_1122, %get3A_1123] {strides = array<i32>} : memref<80x128xf32, #tpu.memory_space<vmem>>, vector<16xf32>,
        %mul3A_1125 = vector.broadcast %squeeze3A_1119 : f32 to vector<16xf32>
        %mul3A_1126 = arith.mulf %get3A_1124, %mul3A_1125 : vector<16xf32>
        %add3A_1127 = arith.constant 7 : i32
        %add3A_1128 = arith.addi %mul3A_433, %add3A_1127 : i32
        %swap3A_1129 = arith.index_cast %add3A_1128 : i32 to index
        %swap3A_1130 = arith.constant 0 : index
        %swap3A_1131 = tpu.vector_load %arg13[%swap3A_1129, %swap3A_1130] {strides = array<i32>} : memref<80x128xf32, #tpu.memory_space<vmem>>, vector<16xf32>,
        tpu.vector_store %arg13[%swap3A_1129, %swap3A_1130], %mul3A_1126 {strides = array<i32>} : memref<80x128xf32, #tpu.memory_space<vmem>>, vector<16xf32>,
        %add3A_1132 = arith.constant 7 : i32
        %add3A_1133 = arith.addi %mul3A_433, %add3A_1132 : i32
        %get3A_1134 = arith.index_cast %add3A_1133 : i32 to index
        %get3A_1135 = arith.constant 16 : index
        %get3A_1136 = tpu.vector_load %arg13[%get3A_1134, %get3A_1135] {strides = array<i32>} : memref<80x128xf32, #tpu.memory_space<vmem>>, vector<16xf32>,
        %mul3A_1137 = vector.broadcast %squeeze3A_1119 : f32 to vector<16xf32>
        %mul3A_1138 = arith.mulf %get3A_1136, %mul3A_1137 : vector<16xf32>
        %add3A_1139 = arith.constant 7 : i32
        %add3A_1140 = arith.addi %mul3A_433, %add3A_1139 : i32
        %swap3A_1141 = arith.index_cast %add3A_1140 : i32 to index
        %swap3A_1142 = arith.constant 16 : index
        %swap3A_1143 = tpu.vector_load %arg13[%swap3A_1141, %swap3A_1142] {strides = array<i32>} : memref<80x128xf32, #tpu.memory_space<vmem>>, vector<16xf32>,
        tpu.vector_store %arg13[%swap3A_1141, %swap3A_1142], %mul3A_1138 {strides = array<i32>} : memref<80x128xf32, #tpu.memory_space<vmem>>, vector<16xf32>,
        %add3A_1144 = arith.constant 7 : i32
        %add3A_1145 = arith.addi %mul3A_433, %add3A_1144 : i32
        %get3A_1146 = arith.index_cast %add3A_1145 : i32 to index
        %get3A_1147 = arith.constant 32 : index
        %get3A_1148 = tpu.vector_load %arg13[%get3A_1146, %get3A_1147] {strides = array<i32>} : memref<80x128xf32, #tpu.memory_space<vmem>>, vector<16xf32>,
        %mul3A_1149 = vector.broadcast %squeeze3A_1119 : f32 to vector<16xf32>
        %mul3A_1150 = arith.mulf %get3A_1148, %mul3A_1149 : vector<16xf32>
        %add3A_1151 = arith.constant 7 : i32
        %add3A_1152 = arith.addi %mul3A_433, %add3A_1151 : i32
        %swap3A_1153 = arith.index_cast %add3A_1152 : i32 to index
        %swap3A_1154 = arith.constant 32 : index
        %swap3A_1155 = tpu.vector_load %arg13[%swap3A_1153, %swap3A_1154] {strides = array<i32>} : memref<80x128xf32, #tpu.memory_space<vmem>>, vector<16xf32>,
        tpu.vector_store %arg13[%swap3A_1153, %swap3A_1154], %mul3A_1150 {strides = array<i32>} : memref<80x128xf32, #tpu.memory_space<vmem>>, vector<16xf32>,
        %add3A_1156 = arith.constant 7 : i32
        %add3A_1157 = arith.addi %mul3A_433, %add3A_1156 : i32
        %get3A_1158 = arith.index_cast %add3A_1157 : i32 to index
        %get3A_1159 = arith.constant 48 : index
        %get3A_1160 = tpu.vector_load %arg13[%get3A_1158, %get3A_1159] {strides = array<i32>} : memref<80x128xf32, #tpu.memory_space<vmem>>, vector<16xf32>,
        %mul3A_1161 = vector.broadcast %squeeze3A_1119 : f32 to vector<16xf32>
        %mul3A_1162 = arith.mulf %get3A_1160, %mul3A_1161 : vector<16xf32>
        %add3A_1163 = arith.constant 7 : i32
        %add3A_1164 = arith.addi %mul3A_433, %add3A_1163 : i32
        %swap3A_1165 = arith.index_cast %add3A_1164 : i32 to index
        %swap3A_1166 = arith.constant 48 : index
        %swap3A_1167 = tpu.vector_load %arg13[%swap3A_1165, %swap3A_1166] {strides = array<i32>} : memref<80x128xf32, #tpu.memory_space<vmem>>, vector<16xf32>,
        tpu.vector_store %arg13[%swap3A_1165, %swap3A_1166], %mul3A_1162 {strides = array<i32>} : memref<80x128xf32, #tpu.memory_space<vmem>>, vector<16xf32>,
        %add3A_1168 = arith.constant 7 : i32
        %add3A_1169 = arith.addi %mul3A_433, %add3A_1168 : i32
        %get3A_1170 = arith.index_cast %add3A_1169 : i32 to index
        %get3A_1171 = arith.constant 64 : index
        %get3A_1172 = tpu.vector_load %arg13[%get3A_1170, %get3A_1171] {strides = array<i32>} : memref<80x128xf32, #tpu.memory_space<vmem>>, vector<16xf32>,
        %mul3A_1173 = vector.broadcast %squeeze3A_1119 : f32 to vector<16xf32>
        %mul3A_1174 = arith.mulf %get3A_1172, %mul3A_1173 : vector<16xf32>
        %add3A_1175 = arith.constant 7 : i32
        %add3A_1176 = arith.addi %mul3A_433, %add3A_1175 : i32
        %swap3A_1177 = arith.index_cast %add3A_1176 : i32 to index
        %swap3A_1178 = arith.constant 64 : index
        %swap3A_1179 = tpu.vector_load %arg13[%swap3A_1177, %swap3A_1178] {strides = array<i32>} : memref<80x128xf32, #tpu.memory_space<vmem>>, vector<16xf32>,
        tpu.vector_store %arg13[%swap3A_1177, %swap3A_1178], %mul3A_1174 {strides = array<i32>} : memref<80x128xf32, #tpu.memory_space<vmem>>, vector<16xf32>,
        %add3A_1180 = arith.constant 7 : i32
        %add3A_1181 = arith.addi %mul3A_433, %add3A_1180 : i32
        %get3A_1182 = arith.index_cast %add3A_1181 : i32 to index
        %get3A_1183 = arith.constant 80 : index
        %get3A_1184 = tpu.vector_load %arg13[%get3A_1182, %get3A_1183] {strides = array<i32>} : memref<80x128xf32, #tpu.memory_space<vmem>>, vector<16xf32>,
        %mul3A_1185 = vector.broadcast %squeeze3A_1119 : f32 to vector<16xf32>
        %mul3A_1186 = arith.mulf %get3A_1184, %mul3A_1185 : vector<16xf32>
        %add3A_1187 = arith.constant 7 : i32
        %add3A_1188 = arith.addi %mul3A_433, %add3A_1187 : i32
        %swap3A_1189 = arith.index_cast %add3A_1188 : i32 to index
        %swap3A_1190 = arith.constant 80 : index
        %swap3A_1191 = tpu.vector_load %arg13[%swap3A_1189, %swap3A_1190] {strides = array<i32>} : memref<80x128xf32, #tpu.memory_space<vmem>>, vector<16xf32>,
        tpu.vector_store %arg13[%swap3A_1189, %swap3A_1190], %mul3A_1186 {strides = array<i32>} : memref<80x128xf32, #tpu.memory_space<vmem>>, vector<16xf32>,
        %add3A_1192 = arith.constant 7 : i32
        %add3A_1193 = arith.addi %mul3A_433, %add3A_1192 : i32
        %get3A_1194 = arith.index_cast %add3A_1193 : i32 to index
        %get3A_1195 = arith.constant 96 : index
        %get3A_1196 = tpu.vector_load %arg13[%get3A_1194, %get3A_1195] {strides = array<i32>} : memref<80x128xf32, #tpu.memory_space<vmem>>, vector<16xf32>,
        %mul3A_1197 = vector.broadcast %squeeze3A_1119 : f32 to vector<16xf32>
        %mul3A_1198 = arith.mulf %get3A_1196, %mul3A_1197 : vector<16xf32>
        %add3A_1199 = arith.constant 7 : i32
        %add3A_1200 = arith.addi %mul3A_433, %add3A_1199 : i32
        %swap3A_1201 = arith.index_cast %add3A_1200 : i32 to index
        %swap3A_1202 = arith.constant 96 : index
        %swap3A_1203 = tpu.vector_load %arg13[%swap3A_1201, %swap3A_1202] {strides = array<i32>} : memref<80x128xf32, #tpu.memory_space<vmem>>, vector<16xf32>,
        tpu.vector_store %arg13[%swap3A_1201, %swap3A_1202], %mul3A_1198 {strides = array<i32>} : memref<80x128xf32, #tpu.memory_space<vmem>>, vector<16xf32>,
        %add3A_1204 = arith.constant 7 : i32
        %add3A_1205 = arith.addi %mul3A_433, %add3A_1204 : i32
        %get3A_1206 = arith.index_cast %add3A_1205 : i32 to index
        %get3A_1207 = arith.constant 112 : index
        %get3A_1208 = tpu.vector_load %arg13[%get3A_1206, %get3A_1207] {strides = array<i32>} : memref<80x128xf32, #tpu.memory_space<vmem>>, vector<16xf32>,
        %mul3A_1209 = vector.broadcast %squeeze3A_1119 : f32 to vector<16xf32>
        %mul3A_1210 = arith.mulf %get3A_1208, %mul3A_1209 : vector<16xf32>
        %add3A_1211 = arith.constant 7 : i32
        %add3A_1212 = arith.addi %mul3A_433, %add3A_1211 : i32
        %swap3A_1213 = arith.index_cast %add3A_1212 : i32 to index
        %swap3A_1214 = arith.constant 112 : index
        %swap3A_1215 = tpu.vector_load %arg13[%swap3A_1213, %swap3A_1214] {strides = array<i32>} : memref<80x128xf32, #tpu.memory_space<vmem>>, vector<16xf32>,
        tpu.vector_store %arg13[%swap3A_1213, %swap3A_1214], %mul3A_1210 {strides = array<i32>} : memref<80x128xf32, #tpu.memory_space<vmem>>, vector<16xf32>,
        %slice3A_1216 = vector.extract_strided_slice %get3A_431 {offsets = [8], sizes = [1], strides = [1]} : vector<16xf32> to vector<1xf32>
        %squeeze3A_1217 = vector.extract %slice3A_1216[0] : f32 from vector<1xf32>
        %add3A_1218 = arith.constant 8 : i32
        %add3A_1219 = arith.addi %mul3A_433, %add3A_1218 : i32
        %get3A_1220 = arith.index_cast %add3A_1219 : i32 to index
        %get3A_1221 = arith.constant 0 : index
        %get3A_1222 = tpu.vector_load %arg13[%get3A_1220, %get3A_1221] {strides = array<i32>} : memref<80x128xf32, #tpu.memory_space<vmem>>, vector<16xf32>,
        %mul3A_1223 = vector.broadcast %squeeze3A_1217 : f32 to vector<16xf32>
        %mul3A_1224 = arith.mulf %get3A_1222, %mul3A_1223 : vector<16xf32>
        %add3A_1225 = arith.constant 8 : i32
        %add3A_1226 = arith.addi %mul3A_433, %add3A_1225 : i32
        %swap3A_1227 = arith.index_cast %add3A_1226 : i32 to index
        %swap3A_1228 = arith.constant 0 : index
        %swap3A_1229 = tpu.vector_load %arg13[%swap3A_1227, %swap3A_1228] {strides = array<i32>} : memref<80x128xf32, #tpu.memory_space<vmem>>, vector<16xf32>,
        tpu.vector_store %arg13[%swap3A_1227, %swap3A_1228], %mul3A_1224 {strides = array<i32>} : memref<80x128xf32, #tpu.memory_space<vmem>>, vector<16xf32>,
        %add3A_1230 = arith.constant 8 : i32
        %add3A_1231 = arith.addi %mul3A_433, %add3A_1230 : i32
        %get3A_1232 = arith.index_cast %add3A_1231 : i32 to index
        %get3A_1233 = arith.constant 16 : index
        %get3A_1234 = tpu.vector_load %arg13[%get3A_1232, %get3A_1233] {strides = array<i32>} : memref<80x128xf32, #tpu.memory_space<vmem>>, vector<16xf32>,
        %mul3A_1235 = vector.broadcast %squeeze3A_1217 : f32 to vector<16xf32>
        %mul3A_1236 = arith.mulf %get3A_1234, %mul3A_1235 : vector<16xf32>
        %add3A_1237 = arith.constant 8 : i32
        %add3A_1238 = arith.addi %mul3A_433, %add3A_1237 : i32
        %swap3A_1239 = arith.index_cast %add3A_1238 : i32 to index
        %swap3A_1240 = arith.constant 16 : index
        %swap3A_1241 = tpu.vector_load %arg13[%swap3A_1239, %swap3A_1240] {strides = array<i32>} : memref<80x128xf32, #tpu.memory_space<vmem>>, vector<16xf32>,
        tpu.vector_store %arg13[%swap3A_1239, %swap3A_1240], %mul3A_1236 {strides = array<i32>} : memref<80x128xf32, #tpu.memory_space<vmem>>, vector<16xf32>,
        %add3A_1242 = arith.constant 8 : i32
        %add3A_1243 = arith.addi %mul3A_433, %add3A_1242 : i32
        %get3A_1244 = arith.index_cast %add3A_1243 : i32 to index
        %get3A_1245 = arith.constant 32 : index
        %get3A_1246 = tpu.vector_load %arg13[%get3A_1244, %get3A_1245] {strides = array<i32>} : memref<80x128xf32, #tpu.memory_space<vmem>>, vector<16xf32>,
        %mul3A_1247 = vector.broadcast %squeeze3A_1217 : f32 to vector<16xf32>
        %mul3A_1248 = arith.mulf %get3A_1246, %mul3A_1247 : vector<16xf32>
        %add3A_1249 = arith.constant 8 : i32
        %add3A_1250 = arith.addi %mul3A_433, %add3A_1249 : i32
        %swap3A_1251 = arith.index_cast %add3A_1250 : i32 to index
        %swap3A_1252 = arith.constant 32 : index
        %swap3A_1253 = tpu.vector_load %arg13[%swap3A_1251, %swap3A_1252] {strides = array<i32>} : memref<80x128xf32, #tpu.memory_space<vmem>>, vector<16xf32>,
        tpu.vector_store %arg13[%swap3A_1251, %swap3A_1252], %mul3A_1248 {strides = array<i32>} : memref<80x128xf32, #tpu.memory_space<vmem>>, vector<16xf32>,
        %add3A_1254 = arith.constant 8 : i32
        %add3A_1255 = arith.addi %mul3A_433, %add3A_1254 : i32
        %get3A_1256 = arith.index_cast %add3A_1255 : i32 to index
        %get3A_1257 = arith.constant 48 : index
        %get3A_1258 = tpu.vector_load %arg13[%get3A_1256, %get3A_1257] {strides = array<i32>} : memref<80x128xf32, #tpu.memory_space<vmem>>, vector<16xf32>,
        %mul3A_1259 = vector.broadcast %squeeze3A_1217 : f32 to vector<16xf32>
        %mul3A_1260 = arith.mulf %get3A_1258, %mul3A_1259 : vector<16xf32>
        %add3A_1261 = arith.constant 8 : i32
        %add3A_1262 = arith.addi %mul3A_433, %add3A_1261 : i32
        %swap3A_1263 = arith.index_cast %add3A_1262 : i32 to index
        %swap3A_1264 = arith.constant 48 : index
        %swap3A_1265 = tpu.vector_load %arg13[%swap3A_1263, %swap3A_1264] {strides = array<i32>} : memref<80x128xf32, #tpu.memory_space<vmem>>, vector<16xf32>,
        tpu.vector_store %arg13[%swap3A_1263, %swap3A_1264], %mul3A_1260 {strides = array<i32>} : memref<80x128xf32, #tpu.memory_space<vmem>>, vector<16xf32>,
        %add3A_1266 = arith.constant 8 : i32
        %add3A_1267 = arith.addi %mul3A_433, %add3A_1266 : i32
        %get3A_1268 = arith.index_cast %add3A_1267 : i32 to index
        %get3A_1269 = arith.constant 64 : index
        %get3A_1270 = tpu.vector_load %arg13[%get3A_1268, %get3A_1269] {strides = array<i32>} : memref<80x128xf32, #tpu.memory_space<vmem>>, vector<16xf32>,
        %mul3A_1271 = vector.broadcast %squeeze3A_1217 : f32 to vector<16xf32>
        %mul3A_1272 = arith.mulf %get3A_1270, %mul3A_1271 : vector<16xf32>
        %add3A_1273 = arith.constant 8 : i32
        %add3A_1274 = arith.addi %mul3A_433, %add3A_1273 : i32
        %swap3A_1275 = arith.index_cast %add3A_1274 : i32 to index
        %swap3A_1276 = arith.constant 64 : index
        %swap3A_1277 = tpu.vector_load %arg13[%swap3A_1275, %swap3A_1276] {strides = array<i32>} : memref<80x128xf32, #tpu.memory_space<vmem>>, vector<16xf32>,
        tpu.vector_store %arg13[%swap3A_1275, %swap3A_1276], %mul3A_1272 {strides = array<i32>} : memref<80x128xf32, #tpu.memory_space<vmem>>, vector<16xf32>,
        %add3A_1278 = arith.constant 8 : i32
        %add3A_1279 = arith.addi %mul3A_433, %add3A_1278 : i32
        %get3A_1280 = arith.index_cast %add3A_1279 : i32 to index
        %get3A_1281 = arith.constant 80 : index
        %get3A_1282 = tpu.vector_load %arg13[%get3A_1280, %get3A_1281] {strides = array<i32>} : memref<80x128xf32, #tpu.memory_space<vmem>>, vector<16xf32>,
        %mul3A_1283 = vector.broadcast %squeeze3A_1217 : f32 to vector<16xf32>
        %mul3A_1284 = arith.mulf %get3A_1282, %mul3A_1283 : vector<16xf32>
        %add3A_1285 = arith.constant 8 : i32
        %add3A_1286 = arith.addi %mul3A_433, %add3A_1285 : i32
        %swap3A_1287 = arith.index_cast %add3A_1286 : i32 to index
        %swap3A_1288 = arith.constant 80 : index
        %swap3A_1289 = tpu.vector_load %arg13[%swap3A_1287, %swap3A_1288] {strides = array<i32>} : memref<80x128xf32, #tpu.memory_space<vmem>>, vector<16xf32>,
        tpu.vector_store %arg13[%swap3A_1287, %swap3A_1288], %mul3A_1284 {strides = array<i32>} : memref<80x128xf32, #tpu.memory_space<vmem>>, vector<16xf32>,
        %add3A_1290 = arith.constant 8 : i32
        %add3A_1291 = arith.addi %mul3A_433, %add3A_1290 : i32
        %get3A_1292 = arith.index_cast %add3A_1291 : i32 to index
        %get3A_1293 = arith.constant 96 : index
        %get3A_1294 = tpu.vector_load %arg13[%get3A_1292, %get3A_1293] {strides = array<i32>} : memref<80x128xf32, #tpu.memory_space<vmem>>, vector<16xf32>,
        %mul3A_1295 = vector.broadcast %squeeze3A_1217 : f32 to vector<16xf32>
        %mul3A_1296 = arith.mulf %get3A_1294, %mul3A_1295 : vector<16xf32>
        %add3A_1297 = arith.constant 8 : i32
        %add3A_1298 = arith.addi %mul3A_433, %add3A_1297 : i32
        %swap3A_1299 = arith.index_cast %add3A_1298 : i32 to index
        %swap3A_1300 = arith.constant 96 : index
        %swap3A_1301 = tpu.vector_load %arg13[%swap3A_1299, %swap3A_1300] {strides = array<i32>} : memref<80x128xf32, #tpu.memory_space<vmem>>, vector<16xf32>,
        tpu.vector_store %arg13[%swap3A_1299, %swap3A_1300], %mul3A_1296 {strides = array<i32>} : memref<80x128xf32, #tpu.memory_space<vmem>>, vector<16xf32>,
        %add3A_1302 = arith.constant 8 : i32
        %add3A_1303 = arith.addi %mul3A_433, %add3A_1302 : i32
        %get3A_1304 = arith.index_cast %add3A_1303 : i32 to index
        %get3A_1305 = arith.constant 112 : index
        %get3A_1306 = tpu.vector_load %arg13[%get3A_1304, %get3A_1305] {strides = array<i32>} : memref<80x128xf32, #tpu.memory_space<vmem>>, vector<16xf32>,
        %mul3A_1307 = vector.broadcast %squeeze3A_1217 : f32 to vector<16xf32>
        %mul3A_1308 = arith.mulf %get3A_1306, %mul3A_1307 : vector<16xf32>
        %add3A_1309 = arith.constant 8 : i32
        %add3A_1310 = arith.addi %mul3A_433, %add3A_1309 : i32
        %swap3A_1311 = arith.index_cast %add3A_1310 : i32 to index
        %swap3A_1312 = arith.constant 112 : index
        %swap3A_1313 = tpu.vector_load %arg13[%swap3A_1311, %swap3A_1312] {strides = array<i32>} : memref<80x128xf32, #tpu.memory_space<vmem>>, vector<16xf32>,
        tpu.vector_store %arg13[%swap3A_1311, %swap3A_1312], %mul3A_1308 {strides = array<i32>} : memref<80x128xf32, #tpu.memory_space<vmem>>, vector<16xf32>,
        %slice3A_1314 = vector.extract_strided_slice %get3A_431 {offsets = [9], sizes = [1], strides = [1]} : vector<16xf32> to vector<1xf32>
        %squeeze3A_1315 = vector.extract %slice3A_1314[0] : f32 from vector<1xf32>
        %add3A_1316 = arith.constant 9 : i32
        %add3A_1317 = arith.addi %mul3A_433, %add3A_1316 : i32
        %get3A_1318 = arith.index_cast %add3A_1317 : i32 to index
        %get3A_1319 = arith.constant 0 : index
        %get3A_1320 = tpu.vector_load %arg13[%get3A_1318, %get3A_1319] {strides = array<i32>} : memref<80x128xf32, #tpu.memory_space<vmem>>, vector<16xf32>,
        %mul3A_1321 = vector.broadcast %squeeze3A_1315 : f32 to vector<16xf32>
        %mul3A_1322 = arith.mulf %get3A_1320, %mul3A_1321 : vector<16xf32>
        %add3A_1323 = arith.constant 9 : i32
        %add3A_1324 = arith.addi %mul3A_433, %add3A_1323 : i32
        %swap3A_1325 = arith.index_cast %add3A_1324 : i32 to index
        %swap3A_1326 = arith.constant 0 : index
        %swap3A_1327 = tpu.vector_load %arg13[%swap3A_1325, %swap3A_1326] {strides = array<i32>} : memref<80x128xf32, #tpu.memory_space<vmem>>, vector<16xf32>,
        tpu.vector_store %arg13[%swap3A_1325, %swap3A_1326], %mul3A_1322 {strides = array<i32>} : memref<80x128xf32, #tpu.memory_space<vmem>>, vector<16xf32>,
        %add3A_1328 = arith.constant 9 : i32
        %add3A_1329 = arith.addi %mul3A_433, %add3A_1328 : i32
        %get3A_1330 = arith.index_cast %add3A_1329 : i32 to index
        %get3A_1331 = arith.constant 16 : index
        %get3A_1332 = tpu.vector_load %arg13[%get3A_1330, %get3A_1331] {strides = array<i32>} : memref<80x128xf32, #tpu.memory_space<vmem>>, vector<16xf32>,
        %mul3A_1333 = vector.broadcast %squeeze3A_1315 : f32 to vector<16xf32>
        %mul3A_1334 = arith.mulf %get3A_1332, %mul3A_1333 : vector<16xf32>
        %add3A_1335 = arith.constant 9 : i32
        %add3A_1336 = arith.addi %mul3A_433, %add3A_1335 : i32
        %swap3A_1337 = arith.index_cast %add3A_1336 : i32 to index
        %swap3A_1338 = arith.constant 16 : index
        %swap3A_1339 = tpu.vector_load %arg13[%swap3A_1337, %swap3A_1338] {strides = array<i32>} : memref<80x128xf32, #tpu.memory_space<vmem>>, vector<16xf32>,
        tpu.vector_store %arg13[%swap3A_1337, %swap3A_1338], %mul3A_1334 {strides = array<i32>} : memref<80x128xf32, #tpu.memory_space<vmem>>, vector<16xf32>,
        %add3A_1340 = arith.constant 9 : i32
        %add3A_1341 = arith.addi %mul3A_433, %add3A_1340 : i32
        %get3A_1342 = arith.index_cast %add3A_1341 : i32 to index
        %get3A_1343 = arith.constant 32 : index
        %get3A_1344 = tpu.vector_load %arg13[%get3A_1342, %get3A_1343] {strides = array<i32>} : memref<80x128xf32, #tpu.memory_space<vmem>>, vector<16xf32>,
        %mul3A_1345 = vector.broadcast %squeeze3A_1315 : f32 to vector<16xf32>
        %mul3A_1346 = arith.mulf %get3A_1344, %mul3A_1345 : vector<16xf32>
        %add3A_1347 = arith.constant 9 : i32
        %add3A_1348 = arith.addi %mul3A_433, %add3A_1347 : i32
        %swap3A_1349 = arith.index_cast %add3A_1348 : i32 to index
        %swap3A_1350 = arith.constant 32 : index
        %swap3A_1351 = tpu.vector_load %arg13[%swap3A_1349, %swap3A_1350] {strides = array<i32>} : memref<80x128xf32, #tpu.memory_space<vmem>>, vector<16xf32>,
        tpu.vector_store %arg13[%swap3A_1349, %swap3A_1350], %mul3A_1346 {strides = array<i32>} : memref<80x128xf32, #tpu.memory_space<vmem>>, vector<16xf32>,
        %add3A_1352 = arith.constant 9 : i32
        %add3A_1353 = arith.addi %mul3A_433, %add3A_1352 : i32
        %get3A_1354 = arith.index_cast %add3A_1353 : i32 to index
        %get3A_1355 = arith.constant 48 : index
        %get3A_1356 = tpu.vector_load %arg13[%get3A_1354, %get3A_1355] {strides = array<i32>} : memref<80x128xf32, #tpu.memory_space<vmem>>, vector<16xf32>,
        %mul3A_1357 = vector.broadcast %squeeze3A_1315 : f32 to vector<16xf32>
        %mul3A_1358 = arith.mulf %get3A_1356, %mul3A_1357 : vector<16xf32>
        %add3A_1359 = arith.constant 9 : i32
        %add3A_1360 = arith.addi %mul3A_433, %add3A_1359 : i32
        %swap3A_1361 = arith.index_cast %add3A_1360 : i32 to index
        %swap3A_1362 = arith.constant 48 : index
        %swap3A_1363 = tpu.vector_load %arg13[%swap3A_1361, %swap3A_1362] {strides = array<i32>} : memref<80x128xf32, #tpu.memory_space<vmem>>, vector<16xf32>,
        tpu.vector_store %arg13[%swap3A_1361, %swap3A_1362], %mul3A_1358 {strides = array<i32>} : memref<80x128xf32, #tpu.memory_space<vmem>>, vector<16xf32>,
        %add3A_1364 = arith.constant 9 : i32
        %add3A_1365 = arith.addi %mul3A_433, %add3A_1364 : i32
        %get3A_1366 = arith.index_cast %add3A_1365 : i32 to index
        %get3A_1367 = arith.constant 64 : index
        %get3A_1368 = tpu.vector_load %arg13[%get3A_1366, %get3A_1367] {strides = array<i32>} : memref<80x128xf32, #tpu.memory_space<vmem>>, vector<16xf32>,
        %mul3A_1369 = vector.broadcast %squeeze3A_1315 : f32 to vector<16xf32>
        %mul3A_1370 = arith.mulf %get3A_1368, %mul3A_1369 : vector<16xf32>
        %add3A_1371 = arith.constant 9 : i32
        %add3A_1372 = arith.addi %mul3A_433, %add3A_1371 : i32
        %swap3A_1373 = arith.index_cast %add3A_1372 : i32 to index
        %swap3A_1374 = arith.constant 64 : index
        %swap3A_1375 = tpu.vector_load %arg13[%swap3A_1373, %swap3A_1374] {strides = array<i32>} : memref<80x128xf32, #tpu.memory_space<vmem>>, vector<16xf32>,
        tpu.vector_store %arg13[%swap3A_1373, %swap3A_1374], %mul3A_1370 {strides = array<i32>} : memref<80x128xf32, #tpu.memory_space<vmem>>, vector<16xf32>,
        %add3A_1376 = arith.constant 9 : i32
        %add3A_1377 = arith.addi %mul3A_433, %add3A_1376 : i32
        %get3A_1378 = arith.index_cast %add3A_1377 : i32 to index
        %get3A_1379 = arith.constant 80 : index
        %get3A_1380 = tpu.vector_load %arg13[%get3A_1378, %get3A_1379] {strides = array<i32>} : memref<80x128xf32, #tpu.memory_space<vmem>>, vector<16xf32>,
        %mul3A_1381 = vector.broadcast %squeeze3A_1315 : f32 to vector<16xf32>
        %mul3A_1382 = arith.mulf %get3A_1380, %mul3A_1381 : vector<16xf32>
        %add3A_1383 = arith.constant 9 : i32
        %add3A_1384 = arith.addi %mul3A_433, %add3A_1383 : i32
        %swap3A_1385 = arith.index_cast %add3A_1384 : i32 to index
        %swap3A_1386 = arith.constant 80 : index
        %swap3A_1387 = tpu.vector_load %arg13[%swap3A_1385, %swap3A_1386] {strides = array<i32>} : memref<80x128xf32, #tpu.memory_space<vmem>>, vector<16xf32>,
        tpu.vector_store %arg13[%swap3A_1385, %swap3A_1386], %mul3A_1382 {strides = array<i32>} : memref<80x128xf32, #tpu.memory_space<vmem>>, vector<16xf32>,
        %add3A_1388 = arith.constant 9 : i32
        %add3A_1389 = arith.addi %mul3A_433, %add3A_1388 : i32
        %get3A_1390 = arith.index_cast %add3A_1389 : i32 to index
        %get3A_1391 = arith.constant 96 : index
        %get3A_1392 = tpu.vector_load %arg13[%get3A_1390, %get3A_1391] {strides = array<i32>} : memref<80x128xf32, #tpu.memory_space<vmem>>, vector<16xf32>,
        %mul3A_1393 = vector.broadcast %squeeze3A_1315 : f32 to vector<16xf32>
        %mul3A_1394 = arith.mulf %get3A_1392, %mul3A_1393 : vector<16xf32>
        %add3A_1395 = arith.constant 9 : i32
        %add3A_1396 = arith.addi %mul3A_433, %add3A_1395 : i32
        %swap3A_1397 = arith.index_cast %add3A_1396 : i32 to index
        %swap3A_1398 = arith.constant 96 : index
        %swap3A_1399 = tpu.vector_load %arg13[%swap3A_1397, %swap3A_1398] {strides = array<i32>} : memref<80x128xf32, #tpu.memory_space<vmem>>, vector<16xf32>,
        tpu.vector_store %arg13[%swap3A_1397, %swap3A_1398], %mul3A_1394 {strides = array<i32>} : memref<80x128xf32, #tpu.memory_space<vmem>>, vector<16xf32>,
        %add3A_1400 = arith.constant 9 : i32
        %add3A_1401 = arith.addi %mul3A_433, %add3A_1400 : i32
        %get3A_1402 = arith.index_cast %add3A_1401 : i32 to index
        %get3A_1403 = arith.constant 112 : index
        %get3A_1404 = tpu.vector_load %arg13[%get3A_1402, %get3A_1403] {strides = array<i32>} : memref<80x128xf32, #tpu.memory_space<vmem>>, vector<16xf32>,
        %mul3A_1405 = vector.broadcast %squeeze3A_1315 : f32 to vector<16xf32>
        %mul3A_1406 = arith.mulf %get3A_1404, %mul3A_1405 : vector<16xf32>
        %add3A_1407 = arith.constant 9 : i32
        %add3A_1408 = arith.addi %mul3A_433, %add3A_1407 : i32
        %swap3A_1409 = arith.index_cast %add3A_1408 : i32 to index
        %swap3A_1410 = arith.constant 112 : index
        %swap3A_1411 = tpu.vector_load %arg13[%swap3A_1409, %swap3A_1410] {strides = array<i32>} : memref<80x128xf32, #tpu.memory_space<vmem>>, vector<16xf32>,
        tpu.vector_store %arg13[%swap3A_1409, %swap3A_1410], %mul3A_1406 {strides = array<i32>} : memref<80x128xf32, #tpu.memory_space<vmem>>, vector<16xf32>,
        %slice3A_1412 = vector.extract_strided_slice %get3A_431 {offsets = [10], sizes = [1], strides = [1]} : vector<16xf32> to vector<1xf32>
        %squeeze3A_1413 = vector.extract %slice3A_1412[0] : f32 from vector<1xf32>
        %add3A_1414 = arith.constant 10 : i32
        %add3A_1415 = arith.addi %mul3A_433, %add3A_1414 : i32
        %get3A_1416 = arith.index_cast %add3A_1415 : i32 to index
        %get3A_1417 = arith.constant 0 : index
        %get3A_1418 = tpu.vector_load %arg13[%get3A_1416, %get3A_1417] {strides = array<i32>} : memref<80x128xf32, #tpu.memory_space<vmem>>, vector<16xf32>,
        %mul3A_1419 = vector.broadcast %squeeze3A_1413 : f32 to vector<16xf32>
        %mul3A_1420 = arith.mulf %get3A_1418, %mul3A_1419 : vector<16xf32>
        %add3A_1421 = arith.constant 10 : i32
        %add3A_1422 = arith.addi %mul3A_433, %add3A_1421 : i32
        %swap3A_1423 = arith.index_cast %add3A_1422 : i32 to index
        %swap3A_1424 = arith.constant 0 : index
        %swap3A_1425 = tpu.vector_load %arg13[%swap3A_1423, %swap3A_1424] {strides = array<i32>} : memref<80x128xf32, #tpu.memory_space<vmem>>, vector<16xf32>,
        tpu.vector_store %arg13[%swap3A_1423, %swap3A_1424], %mul3A_1420 {strides = array<i32>} : memref<80x128xf32, #tpu.memory_space<vmem>>, vector<16xf32>,
        %add3A_1426 = arith.constant 10 : i32
        %add3A_1427 = arith.addi %mul3A_433, %add3A_1426 : i32
        %get3A_1428 = arith.index_cast %add3A_1427 : i32 to index
        %get3A_1429 = arith.constant 16 : index
        %get3A_1430 = tpu.vector_load %arg13[%get3A_1428, %get3A_1429] {strides = array<i32>} : memref<80x128xf32, #tpu.memory_space<vmem>>, vector<16xf32>,
        %mul3A_1431 = vector.broadcast %squeeze3A_1413 : f32 to vector<16xf32>
        %mul3A_1432 = arith.mulf %get3A_1430, %mul3A_1431 : vector<16xf32>
        %add3A_1433 = arith.constant 10 : i32
        %add3A_1434 = arith.addi %mul3A_433, %add3A_1433 : i32
        %swap3A_1435 = arith.index_cast %add3A_1434 : i32 to index
        %swap3A_1436 = arith.constant 16 : index
        %swap3A_1437 = tpu.vector_load %arg13[%swap3A_1435, %swap3A_1436] {strides = array<i32>} : memref<80x128xf32, #tpu.memory_space<vmem>>, vector<16xf32>,
        tpu.vector_store %arg13[%swap3A_1435, %swap3A_1436], %mul3A_1432 {strides = array<i32>} : memref<80x128xf32, #tpu.memory_space<vmem>>, vector<16xf32>,
        %add3A_1438 = arith.constant 10 : i32
        %add3A_1439 = arith.addi %mul3A_433, %add3A_1438 : i32
        %get3A_1440 = arith.index_cast %add3A_1439 : i32 to index
        %get3A_1441 = arith.constant 32 : index
        %get3A_1442 = tpu.vector_load %arg13[%get3A_1440, %get3A_1441] {strides = array<i32>} : memref<80x128xf32, #tpu.memory_space<vmem>>, vector<16xf32>,
        %mul3A_1443 = vector.broadcast %squeeze3A_1413 : f32 to vector<16xf32>
        %mul3A_1444 = arith.mulf %get3A_1442, %mul3A_1443 : vector<16xf32>
        %add3A_1445 = arith.constant 10 : i32
        %add3A_1446 = arith.addi %mul3A_433, %add3A_1445 : i32
        %swap3A_1447 = arith.index_cast %add3A_1446 : i32 to index
        %swap3A_1448 = arith.constant 32 : index
        %swap3A_1449 = tpu.vector_load %arg13[%swap3A_1447, %swap3A_1448] {strides = array<i32>} : memref<80x128xf32, #tpu.memory_space<vmem>>, vector<16xf32>,
        tpu.vector_store %arg13[%swap3A_1447, %swap3A_1448], %mul3A_1444 {strides = array<i32>} : memref<80x128xf32, #tpu.memory_space<vmem>>, vector<16xf32>,
        %add3A_1450 = arith.constant 10 : i32
        %add3A_1451 = arith.addi %mul3A_433, %add3A_1450 : i32
        %get3A_1452 = arith.index_cast %add3A_1451 : i32 to index
        %get3A_1453 = arith.constant 48 : index
        %get3A_1454 = tpu.vector_load %arg13[%get3A_1452, %get3A_1453] {strides = array<i32>} : memref<80x128xf32, #tpu.memory_space<vmem>>, vector<16xf32>,
        %mul3A_1455 = vector.broadcast %squeeze3A_1413 : f32 to vector<16xf32>
        %mul3A_1456 = arith.mulf %get3A_1454, %mul3A_1455 : vector<16xf32>
        %add3A_1457 = arith.constant 10 : i32
        %add3A_1458 = arith.addi %mul3A_433, %add3A_1457 : i32
        %swap3A_1459 = arith.index_cast %add3A_1458 : i32 to index
        %swap3A_1460 = arith.constant 48 : index
        %swap3A_1461 = tpu.vector_load %arg13[%swap3A_1459, %swap3A_1460] {strides = array<i32>} : memref<80x128xf32, #tpu.memory_space<vmem>>, vector<16xf32>,
        tpu.vector_store %arg13[%swap3A_1459, %swap3A_1460], %mul3A_1456 {strides = array<i32>} : memref<80x128xf32, #tpu.memory_space<vmem>>, vector<16xf32>,
        %add3A_1462 = arith.constant 10 : i32
        %add3A_1463 = arith.addi %mul3A_433, %add3A_1462 : i32
        %get3A_1464 = arith.index_cast %add3A_1463 : i32 to index
        %get3A_1465 = arith.constant 64 : index
        %get3A_1466 = tpu.vector_load %arg13[%get3A_1464, %get3A_1465] {strides = array<i32>} : memref<80x128xf32, #tpu.memory_space<vmem>>, vector<16xf32>,
        %mul3A_1467 = vector.broadcast %squeeze3A_1413 : f32 to vector<16xf32>
        %mul3A_1468 = arith.mulf %get3A_1466, %mul3A_1467 : vector<16xf32>
        %add3A_1469 = arith.constant 10 : i32
        %add3A_1470 = arith.addi %mul3A_433, %add3A_1469 : i32
        %swap3A_1471 = arith.index_cast %add3A_1470 : i32 to index
        %swap3A_1472 = arith.constant 64 : index
        %swap3A_1473 = tpu.vector_load %arg13[%swap3A_1471, %swap3A_1472] {strides = array<i32>} : memref<80x128xf32, #tpu.memory_space<vmem>>, vector<16xf32>,
        tpu.vector_store %arg13[%swap3A_1471, %swap3A_1472], %mul3A_1468 {strides = array<i32>} : memref<80x128xf32, #tpu.memory_space<vmem>>, vector<16xf32>,
        %add3A_1474 = arith.constant 10 : i32
        %add3A_1475 = arith.addi %mul3A_433, %add3A_1474 : i32
        %get3A_1476 = arith.index_cast %add3A_1475 : i32 to index
        %get3A_1477 = arith.constant 80 : index
        %get3A_1478 = tpu.vector_load %arg13[%get3A_1476, %get3A_1477] {strides = array<i32>} : memref<80x128xf32, #tpu.memory_space<vmem>>, vector<16xf32>,
        %mul3A_1479 = vector.broadcast %squeeze3A_1413 : f32 to vector<16xf32>
        %mul3A_1480 = arith.mulf %get3A_1478, %mul3A_1479 : vector<16xf32>
        %add3A_1481 = arith.constant 10 : i32
        %add3A_1482 = arith.addi %mul3A_433, %add3A_1481 : i32
        %swap3A_1483 = arith.index_cast %add3A_1482 : i32 to index
        %swap3A_1484 = arith.constant 80 : index
        %swap3A_1485 = tpu.vector_load %arg13[%swap3A_1483, %swap3A_1484] {strides = array<i32>} : memref<80x128xf32, #tpu.memory_space<vmem>>, vector<16xf32>,
        tpu.vector_store %arg13[%swap3A_1483, %swap3A_1484], %mul3A_1480 {strides = array<i32>} : memref<80x128xf32, #tpu.memory_space<vmem>>, vector<16xf32>,
        %add3A_1486 = arith.constant 10 : i32
        %add3A_1487 = arith.addi %mul3A_433, %add3A_1486 : i32
        %get3A_1488 = arith.index_cast %add3A_1487 : i32 to index
        %get3A_1489 = arith.constant 96 : index
        %get3A_1490 = tpu.vector_load %arg13[%get3A_1488, %get3A_1489] {strides = array<i32>} : memref<80x128xf32, #tpu.memory_space<vmem>>, vector<16xf32>,
        %mul3A_1491 = vector.broadcast %squeeze3A_1413 : f32 to vector<16xf32>
        %mul3A_1492 = arith.mulf %get3A_1490, %mul3A_1491 : vector<16xf32>
        %add3A_1493 = arith.constant 10 : i32
        %add3A_1494 = arith.addi %mul3A_433, %add3A_1493 : i32
        %swap3A_1495 = arith.index_cast %add3A_1494 : i32 to index
        %swap3A_1496 = arith.constant 96 : index
        %swap3A_1497 = tpu.vector_load %arg13[%swap3A_1495, %swap3A_1496] {strides = array<i32>} : memref<80x128xf32, #tpu.memory_space<vmem>>, vector<16xf32>,
        tpu.vector_store %arg13[%swap3A_1495, %swap3A_1496], %mul3A_1492 {strides = array<i32>} : memref<80x128xf32, #tpu.memory_space<vmem>>, vector<16xf32>,
        %add3A_1498 = arith.constant 10 : i32
        %add3A_1499 = arith.addi %mul3A_433, %add3A_1498 : i32
        %get3A_1500 = arith.index_cast %add3A_1499 : i32 to index
        %get3A_1501 = arith.constant 112 : index
        %get3A_1502 = tpu.vector_load %arg13[%get3A_1500, %get3A_1501] {strides = array<i32>} : memref<80x128xf32, #tpu.memory_space<vmem>>, vector<16xf32>,
        %mul3A_1503 = vector.broadcast %squeeze3A_1413 : f32 to vector<16xf32>
        %mul3A_1504 = arith.mulf %get3A_1502, %mul3A_1503 : vector<16xf32>
        %add3A_1505 = arith.constant 10 : i32
        %add3A_1506 = arith.addi %mul3A_433, %add3A_1505 : i32
        %swap3A_1507 = arith.index_cast %add3A_1506 : i32 to index
        %swap3A_1508 = arith.constant 112 : index
        %swap3A_1509 = tpu.vector_load %arg13[%swap3A_1507, %swap3A_1508] {strides = array<i32>} : memref<80x128xf32, #tpu.memory_space<vmem>>, vector<16xf32>,
        tpu.vector_store %arg13[%swap3A_1507, %swap3A_1508], %mul3A_1504 {strides = array<i32>} : memref<80x128xf32, #tpu.memory_space<vmem>>, vector<16xf32>,
        %slice3A_1510 = vector.extract_strided_slice %get3A_431 {offsets = [11], sizes = [1], strides = [1]} : vector<16xf32> to vector<1xf32>
        %squeeze3A_1511 = vector.extract %slice3A_1510[0] : f32 from vector<1xf32>
        %add3A_1512 = arith.constant 11 : i32
        %add3A_1513 = arith.addi %mul3A_433, %add3A_1512 : i32
        %get3A_1514 = arith.index_cast %add3A_1513 : i32 to index
        %get3A_1515 = arith.constant 0 : index
        %get3A_1516 = tpu.vector_load %arg13[%get3A_1514, %get3A_1515] {strides = array<i32>} : memref<80x128xf32, #tpu.memory_space<vmem>>, vector<16xf32>,
        %mul3A_1517 = vector.broadcast %squeeze3A_1511 : f32 to vector<16xf32>
        %mul3A_1518 = arith.mulf %get3A_1516, %mul3A_1517 : vector<16xf32>
        %add3A_1519 = arith.constant 11 : i32
        %add3A_1520 = arith.addi %mul3A_433, %add3A_1519 : i32
        %swap3A_1521 = arith.index_cast %add3A_1520 : i32 to index
        %swap3A_1522 = arith.constant 0 : index
        %swap3A_1523 = tpu.vector_load %arg13[%swap3A_1521, %swap3A_1522] {strides = array<i32>} : memref<80x128xf32, #tpu.memory_space<vmem>>, vector<16xf32>,
        tpu.vector_store %arg13[%swap3A_1521, %swap3A_1522], %mul3A_1518 {strides = array<i32>} : memref<80x128xf32, #tpu.memory_space<vmem>>, vector<16xf32>,
        %add3A_1524 = arith.constant 11 : i32
        %add3A_1525 = arith.addi %mul3A_433, %add3A_1524 : i32
        %get3A_1526 = arith.index_cast %add3A_1525 : i32 to index
        %get3A_1527 = arith.constant 16 : index
        %get3A_1528 = tpu.vector_load %arg13[%get3A_1526, %get3A_1527] {strides = array<i32>} : memref<80x128xf32, #tpu.memory_space<vmem>>, vector<16xf32>,
        %mul3A_1529 = vector.broadcast %squeeze3A_1511 : f32 to vector<16xf32>
        %mul3A_1530 = arith.mulf %get3A_1528, %mul3A_1529 : vector<16xf32>
        %add3A_1531 = arith.constant 11 : i32
        %add3A_1532 = arith.addi %mul3A_433, %add3A_1531 : i32
        %swap3A_1533 = arith.index_cast %add3A_1532 : i32 to index
        %swap3A_1534 = arith.constant 16 : index
        %swap3A_1535 = tpu.vector_load %arg13[%swap3A_1533, %swap3A_1534] {strides = array<i32>} : memref<80x128xf32, #tpu.memory_space<vmem>>, vector<16xf32>,
        tpu.vector_store %arg13[%swap3A_1533, %swap3A_1534], %mul3A_1530 {strides = array<i32>} : memref<80x128xf32, #tpu.memory_space<vmem>>, vector<16xf32>,
        %add3A_1536 = arith.constant 11 : i32
        %add3A_1537 = arith.addi %mul3A_433, %add3A_1536 : i32
        %get3A_1538 = arith.index_cast %add3A_1537 : i32 to index
        %get3A_1539 = arith.constant 32 : index
        %get3A_1540 = tpu.vector_load %arg13[%get3A_1538, %get3A_1539] {strides = array<i32>} : memref<80x128xf32, #tpu.memory_space<vmem>>, vector<16xf32>,
        %mul3A_1541 = vector.broadcast %squeeze3A_1511 : f32 to vector<16xf32>
        %mul3A_1542 = arith.mulf %get3A_1540, %mul3A_1541 : vector<16xf32>
        %add3A_1543 = arith.constant 11 : i32
        %add3A_1544 = arith.addi %mul3A_433, %add3A_1543 : i32
        %swap3A_1545 = arith.index_cast %add3A_1544 : i32 to index
        %swap3A_1546 = arith.constant 32 : index
        %swap3A_1547 = tpu.vector_load %arg13[%swap3A_1545, %swap3A_1546] {strides = array<i32>} : memref<80x128xf32, #tpu.memory_space<vmem>>, vector<16xf32>,
        tpu.vector_store %arg13[%swap3A_1545, %swap3A_1546], %mul3A_1542 {strides = array<i32>} : memref<80x128xf32, #tpu.memory_space<vmem>>, vector<16xf32>,
        %add3A_1548 = arith.constant 11 : i32
        %add3A_1549 = arith.addi %mul3A_433, %add3A_1548 : i32
        %get3A_1550 = arith.index_cast %add3A_1549 : i32 to index
        %get3A_1551 = arith.constant 48 : index
        %get3A_1552 = tpu.vector_load %arg13[%get3A_1550, %get3A_1551] {strides = array<i32>} : memref<80x128xf32, #tpu.memory_space<vmem>>, vector<16xf32>,
        %mul3A_1553 = vector.broadcast %squeeze3A_1511 : f32 to vector<16xf32>
        %mul3A_1554 = arith.mulf %get3A_1552, %mul3A_1553 : vector<16xf32>
        %add3A_1555 = arith.constant 11 : i32
        %add3A_1556 = arith.addi %mul3A_433, %add3A_1555 : i32
        %swap3A_1557 = arith.index_cast %add3A_1556 : i32 to index
        %swap3A_1558 = arith.constant 48 : index
        %swap3A_1559 = tpu.vector_load %arg13[%swap3A_1557, %swap3A_1558] {strides = array<i32>} : memref<80x128xf32, #tpu.memory_space<vmem>>, vector<16xf32>,
        tpu.vector_store %arg13[%swap3A_1557, %swap3A_1558], %mul3A_1554 {strides = array<i32>} : memref<80x128xf32, #tpu.memory_space<vmem>>, vector<16xf32>,
        %add3A_1560 = arith.constant 11 : i32
        %add3A_1561 = arith.addi %mul3A_433, %add3A_1560 : i32
        %get3A_1562 = arith.index_cast %add3A_1561 : i32 to index
        %get3A_1563 = arith.constant 64 : index
        %get3A_1564 = tpu.vector_load %arg13[%get3A_1562, %get3A_1563] {strides = array<i32>} : memref<80x128xf32, #tpu.memory_space<vmem>>, vector<16xf32>,
        %mul3A_1565 = vector.broadcast %squeeze3A_1511 : f32 to vector<16xf32>
        %mul3A_1566 = arith.mulf %get3A_1564, %mul3A_1565 : vector<16xf32>
        %add3A_1567 = arith.constant 11 : i32
        %add3A_1568 = arith.addi %mul3A_433, %add3A_1567 : i32
        %swap3A_1569 = arith.index_cast %add3A_1568 : i32 to index
        %swap3A_1570 = arith.constant 64 : index
        %swap3A_1571 = tpu.vector_load %arg13[%swap3A_1569, %swap3A_1570] {strides = array<i32>} : memref<80x128xf32, #tpu.memory_space<vmem>>, vector<16xf32>,
        tpu.vector_store %arg13[%swap3A_1569, %swap3A_1570], %mul3A_1566 {strides = array<i32>} : memref<80x128xf32, #tpu.memory_space<vmem>>, vector<16xf32>,
        %add3A_1572 = arith.constant 11 : i32
        %add3A_1573 = arith.addi %mul3A_433, %add3A_1572 : i32
        %get3A_1574 = arith.index_cast %add3A_1573 : i32 to index
        %get3A_1575 = arith.constant 80 : index
        %get3A_1576 = tpu.vector_load %arg13[%get3A_1574, %get3A_1575] {strides = array<i32>} : memref<80x128xf32, #tpu.memory_space<vmem>>, vector<16xf32>,
        %mul3A_1577 = vector.broadcast %squeeze3A_1511 : f32 to vector<16xf32>
        %mul3A_1578 = arith.mulf %get3A_1576, %mul3A_1577 : vector<16xf32>
        %add3A_1579 = arith.constant 11 : i32
        %add3A_1580 = arith.addi %mul3A_433, %add3A_1579 : i32
        %swap3A_1581 = arith.index_cast %add3A_1580 : i32 to index
        %swap3A_1582 = arith.constant 80 : index
        %swap3A_1583 = tpu.vector_load %arg13[%swap3A_1581, %swap3A_1582] {strides = array<i32>} : memref<80x128xf32, #tpu.memory_space<vmem>>, vector<16xf32>,
        tpu.vector_store %arg13[%swap3A_1581, %swap3A_1582], %mul3A_1578 {strides = array<i32>} : memref<80x128xf32, #tpu.memory_space<vmem>>, vector<16xf32>,
        %add3A_1584 = arith.constant 11 : i32
        %add3A_1585 = arith.addi %mul3A_433, %add3A_1584 : i32
        %get3A_1586 = arith.index_cast %add3A_1585 : i32 to index
        %get3A_1587 = arith.constant 96 : index
        %get3A_1588 = tpu.vector_load %arg13[%get3A_1586, %get3A_1587] {strides = array<i32>} : memref<80x128xf32, #tpu.memory_space<vmem>>, vector<16xf32>,
        %mul3A_1589 = vector.broadcast %squeeze3A_1511 : f32 to vector<16xf32>
        %mul3A_1590 = arith.mulf %get3A_1588, %mul3A_1589 : vector<16xf32>
        %add3A_1591 = arith.constant 11 : i32
        %add3A_1592 = arith.addi %mul3A_433, %add3A_1591 : i32
        %swap3A_1593 = arith.index_cast %add3A_1592 : i32 to index
        %swap3A_1594 = arith.constant 96 : index
        %swap3A_1595 = tpu.vector_load %arg13[%swap3A_1593, %swap3A_1594] {strides = array<i32>} : memref<80x128xf32, #tpu.memory_space<vmem>>, vector<16xf32>,
        tpu.vector_store %arg13[%swap3A_1593, %swap3A_1594], %mul3A_1590 {strides = array<i32>} : memref<80x128xf32, #tpu.memory_space<vmem>>, vector<16xf32>,
        %add3A_1596 = arith.constant 11 : i32
        %add3A_1597 = arith.addi %mul3A_433, %add3A_1596 : i32
        %get3A_1598 = arith.index_cast %add3A_1597 : i32 to index
        %get3A_1599 = arith.constant 112 : index
        %get3A_1600 = tpu.vector_load %arg13[%get3A_1598, %get3A_1599] {strides = array<i32>} : memref<80x128xf32, #tpu.memory_space<vmem>>, vector<16xf32>,
        %mul3A_1601 = vector.broadcast %squeeze3A_1511 : f32 to vector<16xf32>
        %mul3A_1602 = arith.mulf %get3A_1600, %mul3A_1601 : vector<16xf32>
        %add3A_1603 = arith.constant 11 : i32
        %add3A_1604 = arith.addi %mul3A_433, %add3A_1603 : i32
        %swap3A_1605 = arith.index_cast %add3A_1604 : i32 to index
        %swap3A_1606 = arith.constant 112 : index
        %swap3A_1607 = tpu.vector_load %arg13[%swap3A_1605, %swap3A_1606] {strides = array<i32>} : memref<80x128xf32, #tpu.memory_space<vmem>>, vector<16xf32>,
        tpu.vector_store %arg13[%swap3A_1605, %swap3A_1606], %mul3A_1602 {strides = array<i32>} : memref<80x128xf32, #tpu.memory_space<vmem>>, vector<16xf32>,
        %slice3A_1608 = vector.extract_strided_slice %get3A_431 {offsets = [12], sizes = [1], strides = [1]} : vector<16xf32> to vector<1xf32>
        %squeeze3A_1609 = vector.extract %slice3A_1608[0] : f32 from vector<1xf32>
        %add3A_1610 = arith.constant 12 : i32
        %add3A_1611 = arith.addi %mul3A_433, %add3A_1610 : i32
        %get3A_1612 = arith.index_cast %add3A_1611 : i32 to index
        %get3A_1613 = arith.constant 0 : index
        %get3A_1614 = tpu.vector_load %arg13[%get3A_1612, %get3A_1613] {strides = array<i32>} : memref<80x128xf32, #tpu.memory_space<vmem>>, vector<16xf32>,
        %mul3A_1615 = vector.broadcast %squeeze3A_1609 : f32 to vector<16xf32>
        %mul3A_1616 = arith.mulf %get3A_1614, %mul3A_1615 : vector<16xf32>
        %add3A_1617 = arith.constant 12 : i32
        %add3A_1618 = arith.addi %mul3A_433, %add3A_1617 : i32
        %swap3A_1619 = arith.index_cast %add3A_1618 : i32 to index
        %swap3A_1620 = arith.constant 0 : index
        %swap3A_1621 = tpu.vector_load %arg13[%swap3A_1619, %swap3A_1620] {strides = array<i32>} : memref<80x128xf32, #tpu.memory_space<vmem>>, vector<16xf32>,
        tpu.vector_store %arg13[%swap3A_1619, %swap3A_1620], %mul3A_1616 {strides = array<i32>} : memref<80x128xf32, #tpu.memory_space<vmem>>, vector<16xf32>,
        %add3A_1622 = arith.constant 12 : i32
        %add3A_1623 = arith.addi %mul3A_433, %add3A_1622 : i32
        %get3A_1624 = arith.index_cast %add3A_1623 : i32 to index
        %get3A_1625 = arith.constant 16 : index
        %get3A_1626 = tpu.vector_load %arg13[%get3A_1624, %get3A_1625] {strides = array<i32>} : memref<80x128xf32, #tpu.memory_space<vmem>>, vector<16xf32>,
        %mul3A_1627 = vector.broadcast %squeeze3A_1609 : f32 to vector<16xf32>
        %mul3A_1628 = arith.mulf %get3A_1626, %mul3A_1627 : vector<16xf32>
        %add3A_1629 = arith.constant 12 : i32
        %add3A_1630 = arith.addi %mul3A_433, %add3A_1629 : i32
        %swap3A_1631 = arith.index_cast %add3A_1630 : i32 to index
        %swap3A_1632 = arith.constant 16 : index
        %swap3A_1633 = tpu.vector_load %arg13[%swap3A_1631, %swap3A_1632] {strides = array<i32>} : memref<80x128xf32, #tpu.memory_space<vmem>>, vector<16xf32>,
        tpu.vector_store %arg13[%swap3A_1631, %swap3A_1632], %mul3A_1628 {strides = array<i32>} : memref<80x128xf32, #tpu.memory_space<vmem>>, vector<16xf32>,
        %add3A_1634 = arith.constant 12 : i32
        %add3A_1635 = arith.addi %mul3A_433, %add3A_1634 : i32
        %get3A_1636 = arith.index_cast %add3A_1635 : i32 to index
        %get3A_1637 = arith.constant 32 : index
        %get3A_1638 = tpu.vector_load %arg13[%get3A_1636, %get3A_1637] {strides = array<i32>} : memref<80x128xf32, #tpu.memory_space<vmem>>, vector<16xf32>,
        %mul3A_1639 = vector.broadcast %squeeze3A_1609 : f32 to vector<16xf32>
        %mul3A_1640 = arith.mulf %get3A_1638, %mul3A_1639 : vector<16xf32>
        %add3A_1641 = arith.constant 12 : i32
        %add3A_1642 = arith.addi %mul3A_433, %add3A_1641 : i32
        %swap3A_1643 = arith.index_cast %add3A_1642 : i32 to index
        %swap3A_1644 = arith.constant 32 : index
        %swap3A_1645 = tpu.vector_load %arg13[%swap3A_1643, %swap3A_1644] {strides = array<i32>} : memref<80x128xf32, #tpu.memory_space<vmem>>, vector<16xf32>,
        tpu.vector_store %arg13[%swap3A_1643, %swap3A_1644], %mul3A_1640 {strides = array<i32>} : memref<80x128xf32, #tpu.memory_space<vmem>>, vector<16xf32>,
        %add3A_1646 = arith.constant 12 : i32
        %add3A_1647 = arith.addi %mul3A_433, %add3A_1646 : i32
        %get3A_1648 = arith.index_cast %add3A_1647 : i32 to index
        %get3A_1649 = arith.constant 48 : index
        %get3A_1650 = tpu.vector_load %arg13[%get3A_1648, %get3A_1649] {strides = array<i32>} : memref<80x128xf32, #tpu.memory_space<vmem>>, vector<16xf32>,
        %mul3A_1651 = vector.broadcast %squeeze3A_1609 : f32 to vector<16xf32>
        %mul3A_1652 = arith.mulf %get3A_1650, %mul3A_1651 : vector<16xf32>
        %add3A_1653 = arith.constant 12 : i32
        %add3A_1654 = arith.addi %mul3A_433, %add3A_1653 : i32
        %swap3A_1655 = arith.index_cast %add3A_1654 : i32 to index
        %swap3A_1656 = arith.constant 48 : index
        %swap3A_1657 = tpu.vector_load %arg13[%swap3A_1655, %swap3A_1656] {strides = array<i32>} : memref<80x128xf32, #tpu.memory_space<vmem>>, vector<16xf32>,
        tpu.vector_store %arg13[%swap3A_1655, %swap3A_1656], %mul3A_1652 {strides = array<i32>} : memref<80x128xf32, #tpu.memory_space<vmem>>, vector<16xf32>,
        %add3A_1658 = arith.constant 12 : i32
        %add3A_1659 = arith.addi %mul3A_433, %add3A_1658 : i32
        %get3A_1660 = arith.index_cast %add3A_1659 : i32 to index
        %get3A_1661 = arith.constant 64 : index
        %get3A_1662 = tpu.vector_load %arg13[%get3A_1660, %get3A_1661] {strides = array<i32>} : memref<80x128xf32, #tpu.memory_space<vmem>>, vector<16xf32>,
        %mul3A_1663 = vector.broadcast %squeeze3A_1609 : f32 to vector<16xf32>
        %mul3A_1664 = arith.mulf %get3A_1662, %mul3A_1663 : vector<16xf32>
        %add3A_1665 = arith.constant 12 : i32
        %add3A_1666 = arith.addi %mul3A_433, %add3A_1665 : i32
        %swap3A_1667 = arith.index_cast %add3A_1666 : i32 to index
        %swap3A_1668 = arith.constant 64 : index
        %swap3A_1669 = tpu.vector_load %arg13[%swap3A_1667, %swap3A_1668] {strides = array<i32>} : memref<80x128xf32, #tpu.memory_space<vmem>>, vector<16xf32>,
        tpu.vector_store %arg13[%swap3A_1667, %swap3A_1668], %mul3A_1664 {strides = array<i32>} : memref<80x128xf32, #tpu.memory_space<vmem>>, vector<16xf32>,
        %add3A_1670 = arith.constant 12 : i32
        %add3A_1671 = arith.addi %mul3A_433, %add3A_1670 : i32
        %get3A_1672 = arith.index_cast %add3A_1671 : i32 to index
        %get3A_1673 = arith.constant 80 : index
        %get3A_1674 = tpu.vector_load %arg13[%get3A_1672, %get3A_1673] {strides = array<i32>} : memref<80x128xf32, #tpu.memory_space<vmem>>, vector<16xf32>,
        %mul3A_1675 = vector.broadcast %squeeze3A_1609 : f32 to vector<16xf32>
        %mul3A_1676 = arith.mulf %get3A_1674, %mul3A_1675 : vector<16xf32>
        %add3A_1677 = arith.constant 12 : i32
        %add3A_1678 = arith.addi %mul3A_433, %add3A_1677 : i32
        %swap3A_1679 = arith.index_cast %add3A_1678 : i32 to index
        %swap3A_1680 = arith.constant 80 : index
        %swap3A_1681 = tpu.vector_load %arg13[%swap3A_1679, %swap3A_1680] {strides = array<i32>} : memref<80x128xf32, #tpu.memory_space<vmem>>, vector<16xf32>,
        tpu.vector_store %arg13[%swap3A_1679, %swap3A_1680], %mul3A_1676 {strides = array<i32>} : memref<80x128xf32, #tpu.memory_space<vmem>>, vector<16xf32>,
        %add3A_1682 = arith.constant 12 : i32
        %add3A_1683 = arith.addi %mul3A_433, %add3A_1682 : i32
        %get3A_1684 = arith.index_cast %add3A_1683 : i32 to index
        %get3A_1685 = arith.constant 96 : index
        %get3A_1686 = tpu.vector_load %arg13[%get3A_1684, %get3A_1685] {strides = array<i32>} : memref<80x128xf32, #tpu.memory_space<vmem>>, vector<16xf32>,
        %mul3A_1687 = vector.broadcast %squeeze3A_1609 : f32 to vector<16xf32>
        %mul3A_1688 = arith.mulf %get3A_1686, %mul3A_1687 : vector<16xf32>
        %add3A_1689 = arith.constant 12 : i32
        %add3A_1690 = arith.addi %mul3A_433, %add3A_1689 : i32
        %swap3A_1691 = arith.index_cast %add3A_1690 : i32 to index
        %swap3A_1692 = arith.constant 96 : index
        %swap3A_1693 = tpu.vector_load %arg13[%swap3A_1691, %swap3A_1692] {strides = array<i32>} : memref<80x128xf32, #tpu.memory_space<vmem>>, vector<16xf32>,
        tpu.vector_store %arg13[%swap3A_1691, %swap3A_1692], %mul3A_1688 {strides = array<i32>} : memref<80x128xf32, #tpu.memory_space<vmem>>, vector<16xf32>,
        %add3A_1694 = arith.constant 12 : i32
        %add3A_1695 = arith.addi %mul3A_433, %add3A_1694 : i32
        %get3A_1696 = arith.index_cast %add3A_1695 : i32 to index
        %get3A_1697 = arith.constant 112 : index
        %get3A_1698 = tpu.vector_load %arg13[%get3A_1696, %get3A_1697] {strides = array<i32>} : memref<80x128xf32, #tpu.memory_space<vmem>>, vector<16xf32>,
        %mul3A_1699 = vector.broadcast %squeeze3A_1609 : f32 to vector<16xf32>
        %mul3A_1700 = arith.mulf %get3A_1698, %mul3A_1699 : vector<16xf32>
        %add3A_1701 = arith.constant 12 : i32
        %add3A_1702 = arith.addi %mul3A_433, %add3A_1701 : i32
        %swap3A_1703 = arith.index_cast %add3A_1702 : i32 to index
        %swap3A_1704 = arith.constant 112 : index
        %swap3A_1705 = tpu.vector_load %arg13[%swap3A_1703, %swap3A_1704] {strides = array<i32>} : memref<80x128xf32, #tpu.memory_space<vmem>>, vector<16xf32>,
        tpu.vector_store %arg13[%swap3A_1703, %swap3A_1704], %mul3A_1700 {strides = array<i32>} : memref<80x128xf32, #tpu.memory_space<vmem>>, vector<16xf32>,
        %slice3A_1706 = vector.extract_strided_slice %get3A_431 {offsets = [13], sizes = [1], strides = [1]} : vector<16xf32> to vector<1xf32>
        %squeeze3A_1707 = vector.extract %slice3A_1706[0] : f32 from vector<1xf32>
        %add3A_1708 = arith.constant 13 : i32
        %add3A_1709 = arith.addi %mul3A_433, %add3A_1708 : i32
        %get3A_1710 = arith.index_cast %add3A_1709 : i32 to index
        %get3A_1711 = arith.constant 0 : index
        %get3A_1712 = tpu.vector_load %arg13[%get3A_1710, %get3A_1711] {strides = array<i32>} : memref<80x128xf32, #tpu.memory_space<vmem>>, vector<16xf32>,
        %mul3A_1713 = vector.broadcast %squeeze3A_1707 : f32 to vector<16xf32>
        %mul3A_1714 = arith.mulf %get3A_1712, %mul3A_1713 : vector<16xf32>
        %add3A_1715 = arith.constant 13 : i32
        %add3A_1716 = arith.addi %mul3A_433, %add3A_1715 : i32
        %swap3A_1717 = arith.index_cast %add3A_1716 : i32 to index
        %swap3A_1718 = arith.constant 0 : index
        %swap3A_1719 = tpu.vector_load %arg13[%swap3A_1717, %swap3A_1718] {strides = array<i32>} : memref<80x128xf32, #tpu.memory_space<vmem>>, vector<16xf32>,
        tpu.vector_store %arg13[%swap3A_1717, %swap3A_1718], %mul3A_1714 {strides = array<i32>} : memref<80x128xf32, #tpu.memory_space<vmem>>, vector<16xf32>,
        %add3A_1720 = arith.constant 13 : i32
        %add3A_1721 = arith.addi %mul3A_433, %add3A_1720 : i32
        %get3A_1722 = arith.index_cast %add3A_1721 : i32 to index
        %get3A_1723 = arith.constant 16 : index
        %get3A_1724 = tpu.vector_load %arg13[%get3A_1722, %get3A_1723] {strides = array<i32>} : memref<80x128xf32, #tpu.memory_space<vmem>>, vector<16xf32>,
        %mul3A_1725 = vector.broadcast %squeeze3A_1707 : f32 to vector<16xf32>
        %mul3A_1726 = arith.mulf %get3A_1724, %mul3A_1725 : vector<16xf32>
        %add3A_1727 = arith.constant 13 : i32
        %add3A_1728 = arith.addi %mul3A_433, %add3A_1727 : i32
        %swap3A_1729 = arith.index_cast %add3A_1728 : i32 to index
        %swap3A_1730 = arith.constant 16 : index
        %swap3A_1731 = tpu.vector_load %arg13[%swap3A_1729, %swap3A_1730] {strides = array<i32>} : memref<80x128xf32, #tpu.memory_space<vmem>>, vector<16xf32>,
        tpu.vector_store %arg13[%swap3A_1729, %swap3A_1730], %mul3A_1726 {strides = array<i32>} : memref<80x128xf32, #tpu.memory_space<vmem>>, vector<16xf32>,
        %add3A_1732 = arith.constant 13 : i32
        %add3A_1733 = arith.addi %mul3A_433, %add3A_1732 : i32
        %get3A_1734 = arith.index_cast %add3A_1733 : i32 to index
        %get3A_1735 = arith.constant 32 : index
        %get3A_1736 = tpu.vector_load %arg13[%get3A_1734, %get3A_1735] {strides = array<i32>} : memref<80x128xf32, #tpu.memory_space<vmem>>, vector<16xf32>,
        %mul3A_1737 = vector.broadcast %squeeze3A_1707 : f32 to vector<16xf32>
        %mul3A_1738 = arith.mulf %get3A_1736, %mul3A_1737 : vector<16xf32>
        %add3A_1739 = arith.constant 13 : i32
        %add3A_1740 = arith.addi %mul3A_433, %add3A_1739 : i32
        %swap3A_1741 = arith.index_cast %add3A_1740 : i32 to index
        %swap3A_1742 = arith.constant 32 : index
        %swap3A_1743 = tpu.vector_load %arg13[%swap3A_1741, %swap3A_1742] {strides = array<i32>} : memref<80x128xf32, #tpu.memory_space<vmem>>, vector<16xf32>,
        tpu.vector_store %arg13[%swap3A_1741, %swap3A_1742], %mul3A_1738 {strides = array<i32>} : memref<80x128xf32, #tpu.memory_space<vmem>>, vector<16xf32>,
        %add3A_1744 = arith.constant 13 : i32
        %add3A_1745 = arith.addi %mul3A_433, %add3A_1744 : i32
        %get3A_1746 = arith.index_cast %add3A_1745 : i32 to index
        %get3A_1747 = arith.constant 48 : index
        %get3A_1748 = tpu.vector_load %arg13[%get3A_1746, %get3A_1747] {strides = array<i32>} : memref<80x128xf32, #tpu.memory_space<vmem>>, vector<16xf32>,
        %mul3A_1749 = vector.broadcast %squeeze3A_1707 : f32 to vector<16xf32>
        %mul3A_1750 = arith.mulf %get3A_1748, %mul3A_1749 : vector<16xf32>
        %add3A_1751 = arith.constant 13 : i32
        %add3A_1752 = arith.addi %mul3A_433, %add3A_1751 : i32
        %swap3A_1753 = arith.index_cast %add3A_1752 : i32 to index
        %swap3A_1754 = arith.constant 48 : index
        %swap3A_1755 = tpu.vector_load %arg13[%swap3A_1753, %swap3A_1754] {strides = array<i32>} : memref<80x128xf32, #tpu.memory_space<vmem>>, vector<16xf32>,
        tpu.vector_store %arg13[%swap3A_1753, %swap3A_1754], %mul3A_1750 {strides = array<i32>} : memref<80x128xf32, #tpu.memory_space<vmem>>, vector<16xf32>,
        %add3A_1756 = arith.constant 13 : i32
        %add3A_1757 = arith.addi %mul3A_433, %add3A_1756 : i32
        %get3A_1758 = arith.index_cast %add3A_1757 : i32 to index
        %get3A_1759 = arith.constant 64 : index
        %get3A_1760 = tpu.vector_load %arg13[%get3A_1758, %get3A_1759] {strides = array<i32>} : memref<80x128xf32, #tpu.memory_space<vmem>>, vector<16xf32>,
        %mul3A_1761 = vector.broadcast %squeeze3A_1707 : f32 to vector<16xf32>
        %mul3A_1762 = arith.mulf %get3A_1760, %mul3A_1761 : vector<16xf32>
        %add3A_1763 = arith.constant 13 : i32
        %add3A_1764 = arith.addi %mul3A_433, %add3A_1763 : i32
        %swap3A_1765 = arith.index_cast %add3A_1764 : i32 to index
        %swap3A_1766 = arith.constant 64 : index
        %swap3A_1767 = tpu.vector_load %arg13[%swap3A_1765, %swap3A_1766] {strides = array<i32>} : memref<80x128xf32, #tpu.memory_space<vmem>>, vector<16xf32>,
        tpu.vector_store %arg13[%swap3A_1765, %swap3A_1766], %mul3A_1762 {strides = array<i32>} : memref<80x128xf32, #tpu.memory_space<vmem>>, vector<16xf32>,
        %add3A_1768 = arith.constant 13 : i32
        %add3A_1769 = arith.addi %mul3A_433, %add3A_1768 : i32
        %get3A_1770 = arith.index_cast %add3A_1769 : i32 to index
        %get3A_1771 = arith.constant 80 : index
        %get3A_1772 = tpu.vector_load %arg13[%get3A_1770, %get3A_1771] {strides = array<i32>} : memref<80x128xf32, #tpu.memory_space<vmem>>, vector<16xf32>,
        %mul3A_1773 = vector.broadcast %squeeze3A_1707 : f32 to vector<16xf32>
        %mul3A_1774 = arith.mulf %get3A_1772, %mul3A_1773 : vector<16xf32>
        %add3A_1775 = arith.constant 13 : i32
        %add3A_1776 = arith.addi %mul3A_433, %add3A_1775 : i32
        %swap3A_1777 = arith.index_cast %add3A_1776 : i32 to index
        %swap3A_1778 = arith.constant 80 : index
        %swap3A_1779 = tpu.vector_load %arg13[%swap3A_1777, %swap3A_1778] {strides = array<i32>} : memref<80x128xf32, #tpu.memory_space<vmem>>, vector<16xf32>,
        tpu.vector_store %arg13[%swap3A_1777, %swap3A_1778], %mul3A_1774 {strides = array<i32>} : memref<80x128xf32, #tpu.memory_space<vmem>>, vector<16xf32>,
        %add3A_1780 = arith.constant 13 : i32
        %add3A_1781 = arith.addi %mul3A_433, %add3A_1780 : i32
        %get3A_1782 = arith.index_cast %add3A_1781 : i32 to index
        %get3A_1783 = arith.constant 96 : index
        %get3A_1784 = tpu.vector_load %arg13[%get3A_1782, %get3A_1783] {strides = array<i32>} : memref<80x128xf32, #tpu.memory_space<vmem>>, vector<16xf32>,
        %mul3A_1785 = vector.broadcast %squeeze3A_1707 : f32 to vector<16xf32>
        %mul3A_1786 = arith.mulf %get3A_1784, %mul3A_1785 : vector<16xf32>
        %add3A_1787 = arith.constant 13 : i32
        %add3A_1788 = arith.addi %mul3A_433, %add3A_1787 : i32
        %swap3A_1789 = arith.index_cast %add3A_1788 : i32 to index
        %swap3A_1790 = arith.constant 96 : index
        %swap3A_1791 = tpu.vector_load %arg13[%swap3A_1789, %swap3A_1790] {strides = array<i32>} : memref<80x128xf32, #tpu.memory_space<vmem>>, vector<16xf32>,
        tpu.vector_store %arg13[%swap3A_1789, %swap3A_1790], %mul3A_1786 {strides = array<i32>} : memref<80x128xf32, #tpu.memory_space<vmem>>, vector<16xf32>,
        %add3A_1792 = arith.constant 13 : i32
        %add3A_1793 = arith.addi %mul3A_433, %add3A_1792 : i32
        %get3A_1794 = arith.index_cast %add3A_1793 : i32 to index
        %get3A_1795 = arith.constant 112 : index
        %get3A_1796 = tpu.vector_load %arg13[%get3A_1794, %get3A_1795] {strides = array<i32>} : memref<80x128xf32, #tpu.memory_space<vmem>>, vector<16xf32>,
        %mul3A_1797 = vector.broadcast %squeeze3A_1707 : f32 to vector<16xf32>
        %mul3A_1798 = arith.mulf %get3A_1796, %mul3A_1797 : vector<16xf32>
        %add3A_1799 = arith.constant 13 : i32
        %add3A_1800 = arith.addi %mul3A_433, %add3A_1799 : i32
        %swap3A_1801 = arith.index_cast %add3A_1800 : i32 to index
        %swap3A_1802 = arith.constant 112 : index
        %swap3A_1803 = tpu.vector_load %arg13[%swap3A_1801, %swap3A_1802] {strides = array<i32>} : memref<80x128xf32, #tpu.memory_space<vmem>>, vector<16xf32>,
        tpu.vector_store %arg13[%swap3A_1801, %swap3A_1802], %mul3A_1798 {strides = array<i32>} : memref<80x128xf32, #tpu.memory_space<vmem>>, vector<16xf32>,
        %slice3A_1804 = vector.extract_strided_slice %get3A_431 {offsets = [14], sizes = [1], strides = [1]} : vector<16xf32> to vector<1xf32>
        %squeeze3A_1805 = vector.extract %slice3A_1804[0] : f32 from vector<1xf32>
        %add3A_1806 = arith.constant 14 : i32
        %add3A_1807 = arith.addi %mul3A_433, %add3A_1806 : i32
        %get3A_1808 = arith.index_cast %add3A_1807 : i32 to index
        %get3A_1809 = arith.constant 0 : index
        %get3A_1810 = tpu.vector_load %arg13[%get3A_1808, %get3A_1809] {strides = array<i32>} : memref<80x128xf32, #tpu.memory_space<vmem>>, vector<16xf32>,
        %mul3A_1811 = vector.broadcast %squeeze3A_1805 : f32 to vector<16xf32>
        %mul3A_1812 = arith.mulf %get3A_1810, %mul3A_1811 : vector<16xf32>
        %add3A_1813 = arith.constant 14 : i32
        %add3A_1814 = arith.addi %mul3A_433, %add3A_1813 : i32
        %swap3A_1815 = arith.index_cast %add3A_1814 : i32 to index
        %swap3A_1816 = arith.constant 0 : index
        %swap3A_1817 = tpu.vector_load %arg13[%swap3A_1815, %swap3A_1816] {strides = array<i32>} : memref<80x128xf32, #tpu.memory_space<vmem>>, vector<16xf32>,
        tpu.vector_store %arg13[%swap3A_1815, %swap3A_1816], %mul3A_1812 {strides = array<i32>} : memref<80x128xf32, #tpu.memory_space<vmem>>, vector<16xf32>,
        %add3A_1818 = arith.constant 14 : i32
        %add3A_1819 = arith.addi %mul3A_433, %add3A_1818 : i32
        %get3A_1820 = arith.index_cast %add3A_1819 : i32 to index
        %get3A_1821 = arith.constant 16 : index
        %get3A_1822 = tpu.vector_load %arg13[%get3A_1820, %get3A_1821] {strides = array<i32>} : memref<80x128xf32, #tpu.memory_space<vmem>>, vector<16xf32>,
        %mul3A_1823 = vector.broadcast %squeeze3A_1805 : f32 to vector<16xf32>
        %mul3A_1824 = arith.mulf %get3A_1822, %mul3A_1823 : vector<16xf32>
        %add3A_1825 = arith.constant 14 : i32
        %add3A_1826 = arith.addi %mul3A_433, %add3A_1825 : i32
        %swap3A_1827 = arith.index_cast %add3A_1826 : i32 to index
        %swap3A_1828 = arith.constant 16 : index
        %swap3A_1829 = tpu.vector_load %arg13[%swap3A_1827, %swap3A_1828] {strides = array<i32>} : memref<80x128xf32, #tpu.memory_space<vmem>>, vector<16xf32>,
        tpu.vector_store %arg13[%swap3A_1827, %swap3A_1828], %mul3A_1824 {strides = array<i32>} : memref<80x128xf32, #tpu.memory_space<vmem>>, vector<16xf32>,
        %add3A_1830 = arith.constant 14 : i32
        %add3A_1831 = arith.addi %mul3A_433, %add3A_1830 : i32
        %get3A_1832 = arith.index_cast %add3A_1831 : i32 to index
        %get3A_1833 = arith.constant 32 : index
        %get3A_1834 = tpu.vector_load %arg13[%get3A_1832, %get3A_1833] {strides = array<i32>} : memref<80x128xf32, #tpu.memory_space<vmem>>, vector<16xf32>,
        %mul3A_1835 = vector.broadcast %squeeze3A_1805 : f32 to vector<16xf32>
        %mul3A_1836 = arith.mulf %get3A_1834, %mul3A_1835 : vector<16xf32>
        %add3A_1837 = arith.constant 14 : i32
        %add3A_1838 = arith.addi %mul3A_433, %add3A_1837 : i32
        %swap3A_1839 = arith.index_cast %add3A_1838 : i32 to index
        %swap3A_1840 = arith.constant 32 : index
        %swap3A_1841 = tpu.vector_load %arg13[%swap3A_1839, %swap3A_1840] {strides = array<i32>} : memref<80x128xf32, #tpu.memory_space<vmem>>, vector<16xf32>,
        tpu.vector_store %arg13[%swap3A_1839, %swap3A_1840], %mul3A_1836 {strides = array<i32>} : memref<80x128xf32, #tpu.memory_space<vmem>>, vector<16xf32>,
        %add3A_1842 = arith.constant 14 : i32
        %add3A_1843 = arith.addi %mul3A_433, %add3A_1842 : i32
        %get3A_1844 = arith.index_cast %add3A_1843 : i32 to index
        %get3A_1845 = arith.constant 48 : index
        %get3A_1846 = tpu.vector_load %arg13[%get3A_1844, %get3A_1845] {strides = array<i32>} : memref<80x128xf32, #tpu.memory_space<vmem>>, vector<16xf32>,
        %mul3A_1847 = vector.broadcast %squeeze3A_1805 : f32 to vector<16xf32>
        %mul3A_1848 = arith.mulf %get3A_1846, %mul3A_1847 : vector<16xf32>
        %add3A_1849 = arith.constant 14 : i32
        %add3A_1850 = arith.addi %mul3A_433, %add3A_1849 : i32
        %swap3A_1851 = arith.index_cast %add3A_1850 : i32 to index
        %swap3A_1852 = arith.constant 48 : index
        %swap3A_1853 = tpu.vector_load %arg13[%swap3A_1851, %swap3A_1852] {strides = array<i32>} : memref<80x128xf32, #tpu.memory_space<vmem>>, vector<16xf32>,
        tpu.vector_store %arg13[%swap3A_1851, %swap3A_1852], %mul3A_1848 {strides = array<i32>} : memref<80x128xf32, #tpu.memory_space<vmem>>, vector<16xf32>,
        %add3A_1854 = arith.constant 14 : i32
        %add3A_1855 = arith.addi %mul3A_433, %add3A_1854 : i32
        %get3A_1856 = arith.index_cast %add3A_1855 : i32 to index
        %get3A_1857 = arith.constant 64 : index
        %get3A_1858 = tpu.vector_load %arg13[%get3A_1856, %get3A_1857] {strides = array<i32>} : memref<80x128xf32, #tpu.memory_space<vmem>>, vector<16xf32>,
        %mul3A_1859 = vector.broadcast %squeeze3A_1805 : f32 to vector<16xf32>
        %mul3A_1860 = arith.mulf %get3A_1858, %mul3A_1859 : vector<16xf32>
        %add3A_1861 = arith.constant 14 : i32
        %add3A_1862 = arith.addi %mul3A_433, %add3A_1861 : i32
        %swap3A_1863 = arith.index_cast %add3A_1862 : i32 to index
        %swap3A_1864 = arith.constant 64 : index
        %swap3A_1865 = tpu.vector_load %arg13[%swap3A_1863, %swap3A_1864] {strides = array<i32>} : memref<80x128xf32, #tpu.memory_space<vmem>>, vector<16xf32>,
        tpu.vector_store %arg13[%swap3A_1863, %swap3A_1864], %mul3A_1860 {strides = array<i32>} : memref<80x128xf32, #tpu.memory_space<vmem>>, vector<16xf32>,
        %add3A_1866 = arith.constant 14 : i32
        %add3A_1867 = arith.addi %mul3A_433, %add3A_1866 : i32
        %get3A_1868 = arith.index_cast %add3A_1867 : i32 to index
        %get3A_1869 = arith.constant 80 : index
        %get3A_1870 = tpu.vector_load %arg13[%get3A_1868, %get3A_1869] {strides = array<i32>} : memref<80x128xf32, #tpu.memory_space<vmem>>, vector<16xf32>,
        %mul3A_1871 = vector.broadcast %squeeze3A_1805 : f32 to vector<16xf32>
        %mul3A_1872 = arith.mulf %get3A_1870, %mul3A_1871 : vector<16xf32>
        %add3A_1873 = arith.constant 14 : i32
        %add3A_1874 = arith.addi %mul3A_433, %add3A_1873 : i32
        %swap3A_1875 = arith.index_cast %add3A_1874 : i32 to index
        %swap3A_1876 = arith.constant 80 : index
        %swap3A_1877 = tpu.vector_load %arg13[%swap3A_1875, %swap3A_1876] {strides = array<i32>} : memref<80x128xf32, #tpu.memory_space<vmem>>, vector<16xf32>,
        tpu.vector_store %arg13[%swap3A_1875, %swap3A_1876], %mul3A_1872 {strides = array<i32>} : memref<80x128xf32, #tpu.memory_space<vmem>>, vector<16xf32>,
        %add3A_1878 = arith.constant 14 : i32
        %add3A_1879 = arith.addi %mul3A_433, %add3A_1878 : i32
        %get3A_1880 = arith.index_cast %add3A_1879 : i32 to index
        %get3A_1881 = arith.constant 96 : index
        %get3A_1882 = tpu.vector_load %arg13[%get3A_1880, %get3A_1881] {strides = array<i32>} : memref<80x128xf32, #tpu.memory_space<vmem>>, vector<16xf32>,
        %mul3A_1883 = vector.broadcast %squeeze3A_1805 : f32 to vector<16xf32>
        %mul3A_1884 = arith.mulf %get3A_1882, %mul3A_1883 : vector<16xf32>
        %add3A_1885 = arith.constant 14 : i32
        %add3A_1886 = arith.addi %mul3A_433, %add3A_1885 : i32
        %swap3A_1887 = arith.index_cast %add3A_1886 : i32 to index
        %swap3A_1888 = arith.constant 96 : index
        %swap3A_1889 = tpu.vector_load %arg13[%swap3A_1887, %swap3A_1888] {strides = array<i32>} : memref<80x128xf32, #tpu.memory_space<vmem>>, vector<16xf32>,
        tpu.vector_store %arg13[%swap3A_1887, %swap3A_1888], %mul3A_1884 {strides = array<i32>} : memref<80x128xf32, #tpu.memory_space<vmem>>, vector<16xf32>,
        %add3A_1890 = arith.constant 14 : i32
        %add3A_1891 = arith.addi %mul3A_433, %add3A_1890 : i32
        %get3A_1892 = arith.index_cast %add3A_1891 : i32 to index
        %get3A_1893 = arith.constant 112 : index
        %get3A_1894 = tpu.vector_load %arg13[%get3A_1892, %get3A_1893] {strides = array<i32>} : memref<80x128xf32, #tpu.memory_space<vmem>>, vector<16xf32>,
        %mul3A_1895 = vector.broadcast %squeeze3A_1805 : f32 to vector<16xf32>
        %mul3A_1896 = arith.mulf %get3A_1894, %mul3A_1895 : vector<16xf32>
        %add3A_1897 = arith.constant 14 : i32
        %add3A_1898 = arith.addi %mul3A_433, %add3A_1897 : i32
        %swap3A_1899 = arith.index_cast %add3A_1898 : i32 to index
        %swap3A_1900 = arith.constant 112 : index
        %swap3A_1901 = tpu.vector_load %arg13[%swap3A_1899, %swap3A_1900] {strides = array<i32>} : memref<80x128xf32, #tpu.memory_space<vmem>>, vector<16xf32>,
        tpu.vector_store %arg13[%swap3A_1899, %swap3A_1900], %mul3A_1896 {strides = array<i32>} : memref<80x128xf32, #tpu.memory_space<vmem>>, vector<16xf32>,
        %slice3A_1902 = vector.extract_strided_slice %get3A_431 {offsets = [15], sizes = [1], strides = [1]} : vector<16xf32> to vector<1xf32>
        %squeeze3A_1903 = vector.extract %slice3A_1902[0] : f32 from vector<1xf32>
        %add3A_1904 = arith.constant 15 : i32
        %add3A_1905 = arith.addi %mul3A_433, %add3A_1904 : i32
        %get3A_1906 = arith.index_cast %add3A_1905 : i32 to index
        %get3A_1907 = arith.constant 0 : index
        %get3A_1908 = tpu.vector_load %arg13[%get3A_1906, %get3A_1907] {strides = array<i32>} : memref<80x128xf32, #tpu.memory_space<vmem>>, vector<16xf32>,
        %mul3A_1909 = vector.broadcast %squeeze3A_1903 : f32 to vector<16xf32>
        %mul3A_1910 = arith.mulf %get3A_1908, %mul3A_1909 : vector<16xf32>
        %add3A_1911 = arith.constant 15 : i32
        %add3A_1912 = arith.addi %mul3A_433, %add3A_1911 : i32
        %swap3A_1913 = arith.index_cast %add3A_1912 : i32 to index
        %swap3A_1914 = arith.constant 0 : index
        %swap3A_1915 = tpu.vector_load %arg13[%swap3A_1913, %swap3A_1914] {strides = array<i32>} : memref<80x128xf32, #tpu.memory_space<vmem>>, vector<16xf32>,
        tpu.vector_store %arg13[%swap3A_1913, %swap3A_1914], %mul3A_1910 {strides = array<i32>} : memref<80x128xf32, #tpu.memory_space<vmem>>, vector<16xf32>,
        %add3A_1916 = arith.constant 15 : i32
        %add3A_1917 = arith.addi %mul3A_433, %add3A_1916 : i32
        %get3A_1918 = arith.index_cast %add3A_1917 : i32 to index
        %get3A_1919 = arith.constant 16 : index
        %get3A_1920 = tpu.vector_load %arg13[%get3A_1918, %get3A_1919] {strides = array<i32>} : memref<80x128xf32, #tpu.memory_space<vmem>>, vector<16xf32>,
        %mul3A_1921 = vector.broadcast %squeeze3A_1903 : f32 to vector<16xf32>
        %mul3A_1922 = arith.mulf %get3A_1920, %mul3A_1921 : vector<16xf32>
        %add3A_1923 = arith.constant 15 : i32
        %add3A_1924 = arith.addi %mul3A_433, %add3A_1923 : i32
        %swap3A_1925 = arith.index_cast %add3A_1924 : i32 to index
        %swap3A_1926 = arith.constant 16 : index
        %swap3A_1927 = tpu.vector_load %arg13[%swap3A_1925, %swap3A_1926] {strides = array<i32>} : memref<80x128xf32, #tpu.memory_space<vmem>>, vector<16xf32>,
        tpu.vector_store %arg13[%swap3A_1925, %swap3A_1926], %mul3A_1922 {strides = array<i32>} : memref<80x128xf32, #tpu.memory_space<vmem>>, vector<16xf32>,
        %add3A_1928 = arith.constant 15 : i32
        %add3A_1929 = arith.addi %mul3A_433, %add3A_1928 : i32
        %get3A_1930 = arith.index_cast %add3A_1929 : i32 to index
        %get3A_1931 = arith.constant 32 : index
        %get3A_1932 = tpu.vector_load %arg13[%get3A_1930, %get3A_1931] {strides = array<i32>} : memref<80x128xf32, #tpu.memory_space<vmem>>, vector<16xf32>,
        %mul3A_1933 = vector.broadcast %squeeze3A_1903 : f32 to vector<16xf32>
        %mul3A_1934 = arith.mulf %get3A_1932, %mul3A_1933 : vector<16xf32>
        %add3A_1935 = arith.constant 15 : i32
        %add3A_1936 = arith.addi %mul3A_433, %add3A_1935 : i32
        %swap3A_1937 = arith.index_cast %add3A_1936 : i32 to index
        %swap3A_1938 = arith.constant 32 : index
        %swap3A_1939 = tpu.vector_load %arg13[%swap3A_1937, %swap3A_1938] {strides = array<i32>} : memref<80x128xf32, #tpu.memory_space<vmem>>, vector<16xf32>,
        tpu.vector_store %arg13[%swap3A_1937, %swap3A_1938], %mul3A_1934 {strides = array<i32>} : memref<80x128xf32, #tpu.memory_space<vmem>>, vector<16xf32>,
        %add3A_1940 = arith.constant 15 : i32
        %add3A_1941 = arith.addi %mul3A_433, %add3A_1940 : i32
        %get3A_1942 = arith.index_cast %add3A_1941 : i32 to index
        %get3A_1943 = arith.constant 48 : index
        %get3A_1944 = tpu.vector_load %arg13[%get3A_1942, %get3A_1943] {strides = array<i32>} : memref<80x128xf32, #tpu.memory_space<vmem>>, vector<16xf32>,
        %mul3A_1945 = vector.broadcast %squeeze3A_1903 : f32 to vector<16xf32>
        %mul3A_1946 = arith.mulf %get3A_1944, %mul3A_1945 : vector<16xf32>
        %add3A_1947 = arith.constant 15 : i32
        %add3A_1948 = arith.addi %mul3A_433, %add3A_1947 : i32
        %swap3A_1949 = arith.index_cast %add3A_1948 : i32 to index
        %swap3A_1950 = arith.constant 48 : index
        %swap3A_1951 = tpu.vector_load %arg13[%swap3A_1949, %swap3A_1950] {strides = array<i32>} : memref<80x128xf32, #tpu.memory_space<vmem>>, vector<16xf32>,
        tpu.vector_store %arg13[%swap3A_1949, %swap3A_1950], %mul3A_1946 {strides = array<i32>} : memref<80x128xf32, #tpu.memory_space<vmem>>, vector<16xf32>,
        %add3A_1952 = arith.constant 15 : i32
        %add3A_1953 = arith.addi %mul3A_433, %add3A_1952 : i32
        %get3A_1954 = arith.index_cast %add3A_1953 : i32 to index
        %get3A_1955 = arith.constant 64 : index
        %get3A_1956 = tpu.vector_load %arg13[%get3A_1954, %get3A_1955] {strides = array<i32>} : memref<80x128xf32, #tpu.memory_space<vmem>>, vector<16xf32>,
        %mul3A_1957 = vector.broadcast %squeeze3A_1903 : f32 to vector<16xf32>
        %mul3A_1958 = arith.mulf %get3A_1956, %mul3A_1957 : vector<16xf32>
        %add3A_1959 = arith.constant 15 : i32
        %add3A_1960 = arith.addi %mul3A_433, %add3A_1959 : i32
        %swap3A_1961 = arith.index_cast %add3A_1960 : i32 to index
        %swap3A_1962 = arith.constant 64 : index
        %swap3A_1963 = tpu.vector_load %arg13[%swap3A_1961, %swap3A_1962] {strides = array<i32>} : memref<80x128xf32, #tpu.memory_space<vmem>>, vector<16xf32>,
        tpu.vector_store %arg13[%swap3A_1961, %swap3A_1962], %mul3A_1958 {strides = array<i32>} : memref<80x128xf32, #tpu.memory_space<vmem>>, vector<16xf32>,
        %add3A_1964 = arith.constant 15 : i32
        %add3A_1965 = arith.addi %mul3A_433, %add3A_1964 : i32
        %get3A_1966 = arith.index_cast %add3A_1965 : i32 to index
        %get3A_1967 = arith.constant 80 : index
        %get3A_1968 = tpu.vector_load %arg13[%get3A_1966, %get3A_1967] {strides = array<i32>} : memref<80x128xf32, #tpu.memory_space<vmem>>, vector<16xf32>,
        %mul3A_1969 = vector.broadcast %squeeze3A_1903 : f32 to vector<16xf32>
        %mul3A_1970 = arith.mulf %get3A_1968, %mul3A_1969 : vector<16xf32>
        %add3A_1971 = arith.constant 15 : i32
        %add3A_1972 = arith.addi %mul3A_433, %add3A_1971 : i32
        %swap3A_1973 = arith.index_cast %add3A_1972 : i32 to index
        %swap3A_1974 = arith.constant 80 : index
        %swap3A_1975 = tpu.vector_load %arg13[%swap3A_1973, %swap3A_1974] {strides = array<i32>} : memref<80x128xf32, #tpu.memory_space<vmem>>, vector<16xf32>,
        tpu.vector_store %arg13[%swap3A_1973, %swap3A_1974], %mul3A_1970 {strides = array<i32>} : memref<80x128xf32, #tpu.memory_space<vmem>>, vector<16xf32>,
        %add3A_1976 = arith.constant 15 : i32
        %add3A_1977 = arith.addi %mul3A_433, %add3A_1976 : i32
        %get3A_1978 = arith.index_cast %add3A_1977 : i32 to index
        %get3A_1979 = arith.constant 96 : index
        %get3A_1980 = tpu.vector_load %arg13[%get3A_1978, %get3A_1979] {strides = array<i32>} : memref<80x128xf32, #tpu.memory_space<vmem>>, vector<16xf32>,
        %mul3A_1981 = vector.broadcast %squeeze3A_1903 : f32 to vector<16xf32>
        %mul3A_1982 = arith.mulf %get3A_1980, %mul3A_1981 : vector<16xf32>
        %add3A_1983 = arith.constant 15 : i32
        %add3A_1984 = arith.addi %mul3A_433, %add3A_1983 : i32
        %swap3A_1985 = arith.index_cast %add3A_1984 : i32 to index
        %swap3A_1986 = arith.constant 96 : index
        %swap3A_1987 = tpu.vector_load %arg13[%swap3A_1985, %swap3A_1986] {strides = array<i32>} : memref<80x128xf32, #tpu.memory_space<vmem>>, vector<16xf32>,
        tpu.vector_store %arg13[%swap3A_1985, %swap3A_1986], %mul3A_1982 {strides = array<i32>} : memref<80x128xf32, #tpu.memory_space<vmem>>, vector<16xf32>,
        %add3A_1988 = arith.constant 15 : i32
        %add3A_1989 = arith.addi %mul3A_433, %add3A_1988 : i32
        %get3A_1990 = arith.index_cast %add3A_1989 : i32 to index
        %get3A_1991 = arith.constant 112 : index
        %get3A_1992 = tpu.vector_load %arg13[%get3A_1990, %get3A_1991] {strides = array<i32>} : memref<80x128xf32, #tpu.memory_space<vmem>>, vector<16xf32>,
        %mul3A_1993 = vector.broadcast %squeeze3A_1903 : f32 to vector<16xf32>
        %mul3A_1994 = arith.mulf %get3A_1992, %mul3A_1993 : vector<16xf32>
        %add3A_1995 = arith.constant 15 : i32
        %add3A_1996 = arith.addi %mul3A_433, %add3A_1995 : i32
        %swap3A_1997 = arith.index_cast %add3A_1996 : i32 to index
        %swap3A_1998 = arith.constant 112 : index
        %swap3A_1999 = tpu.vector_load %arg13[%swap3A_1997, %swap3A_1998] {strides = array<i32>} : memref<80x128xf32, #tpu.memory_space<vmem>>, vector<16xf32>,
        tpu.vector_store %arg13[%swap3A_1997, %swap3A_1998], %mul3A_1994 {strides = array<i32>} : memref<80x128xf32, #tpu.memory_space<vmem>>, vector<16xf32>,
        %scan3A_2000 = arith.constant 0 : i32
        scf.yield %scan3A_2000 : i32
      }
      %scan3A_269 = arith.constant 5 : i32
      %dma_start3A_270 = arith.constant 0 : i32
      %dma_start3A_271 = arith.constant 0 : i32
      %dma_start3A_272 = tpu.memref_slice %arg6[%dma_start3A_270, %dma_start3A_271] : memref<10240x128xf32, #tpu.memory_space<vmem_shared>> -> memref<10240x128xf32, #tpu.memory_space<vmem_shared>>
      tpu.enqueue_indirect_dma source(%arg13 : memref<80x128xf32, #tpu.memory_space<vmem>>) target(%dma_start3A_272 : memref<10240x128xf32, #tpu.memory_space<vmem_shared>>) offsets(%arg9 : memref<80xi32, #tpu.memory_space<vmem>>) semaphore(%arg18 : memref<!tpu.dma_semaphore, #tpu.memory_space<semaphore_mem>>) {add = true}
      %add3A_273 = arith.constant 1 : i32
      %add3A_274 = arith.addi %mul3A_132, %add3A_273 : i32
      %dma_wait3A_275 = arith.constant 0 : i32
      %dma_wait3A_276 = arith.constant 0 : i32
      %dma_wait3A_277 = tpu.memref_slice %arg2[%dma_wait3A_275, %dma_wait3A_276] : memref<10000x128xf32, #tpu.memory_space<hbm>> -> memref<80x128xf32, #tpu.memory_space<hbm>>
      %dma_wait3A_278 = arith.constant 0 : i32
      %dma_wait3A_279 = arith.constant 0 : i32
      %dma_wait3A_280 = tpu.memref_slice %arg2[%dma_wait3A_278, %dma_wait3A_279] : memref<10000x128xf32, #tpu.memory_space<hbm>> -> memref<80x128xf32, #tpu.memory_space<hbm>>
      tpu.wait_dma2 semaphore(%arg17 : memref<!tpu.dma_semaphore, #tpu.memory_space<semaphore_mem>>) src(%dma_wait3A_280 : memref<80x128xf32, #tpu.memory_space<hbm>>) dst(%arg13 : memref<80x128xf32, #tpu.memory_space<vmem>>)
      %get3A_281 = arith.constant 0 : i32
      %get3A_282 = arith.index_cast %get3A_281 : i32 to index
      %get3A_283 = arith.constant 0 : index
      %get3A_284 = tpu.vector_load %arg8[%get3A_282, %get3A_283] {strides = array<i32>} : memref<3x80xi32, #tpu.memory_space<vmem>>, vector<16xi32>,
      %swap3A_285 = arith.constant 0 : index
      %swap3A_286 = tpu.vector_load %arg10[%swap3A_285] {strides = array<i32>} : memref<80xi32, #tpu.memory_space<vmem>>, vector<16xi32>,
      tpu.vector_store %arg10[%swap3A_285], %get3A_284 {strides = array<i32>} : memref<80xi32, #tpu.memory_space<vmem>>, vector<16xi32>,
      %get3A_287 = arith.constant 2 : i32
      %get3A_288 = arith.index_cast %get3A_287 : i32 to index
      %get3A_289 = arith.constant 0 : index
      %get3A_290 = tpu.vector_load %arg8[%get3A_288, %get3A_289] {strides = array<i32>} : memref<3x80xi32, #tpu.memory_space<vmem>>, vector<16xi32>,
      %bitcast_convert_type3A_291 = tpu.bitcast %get3A_290 : vector<16xi32> -> vector<16xf32>
      %neg3A_292 = arith.constant 0.000000e+00 : f32
      %neg3A_293 = vector.broadcast %neg3A_292 : f32 to vector<16xf32>
      %neg3A_294 = arith.subf %neg3A_293, %bitcast_convert_type3A_291 : vector<16xf32>
      %exp3A_295 = math.exp %neg3A_294 : vector<16xf32>
      %add3A_296 = arith.constant 1.000000e+00 : f32
      %add3A_297 = vector.broadcast %add3A_296 : f32 to vector<16xf32>
      %add3A_298 = arith.addf %add3A_297, %exp3A_295 : vector<16xf32>
      %div3A_299 = arith.constant 1.000000e+00 : f32
      %div3A_300 = vector.broadcast %div3A_299 : f32 to vector<16xf32>
      %div3A_301 = arith.divf %div3A_300, %add3A_298 : vector<16xf32>
      %swap3A_302 = arith.constant 0 : index
      %swap3A_303 = tpu.vector_load %arg12[%swap3A_302] {strides = array<i32>} : memref<80xf32, #tpu.memory_space<vmem>>, vector<16xf32>,
      tpu.vector_store %arg12[%swap3A_302], %div3A_301 {strides = array<i32>} : memref<80xf32, #tpu.memory_space<vmem>>, vector<16xf32>,
      tpu.vector_store_idx %arg15[%get3A_284], %div3A_301 {add = true} : memref<10000xf32, #tpu.memory_space<vmem>>[vector<16xi32>], vector<16xf32>,
      %get3A_304 = arith.constant 0 : i32
      %get3A_305 = arith.index_cast %get3A_304 : i32 to index
      %get3A_306 = arith.constant 16 : index
      %get3A_307 = tpu.vector_load %arg8[%get3A_305, %get3A_306] {strides = array<i32>} : memref<3x80xi32, #tpu.memory_space<vmem>>, vector<16xi32>,
      %swap3A_308 = arith.constant 16 : index
      %swap3A_309 = tpu.vector_load %arg10[%swap3A_308] {strides = array<i32>} : memref<80xi32, #tpu.memory_space<vmem>>, vector<16xi32>,
      tpu.vector_store %arg10[%swap3A_308], %get3A_307 {strides = array<i32>} : memref<80xi32, #tpu.memory_space<vmem>>, vector<16xi32>,
      %get3A_310 = arith.constant 2 : i32
      %get3A_311 = arith.index_cast %get3A_310 : i32 to index
      %get3A_312 = arith.constant 16 : index
      %get3A_313 = tpu.vector_load %arg8[%get3A_311, %get3A_312] {strides = array<i32>} : memref<3x80xi32, #tpu.memory_space<vmem>>, vector<16xi32>,
      %bitcast_convert_type3A_314 = tpu.bitcast %get3A_313 : vector<16xi32> -> vector<16xf32>
      %neg3A_315 = arith.constant 0.000000e+00 : f32
      %neg3A_316 = vector.broadcast %neg3A_315 : f32 to vector<16xf32>
      %neg3A_317 = arith.subf %neg3A_316, %bitcast_convert_type3A_314 : vector<16xf32>
      %exp3A_318 = math.exp %neg3A_317 : vector<16xf32>
      %add3A_319 = arith.constant 1.000000e+00 : f32
      %add3A_320 = vector.broadcast %add3A_319 : f32 to vector<16xf32>
      %add3A_321 = arith.addf %add3A_320, %exp3A_318 : vector<16xf32>
      %div3A_322 = arith.constant 1.000000e+00 : f32
      %div3A_323 = vector.broadcast %div3A_322 : f32 to vector<16xf32>
      %div3A_324 = arith.divf %div3A_323, %add3A_321 : vector<16xf32>
      %swap3A_325 = arith.constant 16 : index
      %swap3A_326 = tpu.vector_load %arg12[%swap3A_325] {strides = array<i32>} : memref<80xf32, #tpu.memory_space<vmem>>, vector<16xf32>,
      tpu.vector_store %arg12[%swap3A_325], %div3A_324 {strides = array<i32>} : memref<80xf32, #tpu.memory_space<vmem>>, vector<16xf32>,
      tpu.vector_store_idx %arg15[%get3A_307], %div3A_324 {add = true} : memref<10000xf32, #tpu.memory_space<vmem>>[vector<16xi32>], vector<16xf32>,
      %get3A_327 = arith.constant 0 : i32
      %get3A_328 = arith.index_cast %get3A_327 : i32 to index
      %get3A_329 = arith.constant 32 : index
      %get3A_330 = tpu.vector_load %arg8[%get3A_328, %get3A_329] {strides = array<i32>} : memref<3x80xi32, #tpu.memory_space<vmem>>, vector<16xi32>,
      %swap3A_331 = arith.constant 32 : index
      %swap3A_332 = tpu.vector_load %arg10[%swap3A_331] {strides = array<i32>} : memref<80xi32, #tpu.memory_space<vmem>>, vector<16xi32>,
      tpu.vector_store %arg10[%swap3A_331], %get3A_330 {strides = array<i32>} : memref<80xi32, #tpu.memory_space<vmem>>, vector<16xi32>,
      %get3A_333 = arith.constant 2 : i32
      %get3A_334 = arith.index_cast %get3A_333 : i32 to index
      %get3A_335 = arith.constant 32 : index
      %get3A_336 = tpu.vector_load %arg8[%get3A_334, %get3A_335] {strides = array<i32>} : memref<3x80xi32, #tpu.memory_space<vmem>>, vector<16xi32>,
      %bitcast_convert_type3A_337 = tpu.bitcast %get3A_336 : vector<16xi32> -> vector<16xf32>
      %neg3A_338 = arith.constant 0.000000e+00 : f32
      %neg3A_339 = vector.broadcast %neg3A_338 : f32 to vector<16xf32>
      %neg3A_340 = arith.subf %neg3A_339, %bitcast_convert_type3A_337 : vector<16xf32>
      %exp3A_341 = math.exp %neg3A_340 : vector<16xf32>
      %add3A_342 = arith.constant 1.000000e+00 : f32
      %add3A_343 = vector.broadcast %add3A_342 : f32 to vector<16xf32>
      %add3A_344 = arith.addf %add3A_343, %exp3A_341 : vector<16xf32>
      %div3A_345 = arith.constant 1.000000e+00 : f32
      %div3A_346 = vector.broadcast %div3A_345 : f32 to vector<16xf32>
      %div3A_347 = arith.divf %div3A_346, %add3A_344 : vector<16xf32>
      %swap3A_348 = arith.constant 32 : index
      %swap3A_349 = tpu.vector_load %arg12[%swap3A_348] {strides = array<i32>} : memref<80xf32, #tpu.memory_space<vmem>>, vector<16xf32>,
      tpu.vector_store %arg12[%swap3A_348], %div3A_347 {strides = array<i32>} : memref<80xf32, #tpu.memory_space<vmem>>, vector<16xf32>,
      tpu.vector_store_idx %arg15[%get3A_330], %div3A_347 {add = true} : memref<10000xf32, #tpu.memory_space<vmem>>[vector<16xi32>], vector<16xf32>,
      %get3A_350 = arith.constant 0 : i32
      %get3A_351 = arith.index_cast %get3A_350 : i32 to index
      %get3A_352 = arith.constant 48 : index
      %get3A_353 = tpu.vector_load %arg8[%get3A_351, %get3A_352] {strides = array<i32>} : memref<3x80xi32, #tpu.memory_space<vmem>>, vector<16xi32>,
      %swap3A_354 = arith.constant 48 : index
      %swap3A_355 = tpu.vector_load %arg10[%swap3A_354] {strides = array<i32>} : memref<80xi32, #tpu.memory_space<vmem>>, vector<16xi32>,
      tpu.vector_store %arg10[%swap3A_354], %get3A_353 {strides = array<i32>} : memref<80xi32, #tpu.memory_space<vmem>>, vector<16xi32>,
      %get3A_356 = arith.constant 2 : i32
      %get3A_357 = arith.index_cast %get3A_356 : i32 to index
      %get3A_358 = arith.constant 48 : index
      %get3A_359 = tpu.vector_load %arg8[%get3A_357, %get3A_358] {strides = array<i32>} : memref<3x80xi32, #tpu.memory_space<vmem>>, vector<16xi32>,
      %bitcast_convert_type3A_360 = tpu.bitcast %get3A_359 : vector<16xi32> -> vector<16xf32>
      %neg3A_361 = arith.constant 0.000000e+00 : f32
      %neg3A_362 = vector.broadcast %neg3A_361 : f32 to vector<16xf32>
      %neg3A_363 = arith.subf %neg3A_362, %bitcast_convert_type3A_360 : vector<16xf32>
      %exp3A_364 = math.exp %neg3A_363 : vector<16xf32>
      %add3A_365 = arith.constant 1.000000e+00 : f32
      %add3A_366 = vector.broadcast %add3A_365 : f32 to vector<16xf32>
      %add3A_367 = arith.addf %add3A_366, %exp3A_364 : vector<16xf32>
      %div3A_368 = arith.constant 1.000000e+00 : f32
      %div3A_369 = vector.broadcast %div3A_368 : f32 to vector<16xf32>
      %div3A_370 = arith.divf %div3A_369, %add3A_367 : vector<16xf32>
      %swap3A_371 = arith.constant 48 : index
      %swap3A_372 = tpu.vector_load %arg12[%swap3A_371] {strides = array<i32>} : memref<80xf32, #tpu.memory_space<vmem>>, vector<16xf32>,
      tpu.vector_store %arg12[%swap3A_371], %div3A_370 {strides = array<i32>} : memref<80xf32, #tpu.memory_space<vmem>>, vector<16xf32>,
      tpu.vector_store_idx %arg15[%get3A_353], %div3A_370 {add = true} : memref<10000xf32, #tpu.memory_space<vmem>>[vector<16xi32>], vector<16xf32>,
      %get3A_373 = arith.constant 0 : i32
      %get3A_374 = arith.index_cast %get3A_373 : i32 to index
      %get3A_375 = arith.constant 64 : index
      %get3A_376 = tpu.vector_load %arg8[%get3A_374, %get3A_375] {strides = array<i32>} : memref<3x80xi32, #tpu.memory_space<vmem>>, vector<16xi32>,
      %swap3A_377 = arith.constant 64 : index
      %swap3A_378 = tpu.vector_load %arg10[%swap3A_377] {strides = array<i32>} : memref<80xi32, #tpu.memory_space<vmem>>, vector<16xi32>,
      tpu.vector_store %arg10[%swap3A_377], %get3A_376 {strides = array<i32>} : memref<80xi32, #tpu.memory_space<vmem>>, vector<16xi32>,
      %get3A_379 = arith.constant 2 : i32
      %get3A_380 = arith.index_cast %get3A_379 : i32 to index
      %get3A_381 = arith.constant 64 : index
      %get3A_382 = tpu.vector_load %arg8[%get3A_380, %get3A_381] {strides = array<i32>} : memref<3x80xi32, #tpu.memory_space<vmem>>, vector<16xi32>,
      %bitcast_convert_type3A_383 = tpu.bitcast %get3A_382 : vector<16xi32> -> vector<16xf32>
      %neg3A_384 = arith.constant 0.000000e+00 : f32
      %neg3A_385 = vector.broadcast %neg3A_384 : f32 to vector<16xf32>
      %neg3A_386 = arith.subf %neg3A_385, %bitcast_convert_type3A_383 : vector<16xf32>
      %exp3A_387 = math.exp %neg3A_386 : vector<16xf32>
      %add3A_388 = arith.constant 1.000000e+00 : f32
      %add3A_389 = vector.broadcast %add3A_388 : f32 to vector<16xf32>
      %add3A_390 = arith.addf %add3A_389, %exp3A_387 : vector<16xf32>
      %div3A_391 = arith.constant 1.000000e+00 : f32
      %div3A_392 = vector.broadcast %div3A_391 : f32 to vector<16xf32>
      %div3A_393 = arith.divf %div3A_392, %add3A_390 : vector<16xf32>
      %swap3A_394 = arith.constant 64 : index
      %swap3A_395 = tpu.vector_load %arg12[%swap3A_394] {strides = array<i32>} : memref<80xf32, #tpu.memory_space<vmem>>, vector<16xf32>,
      tpu.vector_store %arg12[%swap3A_394], %div3A_393 {strides = array<i32>} : memref<80xf32, #tpu.memory_space<vmem>>, vector<16xf32>,
      tpu.vector_store_idx %arg15[%get3A_376], %div3A_393 {add = true} : memref<10000xf32, #tpu.memory_space<vmem>>[vector<16xi32>], vector<16xf32>,
      %add3A_396 = arith.constant 2 : i32
      %add3A_397 = arith.addi %add3A_274, %add3A_396 : i32
      %lt3A_398 = arith.constant 250 : i32
      %lt3A_399 = arith.cmpi slt, %add3A_397, %lt3A_398 : i32
      %convert_element_type3A_400 = arith.extui %lt3A_399 : i1 to i32
      %cond3A_401 = arith.constant 0 : i32
      %cond3A_402 = arith.cmpi ne, %convert_element_type3A_400, %cond3A_401 : i32
      scf.if %cond3A_402 {
        %add3A_426 = arith.constant 2 : i32
        %add3A_427 = arith.addi %add3A_274, %add3A_426 : i32
        %dma_start3A_428 = arith.constant 0 : i32
        %dma_start3A_429 = arith.constant 0 : i32
        %dma_start3A_430 = tpu.memref_slice %arg3[%add3A, %add3A_427, %dma_start3A_428, %dma_start3A_429] : memref<32x250x3x80xi32, #tpu.memory_space<hbm>> -> memref<1x1x3x80xi32, #tpu.memory_space<hbm>>
        %dma_start3A_431 = tpu.memref_squeeze %dma_start3A_430 : memref<1x1x3x80xi32, #tpu.memory_space<hbm>> -> memref<3x80xi32, #tpu.memory_space<hbm>>
        %dma_start3A_432 = arith.constant 0 : i32
        %dma_start3A_433 = arith.constant 0 : i32
        %dma_start3A_434 = tpu.memref_slice %arg3[%add3A, %add3A_427, %dma_start3A_432, %dma_start3A_433] : memref<32x250x3x80xi32, #tpu.memory_space<hbm>> -> memref<1x1x3x80xi32, #tpu.memory_space<hbm>>
        %dma_start3A_435 = tpu.memref_squeeze %dma_start3A_434 : memref<1x1x3x80xi32, #tpu.memory_space<hbm>> -> memref<3x80xi32, #tpu.memory_space<hbm>>
        tpu.enqueue_dma source(%dma_start3A_435 : memref<3x80xi32, #tpu.memory_space<hbm>>) target(%arg8 : memref<3x80xi32, #tpu.memory_space<vmem>>) target_semaphore(%arg16 : memref<!tpu.dma_semaphore, #tpu.memory_space<semaphore_mem>>)
      } else {
      }
      %gt3A_403 = arith.constant 0 : i32
      %gt3A_404 = arith.cmpi sgt, %add3A_274, %gt3A_403 : i32
      %convert_element_type3A_405 = arith.extui %gt3A_404 : i1 to i32
      %cond3A_406 = arith.constant 0 : i32
      %cond3A_407 = arith.cmpi ne, %convert_element_type3A_405, %cond3A_406 : i32
      scf.if %cond3A_407 {
        %dma_wait3A_426 = arith.constant 0 : i32
        %dma_wait3A_427 = arith.constant 0 : i32
        %dma_wait3A_428 = arith.constant 0 : i32
        %dma_wait3A_429 = tpu.memref_slice %arg4[%dma_wait3A_426, %dma_wait3A_427, %dma_wait3A_428] : memref<2x10240x128xf32, #tpu.memory_space<hbm>> -> memref<1x80x128xf32, #tpu.memory_space<hbm>>
        %dma_wait3A_430 = tpu.memref_squeeze %dma_wait3A_429 : memref<1x80x128xf32, #tpu.memory_space<hbm>> -> memref<80x128xf32, #tpu.memory_space<hbm>>
        %dma_wait3A_431 = arith.constant 0 : i32
        %dma_wait3A_432 = arith.constant 0 : i32
        %dma_wait3A_433 = tpu.memref_slice %arg4[%dma_wait3A_426, %dma_wait3A_431, %dma_wait3A_432] : memref<2x10240x128xf32, #tpu.memory_space<hbm>> -> memref<1x80x128xf32, #tpu.memory_space<hbm>>
        %dma_wait3A_434 = tpu.memref_squeeze %dma_wait3A_433 : memref<1x80x128xf32, #tpu.memory_space<hbm>> -> memref<80x128xf32, #tpu.memory_space<hbm>>
        tpu.wait_dma2 semaphore(%arg18 : memref<!tpu.dma_semaphore, #tpu.memory_space<semaphore_mem>>) src(%dma_wait3A_434 : memref<80x128xf32, #tpu.memory_space<hbm>>) dst(%arg13 : memref<80x128xf32, #tpu.memory_space<vmem>>)
      } else {
      }
      %add3A_408 = arith.constant 1 : i32
      %add3A_409 = arith.addi %add3A_274, %add3A_408 : i32
      %lt3A_410 = arith.constant 250 : i32
      %lt3A_411 = arith.cmpi slt, %add3A_409, %lt3A_410 : i32
      %convert_element_type3A_412 = arith.extui %lt3A_411 : i1 to i32
      %cond3A_413 = arith.constant 0 : i32
      %cond3A_414 = arith.cmpi ne, %convert_element_type3A_412, %cond3A_413 : i32
      scf.if %cond3A_414 {
        %dma_wait3A_426 = arith.constant 0 : i32
        %dma_wait3A_427 = arith.constant 0 : i32
        %dma_wait3A_428 = arith.constant 0 : i32
        %dma_wait3A_429 = arith.constant 0 : i32
        %dma_wait3A_430 = tpu.memref_slice %arg3[%dma_wait3A_426, %dma_wait3A_427, %dma_wait3A_428, %dma_wait3A_429] : memref<32x250x3x80xi32, #tpu.memory_space<hbm>> -> memref<1x1x3x80xi32, #tpu.memory_space<hbm>>
        %dma_wait3A_431 = tpu.memref_squeeze %dma_wait3A_430 : memref<1x1x3x80xi32, #tpu.memory_space<hbm>> -> memref<3x80xi32, #tpu.memory_space<hbm>>
        %dma_wait3A_432 = arith.constant 0 : i32
        %dma_wait3A_433 = arith.constant 0 : i32
        %dma_wait3A_434 = tpu.memref_slice %arg3[%dma_wait3A_426, %dma_wait3A_427, %dma_wait3A_432, %dma_wait3A_433] : memref<32x250x3x80xi32, #tpu.memory_space<hbm>> -> memref<1x1x3x80xi32, #tpu.memory_space<hbm>>
        %dma_wait3A_435 = tpu.memref_squeeze %dma_wait3A_434 : memref<1x1x3x80xi32, #tpu.memory_space<hbm>> -> memref<3x80xi32, #tpu.memory_space<hbm>>
        tpu.wait_dma2 semaphore(%arg16 : memref<!tpu.dma_semaphore, #tpu.memory_space<semaphore_mem>>) src(%dma_wait3A_435 : memref<3x80xi32, #tpu.memory_space<hbm>>) dst(%arg7 : memref<3x80xi32, #tpu.memory_space<vmem>>)
        %add3A_436 = arith.constant 1 : i32
        %add3A_437 = arith.addi %add3A_274, %add3A_436 : i32
        %dma_start3A_438 = arith.constant 1 : i32
        %dma_start3A_439 = arith.constant 0 : i32
        %dma_start3A_440 = tpu.memref_slice %arg7[%dma_start3A_438, %dma_start3A_439] : memref<3x80xi32, #tpu.memory_space<vmem>> -> memref<1x80xi32, #tpu.memory_space<vmem>>
        %dma_start3A_441 = tpu.memref_squeeze %dma_start3A_440 : memref<1x80xi32, #tpu.memory_space<vmem>> -> memref<80xi32, #tpu.memory_space<vmem>>
        %dma_start3A_442 = arith.constant 0 : i32
        %dma_start3A_443 = arith.constant 0 : i32
        %dma_start3A_444 = tpu.memref_slice %arg2[%dma_start3A_442, %dma_start3A_443] : memref<10000x128xf32, #tpu.memory_space<hbm>> -> memref<10000x128xf32, #tpu.memory_space<hbm>>
        tpu.enqueue_indirect_dma source(%dma_start3A_444 : memref<10000x128xf32, #tpu.memory_space<hbm>>) target(%arg13 : memref<80x128xf32, #tpu.memory_space<vmem>>) offsets(%dma_start3A_441 : memref<80xi32, #tpu.memory_space<vmem>>) semaphore(%arg17 : memref<!tpu.dma_semaphore, #tpu.memory_space<semaphore_mem>>)
      } else {
      }
      %scan3A_415 = arith.constant 0 : i32
      %scan3A_416 = arith.constant 0 : i32
      %scan3A_417 = arith.constant 5 : i32
      %scan3A_418 = arith.addi %scan3A_416, %scan3A_417 : i32
      %scan3A_419 = arith.constant 1 : i32
      %scan3A_420 = scf.for %scan3A_426 = %scan3A_416 to %scan3A_418 step %scan3A_419 iter_args(%scan3A_427 = %scan3A_415) -> (i32)  : i32 {
        %mul3A_428 = arith.constant 16 : i32
        %mul3A_429 = arith.muli %scan3A_426, %mul3A_428 : i32
        %multiple_of3A = tpu.assume_multiple %mul3A_429, 16 : i32
        %get3A_430 = arith.index_cast %multiple_of3A : i32 to index
        %get3A_431 = tpu.vector_load %arg12[%get3A_430] {strides = array<i32>} : memref<80xf32, #tpu.memory_space<vmem>>, vector<16xf32>,
        %mul3A_432 = arith.constant 16 : i32
        %mul3A_433 = arith.muli %scan3A_426, %mul3A_432 : i32
        %slice3A = vector.extract_strided_slice %get3A_431 {offsets = [0], sizes = [1], strides = [1]} : vector<16xf32> to vector<1xf32>
        %squeeze3A = vector.extract %slice3A[0] : f32 from vector<1xf32>
        %add3A_434 = arith.constant 0 : i32
        %add3A_435 = arith.addi %mul3A_433, %add3A_434 : i32
        %get3A_436 = arith.index_cast %add3A_435 : i32 to index
        %get3A_437 = arith.constant 0 : index
        %get3A_438 = tpu.vector_load %arg14[%get3A_436, %get3A_437] {strides = array<i32>} : memref<80x128xf32, #tpu.memory_space<vmem>>, vector<16xf32>,
        %mul3A_439 = vector.broadcast %squeeze3A : f32 to vector<16xf32>
        %mul3A_440 = arith.mulf %get3A_438, %mul3A_439 : vector<16xf32>
        %add3A_441 = arith.constant 0 : i32
        %add3A_442 = arith.addi %mul3A_433, %add3A_441 : i32
        %swap3A_443 = arith.index_cast %add3A_442 : i32 to index
        %swap3A_444 = arith.constant 0 : index
        %swap3A_445 = tpu.vector_load %arg14[%swap3A_443, %swap3A_444] {strides = array<i32>} : memref<80x128xf32, #tpu.memory_space<vmem>>, vector<16xf32>,
        tpu.vector_store %arg14[%swap3A_443, %swap3A_444], %mul3A_440 {strides = array<i32>} : memref<80x128xf32, #tpu.memory_space<vmem>>, vector<16xf32>,
        %add3A_446 = arith.constant 0 : i32
        %add3A_447 = arith.addi %mul3A_433, %add3A_446 : i32
        %get3A_448 = arith.index_cast %add3A_447 : i32 to index
        %get3A_449 = arith.constant 16 : index
        %get3A_450 = tpu.vector_load %arg14[%get3A_448, %get3A_449] {strides = array<i32>} : memref<80x128xf32, #tpu.memory_space<vmem>>, vector<16xf32>,
        %mul3A_451 = vector.broadcast %squeeze3A : f32 to vector<16xf32>
        %mul3A_452 = arith.mulf %get3A_450, %mul3A_451 : vector<16xf32>
        %add3A_453 = arith.constant 0 : i32
        %add3A_454 = arith.addi %mul3A_433, %add3A_453 : i32
        %swap3A_455 = arith.index_cast %add3A_454 : i32 to index
        %swap3A_456 = arith.constant 16 : index
        %swap3A_457 = tpu.vector_load %arg14[%swap3A_455, %swap3A_456] {strides = array<i32>} : memref<80x128xf32, #tpu.memory_space<vmem>>, vector<16xf32>,
        tpu.vector_store %arg14[%swap3A_455, %swap3A_456], %mul3A_452 {strides = array<i32>} : memref<80x128xf32, #tpu.memory_space<vmem>>, vector<16xf32>,
        %add3A_458 = arith.constant 0 : i32
        %add3A_459 = arith.addi %mul3A_433, %add3A_458 : i32
        %get3A_460 = arith.index_cast %add3A_459 : i32 to index
        %get3A_461 = arith.constant 32 : index
        %get3A_462 = tpu.vector_load %arg14[%get3A_460, %get3A_461] {strides = array<i32>} : memref<80x128xf32, #tpu.memory_space<vmem>>, vector<16xf32>,
        %mul3A_463 = vector.broadcast %squeeze3A : f32 to vector<16xf32>
        %mul3A_464 = arith.mulf %get3A_462, %mul3A_463 : vector<16xf32>
        %add3A_465 = arith.constant 0 : i32
        %add3A_466 = arith.addi %mul3A_433, %add3A_465 : i32
        %swap3A_467 = arith.index_cast %add3A_466 : i32 to index
        %swap3A_468 = arith.constant 32 : index
        %swap3A_469 = tpu.vector_load %arg14[%swap3A_467, %swap3A_468] {strides = array<i32>} : memref<80x128xf32, #tpu.memory_space<vmem>>, vector<16xf32>,
        tpu.vector_store %arg14[%swap3A_467, %swap3A_468], %mul3A_464 {strides = array<i32>} : memref<80x128xf32, #tpu.memory_space<vmem>>, vector<16xf32>,
        %add3A_470 = arith.constant 0 : i32
        %add3A_471 = arith.addi %mul3A_433, %add3A_470 : i32
        %get3A_472 = arith.index_cast %add3A_471 : i32 to index
        %get3A_473 = arith.constant 48 : index
        %get3A_474 = tpu.vector_load %arg14[%get3A_472, %get3A_473] {strides = array<i32>} : memref<80x128xf32, #tpu.memory_space<vmem>>, vector<16xf32>,
        %mul3A_475 = vector.broadcast %squeeze3A : f32 to vector<16xf32>
        %mul3A_476 = arith.mulf %get3A_474, %mul3A_475 : vector<16xf32>
        %add3A_477 = arith.constant 0 : i32
        %add3A_478 = arith.addi %mul3A_433, %add3A_477 : i32
        %swap3A_479 = arith.index_cast %add3A_478 : i32 to index
        %swap3A_480 = arith.constant 48 : index
        %swap3A_481 = tpu.vector_load %arg14[%swap3A_479, %swap3A_480] {strides = array<i32>} : memref<80x128xf32, #tpu.memory_space<vmem>>, vector<16xf32>,
        tpu.vector_store %arg14[%swap3A_479, %swap3A_480], %mul3A_476 {strides = array<i32>} : memref<80x128xf32, #tpu.memory_space<vmem>>, vector<16xf32>,
        %add3A_482 = arith.constant 0 : i32
        %add3A_483 = arith.addi %mul3A_433, %add3A_482 : i32
        %get3A_484 = arith.index_cast %add3A_483 : i32 to index
        %get3A_485 = arith.constant 64 : index
        %get3A_486 = tpu.vector_load %arg14[%get3A_484, %get3A_485] {strides = array<i32>} : memref<80x128xf32, #tpu.memory_space<vmem>>, vector<16xf32>,
        %mul3A_487 = vector.broadcast %squeeze3A : f32 to vector<16xf32>
        %mul3A_488 = arith.mulf %get3A_486, %mul3A_487 : vector<16xf32>
        %add3A_489 = arith.constant 0 : i32
        %add3A_490 = arith.addi %mul3A_433, %add3A_489 : i32
        %swap3A_491 = arith.index_cast %add3A_490 : i32 to index
        %swap3A_492 = arith.constant 64 : index
        %swap3A_493 = tpu.vector_load %arg14[%swap3A_491, %swap3A_492] {strides = array<i32>} : memref<80x128xf32, #tpu.memory_space<vmem>>, vector<16xf32>,
        tpu.vector_store %arg14[%swap3A_491, %swap3A_492], %mul3A_488 {strides = array<i32>} : memref<80x128xf32, #tpu.memory_space<vmem>>, vector<16xf32>,
        %add3A_494 = arith.constant 0 : i32
        %add3A_495 = arith.addi %mul3A_433, %add3A_494 : i32
        %get3A_496 = arith.index_cast %add3A_495 : i32 to index
        %get3A_497 = arith.constant 80 : index
        %get3A_498 = tpu.vector_load %arg14[%get3A_496, %get3A_497] {strides = array<i32>} : memref<80x128xf32, #tpu.memory_space<vmem>>, vector<16xf32>,
        %mul3A_499 = vector.broadcast %squeeze3A : f32 to vector<16xf32>
        %mul3A_500 = arith.mulf %get3A_498, %mul3A_499 : vector<16xf32>
        %add3A_501 = arith.constant 0 : i32
        %add3A_502 = arith.addi %mul3A_433, %add3A_501 : i32
        %swap3A_503 = arith.index_cast %add3A_502 : i32 to index
        %swap3A_504 = arith.constant 80 : index
        %swap3A_505 = tpu.vector_load %arg14[%swap3A_503, %swap3A_504] {strides = array<i32>} : memref<80x128xf32, #tpu.memory_space<vmem>>, vector<16xf32>,
        tpu.vector_store %arg14[%swap3A_503, %swap3A_504], %mul3A_500 {strides = array<i32>} : memref<80x128xf32, #tpu.memory_space<vmem>>, vector<16xf32>,
        %add3A_506 = arith.constant 0 : i32
        %add3A_507 = arith.addi %mul3A_433, %add3A_506 : i32
        %get3A_508 = arith.index_cast %add3A_507 : i32 to index
        %get3A_509 = arith.constant 96 : index
        %get3A_510 = tpu.vector_load %arg14[%get3A_508, %get3A_509] {strides = array<i32>} : memref<80x128xf32, #tpu.memory_space<vmem>>, vector<16xf32>,
        %mul3A_511 = vector.broadcast %squeeze3A : f32 to vector<16xf32>
        %mul3A_512 = arith.mulf %get3A_510, %mul3A_511 : vector<16xf32>
        %add3A_513 = arith.constant 0 : i32
        %add3A_514 = arith.addi %mul3A_433, %add3A_513 : i32
        %swap3A_515 = arith.index_cast %add3A_514 : i32 to index
        %swap3A_516 = arith.constant 96 : index
        %swap3A_517 = tpu.vector_load %arg14[%swap3A_515, %swap3A_516] {strides = array<i32>} : memref<80x128xf32, #tpu.memory_space<vmem>>, vector<16xf32>,
        tpu.vector_store %arg14[%swap3A_515, %swap3A_516], %mul3A_512 {strides = array<i32>} : memref<80x128xf32, #tpu.memory_space<vmem>>, vector<16xf32>,
        %add3A_518 = arith.constant 0 : i32
        %add3A_519 = arith.addi %mul3A_433, %add3A_518 : i32
        %get3A_520 = arith.index_cast %add3A_519 : i32 to index
        %get3A_521 = arith.constant 112 : index
        %get3A_522 = tpu.vector_load %arg14[%get3A_520, %get3A_521] {strides = array<i32>} : memref<80x128xf32, #tpu.memory_space<vmem>>, vector<16xf32>,
        %mul3A_523 = vector.broadcast %squeeze3A : f32 to vector<16xf32>
        %mul3A_524 = arith.mulf %get3A_522, %mul3A_523 : vector<16xf32>
        %add3A_525 = arith.constant 0 : i32
        %add3A_526 = arith.addi %mul3A_433, %add3A_525 : i32
        %swap3A_527 = arith.index_cast %add3A_526 : i32 to index
        %swap3A_528 = arith.constant 112 : index
        %swap3A_529 = tpu.vector_load %arg14[%swap3A_527, %swap3A_528] {strides = array<i32>} : memref<80x128xf32, #tpu.memory_space<vmem>>, vector<16xf32>,
        tpu.vector_store %arg14[%swap3A_527, %swap3A_528], %mul3A_524 {strides = array<i32>} : memref<80x128xf32, #tpu.memory_space<vmem>>, vector<16xf32>,
        %slice3A_530 = vector.extract_strided_slice %get3A_431 {offsets = [1], sizes = [1], strides = [1]} : vector<16xf32> to vector<1xf32>
        %squeeze3A_531 = vector.extract %slice3A_530[0] : f32 from vector<1xf32>
        %add3A_532 = arith.constant 1 : i32
        %add3A_533 = arith.addi %mul3A_433, %add3A_532 : i32
        %get3A_534 = arith.index_cast %add3A_533 : i32 to index
        %get3A_535 = arith.constant 0 : index
        %get3A_536 = tpu.vector_load %arg14[%get3A_534, %get3A_535] {strides = array<i32>} : memref<80x128xf32, #tpu.memory_space<vmem>>, vector<16xf32>,
        %mul3A_537 = vector.broadcast %squeeze3A_531 : f32 to vector<16xf32>
        %mul3A_538 = arith.mulf %get3A_536, %mul3A_537 : vector<16xf32>
        %add3A_539 = arith.constant 1 : i32
        %add3A_540 = arith.addi %mul3A_433, %add3A_539 : i32
        %swap3A_541 = arith.index_cast %add3A_540 : i32 to index
        %swap3A_542 = arith.constant 0 : index
        %swap3A_543 = tpu.vector_load %arg14[%swap3A_541, %swap3A_542] {strides = array<i32>} : memref<80x128xf32, #tpu.memory_space<vmem>>, vector<16xf32>,
        tpu.vector_store %arg14[%swap3A_541, %swap3A_542], %mul3A_538 {strides = array<i32>} : memref<80x128xf32, #tpu.memory_space<vmem>>, vector<16xf32>,
        %add3A_544 = arith.constant 1 : i32
        %add3A_545 = arith.addi %mul3A_433, %add3A_544 : i32
        %get3A_546 = arith.index_cast %add3A_545 : i32 to index
        %get3A_547 = arith.constant 16 : index
        %get3A_548 = tpu.vector_load %arg14[%get3A_546, %get3A_547] {strides = array<i32>} : memref<80x128xf32, #tpu.memory_space<vmem>>, vector<16xf32>,
        %mul3A_549 = vector.broadcast %squeeze3A_531 : f32 to vector<16xf32>
        %mul3A_550 = arith.mulf %get3A_548, %mul3A_549 : vector<16xf32>
        %add3A_551 = arith.constant 1 : i32
        %add3A_552 = arith.addi %mul3A_433, %add3A_551 : i32
        %swap3A_553 = arith.index_cast %add3A_552 : i32 to index
        %swap3A_554 = arith.constant 16 : index
        %swap3A_555 = tpu.vector_load %arg14[%swap3A_553, %swap3A_554] {strides = array<i32>} : memref<80x128xf32, #tpu.memory_space<vmem>>, vector<16xf32>,
        tpu.vector_store %arg14[%swap3A_553, %swap3A_554], %mul3A_550 {strides = array<i32>} : memref<80x128xf32, #tpu.memory_space<vmem>>, vector<16xf32>,
        %add3A_556 = arith.constant 1 : i32
        %add3A_557 = arith.addi %mul3A_433, %add3A_556 : i32
        %get3A_558 = arith.index_cast %add3A_557 : i32 to index
        %get3A_559 = arith.constant 32 : index
        %get3A_560 = tpu.vector_load %arg14[%get3A_558, %get3A_559] {strides = array<i32>} : memref<80x128xf32, #tpu.memory_space<vmem>>, vector<16xf32>,
        %mul3A_561 = vector.broadcast %squeeze3A_531 : f32 to vector<16xf32>
        %mul3A_562 = arith.mulf %get3A_560, %mul3A_561 : vector<16xf32>
        %add3A_563 = arith.constant 1 : i32
        %add3A_564 = arith.addi %mul3A_433, %add3A_563 : i32
        %swap3A_565 = arith.index_cast %add3A_564 : i32 to index
        %swap3A_566 = arith.constant 32 : index
        %swap3A_567 = tpu.vector_load %arg14[%swap3A_565, %swap3A_566] {strides = array<i32>} : memref<80x128xf32, #tpu.memory_space<vmem>>, vector<16xf32>,
        tpu.vector_store %arg14[%swap3A_565, %swap3A_566], %mul3A_562 {strides = array<i32>} : memref<80x128xf32, #tpu.memory_space<vmem>>, vector<16xf32>,
        %add3A_568 = arith.constant 1 : i32
        %add3A_569 = arith.addi %mul3A_433, %add3A_568 : i32
        %get3A_570 = arith.index_cast %add3A_569 : i32 to index
        %get3A_571 = arith.constant 48 : index
        %get3A_572 = tpu.vector_load %arg14[%get3A_570, %get3A_571] {strides = array<i32>} : memref<80x128xf32, #tpu.memory_space<vmem>>, vector<16xf32>,
        %mul3A_573 = vector.broadcast %squeeze3A_531 : f32 to vector<16xf32>
        %mul3A_574 = arith.mulf %get3A_572, %mul3A_573 : vector<16xf32>
        %add3A_575 = arith.constant 1 : i32
        %add3A_576 = arith.addi %mul3A_433, %add3A_575 : i32
        %swap3A_577 = arith.index_cast %add3A_576 : i32 to index
        %swap3A_578 = arith.constant 48 : index
        %swap3A_579 = tpu.vector_load %arg14[%swap3A_577, %swap3A_578] {strides = array<i32>} : memref<80x128xf32, #tpu.memory_space<vmem>>, vector<16xf32>,
        tpu.vector_store %arg14[%swap3A_577, %swap3A_578], %mul3A_574 {strides = array<i32>} : memref<80x128xf32, #tpu.memory_space<vmem>>, vector<16xf32>,
        %add3A_580 = arith.constant 1 : i32
        %add3A_581 = arith.addi %mul3A_433, %add3A_580 : i32
        %get3A_582 = arith.index_cast %add3A_581 : i32 to index
        %get3A_583 = arith.constant 64 : index
        %get3A_584 = tpu.vector_load %arg14[%get3A_582, %get3A_583] {strides = array<i32>} : memref<80x128xf32, #tpu.memory_space<vmem>>, vector<16xf32>,
        %mul3A_585 = vector.broadcast %squeeze3A_531 : f32 to vector<16xf32>
        %mul3A_586 = arith.mulf %get3A_584, %mul3A_585 : vector<16xf32>
        %add3A_587 = arith.constant 1 : i32
        %add3A_588 = arith.addi %mul3A_433, %add3A_587 : i32
        %swap3A_589 = arith.index_cast %add3A_588 : i32 to index
        %swap3A_590 = arith.constant 64 : index
        %swap3A_591 = tpu.vector_load %arg14[%swap3A_589, %swap3A_590] {strides = array<i32>} : memref<80x128xf32, #tpu.memory_space<vmem>>, vector<16xf32>,
        tpu.vector_store %arg14[%swap3A_589, %swap3A_590], %mul3A_586 {strides = array<i32>} : memref<80x128xf32, #tpu.memory_space<vmem>>, vector<16xf32>,
        %add3A_592 = arith.constant 1 : i32
        %add3A_593 = arith.addi %mul3A_433, %add3A_592 : i32
        %get3A_594 = arith.index_cast %add3A_593 : i32 to index
        %get3A_595 = arith.constant 80 : index
        %get3A_596 = tpu.vector_load %arg14[%get3A_594, %get3A_595] {strides = array<i32>} : memref<80x128xf32, #tpu.memory_space<vmem>>, vector<16xf32>,
        %mul3A_597 = vector.broadcast %squeeze3A_531 : f32 to vector<16xf32>
        %mul3A_598 = arith.mulf %get3A_596, %mul3A_597 : vector<16xf32>
        %add3A_599 = arith.constant 1 : i32
        %add3A_600 = arith.addi %mul3A_433, %add3A_599 : i32
        %swap3A_601 = arith.index_cast %add3A_600 : i32 to index
        %swap3A_602 = arith.constant 80 : index
        %swap3A_603 = tpu.vector_load %arg14[%swap3A_601, %swap3A_602] {strides = array<i32>} : memref<80x128xf32, #tpu.memory_space<vmem>>, vector<16xf32>,
        tpu.vector_store %arg14[%swap3A_601, %swap3A_602], %mul3A_598 {strides = array<i32>} : memref<80x128xf32, #tpu.memory_space<vmem>>, vector<16xf32>,
        %add3A_604 = arith.constant 1 : i32
        %add3A_605 = arith.addi %mul3A_433, %add3A_604 : i32
        %get3A_606 = arith.index_cast %add3A_605 : i32 to index
        %get3A_607 = arith.constant 96 : index
        %get3A_608 = tpu.vector_load %arg14[%get3A_606, %get3A_607] {strides = array<i32>} : memref<80x128xf32, #tpu.memory_space<vmem>>, vector<16xf32>,
        %mul3A_609 = vector.broadcast %squeeze3A_531 : f32 to vector<16xf32>
        %mul3A_610 = arith.mulf %get3A_608, %mul3A_609 : vector<16xf32>
        %add3A_611 = arith.constant 1 : i32
        %add3A_612 = arith.addi %mul3A_433, %add3A_611 : i32
        %swap3A_613 = arith.index_cast %add3A_612 : i32 to index
        %swap3A_614 = arith.constant 96 : index
        %swap3A_615 = tpu.vector_load %arg14[%swap3A_613, %swap3A_614] {strides = array<i32>} : memref<80x128xf32, #tpu.memory_space<vmem>>, vector<16xf32>,
        tpu.vector_store %arg14[%swap3A_613, %swap3A_614], %mul3A_610 {strides = array<i32>} : memref<80x128xf32, #tpu.memory_space<vmem>>, vector<16xf32>,
        %add3A_616 = arith.constant 1 : i32
        %add3A_617 = arith.addi %mul3A_433, %add3A_616 : i32
        %get3A_618 = arith.index_cast %add3A_617 : i32 to index
        %get3A_619 = arith.constant 112 : index
        %get3A_620 = tpu.vector_load %arg14[%get3A_618, %get3A_619] {strides = array<i32>} : memref<80x128xf32, #tpu.memory_space<vmem>>, vector<16xf32>,
        %mul3A_621 = vector.broadcast %squeeze3A_531 : f32 to vector<16xf32>
        %mul3A_622 = arith.mulf %get3A_620, %mul3A_621 : vector<16xf32>
        %add3A_623 = arith.constant 1 : i32
        %add3A_624 = arith.addi %mul3A_433, %add3A_623 : i32
        %swap3A_625 = arith.index_cast %add3A_624 : i32 to index
        %swap3A_626 = arith.constant 112 : index
        %swap3A_627 = tpu.vector_load %arg14[%swap3A_625, %swap3A_626] {strides = array<i32>} : memref<80x128xf32, #tpu.memory_space<vmem>>, vector<16xf32>,
        tpu.vector_store %arg14[%swap3A_625, %swap3A_626], %mul3A_622 {strides = array<i32>} : memref<80x128xf32, #tpu.memory_space<vmem>>, vector<16xf32>,
        %slice3A_628 = vector.extract_strided_slice %get3A_431 {offsets = [2], sizes = [1], strides = [1]} : vector<16xf32> to vector<1xf32>
        %squeeze3A_629 = vector.extract %slice3A_628[0] : f32 from vector<1xf32>
        %add3A_630 = arith.constant 2 : i32
        %add3A_631 = arith.addi %mul3A_433, %add3A_630 : i32
        %get3A_632 = arith.index_cast %add3A_631 : i32 to index
        %get3A_633 = arith.constant 0 : index
        %get3A_634 = tpu.vector_load %arg14[%get3A_632, %get3A_633] {strides = array<i32>} : memref<80x128xf32, #tpu.memory_space<vmem>>, vector<16xf32>,
        %mul3A_635 = vector.broadcast %squeeze3A_629 : f32 to vector<16xf32>
        %mul3A_636 = arith.mulf %get3A_634, %mul3A_635 : vector<16xf32>
        %add3A_637 = arith.constant 2 : i32
        %add3A_638 = arith.addi %mul3A_433, %add3A_637 : i32
        %swap3A_639 = arith.index_cast %add3A_638 : i32 to index
        %swap3A_640 = arith.constant 0 : index
        %swap3A_641 = tpu.vector_load %arg14[%swap3A_639, %swap3A_640] {strides = array<i32>} : memref<80x128xf32, #tpu.memory_space<vmem>>, vector<16xf32>,
        tpu.vector_store %arg14[%swap3A_639, %swap3A_640], %mul3A_636 {strides = array<i32>} : memref<80x128xf32, #tpu.memory_space<vmem>>, vector<16xf32>,
        %add3A_642 = arith.constant 2 : i32
        %add3A_643 = arith.addi %mul3A_433, %add3A_642 : i32
        %get3A_644 = arith.index_cast %add3A_643 : i32 to index
        %get3A_645 = arith.constant 16 : index
        %get3A_646 = tpu.vector_load %arg14[%get3A_644, %get3A_645] {strides = array<i32>} : memref<80x128xf32, #tpu.memory_space<vmem>>, vector<16xf32>,
        %mul3A_647 = vector.broadcast %squeeze3A_629 : f32 to vector<16xf32>
        %mul3A_648 = arith.mulf %get3A_646, %mul3A_647 : vector<16xf32>
        %add3A_649 = arith.constant 2 : i32
        %add3A_650 = arith.addi %mul3A_433, %add3A_649 : i32
        %swap3A_651 = arith.index_cast %add3A_650 : i32 to index
        %swap3A_652 = arith.constant 16 : index
        %swap3A_653 = tpu.vector_load %arg14[%swap3A_651, %swap3A_652] {strides = array<i32>} : memref<80x128xf32, #tpu.memory_space<vmem>>, vector<16xf32>,
        tpu.vector_store %arg14[%swap3A_651, %swap3A_652], %mul3A_648 {strides = array<i32>} : memref<80x128xf32, #tpu.memory_space<vmem>>, vector<16xf32>,
        %add3A_654 = arith.constant 2 : i32
        %add3A_655 = arith.addi %mul3A_433, %add3A_654 : i32
        %get3A_656 = arith.index_cast %add3A_655 : i32 to index
        %get3A_657 = arith.constant 32 : index
        %get3A_658 = tpu.vector_load %arg14[%get3A_656, %get3A_657] {strides = array<i32>} : memref<80x128xf32, #tpu.memory_space<vmem>>, vector<16xf32>,
        %mul3A_659 = vector.broadcast %squeeze3A_629 : f32 to vector<16xf32>
        %mul3A_660 = arith.mulf %get3A_658, %mul3A_659 : vector<16xf32>
        %add3A_661 = arith.constant 2 : i32
        %add3A_662 = arith.addi %mul3A_433, %add3A_661 : i32
        %swap3A_663 = arith.index_cast %add3A_662 : i32 to index
        %swap3A_664 = arith.constant 32 : index
        %swap3A_665 = tpu.vector_load %arg14[%swap3A_663, %swap3A_664] {strides = array<i32>} : memref<80x128xf32, #tpu.memory_space<vmem>>, vector<16xf32>,
        tpu.vector_store %arg14[%swap3A_663, %swap3A_664], %mul3A_660 {strides = array<i32>} : memref<80x128xf32, #tpu.memory_space<vmem>>, vector<16xf32>,
        %add3A_666 = arith.constant 2 : i32
        %add3A_667 = arith.addi %mul3A_433, %add3A_666 : i32
        %get3A_668 = arith.index_cast %add3A_667 : i32 to index
        %get3A_669 = arith.constant 48 : index
        %get3A_670 = tpu.vector_load %arg14[%get3A_668, %get3A_669] {strides = array<i32>} : memref<80x128xf32, #tpu.memory_space<vmem>>, vector<16xf32>,
        %mul3A_671 = vector.broadcast %squeeze3A_629 : f32 to vector<16xf32>
        %mul3A_672 = arith.mulf %get3A_670, %mul3A_671 : vector<16xf32>
        %add3A_673 = arith.constant 2 : i32
        %add3A_674 = arith.addi %mul3A_433, %add3A_673 : i32
        %swap3A_675 = arith.index_cast %add3A_674 : i32 to index
        %swap3A_676 = arith.constant 48 : index
        %swap3A_677 = tpu.vector_load %arg14[%swap3A_675, %swap3A_676] {strides = array<i32>} : memref<80x128xf32, #tpu.memory_space<vmem>>, vector<16xf32>,
        tpu.vector_store %arg14[%swap3A_675, %swap3A_676], %mul3A_672 {strides = array<i32>} : memref<80x128xf32, #tpu.memory_space<vmem>>, vector<16xf32>,
        %add3A_678 = arith.constant 2 : i32
        %add3A_679 = arith.addi %mul3A_433, %add3A_678 : i32
        %get3A_680 = arith.index_cast %add3A_679 : i32 to index
        %get3A_681 = arith.constant 64 : index
        %get3A_682 = tpu.vector_load %arg14[%get3A_680, %get3A_681] {strides = array<i32>} : memref<80x128xf32, #tpu.memory_space<vmem>>, vector<16xf32>,
        %mul3A_683 = vector.broadcast %squeeze3A_629 : f32 to vector<16xf32>
        %mul3A_684 = arith.mulf %get3A_682, %mul3A_683 : vector<16xf32>
        %add3A_685 = arith.constant 2 : i32
        %add3A_686 = arith.addi %mul3A_433, %add3A_685 : i32
        %swap3A_687 = arith.index_cast %add3A_686 : i32 to index
        %swap3A_688 = arith.constant 64 : index
        %swap3A_689 = tpu.vector_load %arg14[%swap3A_687, %swap3A_688] {strides = array<i32>} : memref<80x128xf32, #tpu.memory_space<vmem>>, vector<16xf32>,
        tpu.vector_store %arg14[%swap3A_687, %swap3A_688], %mul3A_684 {strides = array<i32>} : memref<80x128xf32, #tpu.memory_space<vmem>>, vector<16xf32>,
        %add3A_690 = arith.constant 2 : i32
        %add3A_691 = arith.addi %mul3A_433, %add3A_690 : i32
        %get3A_692 = arith.index_cast %add3A_691 : i32 to index
        %get3A_693 = arith.constant 80 : index
        %get3A_694 = tpu.vector_load %arg14[%get3A_692, %get3A_693] {strides = array<i32>} : memref<80x128xf32, #tpu.memory_space<vmem>>, vector<16xf32>,
        %mul3A_695 = vector.broadcast %squeeze3A_629 : f32 to vector<16xf32>
        %mul3A_696 = arith.mulf %get3A_694, %mul3A_695 : vector<16xf32>
        %add3A_697 = arith.constant 2 : i32
        %add3A_698 = arith.addi %mul3A_433, %add3A_697 : i32
        %swap3A_699 = arith.index_cast %add3A_698 : i32 to index
        %swap3A_700 = arith.constant 80 : index
        %swap3A_701 = tpu.vector_load %arg14[%swap3A_699, %swap3A_700] {strides = array<i32>} : memref<80x128xf32, #tpu.memory_space<vmem>>, vector<16xf32>,
        tpu.vector_store %arg14[%swap3A_699, %swap3A_700], %mul3A_696 {strides = array<i32>} : memref<80x128xf32, #tpu.memory_space<vmem>>, vector<16xf32>,
        %add3A_702 = arith.constant 2 : i32
        %add3A_703 = arith.addi %mul3A_433, %add3A_702 : i32
        %get3A_704 = arith.index_cast %add3A_703 : i32 to index
        %get3A_705 = arith.constant 96 : index
        %get3A_706 = tpu.vector_load %arg14[%get3A_704, %get3A_705] {strides = array<i32>} : memref<80x128xf32, #tpu.memory_space<vmem>>, vector<16xf32>,
        %mul3A_707 = vector.broadcast %squeeze3A_629 : f32 to vector<16xf32>
        %mul3A_708 = arith.mulf %get3A_706, %mul3A_707 : vector<16xf32>
        %add3A_709 = arith.constant 2 : i32
        %add3A_710 = arith.addi %mul3A_433, %add3A_709 : i32
        %swap3A_711 = arith.index_cast %add3A_710 : i32 to index
        %swap3A_712 = arith.constant 96 : index
        %swap3A_713 = tpu.vector_load %arg14[%swap3A_711, %swap3A_712] {strides = array<i32>} : memref<80x128xf32, #tpu.memory_space<vmem>>, vector<16xf32>,
        tpu.vector_store %arg14[%swap3A_711, %swap3A_712], %mul3A_708 {strides = array<i32>} : memref<80x128xf32, #tpu.memory_space<vmem>>, vector<16xf32>,
        %add3A_714 = arith.constant 2 : i32
        %add3A_715 = arith.addi %mul3A_433, %add3A_714 : i32
        %get3A_716 = arith.index_cast %add3A_715 : i32 to index
        %get3A_717 = arith.constant 112 : index
        %get3A_718 = tpu.vector_load %arg14[%get3A_716, %get3A_717] {strides = array<i32>} : memref<80x128xf32, #tpu.memory_space<vmem>>, vector<16xf32>,
        %mul3A_719 = vector.broadcast %squeeze3A_629 : f32 to vector<16xf32>
        %mul3A_720 = arith.mulf %get3A_718, %mul3A_719 : vector<16xf32>
        %add3A_721 = arith.constant 2 : i32
        %add3A_722 = arith.addi %mul3A_433, %add3A_721 : i32
        %swap3A_723 = arith.index_cast %add3A_722 : i32 to index
        %swap3A_724 = arith.constant 112 : index
        %swap3A_725 = tpu.vector_load %arg14[%swap3A_723, %swap3A_724] {strides = array<i32>} : memref<80x128xf32, #tpu.memory_space<vmem>>, vector<16xf32>,
        tpu.vector_store %arg14[%swap3A_723, %swap3A_724], %mul3A_720 {strides = array<i32>} : memref<80x128xf32, #tpu.memory_space<vmem>>, vector<16xf32>,
        %slice3A_726 = vector.extract_strided_slice %get3A_431 {offsets = [3], sizes = [1], strides = [1]} : vector<16xf32> to vector<1xf32>
        %squeeze3A_727 = vector.extract %slice3A_726[0] : f32 from vector<1xf32>
        %add3A_728 = arith.constant 3 : i32
        %add3A_729 = arith.addi %mul3A_433, %add3A_728 : i32
        %get3A_730 = arith.index_cast %add3A_729 : i32 to index
        %get3A_731 = arith.constant 0 : index
        %get3A_732 = tpu.vector_load %arg14[%get3A_730, %get3A_731] {strides = array<i32>} : memref<80x128xf32, #tpu.memory_space<vmem>>, vector<16xf32>,
        %mul3A_733 = vector.broadcast %squeeze3A_727 : f32 to vector<16xf32>
        %mul3A_734 = arith.mulf %get3A_732, %mul3A_733 : vector<16xf32>
        %add3A_735 = arith.constant 3 : i32
        %add3A_736 = arith.addi %mul3A_433, %add3A_735 : i32
        %swap3A_737 = arith.index_cast %add3A_736 : i32 to index
        %swap3A_738 = arith.constant 0 : index
        %swap3A_739 = tpu.vector_load %arg14[%swap3A_737, %swap3A_738] {strides = array<i32>} : memref<80x128xf32, #tpu.memory_space<vmem>>, vector<16xf32>,
        tpu.vector_store %arg14[%swap3A_737, %swap3A_738], %mul3A_734 {strides = array<i32>} : memref<80x128xf32, #tpu.memory_space<vmem>>, vector<16xf32>,
        %add3A_740 = arith.constant 3 : i32
        %add3A_741 = arith.addi %mul3A_433, %add3A_740 : i32
        %get3A_742 = arith.index_cast %add3A_741 : i32 to index
        %get3A_743 = arith.constant 16 : index
        %get3A_744 = tpu.vector_load %arg14[%get3A_742, %get3A_743] {strides = array<i32>} : memref<80x128xf32, #tpu.memory_space<vmem>>, vector<16xf32>,
        %mul3A_745 = vector.broadcast %squeeze3A_727 : f32 to vector<16xf32>
        %mul3A_746 = arith.mulf %get3A_744, %mul3A_745 : vector<16xf32>
        %add3A_747 = arith.constant 3 : i32
        %add3A_748 = arith.addi %mul3A_433, %add3A_747 : i32
        %swap3A_749 = arith.index_cast %add3A_748 : i32 to index
        %swap3A_750 = arith.constant 16 : index
        %swap3A_751 = tpu.vector_load %arg14[%swap3A_749, %swap3A_750] {strides = array<i32>} : memref<80x128xf32, #tpu.memory_space<vmem>>, vector<16xf32>,
        tpu.vector_store %arg14[%swap3A_749, %swap3A_750], %mul3A_746 {strides = array<i32>} : memref<80x128xf32, #tpu.memory_space<vmem>>, vector<16xf32>,
        %add3A_752 = arith.constant 3 : i32
        %add3A_753 = arith.addi %mul3A_433, %add3A_752 : i32
        %get3A_754 = arith.index_cast %add3A_753 : i32 to index
        %get3A_755 = arith.constant 32 : index
        %get3A_756 = tpu.vector_load %arg14[%get3A_754, %get3A_755] {strides = array<i32>} : memref<80x128xf32, #tpu.memory_space<vmem>>, vector<16xf32>,
        %mul3A_757 = vector.broadcast %squeeze3A_727 : f32 to vector<16xf32>
        %mul3A_758 = arith.mulf %get3A_756, %mul3A_757 : vector<16xf32>
        %add3A_759 = arith.constant 3 : i32
        %add3A_760 = arith.addi %mul3A_433, %add3A_759 : i32
        %swap3A_761 = arith.index_cast %add3A_760 : i32 to index
        %swap3A_762 = arith.constant 32 : index
        %swap3A_763 = tpu.vector_load %arg14[%swap3A_761, %swap3A_762] {strides = array<i32>} : memref<80x128xf32, #tpu.memory_space<vmem>>, vector<16xf32>,
        tpu.vector_store %arg14[%swap3A_761, %swap3A_762], %mul3A_758 {strides = array<i32>} : memref<80x128xf32, #tpu.memory_space<vmem>>, vector<16xf32>,
        %add3A_764 = arith.constant 3 : i32
        %add3A_765 = arith.addi %mul3A_433, %add3A_764 : i32
        %get3A_766 = arith.index_cast %add3A_765 : i32 to index
        %get3A_767 = arith.constant 48 : index
        %get3A_768 = tpu.vector_load %arg14[%get3A_766, %get3A_767] {strides = array<i32>} : memref<80x128xf32, #tpu.memory_space<vmem>>, vector<16xf32>,
        %mul3A_769 = vector.broadcast %squeeze3A_727 : f32 to vector<16xf32>
        %mul3A_770 = arith.mulf %get3A_768, %mul3A_769 : vector<16xf32>
        %add3A_771 = arith.constant 3 : i32
        %add3A_772 = arith.addi %mul3A_433, %add3A_771 : i32
        %swap3A_773 = arith.index_cast %add3A_772 : i32 to index
        %swap3A_774 = arith.constant 48 : index
        %swap3A_775 = tpu.vector_load %arg14[%swap3A_773, %swap3A_774] {strides = array<i32>} : memref<80x128xf32, #tpu.memory_space<vmem>>, vector<16xf32>,
        tpu.vector_store %arg14[%swap3A_773, %swap3A_774], %mul3A_770 {strides = array<i32>} : memref<80x128xf32, #tpu.memory_space<vmem>>, vector<16xf32>,
        %add3A_776 = arith.constant 3 : i32
        %add3A_777 = arith.addi %mul3A_433, %add3A_776 : i32
        %get3A_778 = arith.index_cast %add3A_777 : i32 to index
        %get3A_779 = arith.constant 64 : index
        %get3A_780 = tpu.vector_load %arg14[%get3A_778, %get3A_779] {strides = array<i32>} : memref<80x128xf32, #tpu.memory_space<vmem>>, vector<16xf32>,
        %mul3A_781 = vector.broadcast %squeeze3A_727 : f32 to vector<16xf32>
        %mul3A_782 = arith.mulf %get3A_780, %mul3A_781 : vector<16xf32>
        %add3A_783 = arith.constant 3 : i32
        %add3A_784 = arith.addi %mul3A_433, %add3A_783 : i32
        %swap3A_785 = arith.index_cast %add3A_784 : i32 to index
        %swap3A_786 = arith.constant 64 : index
        %swap3A_787 = tpu.vector_load %arg14[%swap3A_785, %swap3A_786] {strides = array<i32>} : memref<80x128xf32, #tpu.memory_space<vmem>>, vector<16xf32>,
        tpu.vector_store %arg14[%swap3A_785, %swap3A_786], %mul3A_782 {strides = array<i32>} : memref<80x128xf32, #tpu.memory_space<vmem>>, vector<16xf32>,
        %add3A_788 = arith.constant 3 : i32
        %add3A_789 = arith.addi %mul3A_433, %add3A_788 : i32
        %get3A_790 = arith.index_cast %add3A_789 : i32 to index
        %get3A_791 = arith.constant 80 : index
        %get3A_792 = tpu.vector_load %arg14[%get3A_790, %get3A_791] {strides = array<i32>} : memref<80x128xf32, #tpu.memory_space<vmem>>, vector<16xf32>,
        %mul3A_793 = vector.broadcast %squeeze3A_727 : f32 to vector<16xf32>
        %mul3A_794 = arith.mulf %get3A_792, %mul3A_793 : vector<16xf32>
        %add3A_795 = arith.constant 3 : i32
        %add3A_796 = arith.addi %mul3A_433, %add3A_795 : i32
        %swap3A_797 = arith.index_cast %add3A_796 : i32 to index
        %swap3A_798 = arith.constant 80 : index
        %swap3A_799 = tpu.vector_load %arg14[%swap3A_797, %swap3A_798] {strides = array<i32>} : memref<80x128xf32, #tpu.memory_space<vmem>>, vector<16xf32>,
        tpu.vector_store %arg14[%swap3A_797, %swap3A_798], %mul3A_794 {strides = array<i32>} : memref<80x128xf32, #tpu.memory_space<vmem>>, vector<16xf32>,
        %add3A_800 = arith.constant 3 : i32
        %add3A_801 = arith.addi %mul3A_433, %add3A_800 : i32
        %get3A_802 = arith.index_cast %add3A_801 : i32 to index
        %get3A_803 = arith.constant 96 : index
        %get3A_804 = tpu.vector_load %arg14[%get3A_802, %get3A_803] {strides = array<i32>} : memref<80x128xf32, #tpu.memory_space<vmem>>, vector<16xf32>,
        %mul3A_805 = vector.broadcast %squeeze3A_727 : f32 to vector<16xf32>
        %mul3A_806 = arith.mulf %get3A_804, %mul3A_805 : vector<16xf32>
        %add3A_807 = arith.constant 3 : i32
        %add3A_808 = arith.addi %mul3A_433, %add3A_807 : i32
        %swap3A_809 = arith.index_cast %add3A_808 : i32 to index
        %swap3A_810 = arith.constant 96 : index
        %swap3A_811 = tpu.vector_load %arg14[%swap3A_809, %swap3A_810] {strides = array<i32>} : memref<80x128xf32, #tpu.memory_space<vmem>>, vector<16xf32>,
        tpu.vector_store %arg14[%swap3A_809, %swap3A_810], %mul3A_806 {strides = array<i32>} : memref<80x128xf32, #tpu.memory_space<vmem>>, vector<16xf32>,
        %add3A_812 = arith.constant 3 : i32
        %add3A_813 = arith.addi %mul3A_433, %add3A_812 : i32
        %get3A_814 = arith.index_cast %add3A_813 : i32 to index
        %get3A_815 = arith.constant 112 : index
        %get3A_816 = tpu.vector_load %arg14[%get3A_814, %get3A_815] {strides = array<i32>} : memref<80x128xf32, #tpu.memory_space<vmem>>, vector<16xf32>,
        %mul3A_817 = vector.broadcast %squeeze3A_727 : f32 to vector<16xf32>
        %mul3A_818 = arith.mulf %get3A_816, %mul3A_817 : vector<16xf32>
        %add3A_819 = arith.constant 3 : i32
        %add3A_820 = arith.addi %mul3A_433, %add3A_819 : i32
        %swap3A_821 = arith.index_cast %add3A_820 : i32 to index
        %swap3A_822 = arith.constant 112 : index
        %swap3A_823 = tpu.vector_load %arg14[%swap3A_821, %swap3A_822] {strides = array<i32>} : memref<80x128xf32, #tpu.memory_space<vmem>>, vector<16xf32>,
        tpu.vector_store %arg14[%swap3A_821, %swap3A_822], %mul3A_818 {strides = array<i32>} : memref<80x128xf32, #tpu.memory_space<vmem>>, vector<16xf32>,
        %slice3A_824 = vector.extract_strided_slice %get3A_431 {offsets = [4], sizes = [1], strides = [1]} : vector<16xf32> to vector<1xf32>
        %squeeze3A_825 = vector.extract %slice3A_824[0] : f32 from vector<1xf32>
        %add3A_826 = arith.constant 4 : i32
        %add3A_827 = arith.addi %mul3A_433, %add3A_826 : i32
        %get3A_828 = arith.index_cast %add3A_827 : i32 to index
        %get3A_829 = arith.constant 0 : index
        %get3A_830 = tpu.vector_load %arg14[%get3A_828, %get3A_829] {strides = array<i32>} : memref<80x128xf32, #tpu.memory_space<vmem>>, vector<16xf32>,
        %mul3A_831 = vector.broadcast %squeeze3A_825 : f32 to vector<16xf32>
        %mul3A_832 = arith.mulf %get3A_830, %mul3A_831 : vector<16xf32>
        %add3A_833 = arith.constant 4 : i32
        %add3A_834 = arith.addi %mul3A_433, %add3A_833 : i32
        %swap3A_835 = arith.index_cast %add3A_834 : i32 to index
        %swap3A_836 = arith.constant 0 : index
        %swap3A_837 = tpu.vector_load %arg14[%swap3A_835, %swap3A_836] {strides = array<i32>} : memref<80x128xf32, #tpu.memory_space<vmem>>, vector<16xf32>,
        tpu.vector_store %arg14[%swap3A_835, %swap3A_836], %mul3A_832 {strides = array<i32>} : memref<80x128xf32, #tpu.memory_space<vmem>>, vector<16xf32>,
        %add3A_838 = arith.constant 4 : i32
        %add3A_839 = arith.addi %mul3A_433, %add3A_838 : i32
        %get3A_840 = arith.index_cast %add3A_839 : i32 to index
        %get3A_841 = arith.constant 16 : index
        %get3A_842 = tpu.vector_load %arg14[%get3A_840, %get3A_841] {strides = array<i32>} : memref<80x128xf32, #tpu.memory_space<vmem>>, vector<16xf32>,
        %mul3A_843 = vector.broadcast %squeeze3A_825 : f32 to vector<16xf32>
        %mul3A_844 = arith.mulf %get3A_842, %mul3A_843 : vector<16xf32>
        %add3A_845 = arith.constant 4 : i32
        %add3A_846 = arith.addi %mul3A_433, %add3A_845 : i32
        %swap3A_847 = arith.index_cast %add3A_846 : i32 to index
        %swap3A_848 = arith.constant 16 : index
        %swap3A_849 = tpu.vector_load %arg14[%swap3A_847, %swap3A_848] {strides = array<i32>} : memref<80x128xf32, #tpu.memory_space<vmem>>, vector<16xf32>,
        tpu.vector_store %arg14[%swap3A_847, %swap3A_848], %mul3A_844 {strides = array<i32>} : memref<80x128xf32, #tpu.memory_space<vmem>>, vector<16xf32>,
        %add3A_850 = arith.constant 4 : i32
        %add3A_851 = arith.addi %mul3A_433, %add3A_850 : i32
        %get3A_852 = arith.index_cast %add3A_851 : i32 to index
        %get3A_853 = arith.constant 32 : index
        %get3A_854 = tpu.vector_load %arg14[%get3A_852, %get3A_853] {strides = array<i32>} : memref<80x128xf32, #tpu.memory_space<vmem>>, vector<16xf32>,
        %mul3A_855 = vector.broadcast %squeeze3A_825 : f32 to vector<16xf32>
        %mul3A_856 = arith.mulf %get3A_854, %mul3A_855 : vector<16xf32>
        %add3A_857 = arith.constant 4 : i32
        %add3A_858 = arith.addi %mul3A_433, %add3A_857 : i32
        %swap3A_859 = arith.index_cast %add3A_858 : i32 to index
        %swap3A_860 = arith.constant 32 : index
        %swap3A_861 = tpu.vector_load %arg14[%swap3A_859, %swap3A_860] {strides = array<i32>} : memref<80x128xf32, #tpu.memory_space<vmem>>, vector<16xf32>,
        tpu.vector_store %arg14[%swap3A_859, %swap3A_860], %mul3A_856 {strides = array<i32>} : memref<80x128xf32, #tpu.memory_space<vmem>>, vector<16xf32>,
        %add3A_862 = arith.constant 4 : i32
        %add3A_863 = arith.addi %mul3A_433, %add3A_862 : i32
        %get3A_864 = arith.index_cast %add3A_863 : i32 to index
        %get3A_865 = arith.constant 48 : index
        %get3A_866 = tpu.vector_load %arg14[%get3A_864, %get3A_865] {strides = array<i32>} : memref<80x128xf32, #tpu.memory_space<vmem>>, vector<16xf32>,
        %mul3A_867 = vector.broadcast %squeeze3A_825 : f32 to vector<16xf32>
        %mul3A_868 = arith.mulf %get3A_866, %mul3A_867 : vector<16xf32>
        %add3A_869 = arith.constant 4 : i32
        %add3A_870 = arith.addi %mul3A_433, %add3A_869 : i32
        %swap3A_871 = arith.index_cast %add3A_870 : i32 to index
        %swap3A_872 = arith.constant 48 : index
        %swap3A_873 = tpu.vector_load %arg14[%swap3A_871, %swap3A_872] {strides = array<i32>} : memref<80x128xf32, #tpu.memory_space<vmem>>, vector<16xf32>,
        tpu.vector_store %arg14[%swap3A_871, %swap3A_872], %mul3A_868 {strides = array<i32>} : memref<80x128xf32, #tpu.memory_space<vmem>>, vector<16xf32>,
        %add3A_874 = arith.constant 4 : i32
        %add3A_875 = arith.addi %mul3A_433, %add3A_874 : i32
        %get3A_876 = arith.index_cast %add3A_875 : i32 to index
        %get3A_877 = arith.constant 64 : index
        %get3A_878 = tpu.vector_load %arg14[%get3A_876, %get3A_877] {strides = array<i32>} : memref<80x128xf32, #tpu.memory_space<vmem>>, vector<16xf32>,
        %mul3A_879 = vector.broadcast %squeeze3A_825 : f32 to vector<16xf32>
        %mul3A_880 = arith.mulf %get3A_878, %mul3A_879 : vector<16xf32>
        %add3A_881 = arith.constant 4 : i32
        %add3A_882 = arith.addi %mul3A_433, %add3A_881 : i32
        %swap3A_883 = arith.index_cast %add3A_882 : i32 to index
        %swap3A_884 = arith.constant 64 : index
        %swap3A_885 = tpu.vector_load %arg14[%swap3A_883, %swap3A_884] {strides = array<i32>} : memref<80x128xf32, #tpu.memory_space<vmem>>, vector<16xf32>,
        tpu.vector_store %arg14[%swap3A_883, %swap3A_884], %mul3A_880 {strides = array<i32>} : memref<80x128xf32, #tpu.memory_space<vmem>>, vector<16xf32>,
        %add3A_886 = arith.constant 4 : i32
        %add3A_887 = arith.addi %mul3A_433, %add3A_886 : i32
        %get3A_888 = arith.index_cast %add3A_887 : i32 to index
        %get3A_889 = arith.constant 80 : index
        %get3A_890 = tpu.vector_load %arg14[%get3A_888, %get3A_889] {strides = array<i32>} : memref<80x128xf32, #tpu.memory_space<vmem>>, vector<16xf32>,
        %mul3A_891 = vector.broadcast %squeeze3A_825 : f32 to vector<16xf32>
        %mul3A_892 = arith.mulf %get3A_890, %mul3A_891 : vector<16xf32>
        %add3A_893 = arith.constant 4 : i32
        %add3A_894 = arith.addi %mul3A_433, %add3A_893 : i32
        %swap3A_895 = arith.index_cast %add3A_894 : i32 to index
        %swap3A_896 = arith.constant 80 : index
        %swap3A_897 = tpu.vector_load %arg14[%swap3A_895, %swap3A_896] {strides = array<i32>} : memref<80x128xf32, #tpu.memory_space<vmem>>, vector<16xf32>,
        tpu.vector_store %arg14[%swap3A_895, %swap3A_896], %mul3A_892 {strides = array<i32>} : memref<80x128xf32, #tpu.memory_space<vmem>>, vector<16xf32>,
        %add3A_898 = arith.constant 4 : i32
        %add3A_899 = arith.addi %mul3A_433, %add3A_898 : i32
        %get3A_900 = arith.index_cast %add3A_899 : i32 to index
        %get3A_901 = arith.constant 96 : index
        %get3A_902 = tpu.vector_load %arg14[%get3A_900, %get3A_901] {strides = array<i32>} : memref<80x128xf32, #tpu.memory_space<vmem>>, vector<16xf32>,
        %mul3A_903 = vector.broadcast %squeeze3A_825 : f32 to vector<16xf32>
        %mul3A_904 = arith.mulf %get3A_902, %mul3A_903 : vector<16xf32>
        %add3A_905 = arith.constant 4 : i32
        %add3A_906 = arith.addi %mul3A_433, %add3A_905 : i32
        %swap3A_907 = arith.index_cast %add3A_906 : i32 to index
        %swap3A_908 = arith.constant 96 : index
        %swap3A_909 = tpu.vector_load %arg14[%swap3A_907, %swap3A_908] {strides = array<i32>} : memref<80x128xf32, #tpu.memory_space<vmem>>, vector<16xf32>,
        tpu.vector_store %arg14[%swap3A_907, %swap3A_908], %mul3A_904 {strides = array<i32>} : memref<80x128xf32, #tpu.memory_space<vmem>>, vector<16xf32>,
        %add3A_910 = arith.constant 4 : i32
        %add3A_911 = arith.addi %mul3A_433, %add3A_910 : i32
        %get3A_912 = arith.index_cast %add3A_911 : i32 to index
        %get3A_913 = arith.constant 112 : index
        %get3A_914 = tpu.vector_load %arg14[%get3A_912, %get3A_913] {strides = array<i32>} : memref<80x128xf32, #tpu.memory_space<vmem>>, vector<16xf32>,
        %mul3A_915 = vector.broadcast %squeeze3A_825 : f32 to vector<16xf32>
        %mul3A_916 = arith.mulf %get3A_914, %mul3A_915 : vector<16xf32>
        %add3A_917 = arith.constant 4 : i32
        %add3A_918 = arith.addi %mul3A_433, %add3A_917 : i32
        %swap3A_919 = arith.index_cast %add3A_918 : i32 to index
        %swap3A_920 = arith.constant 112 : index
        %swap3A_921 = tpu.vector_load %arg14[%swap3A_919, %swap3A_920] {strides = array<i32>} : memref<80x128xf32, #tpu.memory_space<vmem>>, vector<16xf32>,
        tpu.vector_store %arg14[%swap3A_919, %swap3A_920], %mul3A_916 {strides = array<i32>} : memref<80x128xf32, #tpu.memory_space<vmem>>, vector<16xf32>,
        %slice3A_922 = vector.extract_strided_slice %get3A_431 {offsets = [5], sizes = [1], strides = [1]} : vector<16xf32> to vector<1xf32>
        %squeeze3A_923 = vector.extract %slice3A_922[0] : f32 from vector<1xf32>
        %add3A_924 = arith.constant 5 : i32
        %add3A_925 = arith.addi %mul3A_433, %add3A_924 : i32
        %get3A_926 = arith.index_cast %add3A_925 : i32 to index
        %get3A_927 = arith.constant 0 : index
        %get3A_928 = tpu.vector_load %arg14[%get3A_926, %get3A_927] {strides = array<i32>} : memref<80x128xf32, #tpu.memory_space<vmem>>, vector<16xf32>,
        %mul3A_929 = vector.broadcast %squeeze3A_923 : f32 to vector<16xf32>
        %mul3A_930 = arith.mulf %get3A_928, %mul3A_929 : vector<16xf32>
        %add3A_931 = arith.constant 5 : i32
        %add3A_932 = arith.addi %mul3A_433, %add3A_931 : i32
        %swap3A_933 = arith.index_cast %add3A_932 : i32 to index
        %swap3A_934 = arith.constant 0 : index
        %swap3A_935 = tpu.vector_load %arg14[%swap3A_933, %swap3A_934] {strides = array<i32>} : memref<80x128xf32, #tpu.memory_space<vmem>>, vector<16xf32>,
        tpu.vector_store %arg14[%swap3A_933, %swap3A_934], %mul3A_930 {strides = array<i32>} : memref<80x128xf32, #tpu.memory_space<vmem>>, vector<16xf32>,
        %add3A_936 = arith.constant 5 : i32
        %add3A_937 = arith.addi %mul3A_433, %add3A_936 : i32
        %get3A_938 = arith.index_cast %add3A_937 : i32 to index
        %get3A_939 = arith.constant 16 : index
        %get3A_940 = tpu.vector_load %arg14[%get3A_938, %get3A_939] {strides = array<i32>} : memref<80x128xf32, #tpu.memory_space<vmem>>, vector<16xf32>,
        %mul3A_941 = vector.broadcast %squeeze3A_923 : f32 to vector<16xf32>
        %mul3A_942 = arith.mulf %get3A_940, %mul3A_941 : vector<16xf32>
        %add3A_943 = arith.constant 5 : i32
        %add3A_944 = arith.addi %mul3A_433, %add3A_943 : i32
        %swap3A_945 = arith.index_cast %add3A_944 : i32 to index
        %swap3A_946 = arith.constant 16 : index
        %swap3A_947 = tpu.vector_load %arg14[%swap3A_945, %swap3A_946] {strides = array<i32>} : memref<80x128xf32, #tpu.memory_space<vmem>>, vector<16xf32>,
        tpu.vector_store %arg14[%swap3A_945, %swap3A_946], %mul3A_942 {strides = array<i32>} : memref<80x128xf32, #tpu.memory_space<vmem>>, vector<16xf32>,
        %add3A_948 = arith.constant 5 : i32
        %add3A_949 = arith.addi %mul3A_433, %add3A_948 : i32
        %get3A_950 = arith.index_cast %add3A_949 : i32 to index
        %get3A_951 = arith.constant 32 : index
        %get3A_952 = tpu.vector_load %arg14[%get3A_950, %get3A_951] {strides = array<i32>} : memref<80x128xf32, #tpu.memory_space<vmem>>, vector<16xf32>,
        %mul3A_953 = vector.broadcast %squeeze3A_923 : f32 to vector<16xf32>
        %mul3A_954 = arith.mulf %get3A_952, %mul3A_953 : vector<16xf32>
        %add3A_955 = arith.constant 5 : i32
        %add3A_956 = arith.addi %mul3A_433, %add3A_955 : i32
        %swap3A_957 = arith.index_cast %add3A_956 : i32 to index
        %swap3A_958 = arith.constant 32 : index
        %swap3A_959 = tpu.vector_load %arg14[%swap3A_957, %swap3A_958] {strides = array<i32>} : memref<80x128xf32, #tpu.memory_space<vmem>>, vector<16xf32>,
        tpu.vector_store %arg14[%swap3A_957, %swap3A_958], %mul3A_954 {strides = array<i32>} : memref<80x128xf32, #tpu.memory_space<vmem>>, vector<16xf32>,
        %add3A_960 = arith.constant 5 : i32
        %add3A_961 = arith.addi %mul3A_433, %add3A_960 : i32
        %get3A_962 = arith.index_cast %add3A_961 : i32 to index
        %get3A_963 = arith.constant 48 : index
        %get3A_964 = tpu.vector_load %arg14[%get3A_962, %get3A_963] {strides = array<i32>} : memref<80x128xf32, #tpu.memory_space<vmem>>, vector<16xf32>,
        %mul3A_965 = vector.broadcast %squeeze3A_923 : f32 to vector<16xf32>
        %mul3A_966 = arith.mulf %get3A_964, %mul3A_965 : vector<16xf32>
        %add3A_967 = arith.constant 5 : i32
        %add3A_968 = arith.addi %mul3A_433, %add3A_967 : i32
        %swap3A_969 = arith.index_cast %add3A_968 : i32 to index
        %swap3A_970 = arith.constant 48 : index
        %swap3A_971 = tpu.vector_load %arg14[%swap3A_969, %swap3A_970] {strides = array<i32>} : memref<80x128xf32, #tpu.memory_space<vmem>>, vector<16xf32>,
        tpu.vector_store %arg14[%swap3A_969, %swap3A_970], %mul3A_966 {strides = array<i32>} : memref<80x128xf32, #tpu.memory_space<vmem>>, vector<16xf32>,
        %add3A_972 = arith.constant 5 : i32
        %add3A_973 = arith.addi %mul3A_433, %add3A_972 : i32
        %get3A_974 = arith.index_cast %add3A_973 : i32 to index
        %get3A_975 = arith.constant 64 : index
        %get3A_976 = tpu.vector_load %arg14[%get3A_974, %get3A_975] {strides = array<i32>} : memref<80x128xf32, #tpu.memory_space<vmem>>, vector<16xf32>,
        %mul3A_977 = vector.broadcast %squeeze3A_923 : f32 to vector<16xf32>
        %mul3A_978 = arith.mulf %get3A_976, %mul3A_977 : vector<16xf32>
        %add3A_979 = arith.constant 5 : i32
        %add3A_980 = arith.addi %mul3A_433, %add3A_979 : i32
        %swap3A_981 = arith.index_cast %add3A_980 : i32 to index
        %swap3A_982 = arith.constant 64 : index
        %swap3A_983 = tpu.vector_load %arg14[%swap3A_981, %swap3A_982] {strides = array<i32>} : memref<80x128xf32, #tpu.memory_space<vmem>>, vector<16xf32>,
        tpu.vector_store %arg14[%swap3A_981, %swap3A_982], %mul3A_978 {strides = array<i32>} : memref<80x128xf32, #tpu.memory_space<vmem>>, vector<16xf32>,
        %add3A_984 = arith.constant 5 : i32
        %add3A_985 = arith.addi %mul3A_433, %add3A_984 : i32
        %get3A_986 = arith.index_cast %add3A_985 : i32 to index
        %get3A_987 = arith.constant 80 : index
        %get3A_988 = tpu.vector_load %arg14[%get3A_986, %get3A_987] {strides = array<i32>} : memref<80x128xf32, #tpu.memory_space<vmem>>, vector<16xf32>,
        %mul3A_989 = vector.broadcast %squeeze3A_923 : f32 to vector<16xf32>
        %mul3A_990 = arith.mulf %get3A_988, %mul3A_989 : vector<16xf32>
        %add3A_991 = arith.constant 5 : i32
        %add3A_992 = arith.addi %mul3A_433, %add3A_991 : i32
        %swap3A_993 = arith.index_cast %add3A_992 : i32 to index
        %swap3A_994 = arith.constant 80 : index
        %swap3A_995 = tpu.vector_load %arg14[%swap3A_993, %swap3A_994] {strides = array<i32>} : memref<80x128xf32, #tpu.memory_space<vmem>>, vector<16xf32>,
        tpu.vector_store %arg14[%swap3A_993, %swap3A_994], %mul3A_990 {strides = array<i32>} : memref<80x128xf32, #tpu.memory_space<vmem>>, vector<16xf32>,
        %add3A_996 = arith.constant 5 : i32
        %add3A_997 = arith.addi %mul3A_433, %add3A_996 : i32
        %get3A_998 = arith.index_cast %add3A_997 : i32 to index
        %get3A_999 = arith.constant 96 : index
        %get3A_1000 = tpu.vector_load %arg14[%get3A_998, %get3A_999] {strides = array<i32>} : memref<80x128xf32, #tpu.memory_space<vmem>>, vector<16xf32>,
        %mul3A_1001 = vector.broadcast %squeeze3A_923 : f32 to vector<16xf32>
        %mul3A_1002 = arith.mulf %get3A_1000, %mul3A_1001 : vector<16xf32>
        %add3A_1003 = arith.constant 5 : i32
        %add3A_1004 = arith.addi %mul3A_433, %add3A_1003 : i32
        %swap3A_1005 = arith.index_cast %add3A_1004 : i32 to index
        %swap3A_1006 = arith.constant 96 : index
        %swap3A_1007 = tpu.vector_load %arg14[%swap3A_1005, %swap3A_1006] {strides = array<i32>} : memref<80x128xf32, #tpu.memory_space<vmem>>, vector<16xf32>,
        tpu.vector_store %arg14[%swap3A_1005, %swap3A_1006], %mul3A_1002 {strides = array<i32>} : memref<80x128xf32, #tpu.memory_space<vmem>>, vector<16xf32>,
        %add3A_1008 = arith.constant 5 : i32
        %add3A_1009 = arith.addi %mul3A_433, %add3A_1008 : i32
        %get3A_1010 = arith.index_cast %add3A_1009 : i32 to index
        %get3A_1011 = arith.constant 112 : index
        %get3A_1012 = tpu.vector_load %arg14[%get3A_1010, %get3A_1011] {strides = array<i32>} : memref<80x128xf32, #tpu.memory_space<vmem>>, vector<16xf32>,
        %mul3A_1013 = vector.broadcast %squeeze3A_923 : f32 to vector<16xf32>
        %mul3A_1014 = arith.mulf %get3A_1012, %mul3A_1013 : vector<16xf32>
        %add3A_1015 = arith.constant 5 : i32
        %add3A_1016 = arith.addi %mul3A_433, %add3A_1015 : i32
        %swap3A_1017 = arith.index_cast %add3A_1016 : i32 to index
        %swap3A_1018 = arith.constant 112 : index
        %swap3A_1019 = tpu.vector_load %arg14[%swap3A_1017, %swap3A_1018] {strides = array<i32>} : memref<80x128xf32, #tpu.memory_space<vmem>>, vector<16xf32>,
        tpu.vector_store %arg14[%swap3A_1017, %swap3A_1018], %mul3A_1014 {strides = array<i32>} : memref<80x128xf32, #tpu.memory_space<vmem>>, vector<16xf32>,
        %slice3A_1020 = vector.extract_strided_slice %get3A_431 {offsets = [6], sizes = [1], strides = [1]} : vector<16xf32> to vector<1xf32>
        %squeeze3A_1021 = vector.extract %slice3A_1020[0] : f32 from vector<1xf32>
        %add3A_1022 = arith.constant 6 : i32
        %add3A_1023 = arith.addi %mul3A_433, %add3A_1022 : i32
        %get3A_1024 = arith.index_cast %add3A_1023 : i32 to index
        %get3A_1025 = arith.constant 0 : index
        %get3A_1026 = tpu.vector_load %arg14[%get3A_1024, %get3A_1025] {strides = array<i32>} : memref<80x128xf32, #tpu.memory_space<vmem>>, vector<16xf32>,
        %mul3A_1027 = vector.broadcast %squeeze3A_1021 : f32 to vector<16xf32>
        %mul3A_1028 = arith.mulf %get3A_1026, %mul3A_1027 : vector<16xf32>
        %add3A_1029 = arith.constant 6 : i32
        %add3A_1030 = arith.addi %mul3A_433, %add3A_1029 : i32
        %swap3A_1031 = arith.index_cast %add3A_1030 : i32 to index
        %swap3A_1032 = arith.constant 0 : index
        %swap3A_1033 = tpu.vector_load %arg14[%swap3A_1031, %swap3A_1032] {strides = array<i32>} : memref<80x128xf32, #tpu.memory_space<vmem>>, vector<16xf32>,
        tpu.vector_store %arg14[%swap3A_1031, %swap3A_1032], %mul3A_1028 {strides = array<i32>} : memref<80x128xf32, #tpu.memory_space<vmem>>, vector<16xf32>,
        %add3A_1034 = arith.constant 6 : i32
        %add3A_1035 = arith.addi %mul3A_433, %add3A_1034 : i32
        %get3A_1036 = arith.index_cast %add3A_1035 : i32 to index
        %get3A_1037 = arith.constant 16 : index
        %get3A_1038 = tpu.vector_load %arg14[%get3A_1036, %get3A_1037] {strides = array<i32>} : memref<80x128xf32, #tpu.memory_space<vmem>>, vector<16xf32>,
        %mul3A_1039 = vector.broadcast %squeeze3A_1021 : f32 to vector<16xf32>
        %mul3A_1040 = arith.mulf %get3A_1038, %mul3A_1039 : vector<16xf32>
        %add3A_1041 = arith.constant 6 : i32
        %add3A_1042 = arith.addi %mul3A_433, %add3A_1041 : i32
        %swap3A_1043 = arith.index_cast %add3A_1042 : i32 to index
        %swap3A_1044 = arith.constant 16 : index
        %swap3A_1045 = tpu.vector_load %arg14[%swap3A_1043, %swap3A_1044] {strides = array<i32>} : memref<80x128xf32, #tpu.memory_space<vmem>>, vector<16xf32>,
        tpu.vector_store %arg14[%swap3A_1043, %swap3A_1044], %mul3A_1040 {strides = array<i32>} : memref<80x128xf32, #tpu.memory_space<vmem>>, vector<16xf32>,
        %add3A_1046 = arith.constant 6 : i32
        %add3A_1047 = arith.addi %mul3A_433, %add3A_1046 : i32
        %get3A_1048 = arith.index_cast %add3A_1047 : i32 to index
        %get3A_1049 = arith.constant 32 : index
        %get3A_1050 = tpu.vector_load %arg14[%get3A_1048, %get3A_1049] {strides = array<i32>} : memref<80x128xf32, #tpu.memory_space<vmem>>, vector<16xf32>,
        %mul3A_1051 = vector.broadcast %squeeze3A_1021 : f32 to vector<16xf32>
        %mul3A_1052 = arith.mulf %get3A_1050, %mul3A_1051 : vector<16xf32>
        %add3A_1053 = arith.constant 6 : i32
        %add3A_1054 = arith.addi %mul3A_433, %add3A_1053 : i32
        %swap3A_1055 = arith.index_cast %add3A_1054 : i32 to index
        %swap3A_1056 = arith.constant 32 : index
        %swap3A_1057 = tpu.vector_load %arg14[%swap3A_1055, %swap3A_1056] {strides = array<i32>} : memref<80x128xf32, #tpu.memory_space<vmem>>, vector<16xf32>,
        tpu.vector_store %arg14[%swap3A_1055, %swap3A_1056], %mul3A_1052 {strides = array<i32>} : memref<80x128xf32, #tpu.memory_space<vmem>>, vector<16xf32>,
        %add3A_1058 = arith.constant 6 : i32
        %add3A_1059 = arith.addi %mul3A_433, %add3A_1058 : i32
        %get3A_1060 = arith.index_cast %add3A_1059 : i32 to index
        %get3A_1061 = arith.constant 48 : index
        %get3A_1062 = tpu.vector_load %arg14[%get3A_1060, %get3A_1061] {strides = array<i32>} : memref<80x128xf32, #tpu.memory_space<vmem>>, vector<16xf32>,
        %mul3A_1063 = vector.broadcast %squeeze3A_1021 : f32 to vector<16xf32>
        %mul3A_1064 = arith.mulf %get3A_1062, %mul3A_1063 : vector<16xf32>
        %add3A_1065 = arith.constant 6 : i32
        %add3A_1066 = arith.addi %mul3A_433, %add3A_1065 : i32
        %swap3A_1067 = arith.index_cast %add3A_1066 : i32 to index
        %swap3A_1068 = arith.constant 48 : index
        %swap3A_1069 = tpu.vector_load %arg14[%swap3A_1067, %swap3A_1068] {strides = array<i32>} : memref<80x128xf32, #tpu.memory_space<vmem>>, vector<16xf32>,
        tpu.vector_store %arg14[%swap3A_1067, %swap3A_1068], %mul3A_1064 {strides = array<i32>} : memref<80x128xf32, #tpu.memory_space<vmem>>, vector<16xf32>,
        %add3A_1070 = arith.constant 6 : i32
        %add3A_1071 = arith.addi %mul3A_433, %add3A_1070 : i32
        %get3A_1072 = arith.index_cast %add3A_1071 : i32 to index
        %get3A_1073 = arith.constant 64 : index
        %get3A_1074 = tpu.vector_load %arg14[%get3A_1072, %get3A_1073] {strides = array<i32>} : memref<80x128xf32, #tpu.memory_space<vmem>>, vector<16xf32>,
        %mul3A_1075 = vector.broadcast %squeeze3A_1021 : f32 to vector<16xf32>
        %mul3A_1076 = arith.mulf %get3A_1074, %mul3A_1075 : vector<16xf32>
        %add3A_1077 = arith.constant 6 : i32
        %add3A_1078 = arith.addi %mul3A_433, %add3A_1077 : i32
        %swap3A_1079 = arith.index_cast %add3A_1078 : i32 to index
        %swap3A_1080 = arith.constant 64 : index
        %swap3A_1081 = tpu.vector_load %arg14[%swap3A_1079, %swap3A_1080] {strides = array<i32>} : memref<80x128xf32, #tpu.memory_space<vmem>>, vector<16xf32>,
        tpu.vector_store %arg14[%swap3A_1079, %swap3A_1080], %mul3A_1076 {strides = array<i32>} : memref<80x128xf32, #tpu.memory_space<vmem>>, vector<16xf32>,
        %add3A_1082 = arith.constant 6 : i32
        %add3A_1083 = arith.addi %mul3A_433, %add3A_1082 : i32
        %get3A_1084 = arith.index_cast %add3A_1083 : i32 to index
        %get3A_1085 = arith.constant 80 : index
        %get3A_1086 = tpu.vector_load %arg14[%get3A_1084, %get3A_1085] {strides = array<i32>} : memref<80x128xf32, #tpu.memory_space<vmem>>, vector<16xf32>,
        %mul3A_1087 = vector.broadcast %squeeze3A_1021 : f32 to vector<16xf32>
        %mul3A_1088 = arith.mulf %get3A_1086, %mul3A_1087 : vector<16xf32>
        %add3A_1089 = arith.constant 6 : i32
        %add3A_1090 = arith.addi %mul3A_433, %add3A_1089 : i32
        %swap3A_1091 = arith.index_cast %add3A_1090 : i32 to index
        %swap3A_1092 = arith.constant 80 : index
        %swap3A_1093 = tpu.vector_load %arg14[%swap3A_1091, %swap3A_1092] {strides = array<i32>} : memref<80x128xf32, #tpu.memory_space<vmem>>, vector<16xf32>,
        tpu.vector_store %arg14[%swap3A_1091, %swap3A_1092], %mul3A_1088 {strides = array<i32>} : memref<80x128xf32, #tpu.memory_space<vmem>>, vector<16xf32>,
        %add3A_1094 = arith.constant 6 : i32
        %add3A_1095 = arith.addi %mul3A_433, %add3A_1094 : i32
        %get3A_1096 = arith.index_cast %add3A_1095 : i32 to index
        %get3A_1097 = arith.constant 96 : index
        %get3A_1098 = tpu.vector_load %arg14[%get3A_1096, %get3A_1097] {strides = array<i32>} : memref<80x128xf32, #tpu.memory_space<vmem>>, vector<16xf32>,
        %mul3A_1099 = vector.broadcast %squeeze3A_1021 : f32 to vector<16xf32>
        %mul3A_1100 = arith.mulf %get3A_1098, %mul3A_1099 : vector<16xf32>
        %add3A_1101 = arith.constant 6 : i32
        %add3A_1102 = arith.addi %mul3A_433, %add3A_1101 : i32
        %swap3A_1103 = arith.index_cast %add3A_1102 : i32 to index
        %swap3A_1104 = arith.constant 96 : index
        %swap3A_1105 = tpu.vector_load %arg14[%swap3A_1103, %swap3A_1104] {strides = array<i32>} : memref<80x128xf32, #tpu.memory_space<vmem>>, vector<16xf32>,
        tpu.vector_store %arg14[%swap3A_1103, %swap3A_1104], %mul3A_1100 {strides = array<i32>} : memref<80x128xf32, #tpu.memory_space<vmem>>, vector<16xf32>,
        %add3A_1106 = arith.constant 6 : i32
        %add3A_1107 = arith.addi %mul3A_433, %add3A_1106 : i32
        %get3A_1108 = arith.index_cast %add3A_1107 : i32 to index
        %get3A_1109 = arith.constant 112 : index
        %get3A_1110 = tpu.vector_load %arg14[%get3A_1108, %get3A_1109] {strides = array<i32>} : memref<80x128xf32, #tpu.memory_space<vmem>>, vector<16xf32>,
        %mul3A_1111 = vector.broadcast %squeeze3A_1021 : f32 to vector<16xf32>
        %mul3A_1112 = arith.mulf %get3A_1110, %mul3A_1111 : vector<16xf32>
        %add3A_1113 = arith.constant 6 : i32
        %add3A_1114 = arith.addi %mul3A_433, %add3A_1113 : i32
        %swap3A_1115 = arith.index_cast %add3A_1114 : i32 to index
        %swap3A_1116 = arith.constant 112 : index
        %swap3A_1117 = tpu.vector_load %arg14[%swap3A_1115, %swap3A_1116] {strides = array<i32>} : memref<80x128xf32, #tpu.memory_space<vmem>>, vector<16xf32>,
        tpu.vector_store %arg14[%swap3A_1115, %swap3A_1116], %mul3A_1112 {strides = array<i32>} : memref<80x128xf32, #tpu.memory_space<vmem>>, vector<16xf32>,
        %slice3A_1118 = vector.extract_strided_slice %get3A_431 {offsets = [7], sizes = [1], strides = [1]} : vector<16xf32> to vector<1xf32>
        %squeeze3A_1119 = vector.extract %slice3A_1118[0] : f32 from vector<1xf32>
        %add3A_1120 = arith.constant 7 : i32
        %add3A_1121 = arith.addi %mul3A_433, %add3A_1120 : i32
        %get3A_1122 = arith.index_cast %add3A_1121 : i32 to index
        %get3A_1123 = arith.constant 0 : index
        %get3A_1124 = tpu.vector_load %arg14[%get3A_1122, %get3A_1123] {strides = array<i32>} : memref<80x128xf32, #tpu.memory_space<vmem>>, vector<16xf32>,
        %mul3A_1125 = vector.broadcast %squeeze3A_1119 : f32 to vector<16xf32>
        %mul3A_1126 = arith.mulf %get3A_1124, %mul3A_1125 : vector<16xf32>
        %add3A_1127 = arith.constant 7 : i32
        %add3A_1128 = arith.addi %mul3A_433, %add3A_1127 : i32
        %swap3A_1129 = arith.index_cast %add3A_1128 : i32 to index
        %swap3A_1130 = arith.constant 0 : index
        %swap3A_1131 = tpu.vector_load %arg14[%swap3A_1129, %swap3A_1130] {strides = array<i32>} : memref<80x128xf32, #tpu.memory_space<vmem>>, vector<16xf32>,
        tpu.vector_store %arg14[%swap3A_1129, %swap3A_1130], %mul3A_1126 {strides = array<i32>} : memref<80x128xf32, #tpu.memory_space<vmem>>, vector<16xf32>,
        %add3A_1132 = arith.constant 7 : i32
        %add3A_1133 = arith.addi %mul3A_433, %add3A_1132 : i32
        %get3A_1134 = arith.index_cast %add3A_1133 : i32 to index
        %get3A_1135 = arith.constant 16 : index
        %get3A_1136 = tpu.vector_load %arg14[%get3A_1134, %get3A_1135] {strides = array<i32>} : memref<80x128xf32, #tpu.memory_space<vmem>>, vector<16xf32>,
        %mul3A_1137 = vector.broadcast %squeeze3A_1119 : f32 to vector<16xf32>
        %mul3A_1138 = arith.mulf %get3A_1136, %mul3A_1137 : vector<16xf32>
        %add3A_1139 = arith.constant 7 : i32
        %add3A_1140 = arith.addi %mul3A_433, %add3A_1139 : i32
        %swap3A_1141 = arith.index_cast %add3A_1140 : i32 to index
        %swap3A_1142 = arith.constant 16 : index
        %swap3A_1143 = tpu.vector_load %arg14[%swap3A_1141, %swap3A_1142] {strides = array<i32>} : memref<80x128xf32, #tpu.memory_space<vmem>>, vector<16xf32>,
        tpu.vector_store %arg14[%swap3A_1141, %swap3A_1142], %mul3A_1138 {strides = array<i32>} : memref<80x128xf32, #tpu.memory_space<vmem>>, vector<16xf32>,
        %add3A_1144 = arith.constant 7 : i32
        %add3A_1145 = arith.addi %mul3A_433, %add3A_1144 : i32
        %get3A_1146 = arith.index_cast %add3A_1145 : i32 to index
        %get3A_1147 = arith.constant 32 : index
        %get3A_1148 = tpu.vector_load %arg14[%get3A_1146, %get3A_1147] {strides = array<i32>} : memref<80x128xf32, #tpu.memory_space<vmem>>, vector<16xf32>,
        %mul3A_1149 = vector.broadcast %squeeze3A_1119 : f32 to vector<16xf32>
        %mul3A_1150 = arith.mulf %get3A_1148, %mul3A_1149 : vector<16xf32>
        %add3A_1151 = arith.constant 7 : i32
        %add3A_1152 = arith.addi %mul3A_433, %add3A_1151 : i32
        %swap3A_1153 = arith.index_cast %add3A_1152 : i32 to index
        %swap3A_1154 = arith.constant 32 : index
        %swap3A_1155 = tpu.vector_load %arg14[%swap3A_1153, %swap3A_1154] {strides = array<i32>} : memref<80x128xf32, #tpu.memory_space<vmem>>, vector<16xf32>,
        tpu.vector_store %arg14[%swap3A_1153, %swap3A_1154], %mul3A_1150 {strides = array<i32>} : memref<80x128xf32, #tpu.memory_space<vmem>>, vector<16xf32>,
        %add3A_1156 = arith.constant 7 : i32
        %add3A_1157 = arith.addi %mul3A_433, %add3A_1156 : i32
        %get3A_1158 = arith.index_cast %add3A_1157 : i32 to index
        %get3A_1159 = arith.constant 48 : index
        %get3A_1160 = tpu.vector_load %arg14[%get3A_1158, %get3A_1159] {strides = array<i32>} : memref<80x128xf32, #tpu.memory_space<vmem>>, vector<16xf32>,
        %mul3A_1161 = vector.broadcast %squeeze3A_1119 : f32 to vector<16xf32>
        %mul3A_1162 = arith.mulf %get3A_1160, %mul3A_1161 : vector<16xf32>
        %add3A_1163 = arith.constant 7 : i32
        %add3A_1164 = arith.addi %mul3A_433, %add3A_1163 : i32
        %swap3A_1165 = arith.index_cast %add3A_1164 : i32 to index
        %swap3A_1166 = arith.constant 48 : index
        %swap3A_1167 = tpu.vector_load %arg14[%swap3A_1165, %swap3A_1166] {strides = array<i32>} : memref<80x128xf32, #tpu.memory_space<vmem>>, vector<16xf32>,
        tpu.vector_store %arg14[%swap3A_1165, %swap3A_1166], %mul3A_1162 {strides = array<i32>} : memref<80x128xf32, #tpu.memory_space<vmem>>, vector<16xf32>,
        %add3A_1168 = arith.constant 7 : i32
        %add3A_1169 = arith.addi %mul3A_433, %add3A_1168 : i32
        %get3A_1170 = arith.index_cast %add3A_1169 : i32 to index
        %get3A_1171 = arith.constant 64 : index
        %get3A_1172 = tpu.vector_load %arg14[%get3A_1170, %get3A_1171] {strides = array<i32>} : memref<80x128xf32, #tpu.memory_space<vmem>>, vector<16xf32>,
        %mul3A_1173 = vector.broadcast %squeeze3A_1119 : f32 to vector<16xf32>
        %mul3A_1174 = arith.mulf %get3A_1172, %mul3A_1173 : vector<16xf32>
        %add3A_1175 = arith.constant 7 : i32
        %add3A_1176 = arith.addi %mul3A_433, %add3A_1175 : i32
        %swap3A_1177 = arith.index_cast %add3A_1176 : i32 to index
        %swap3A_1178 = arith.constant 64 : index
        %swap3A_1179 = tpu.vector_load %arg14[%swap3A_1177, %swap3A_1178] {strides = array<i32>} : memref<80x128xf32, #tpu.memory_space<vmem>>, vector<16xf32>,
        tpu.vector_store %arg14[%swap3A_1177, %swap3A_1178], %mul3A_1174 {strides = array<i32>} : memref<80x128xf32, #tpu.memory_space<vmem>>, vector<16xf32>,
        %add3A_1180 = arith.constant 7 : i32
        %add3A_1181 = arith.addi %mul3A_433, %add3A_1180 : i32
        %get3A_1182 = arith.index_cast %add3A_1181 : i32 to index
        %get3A_1183 = arith.constant 80 : index
        %get3A_1184 = tpu.vector_load %arg14[%get3A_1182, %get3A_1183] {strides = array<i32>} : memref<80x128xf32, #tpu.memory_space<vmem>>, vector<16xf32>,
        %mul3A_1185 = vector.broadcast %squeeze3A_1119 : f32 to vector<16xf32>
        %mul3A_1186 = arith.mulf %get3A_1184, %mul3A_1185 : vector<16xf32>
        %add3A_1187 = arith.constant 7 : i32
        %add3A_1188 = arith.addi %mul3A_433, %add3A_1187 : i32
        %swap3A_1189 = arith.index_cast %add3A_1188 : i32 to index
        %swap3A_1190 = arith.constant 80 : index
        %swap3A_1191 = tpu.vector_load %arg14[%swap3A_1189, %swap3A_1190] {strides = array<i32>} : memref<80x128xf32, #tpu.memory_space<vmem>>, vector<16xf32>,
        tpu.vector_store %arg14[%swap3A_1189, %swap3A_1190], %mul3A_1186 {strides = array<i32>} : memref<80x128xf32, #tpu.memory_space<vmem>>, vector<16xf32>,
        %add3A_1192 = arith.constant 7 : i32
        %add3A_1193 = arith.addi %mul3A_433, %add3A_1192 : i32
        %get3A_1194 = arith.index_cast %add3A_1193 : i32 to index
        %get3A_1195 = arith.constant 96 : index
        %get3A_1196 = tpu.vector_load %arg14[%get3A_1194, %get3A_1195] {strides = array<i32>} : memref<80x128xf32, #tpu.memory_space<vmem>>, vector<16xf32>,
        %mul3A_1197 = vector.broadcast %squeeze3A_1119 : f32 to vector<16xf32>
        %mul3A_1198 = arith.mulf %get3A_1196, %mul3A_1197 : vector<16xf32>
        %add3A_1199 = arith.constant 7 : i32
        %add3A_1200 = arith.addi %mul3A_433, %add3A_1199 : i32
        %swap3A_1201 = arith.index_cast %add3A_1200 : i32 to index
        %swap3A_1202 = arith.constant 96 : index
        %swap3A_1203 = tpu.vector_load %arg14[%swap3A_1201, %swap3A_1202] {strides = array<i32>} : memref<80x128xf32, #tpu.memory_space<vmem>>, vector<16xf32>,
        tpu.vector_store %arg14[%swap3A_1201, %swap3A_1202], %mul3A_1198 {strides = array<i32>} : memref<80x128xf32, #tpu.memory_space<vmem>>, vector<16xf32>,
        %add3A_1204 = arith.constant 7 : i32
        %add3A_1205 = arith.addi %mul3A_433, %add3A_1204 : i32
        %get3A_1206 = arith.index_cast %add3A_1205 : i32 to index
        %get3A_1207 = arith.constant 112 : index
        %get3A_1208 = tpu.vector_load %arg14[%get3A_1206, %get3A_1207] {strides = array<i32>} : memref<80x128xf32, #tpu.memory_space<vmem>>, vector<16xf32>,
        %mul3A_1209 = vector.broadcast %squeeze3A_1119 : f32 to vector<16xf32>
        %mul3A_1210 = arith.mulf %get3A_1208, %mul3A_1209 : vector<16xf32>
        %add3A_1211 = arith.constant 7 : i32
        %add3A_1212 = arith.addi %mul3A_433, %add3A_1211 : i32
        %swap3A_1213 = arith.index_cast %add3A_1212 : i32 to index
        %swap3A_1214 = arith.constant 112 : index
        %swap3A_1215 = tpu.vector_load %arg14[%swap3A_1213, %swap3A_1214] {strides = array<i32>} : memref<80x128xf32, #tpu.memory_space<vmem>>, vector<16xf32>,
        tpu.vector_store %arg14[%swap3A_1213, %swap3A_1214], %mul3A_1210 {strides = array<i32>} : memref<80x128xf32, #tpu.memory_space<vmem>>, vector<16xf32>,
        %slice3A_1216 = vector.extract_strided_slice %get3A_431 {offsets = [8], sizes = [1], strides = [1]} : vector<16xf32> to vector<1xf32>
        %squeeze3A_1217 = vector.extract %slice3A_1216[0] : f32 from vector<1xf32>
        %add3A_1218 = arith.constant 8 : i32
        %add3A_1219 = arith.addi %mul3A_433, %add3A_1218 : i32
        %get3A_1220 = arith.index_cast %add3A_1219 : i32 to index
        %get3A_1221 = arith.constant 0 : index
        %get3A_1222 = tpu.vector_load %arg14[%get3A_1220, %get3A_1221] {strides = array<i32>} : memref<80x128xf32, #tpu.memory_space<vmem>>, vector<16xf32>,
        %mul3A_1223 = vector.broadcast %squeeze3A_1217 : f32 to vector<16xf32>
        %mul3A_1224 = arith.mulf %get3A_1222, %mul3A_1223 : vector<16xf32>
        %add3A_1225 = arith.constant 8 : i32
        %add3A_1226 = arith.addi %mul3A_433, %add3A_1225 : i32
        %swap3A_1227 = arith.index_cast %add3A_1226 : i32 to index
        %swap3A_1228 = arith.constant 0 : index
        %swap3A_1229 = tpu.vector_load %arg14[%swap3A_1227, %swap3A_1228] {strides = array<i32>} : memref<80x128xf32, #tpu.memory_space<vmem>>, vector<16xf32>,
        tpu.vector_store %arg14[%swap3A_1227, %swap3A_1228], %mul3A_1224 {strides = array<i32>} : memref<80x128xf32, #tpu.memory_space<vmem>>, vector<16xf32>,
        %add3A_1230 = arith.constant 8 : i32
        %add3A_1231 = arith.addi %mul3A_433, %add3A_1230 : i32
        %get3A_1232 = arith.index_cast %add3A_1231 : i32 to index
        %get3A_1233 = arith.constant 16 : index
        %get3A_1234 = tpu.vector_load %arg14[%get3A_1232, %get3A_1233] {strides = array<i32>} : memref<80x128xf32, #tpu.memory_space<vmem>>, vector<16xf32>,
        %mul3A_1235 = vector.broadcast %squeeze3A_1217 : f32 to vector<16xf32>
        %mul3A_1236 = arith.mulf %get3A_1234, %mul3A_1235 : vector<16xf32>
        %add3A_1237 = arith.constant 8 : i32
        %add3A_1238 = arith.addi %mul3A_433, %add3A_1237 : i32
        %swap3A_1239 = arith.index_cast %add3A_1238 : i32 to index
        %swap3A_1240 = arith.constant 16 : index
        %swap3A_1241 = tpu.vector_load %arg14[%swap3A_1239, %swap3A_1240] {strides = array<i32>} : memref<80x128xf32, #tpu.memory_space<vmem>>, vector<16xf32>,
        tpu.vector_store %arg14[%swap3A_1239, %swap3A_1240], %mul3A_1236 {strides = array<i32>} : memref<80x128xf32, #tpu.memory_space<vmem>>, vector<16xf32>,
        %add3A_1242 = arith.constant 8 : i32
        %add3A_1243 = arith.addi %mul3A_433, %add3A_1242 : i32
        %get3A_1244 = arith.index_cast %add3A_1243 : i32 to index
        %get3A_1245 = arith.constant 32 : index
        %get3A_1246 = tpu.vector_load %arg14[%get3A_1244, %get3A_1245] {strides = array<i32>} : memref<80x128xf32, #tpu.memory_space<vmem>>, vector<16xf32>,
        %mul3A_1247 = vector.broadcast %squeeze3A_1217 : f32 to vector<16xf32>
        %mul3A_1248 = arith.mulf %get3A_1246, %mul3A_1247 : vector<16xf32>
        %add3A_1249 = arith.constant 8 : i32
        %add3A_1250 = arith.addi %mul3A_433, %add3A_1249 : i32
        %swap3A_1251 = arith.index_cast %add3A_1250 : i32 to index
        %swap3A_1252 = arith.constant 32 : index
        %swap3A_1253 = tpu.vector_load %arg14[%swap3A_1251, %swap3A_1252] {strides = array<i32>} : memref<80x128xf32, #tpu.memory_space<vmem>>, vector<16xf32>,
        tpu.vector_store %arg14[%swap3A_1251, %swap3A_1252], %mul3A_1248 {strides = array<i32>} : memref<80x128xf32, #tpu.memory_space<vmem>>, vector<16xf32>,
        %add3A_1254 = arith.constant 8 : i32
        %add3A_1255 = arith.addi %mul3A_433, %add3A_1254 : i32
        %get3A_1256 = arith.index_cast %add3A_1255 : i32 to index
        %get3A_1257 = arith.constant 48 : index
        %get3A_1258 = tpu.vector_load %arg14[%get3A_1256, %get3A_1257] {strides = array<i32>} : memref<80x128xf32, #tpu.memory_space<vmem>>, vector<16xf32>,
        %mul3A_1259 = vector.broadcast %squeeze3A_1217 : f32 to vector<16xf32>
        %mul3A_1260 = arith.mulf %get3A_1258, %mul3A_1259 : vector<16xf32>
        %add3A_1261 = arith.constant 8 : i32
        %add3A_1262 = arith.addi %mul3A_433, %add3A_1261 : i32
        %swap3A_1263 = arith.index_cast %add3A_1262 : i32 to index
        %swap3A_1264 = arith.constant 48 : index
        %swap3A_1265 = tpu.vector_load %arg14[%swap3A_1263, %swap3A_1264] {strides = array<i32>} : memref<80x128xf32, #tpu.memory_space<vmem>>, vector<16xf32>,
        tpu.vector_store %arg14[%swap3A_1263, %swap3A_1264], %mul3A_1260 {strides = array<i32>} : memref<80x128xf32, #tpu.memory_space<vmem>>, vector<16xf32>,
        %add3A_1266 = arith.constant 8 : i32
        %add3A_1267 = arith.addi %mul3A_433, %add3A_1266 : i32
        %get3A_1268 = arith.index_cast %add3A_1267 : i32 to index
        %get3A_1269 = arith.constant 64 : index
        %get3A_1270 = tpu.vector_load %arg14[%get3A_1268, %get3A_1269] {strides = array<i32>} : memref<80x128xf32, #tpu.memory_space<vmem>>, vector<16xf32>,
        %mul3A_1271 = vector.broadcast %squeeze3A_1217 : f32 to vector<16xf32>
        %mul3A_1272 = arith.mulf %get3A_1270, %mul3A_1271 : vector<16xf32>
        %add3A_1273 = arith.constant 8 : i32
        %add3A_1274 = arith.addi %mul3A_433, %add3A_1273 : i32
        %swap3A_1275 = arith.index_cast %add3A_1274 : i32 to index
        %swap3A_1276 = arith.constant 64 : index
        %swap3A_1277 = tpu.vector_load %arg14[%swap3A_1275, %swap3A_1276] {strides = array<i32>} : memref<80x128xf32, #tpu.memory_space<vmem>>, vector<16xf32>,
        tpu.vector_store %arg14[%swap3A_1275, %swap3A_1276], %mul3A_1272 {strides = array<i32>} : memref<80x128xf32, #tpu.memory_space<vmem>>, vector<16xf32>,
        %add3A_1278 = arith.constant 8 : i32
        %add3A_1279 = arith.addi %mul3A_433, %add3A_1278 : i32
        %get3A_1280 = arith.index_cast %add3A_1279 : i32 to index
        %get3A_1281 = arith.constant 80 : index
        %get3A_1282 = tpu.vector_load %arg14[%get3A_1280, %get3A_1281] {strides = array<i32>} : memref<80x128xf32, #tpu.memory_space<vmem>>, vector<16xf32>,
        %mul3A_1283 = vector.broadcast %squeeze3A_1217 : f32 to vector<16xf32>
        %mul3A_1284 = arith.mulf %get3A_1282, %mul3A_1283 : vector<16xf32>
        %add3A_1285 = arith.constant 8 : i32
        %add3A_1286 = arith.addi %mul3A_433, %add3A_1285 : i32
        %swap3A_1287 = arith.index_cast %add3A_1286 : i32 to index
        %swap3A_1288 = arith.constant 80 : index
        %swap3A_1289 = tpu.vector_load %arg14[%swap3A_1287, %swap3A_1288] {strides = array<i32>} : memref<80x128xf32, #tpu.memory_space<vmem>>, vector<16xf32>,
        tpu.vector_store %arg14[%swap3A_1287, %swap3A_1288], %mul3A_1284 {strides = array<i32>} : memref<80x128xf32, #tpu.memory_space<vmem>>, vector<16xf32>,
        %add3A_1290 = arith.constant 8 : i32
        %add3A_1291 = arith.addi %mul3A_433, %add3A_1290 : i32
        %get3A_1292 = arith.index_cast %add3A_1291 : i32 to index
        %get3A_1293 = arith.constant 96 : index
        %get3A_1294 = tpu.vector_load %arg14[%get3A_1292, %get3A_1293] {strides = array<i32>} : memref<80x128xf32, #tpu.memory_space<vmem>>, vector<16xf32>,
        %mul3A_1295 = vector.broadcast %squeeze3A_1217 : f32 to vector<16xf32>
        %mul3A_1296 = arith.mulf %get3A_1294, %mul3A_1295 : vector<16xf32>
        %add3A_1297 = arith.constant 8 : i32
        %add3A_1298 = arith.addi %mul3A_433, %add3A_1297 : i32
        %swap3A_1299 = arith.index_cast %add3A_1298 : i32 to index
        %swap3A_1300 = arith.constant 96 : index
        %swap3A_1301 = tpu.vector_load %arg14[%swap3A_1299, %swap3A_1300] {strides = array<i32>} : memref<80x128xf32, #tpu.memory_space<vmem>>, vector<16xf32>,
        tpu.vector_store %arg14[%swap3A_1299, %swap3A_1300], %mul3A_1296 {strides = array<i32>} : memref<80x128xf32, #tpu.memory_space<vmem>>, vector<16xf32>,
        %add3A_1302 = arith.constant 8 : i32
        %add3A_1303 = arith.addi %mul3A_433, %add3A_1302 : i32
        %get3A_1304 = arith.index_cast %add3A_1303 : i32 to index
        %get3A_1305 = arith.constant 112 : index
        %get3A_1306 = tpu.vector_load %arg14[%get3A_1304, %get3A_1305] {strides = array<i32>} : memref<80x128xf32, #tpu.memory_space<vmem>>, vector<16xf32>,
        %mul3A_1307 = vector.broadcast %squeeze3A_1217 : f32 to vector<16xf32>
        %mul3A_1308 = arith.mulf %get3A_1306, %mul3A_1307 : vector<16xf32>
        %add3A_1309 = arith.constant 8 : i32
        %add3A_1310 = arith.addi %mul3A_433, %add3A_1309 : i32
        %swap3A_1311 = arith.index_cast %add3A_1310 : i32 to index
        %swap3A_1312 = arith.constant 112 : index
        %swap3A_1313 = tpu.vector_load %arg14[%swap3A_1311, %swap3A_1312] {strides = array<i32>} : memref<80x128xf32, #tpu.memory_space<vmem>>, vector<16xf32>,
        tpu.vector_store %arg14[%swap3A_1311, %swap3A_1312], %mul3A_1308 {strides = array<i32>} : memref<80x128xf32, #tpu.memory_space<vmem>>, vector<16xf32>,
        %slice3A_1314 = vector.extract_strided_slice %get3A_431 {offsets = [9], sizes = [1], strides = [1]} : vector<16xf32> to vector<1xf32>
        %squeeze3A_1315 = vector.extract %slice3A_1314[0] : f32 from vector<1xf32>
        %add3A_1316 = arith.constant 9 : i32
        %add3A_1317 = arith.addi %mul3A_433, %add3A_1316 : i32
        %get3A_1318 = arith.index_cast %add3A_1317 : i32 to index
        %get3A_1319 = arith.constant 0 : index
        %get3A_1320 = tpu.vector_load %arg14[%get3A_1318, %get3A_1319] {strides = array<i32>} : memref<80x128xf32, #tpu.memory_space<vmem>>, vector<16xf32>,
        %mul3A_1321 = vector.broadcast %squeeze3A_1315 : f32 to vector<16xf32>
        %mul3A_1322 = arith.mulf %get3A_1320, %mul3A_1321 : vector<16xf32>
        %add3A_1323 = arith.constant 9 : i32
        %add3A_1324 = arith.addi %mul3A_433, %add3A_1323 : i32
        %swap3A_1325 = arith.index_cast %add3A_1324 : i32 to index
        %swap3A_1326 = arith.constant 0 : index
        %swap3A_1327 = tpu.vector_load %arg14[%swap3A_1325, %swap3A_1326] {strides = array<i32>} : memref<80x128xf32, #tpu.memory_space<vmem>>, vector<16xf32>,
        tpu.vector_store %arg14[%swap3A_1325, %swap3A_1326], %mul3A_1322 {strides = array<i32>} : memref<80x128xf32, #tpu.memory_space<vmem>>, vector<16xf32>,
        %add3A_1328 = arith.constant 9 : i32
        %add3A_1329 = arith.addi %mul3A_433, %add3A_1328 : i32
        %get3A_1330 = arith.index_cast %add3A_1329 : i32 to index
        %get3A_1331 = arith.constant 16 : index
        %get3A_1332 = tpu.vector_load %arg14[%get3A_1330, %get3A_1331] {strides = array<i32>} : memref<80x128xf32, #tpu.memory_space<vmem>>, vector<16xf32>,
        %mul3A_1333 = vector.broadcast %squeeze3A_1315 : f32 to vector<16xf32>
        %mul3A_1334 = arith.mulf %get3A_1332, %mul3A_1333 : vector<16xf32>
        %add3A_1335 = arith.constant 9 : i32
        %add3A_1336 = arith.addi %mul3A_433, %add3A_1335 : i32
        %swap3A_1337 = arith.index_cast %add3A_1336 : i32 to index
        %swap3A_1338 = arith.constant 16 : index
        %swap3A_1339 = tpu.vector_load %arg14[%swap3A_1337, %swap3A_1338] {strides = array<i32>} : memref<80x128xf32, #tpu.memory_space<vmem>>, vector<16xf32>,
        tpu.vector_store %arg14[%swap3A_1337, %swap3A_1338], %mul3A_1334 {strides = array<i32>} : memref<80x128xf32, #tpu.memory_space<vmem>>, vector<16xf32>,
        %add3A_1340 = arith.constant 9 : i32
        %add3A_1341 = arith.addi %mul3A_433, %add3A_1340 : i32
        %get3A_1342 = arith.index_cast %add3A_1341 : i32 to index
        %get3A_1343 = arith.constant 32 : index
        %get3A_1344 = tpu.vector_load %arg14[%get3A_1342, %get3A_1343] {strides = array<i32>} : memref<80x128xf32, #tpu.memory_space<vmem>>, vector<16xf32>,
        %mul3A_1345 = vector.broadcast %squeeze3A_1315 : f32 to vector<16xf32>
        %mul3A_1346 = arith.mulf %get3A_1344, %mul3A_1345 : vector<16xf32>
        %add3A_1347 = arith.constant 9 : i32
        %add3A_1348 = arith.addi %mul3A_433, %add3A_1347 : i32
        %swap3A_1349 = arith.index_cast %add3A_1348 : i32 to index
        %swap3A_1350 = arith.constant 32 : index
        %swap3A_1351 = tpu.vector_load %arg14[%swap3A_1349, %swap3A_1350] {strides = array<i32>} : memref<80x128xf32, #tpu.memory_space<vmem>>, vector<16xf32>,
        tpu.vector_store %arg14[%swap3A_1349, %swap3A_1350], %mul3A_1346 {strides = array<i32>} : memref<80x128xf32, #tpu.memory_space<vmem>>, vector<16xf32>,
        %add3A_1352 = arith.constant 9 : i32
        %add3A_1353 = arith.addi %mul3A_433, %add3A_1352 : i32
        %get3A_1354 = arith.index_cast %add3A_1353 : i32 to index
        %get3A_1355 = arith.constant 48 : index
        %get3A_1356 = tpu.vector_load %arg14[%get3A_1354, %get3A_1355] {strides = array<i32>} : memref<80x128xf32, #tpu.memory_space<vmem>>, vector<16xf32>,
        %mul3A_1357 = vector.broadcast %squeeze3A_1315 : f32 to vector<16xf32>
        %mul3A_1358 = arith.mulf %get3A_1356, %mul3A_1357 : vector<16xf32>
        %add3A_1359 = arith.constant 9 : i32
        %add3A_1360 = arith.addi %mul3A_433, %add3A_1359 : i32
        %swap3A_1361 = arith.index_cast %add3A_1360 : i32 to index
        %swap3A_1362 = arith.constant 48 : index
        %swap3A_1363 = tpu.vector_load %arg14[%swap3A_1361, %swap3A_1362] {strides = array<i32>} : memref<80x128xf32, #tpu.memory_space<vmem>>, vector<16xf32>,
        tpu.vector_store %arg14[%swap3A_1361, %swap3A_1362], %mul3A_1358 {strides = array<i32>} : memref<80x128xf32, #tpu.memory_space<vmem>>, vector<16xf32>,
        %add3A_1364 = arith.constant 9 : i32
        %add3A_1365 = arith.addi %mul3A_433, %add3A_1364 : i32
        %get3A_1366 = arith.index_cast %add3A_1365 : i32 to index
        %get3A_1367 = arith.constant 64 : index
        %get3A_1368 = tpu.vector_load %arg14[%get3A_1366, %get3A_1367] {strides = array<i32>} : memref<80x128xf32, #tpu.memory_space<vmem>>, vector<16xf32>,
        %mul3A_1369 = vector.broadcast %squeeze3A_1315 : f32 to vector<16xf32>
        %mul3A_1370 = arith.mulf %get3A_1368, %mul3A_1369 : vector<16xf32>
        %add3A_1371 = arith.constant 9 : i32
        %add3A_1372 = arith.addi %mul3A_433, %add3A_1371 : i32
        %swap3A_1373 = arith.index_cast %add3A_1372 : i32 to index
        %swap3A_1374 = arith.constant 64 : index
        %swap3A_1375 = tpu.vector_load %arg14[%swap3A_1373, %swap3A_1374] {strides = array<i32>} : memref<80x128xf32, #tpu.memory_space<vmem>>, vector<16xf32>,
        tpu.vector_store %arg14[%swap3A_1373, %swap3A_1374], %mul3A_1370 {strides = array<i32>} : memref<80x128xf32, #tpu.memory_space<vmem>>, vector<16xf32>,
        %add3A_1376 = arith.constant 9 : i32
        %add3A_1377 = arith.addi %mul3A_433, %add3A_1376 : i32
        %get3A_1378 = arith.index_cast %add3A_1377 : i32 to index
        %get3A_1379 = arith.constant 80 : index
        %get3A_1380 = tpu.vector_load %arg14[%get3A_1378, %get3A_1379] {strides = array<i32>} : memref<80x128xf32, #tpu.memory_space<vmem>>, vector<16xf32>,
        %mul3A_1381 = vector.broadcast %squeeze3A_1315 : f32 to vector<16xf32>
        %mul3A_1382 = arith.mulf %get3A_1380, %mul3A_1381 : vector<16xf32>
        %add3A_1383 = arith.constant 9 : i32
        %add3A_1384 = arith.addi %mul3A_433, %add3A_1383 : i32
        %swap3A_1385 = arith.index_cast %add3A_1384 : i32 to index
        %swap3A_1386 = arith.constant 80 : index
        %swap3A_1387 = tpu.vector_load %arg14[%swap3A_1385, %swap3A_1386] {strides = array<i32>} : memref<80x128xf32, #tpu.memory_space<vmem>>, vector<16xf32>,
        tpu.vector_store %arg14[%swap3A_1385, %swap3A_1386], %mul3A_1382 {strides = array<i32>} : memref<80x128xf32, #tpu.memory_space<vmem>>, vector<16xf32>,
        %add3A_1388 = arith.constant 9 : i32
        %add3A_1389 = arith.addi %mul3A_433, %add3A_1388 : i32
        %get3A_1390 = arith.index_cast %add3A_1389 : i32 to index
        %get3A_1391 = arith.constant 96 : index
        %get3A_1392 = tpu.vector_load %arg14[%get3A_1390, %get3A_1391] {strides = array<i32>} : memref<80x128xf32, #tpu.memory_space<vmem>>, vector<16xf32>,
        %mul3A_1393 = vector.broadcast %squeeze3A_1315 : f32 to vector<16xf32>
        %mul3A_1394 = arith.mulf %get3A_1392, %mul3A_1393 : vector<16xf32>
        %add3A_1395 = arith.constant 9 : i32
        %add3A_1396 = arith.addi %mul3A_433, %add3A_1395 : i32
        %swap3A_1397 = arith.index_cast %add3A_1396 : i32 to index
        %swap3A_1398 = arith.constant 96 : index
        %swap3A_1399 = tpu.vector_load %arg14[%swap3A_1397, %swap3A_1398] {strides = array<i32>} : memref<80x128xf32, #tpu.memory_space<vmem>>, vector<16xf32>,
        tpu.vector_store %arg14[%swap3A_1397, %swap3A_1398], %mul3A_1394 {strides = array<i32>} : memref<80x128xf32, #tpu.memory_space<vmem>>, vector<16xf32>,
        %add3A_1400 = arith.constant 9 : i32
        %add3A_1401 = arith.addi %mul3A_433, %add3A_1400 : i32
        %get3A_1402 = arith.index_cast %add3A_1401 : i32 to index
        %get3A_1403 = arith.constant 112 : index
        %get3A_1404 = tpu.vector_load %arg14[%get3A_1402, %get3A_1403] {strides = array<i32>} : memref<80x128xf32, #tpu.memory_space<vmem>>, vector<16xf32>,
        %mul3A_1405 = vector.broadcast %squeeze3A_1315 : f32 to vector<16xf32>
        %mul3A_1406 = arith.mulf %get3A_1404, %mul3A_1405 : vector<16xf32>
        %add3A_1407 = arith.constant 9 : i32
        %add3A_1408 = arith.addi %mul3A_433, %add3A_1407 : i32
        %swap3A_1409 = arith.index_cast %add3A_1408 : i32 to index
        %swap3A_1410 = arith.constant 112 : index
        %swap3A_1411 = tpu.vector_load %arg14[%swap3A_1409, %swap3A_1410] {strides = array<i32>} : memref<80x128xf32, #tpu.memory_space<vmem>>, vector<16xf32>,
        tpu.vector_store %arg14[%swap3A_1409, %swap3A_1410], %mul3A_1406 {strides = array<i32>} : memref<80x128xf32, #tpu.memory_space<vmem>>, vector<16xf32>,
        %slice3A_1412 = vector.extract_strided_slice %get3A_431 {offsets = [10], sizes = [1], strides = [1]} : vector<16xf32> to vector<1xf32>
        %squeeze3A_1413 = vector.extract %slice3A_1412[0] : f32 from vector<1xf32>
        %add3A_1414 = arith.constant 10 : i32
        %add3A_1415 = arith.addi %mul3A_433, %add3A_1414 : i32
        %get3A_1416 = arith.index_cast %add3A_1415 : i32 to index
        %get3A_1417 = arith.constant 0 : index
        %get3A_1418 = tpu.vector_load %arg14[%get3A_1416, %get3A_1417] {strides = array<i32>} : memref<80x128xf32, #tpu.memory_space<vmem>>, vector<16xf32>,
        %mul3A_1419 = vector.broadcast %squeeze3A_1413 : f32 to vector<16xf32>
        %mul3A_1420 = arith.mulf %get3A_1418, %mul3A_1419 : vector<16xf32>
        %add3A_1421 = arith.constant 10 : i32
        %add3A_1422 = arith.addi %mul3A_433, %add3A_1421 : i32
        %swap3A_1423 = arith.index_cast %add3A_1422 : i32 to index
        %swap3A_1424 = arith.constant 0 : index
        %swap3A_1425 = tpu.vector_load %arg14[%swap3A_1423, %swap3A_1424] {strides = array<i32>} : memref<80x128xf32, #tpu.memory_space<vmem>>, vector<16xf32>,
        tpu.vector_store %arg14[%swap3A_1423, %swap3A_1424], %mul3A_1420 {strides = array<i32>} : memref<80x128xf32, #tpu.memory_space<vmem>>, vector<16xf32>,
        %add3A_1426 = arith.constant 10 : i32
        %add3A_1427 = arith.addi %mul3A_433, %add3A_1426 : i32
        %get3A_1428 = arith.index_cast %add3A_1427 : i32 to index
        %get3A_1429 = arith.constant 16 : index
        %get3A_1430 = tpu.vector_load %arg14[%get3A_1428, %get3A_1429] {strides = array<i32>} : memref<80x128xf32, #tpu.memory_space<vmem>>, vector<16xf32>,
        %mul3A_1431 = vector.broadcast %squeeze3A_1413 : f32 to vector<16xf32>
        %mul3A_1432 = arith.mulf %get3A_1430, %mul3A_1431 : vector<16xf32>
        %add3A_1433 = arith.constant 10 : i32
        %add3A_1434 = arith.addi %mul3A_433, %add3A_1433 : i32
        %swap3A_1435 = arith.index_cast %add3A_1434 : i32 to index
        %swap3A_1436 = arith.constant 16 : index
        %swap3A_1437 = tpu.vector_load %arg14[%swap3A_1435, %swap3A_1436] {strides = array<i32>} : memref<80x128xf32, #tpu.memory_space<vmem>>, vector<16xf32>,
        tpu.vector_store %arg14[%swap3A_1435, %swap3A_1436], %mul3A_1432 {strides = array<i32>} : memref<80x128xf32, #tpu.memory_space<vmem>>, vector<16xf32>,
        %add3A_1438 = arith.constant 10 : i32
        %add3A_1439 = arith.addi %mul3A_433, %add3A_1438 : i32
        %get3A_1440 = arith.index_cast %add3A_1439 : i32 to index
        %get3A_1441 = arith.constant 32 : index
        %get3A_1442 = tpu.vector_load %arg14[%get3A_1440, %get3A_1441] {strides = array<i32>} : memref<80x128xf32, #tpu.memory_space<vmem>>, vector<16xf32>,
        %mul3A_1443 = vector.broadcast %squeeze3A_1413 : f32 to vector<16xf32>
        %mul3A_1444 = arith.mulf %get3A_1442, %mul3A_1443 : vector<16xf32>
        %add3A_1445 = arith.constant 10 : i32
        %add3A_1446 = arith.addi %mul3A_433, %add3A_1445 : i32
        %swap3A_1447 = arith.index_cast %add3A_1446 : i32 to index
        %swap3A_1448 = arith.constant 32 : index
        %swap3A_1449 = tpu.vector_load %arg14[%swap3A_1447, %swap3A_1448] {strides = array<i32>} : memref<80x128xf32, #tpu.memory_space<vmem>>, vector<16xf32>,
        tpu.vector_store %arg14[%swap3A_1447, %swap3A_1448], %mul3A_1444 {strides = array<i32>} : memref<80x128xf32, #tpu.memory_space<vmem>>, vector<16xf32>,
        %add3A_1450 = arith.constant 10 : i32
        %add3A_1451 = arith.addi %mul3A_433, %add3A_1450 : i32
        %get3A_1452 = arith.index_cast %add3A_1451 : i32 to index
        %get3A_1453 = arith.constant 48 : index
        %get3A_1454 = tpu.vector_load %arg14[%get3A_1452, %get3A_1453] {strides = array<i32>} : memref<80x128xf32, #tpu.memory_space<vmem>>, vector<16xf32>,
        %mul3A_1455 = vector.broadcast %squeeze3A_1413 : f32 to vector<16xf32>
        %mul3A_1456 = arith.mulf %get3A_1454, %mul3A_1455 : vector<16xf32>
        %add3A_1457 = arith.constant 10 : i32
        %add3A_1458 = arith.addi %mul3A_433, %add3A_1457 : i32
        %swap3A_1459 = arith.index_cast %add3A_1458 : i32 to index
        %swap3A_1460 = arith.constant 48 : index
        %swap3A_1461 = tpu.vector_load %arg14[%swap3A_1459, %swap3A_1460] {strides = array<i32>} : memref<80x128xf32, #tpu.memory_space<vmem>>, vector<16xf32>,
        tpu.vector_store %arg14[%swap3A_1459, %swap3A_1460], %mul3A_1456 {strides = array<i32>} : memref<80x128xf32, #tpu.memory_space<vmem>>, vector<16xf32>,
        %add3A_1462 = arith.constant 10 : i32
        %add3A_1463 = arith.addi %mul3A_433, %add3A_1462 : i32
        %get3A_1464 = arith.index_cast %add3A_1463 : i32 to index
        %get3A_1465 = arith.constant 64 : index
        %get3A_1466 = tpu.vector_load %arg14[%get3A_1464, %get3A_1465] {strides = array<i32>} : memref<80x128xf32, #tpu.memory_space<vmem>>, vector<16xf32>,
        %mul3A_1467 = vector.broadcast %squeeze3A_1413 : f32 to vector<16xf32>
        %mul3A_1468 = arith.mulf %get3A_1466, %mul3A_1467 : vector<16xf32>
        %add3A_1469 = arith.constant 10 : i32
        %add3A_1470 = arith.addi %mul3A_433, %add3A_1469 : i32
        %swap3A_1471 = arith.index_cast %add3A_1470 : i32 to index
        %swap3A_1472 = arith.constant 64 : index
        %swap3A_1473 = tpu.vector_load %arg14[%swap3A_1471, %swap3A_1472] {strides = array<i32>} : memref<80x128xf32, #tpu.memory_space<vmem>>, vector<16xf32>,
        tpu.vector_store %arg14[%swap3A_1471, %swap3A_1472], %mul3A_1468 {strides = array<i32>} : memref<80x128xf32, #tpu.memory_space<vmem>>, vector<16xf32>,
        %add3A_1474 = arith.constant 10 : i32
        %add3A_1475 = arith.addi %mul3A_433, %add3A_1474 : i32
        %get3A_1476 = arith.index_cast %add3A_1475 : i32 to index
        %get3A_1477 = arith.constant 80 : index
        %get3A_1478 = tpu.vector_load %arg14[%get3A_1476, %get3A_1477] {strides = array<i32>} : memref<80x128xf32, #tpu.memory_space<vmem>>, vector<16xf32>,
        %mul3A_1479 = vector.broadcast %squeeze3A_1413 : f32 to vector<16xf32>
        %mul3A_1480 = arith.mulf %get3A_1478, %mul3A_1479 : vector<16xf32>
        %add3A_1481 = arith.constant 10 : i32
        %add3A_1482 = arith.addi %mul3A_433, %add3A_1481 : i32
        %swap3A_1483 = arith.index_cast %add3A_1482 : i32 to index
        %swap3A_1484 = arith.constant 80 : index
        %swap3A_1485 = tpu.vector_load %arg14[%swap3A_1483, %swap3A_1484] {strides = array<i32>} : memref<80x128xf32, #tpu.memory_space<vmem>>, vector<16xf32>,
        tpu.vector_store %arg14[%swap3A_1483, %swap3A_1484], %mul3A_1480 {strides = array<i32>} : memref<80x128xf32, #tpu.memory_space<vmem>>, vector<16xf32>,
        %add3A_1486 = arith.constant 10 : i32
        %add3A_1487 = arith.addi %mul3A_433, %add3A_1486 : i32
        %get3A_1488 = arith.index_cast %add3A_1487 : i32 to index
        %get3A_1489 = arith.constant 96 : index
        %get3A_1490 = tpu.vector_load %arg14[%get3A_1488, %get3A_1489] {strides = array<i32>} : memref<80x128xf32, #tpu.memory_space<vmem>>, vector<16xf32>,
        %mul3A_1491 = vector.broadcast %squeeze3A_1413 : f32 to vector<16xf32>
        %mul3A_1492 = arith.mulf %get3A_1490, %mul3A_1491 : vector<16xf32>
        %add3A_1493 = arith.constant 10 : i32
        %add3A_1494 = arith.addi %mul3A_433, %add3A_1493 : i32
        %swap3A_1495 = arith.index_cast %add3A_1494 : i32 to index
        %swap3A_1496 = arith.constant 96 : index
        %swap3A_1497 = tpu.vector_load %arg14[%swap3A_1495, %swap3A_1496] {strides = array<i32>} : memref<80x128xf32, #tpu.memory_space<vmem>>, vector<16xf32>,
        tpu.vector_store %arg14[%swap3A_1495, %swap3A_1496], %mul3A_1492 {strides = array<i32>} : memref<80x128xf32, #tpu.memory_space<vmem>>, vector<16xf32>,
        %add3A_1498 = arith.constant 10 : i32
        %add3A_1499 = arith.addi %mul3A_433, %add3A_1498 : i32
        %get3A_1500 = arith.index_cast %add3A_1499 : i32 to index
        %get3A_1501 = arith.constant 112 : index
        %get3A_1502 = tpu.vector_load %arg14[%get3A_1500, %get3A_1501] {strides = array<i32>} : memref<80x128xf32, #tpu.memory_space<vmem>>, vector<16xf32>,
        %mul3A_1503 = vector.broadcast %squeeze3A_1413 : f32 to vector<16xf32>
        %mul3A_1504 = arith.mulf %get3A_1502, %mul3A_1503 : vector<16xf32>
        %add3A_1505 = arith.constant 10 : i32
        %add3A_1506 = arith.addi %mul3A_433, %add3A_1505 : i32
        %swap3A_1507 = arith.index_cast %add3A_1506 : i32 to index
        %swap3A_1508 = arith.constant 112 : index
        %swap3A_1509 = tpu.vector_load %arg14[%swap3A_1507, %swap3A_1508] {strides = array<i32>} : memref<80x128xf32, #tpu.memory_space<vmem>>, vector<16xf32>,
        tpu.vector_store %arg14[%swap3A_1507, %swap3A_1508], %mul3A_1504 {strides = array<i32>} : memref<80x128xf32, #tpu.memory_space<vmem>>, vector<16xf32>,
        %slice3A_1510 = vector.extract_strided_slice %get3A_431 {offsets = [11], sizes = [1], strides = [1]} : vector<16xf32> to vector<1xf32>
        %squeeze3A_1511 = vector.extract %slice3A_1510[0] : f32 from vector<1xf32>
        %add3A_1512 = arith.constant 11 : i32
        %add3A_1513 = arith.addi %mul3A_433, %add3A_1512 : i32
        %get3A_1514 = arith.index_cast %add3A_1513 : i32 to index
        %get3A_1515 = arith.constant 0 : index
        %get3A_1516 = tpu.vector_load %arg14[%get3A_1514, %get3A_1515] {strides = array<i32>} : memref<80x128xf32, #tpu.memory_space<vmem>>, vector<16xf32>,
        %mul3A_1517 = vector.broadcast %squeeze3A_1511 : f32 to vector<16xf32>
        %mul3A_1518 = arith.mulf %get3A_1516, %mul3A_1517 : vector<16xf32>
        %add3A_1519 = arith.constant 11 : i32
        %add3A_1520 = arith.addi %mul3A_433, %add3A_1519 : i32
        %swap3A_1521 = arith.index_cast %add3A_1520 : i32 to index
        %swap3A_1522 = arith.constant 0 : index
        %swap3A_1523 = tpu.vector_load %arg14[%swap3A_1521, %swap3A_1522] {strides = array<i32>} : memref<80x128xf32, #tpu.memory_space<vmem>>, vector<16xf32>,
        tpu.vector_store %arg14[%swap3A_1521, %swap3A_1522], %mul3A_1518 {strides = array<i32>} : memref<80x128xf32, #tpu.memory_space<vmem>>, vector<16xf32>,
        %add3A_1524 = arith.constant 11 : i32
        %add3A_1525 = arith.addi %mul3A_433, %add3A_1524 : i32
        %get3A_1526 = arith.index_cast %add3A_1525 : i32 to index
        %get3A_1527 = arith.constant 16 : index
        %get3A_1528 = tpu.vector_load %arg14[%get3A_1526, %get3A_1527] {strides = array<i32>} : memref<80x128xf32, #tpu.memory_space<vmem>>, vector<16xf32>,
        %mul3A_1529 = vector.broadcast %squeeze3A_1511 : f32 to vector<16xf32>
        %mul3A_1530 = arith.mulf %get3A_1528, %mul3A_1529 : vector<16xf32>
        %add3A_1531 = arith.constant 11 : i32
        %add3A_1532 = arith.addi %mul3A_433, %add3A_1531 : i32
        %swap3A_1533 = arith.index_cast %add3A_1532 : i32 to index
        %swap3A_1534 = arith.constant 16 : index
        %swap3A_1535 = tpu.vector_load %arg14[%swap3A_1533, %swap3A_1534] {strides = array<i32>} : memref<80x128xf32, #tpu.memory_space<vmem>>, vector<16xf32>,
        tpu.vector_store %arg14[%swap3A_1533, %swap3A_1534], %mul3A_1530 {strides = array<i32>} : memref<80x128xf32, #tpu.memory_space<vmem>>, vector<16xf32>,
        %add3A_1536 = arith.constant 11 : i32
        %add3A_1537 = arith.addi %mul3A_433, %add3A_1536 : i32
        %get3A_1538 = arith.index_cast %add3A_1537 : i32 to index
        %get3A_1539 = arith.constant 32 : index
        %get3A_1540 = tpu.vector_load %arg14[%get3A_1538, %get3A_1539] {strides = array<i32>} : memref<80x128xf32, #tpu.memory_space<vmem>>, vector<16xf32>,
        %mul3A_1541 = vector.broadcast %squeeze3A_1511 : f32 to vector<16xf32>
        %mul3A_1542 = arith.mulf %get3A_1540, %mul3A_1541 : vector<16xf32>
        %add3A_1543 = arith.constant 11 : i32
        %add3A_1544 = arith.addi %mul3A_433, %add3A_1543 : i32
        %swap3A_1545 = arith.index_cast %add3A_1544 : i32 to index
        %swap3A_1546 = arith.constant 32 : index
        %swap3A_1547 = tpu.vector_load %arg14[%swap3A_1545, %swap3A_1546] {strides = array<i32>} : memref<80x128xf32, #tpu.memory_space<vmem>>, vector<16xf32>,
        tpu.vector_store %arg14[%swap3A_1545, %swap3A_1546], %mul3A_1542 {strides = array<i32>} : memref<80x128xf32, #tpu.memory_space<vmem>>, vector<16xf32>,
        %add3A_1548 = arith.constant 11 : i32
        %add3A_1549 = arith.addi %mul3A_433, %add3A_1548 : i32
        %get3A_1550 = arith.index_cast %add3A_1549 : i32 to index
        %get3A_1551 = arith.constant 48 : index
        %get3A_1552 = tpu.vector_load %arg14[%get3A_1550, %get3A_1551] {strides = array<i32>} : memref<80x128xf32, #tpu.memory_space<vmem>>, vector<16xf32>,
        %mul3A_1553 = vector.broadcast %squeeze3A_1511 : f32 to vector<16xf32>
        %mul3A_1554 = arith.mulf %get3A_1552, %mul3A_1553 : vector<16xf32>
        %add3A_1555 = arith.constant 11 : i32
        %add3A_1556 = arith.addi %mul3A_433, %add3A_1555 : i32
        %swap3A_1557 = arith.index_cast %add3A_1556 : i32 to index
        %swap3A_1558 = arith.constant 48 : index
        %swap3A_1559 = tpu.vector_load %arg14[%swap3A_1557, %swap3A_1558] {strides = array<i32>} : memref<80x128xf32, #tpu.memory_space<vmem>>, vector<16xf32>,
        tpu.vector_store %arg14[%swap3A_1557, %swap3A_1558], %mul3A_1554 {strides = array<i32>} : memref<80x128xf32, #tpu.memory_space<vmem>>, vector<16xf32>,
        %add3A_1560 = arith.constant 11 : i32
        %add3A_1561 = arith.addi %mul3A_433, %add3A_1560 : i32
        %get3A_1562 = arith.index_cast %add3A_1561 : i32 to index
        %get3A_1563 = arith.constant 64 : index
        %get3A_1564 = tpu.vector_load %arg14[%get3A_1562, %get3A_1563] {strides = array<i32>} : memref<80x128xf32, #tpu.memory_space<vmem>>, vector<16xf32>,
        %mul3A_1565 = vector.broadcast %squeeze3A_1511 : f32 to vector<16xf32>
        %mul3A_1566 = arith.mulf %get3A_1564, %mul3A_1565 : vector<16xf32>
        %add3A_1567 = arith.constant 11 : i32
        %add3A_1568 = arith.addi %mul3A_433, %add3A_1567 : i32
        %swap3A_1569 = arith.index_cast %add3A_1568 : i32 to index
        %swap3A_1570 = arith.constant 64 : index
        %swap3A_1571 = tpu.vector_load %arg14[%swap3A_1569, %swap3A_1570] {strides = array<i32>} : memref<80x128xf32, #tpu.memory_space<vmem>>, vector<16xf32>,
        tpu.vector_store %arg14[%swap3A_1569, %swap3A_1570], %mul3A_1566 {strides = array<i32>} : memref<80x128xf32, #tpu.memory_space<vmem>>, vector<16xf32>,
        %add3A_1572 = arith.constant 11 : i32
        %add3A_1573 = arith.addi %mul3A_433, %add3A_1572 : i32
        %get3A_1574 = arith.index_cast %add3A_1573 : i32 to index
        %get3A_1575 = arith.constant 80 : index
        %get3A_1576 = tpu.vector_load %arg14[%get3A_1574, %get3A_1575] {strides = array<i32>} : memref<80x128xf32, #tpu.memory_space<vmem>>, vector<16xf32>,
        %mul3A_1577 = vector.broadcast %squeeze3A_1511 : f32 to vector<16xf32>
        %mul3A_1578 = arith.mulf %get3A_1576, %mul3A_1577 : vector<16xf32>
        %add3A_1579 = arith.constant 11 : i32
        %add3A_1580 = arith.addi %mul3A_433, %add3A_1579 : i32
        %swap3A_1581 = arith.index_cast %add3A_1580 : i32 to index
        %swap3A_1582 = arith.constant 80 : index
        %swap3A_1583 = tpu.vector_load %arg14[%swap3A_1581, %swap3A_1582] {strides = array<i32>} : memref<80x128xf32, #tpu.memory_space<vmem>>, vector<16xf32>,
        tpu.vector_store %arg14[%swap3A_1581, %swap3A_1582], %mul3A_1578 {strides = array<i32>} : memref<80x128xf32, #tpu.memory_space<vmem>>, vector<16xf32>,
        %add3A_1584 = arith.constant 11 : i32
        %add3A_1585 = arith.addi %mul3A_433, %add3A_1584 : i32
        %get3A_1586 = arith.index_cast %add3A_1585 : i32 to index
        %get3A_1587 = arith.constant 96 : index
        %get3A_1588 = tpu.vector_load %arg14[%get3A_1586, %get3A_1587] {strides = array<i32>} : memref<80x128xf32, #tpu.memory_space<vmem>>, vector<16xf32>,
        %mul3A_1589 = vector.broadcast %squeeze3A_1511 : f32 to vector<16xf32>
        %mul3A_1590 = arith.mulf %get3A_1588, %mul3A_1589 : vector<16xf32>
        %add3A_1591 = arith.constant 11 : i32
        %add3A_1592 = arith.addi %mul3A_433, %add3A_1591 : i32
        %swap3A_1593 = arith.index_cast %add3A_1592 : i32 to index
        %swap3A_1594 = arith.constant 96 : index
        %swap3A_1595 = tpu.vector_load %arg14[%swap3A_1593, %swap3A_1594] {strides = array<i32>} : memref<80x128xf32, #tpu.memory_space<vmem>>, vector<16xf32>,
        tpu.vector_store %arg14[%swap3A_1593, %swap3A_1594], %mul3A_1590 {strides = array<i32>} : memref<80x128xf32, #tpu.memory_space<vmem>>, vector<16xf32>,
        %add3A_1596 = arith.constant 11 : i32
        %add3A_1597 = arith.addi %mul3A_433, %add3A_1596 : i32
        %get3A_1598 = arith.index_cast %add3A_1597 : i32 to index
        %get3A_1599 = arith.constant 112 : index
        %get3A_1600 = tpu.vector_load %arg14[%get3A_1598, %get3A_1599] {strides = array<i32>} : memref<80x128xf32, #tpu.memory_space<vmem>>, vector<16xf32>,
        %mul3A_1601 = vector.broadcast %squeeze3A_1511 : f32 to vector<16xf32>
        %mul3A_1602 = arith.mulf %get3A_1600, %mul3A_1601 : vector<16xf32>
        %add3A_1603 = arith.constant 11 : i32
        %add3A_1604 = arith.addi %mul3A_433, %add3A_1603 : i32
        %swap3A_1605 = arith.index_cast %add3A_1604 : i32 to index
        %swap3A_1606 = arith.constant 112 : index
        %swap3A_1607 = tpu.vector_load %arg14[%swap3A_1605, %swap3A_1606] {strides = array<i32>} : memref<80x128xf32, #tpu.memory_space<vmem>>, vector<16xf32>,
        tpu.vector_store %arg14[%swap3A_1605, %swap3A_1606], %mul3A_1602 {strides = array<i32>} : memref<80x128xf32, #tpu.memory_space<vmem>>, vector<16xf32>,
        %slice3A_1608 = vector.extract_strided_slice %get3A_431 {offsets = [12], sizes = [1], strides = [1]} : vector<16xf32> to vector<1xf32>
        %squeeze3A_1609 = vector.extract %slice3A_1608[0] : f32 from vector<1xf32>
        %add3A_1610 = arith.constant 12 : i32
        %add3A_1611 = arith.addi %mul3A_433, %add3A_1610 : i32
        %get3A_1612 = arith.index_cast %add3A_1611 : i32 to index
        %get3A_1613 = arith.constant 0 : index
        %get3A_1614 = tpu.vector_load %arg14[%get3A_1612, %get3A_1613] {strides = array<i32>} : memref<80x128xf32, #tpu.memory_space<vmem>>, vector<16xf32>,
        %mul3A_1615 = vector.broadcast %squeeze3A_1609 : f32 to vector<16xf32>
        %mul3A_1616 = arith.mulf %get3A_1614, %mul3A_1615 : vector<16xf32>
        %add3A_1617 = arith.constant 12 : i32
        %add3A_1618 = arith.addi %mul3A_433, %add3A_1617 : i32
        %swap3A_1619 = arith.index_cast %add3A_1618 : i32 to index
        %swap3A_1620 = arith.constant 0 : index
        %swap3A_1621 = tpu.vector_load %arg14[%swap3A_1619, %swap3A_1620] {strides = array<i32>} : memref<80x128xf32, #tpu.memory_space<vmem>>, vector<16xf32>,
        tpu.vector_store %arg14[%swap3A_1619, %swap3A_1620], %mul3A_1616 {strides = array<i32>} : memref<80x128xf32, #tpu.memory_space<vmem>>, vector<16xf32>,
        %add3A_1622 = arith.constant 12 : i32
        %add3A_1623 = arith.addi %mul3A_433, %add3A_1622 : i32
        %get3A_1624 = arith.index_cast %add3A_1623 : i32 to index
        %get3A_1625 = arith.constant 16 : index
        %get3A_1626 = tpu.vector_load %arg14[%get3A_1624, %get3A_1625] {strides = array<i32>} : memref<80x128xf32, #tpu.memory_space<vmem>>, vector<16xf32>,
        %mul3A_1627 = vector.broadcast %squeeze3A_1609 : f32 to vector<16xf32>
        %mul3A_1628 = arith.mulf %get3A_1626, %mul3A_1627 : vector<16xf32>
        %add3A_1629 = arith.constant 12 : i32
        %add3A_1630 = arith.addi %mul3A_433, %add3A_1629 : i32
        %swap3A_1631 = arith.index_cast %add3A_1630 : i32 to index
        %swap3A_1632 = arith.constant 16 : index
        %swap3A_1633 = tpu.vector_load %arg14[%swap3A_1631, %swap3A_1632] {strides = array<i32>} : memref<80x128xf32, #tpu.memory_space<vmem>>, vector<16xf32>,
        tpu.vector_store %arg14[%swap3A_1631, %swap3A_1632], %mul3A_1628 {strides = array<i32>} : memref<80x128xf32, #tpu.memory_space<vmem>>, vector<16xf32>,
        %add3A_1634 = arith.constant 12 : i32
        %add3A_1635 = arith.addi %mul3A_433, %add3A_1634 : i32
        %get3A_1636 = arith.index_cast %add3A_1635 : i32 to index
        %get3A_1637 = arith.constant 32 : index
        %get3A_1638 = tpu.vector_load %arg14[%get3A_1636, %get3A_1637] {strides = array<i32>} : memref<80x128xf32, #tpu.memory_space<vmem>>, vector<16xf32>,
        %mul3A_1639 = vector.broadcast %squeeze3A_1609 : f32 to vector<16xf32>
        %mul3A_1640 = arith.mulf %get3A_1638, %mul3A_1639 : vector<16xf32>
        %add3A_1641 = arith.constant 12 : i32
        %add3A_1642 = arith.addi %mul3A_433, %add3A_1641 : i32
        %swap3A_1643 = arith.index_cast %add3A_1642 : i32 to index
        %swap3A_1644 = arith.constant 32 : index
        %swap3A_1645 = tpu.vector_load %arg14[%swap3A_1643, %swap3A_1644] {strides = array<i32>} : memref<80x128xf32, #tpu.memory_space<vmem>>, vector<16xf32>,
        tpu.vector_store %arg14[%swap3A_1643, %swap3A_1644], %mul3A_1640 {strides = array<i32>} : memref<80x128xf32, #tpu.memory_space<vmem>>, vector<16xf32>,
        %add3A_1646 = arith.constant 12 : i32
        %add3A_1647 = arith.addi %mul3A_433, %add3A_1646 : i32
        %get3A_1648 = arith.index_cast %add3A_1647 : i32 to index
        %get3A_1649 = arith.constant 48 : index
        %get3A_1650 = tpu.vector_load %arg14[%get3A_1648, %get3A_1649] {strides = array<i32>} : memref<80x128xf32, #tpu.memory_space<vmem>>, vector<16xf32>,
        %mul3A_1651 = vector.broadcast %squeeze3A_1609 : f32 to vector<16xf32>
        %mul3A_1652 = arith.mulf %get3A_1650, %mul3A_1651 : vector<16xf32>
        %add3A_1653 = arith.constant 12 : i32
        %add3A_1654 = arith.addi %mul3A_433, %add3A_1653 : i32
        %swap3A_1655 = arith.index_cast %add3A_1654 : i32 to index
        %swap3A_1656 = arith.constant 48 : index
        %swap3A_1657 = tpu.vector_load %arg14[%swap3A_1655, %swap3A_1656] {strides = array<i32>} : memref<80x128xf32, #tpu.memory_space<vmem>>, vector<16xf32>,
        tpu.vector_store %arg14[%swap3A_1655, %swap3A_1656], %mul3A_1652 {strides = array<i32>} : memref<80x128xf32, #tpu.memory_space<vmem>>, vector<16xf32>,
        %add3A_1658 = arith.constant 12 : i32
        %add3A_1659 = arith.addi %mul3A_433, %add3A_1658 : i32
        %get3A_1660 = arith.index_cast %add3A_1659 : i32 to index
        %get3A_1661 = arith.constant 64 : index
        %get3A_1662 = tpu.vector_load %arg14[%get3A_1660, %get3A_1661] {strides = array<i32>} : memref<80x128xf32, #tpu.memory_space<vmem>>, vector<16xf32>,
        %mul3A_1663 = vector.broadcast %squeeze3A_1609 : f32 to vector<16xf32>
        %mul3A_1664 = arith.mulf %get3A_1662, %mul3A_1663 : vector<16xf32>
        %add3A_1665 = arith.constant 12 : i32
        %add3A_1666 = arith.addi %mul3A_433, %add3A_1665 : i32
        %swap3A_1667 = arith.index_cast %add3A_1666 : i32 to index
        %swap3A_1668 = arith.constant 64 : index
        %swap3A_1669 = tpu.vector_load %arg14[%swap3A_1667, %swap3A_1668] {strides = array<i32>} : memref<80x128xf32, #tpu.memory_space<vmem>>, vector<16xf32>,
        tpu.vector_store %arg14[%swap3A_1667, %swap3A_1668], %mul3A_1664 {strides = array<i32>} : memref<80x128xf32, #tpu.memory_space<vmem>>, vector<16xf32>,
        %add3A_1670 = arith.constant 12 : i32
        %add3A_1671 = arith.addi %mul3A_433, %add3A_1670 : i32
        %get3A_1672 = arith.index_cast %add3A_1671 : i32 to index
        %get3A_1673 = arith.constant 80 : index
        %get3A_1674 = tpu.vector_load %arg14[%get3A_1672, %get3A_1673] {strides = array<i32>} : memref<80x128xf32, #tpu.memory_space<vmem>>, vector<16xf32>,
        %mul3A_1675 = vector.broadcast %squeeze3A_1609 : f32 to vector<16xf32>
        %mul3A_1676 = arith.mulf %get3A_1674, %mul3A_1675 : vector<16xf32>
        %add3A_1677 = arith.constant 12 : i32
        %add3A_1678 = arith.addi %mul3A_433, %add3A_1677 : i32
        %swap3A_1679 = arith.index_cast %add3A_1678 : i32 to index
        %swap3A_1680 = arith.constant 80 : index
        %swap3A_1681 = tpu.vector_load %arg14[%swap3A_1679, %swap3A_1680] {strides = array<i32>} : memref<80x128xf32, #tpu.memory_space<vmem>>, vector<16xf32>,
        tpu.vector_store %arg14[%swap3A_1679, %swap3A_1680], %mul3A_1676 {strides = array<i32>} : memref<80x128xf32, #tpu.memory_space<vmem>>, vector<16xf32>,
        %add3A_1682 = arith.constant 12 : i32
        %add3A_1683 = arith.addi %mul3A_433, %add3A_1682 : i32
        %get3A_1684 = arith.index_cast %add3A_1683 : i32 to index
        %get3A_1685 = arith.constant 96 : index
        %get3A_1686 = tpu.vector_load %arg14[%get3A_1684, %get3A_1685] {strides = array<i32>} : memref<80x128xf32, #tpu.memory_space<vmem>>, vector<16xf32>,
        %mul3A_1687 = vector.broadcast %squeeze3A_1609 : f32 to vector<16xf32>
        %mul3A_1688 = arith.mulf %get3A_1686, %mul3A_1687 : vector<16xf32>
        %add3A_1689 = arith.constant 12 : i32
        %add3A_1690 = arith.addi %mul3A_433, %add3A_1689 : i32
        %swap3A_1691 = arith.index_cast %add3A_1690 : i32 to index
        %swap3A_1692 = arith.constant 96 : index
        %swap3A_1693 = tpu.vector_load %arg14[%swap3A_1691, %swap3A_1692] {strides = array<i32>} : memref<80x128xf32, #tpu.memory_space<vmem>>, vector<16xf32>,
        tpu.vector_store %arg14[%swap3A_1691, %swap3A_1692], %mul3A_1688 {strides = array<i32>} : memref<80x128xf32, #tpu.memory_space<vmem>>, vector<16xf32>,
        %add3A_1694 = arith.constant 12 : i32
        %add3A_1695 = arith.addi %mul3A_433, %add3A_1694 : i32
        %get3A_1696 = arith.index_cast %add3A_1695 : i32 to index
        %get3A_1697 = arith.constant 112 : index
        %get3A_1698 = tpu.vector_load %arg14[%get3A_1696, %get3A_1697] {strides = array<i32>} : memref<80x128xf32, #tpu.memory_space<vmem>>, vector<16xf32>,
        %mul3A_1699 = vector.broadcast %squeeze3A_1609 : f32 to vector<16xf32>
        %mul3A_1700 = arith.mulf %get3A_1698, %mul3A_1699 : vector<16xf32>
        %add3A_1701 = arith.constant 12 : i32
        %add3A_1702 = arith.addi %mul3A_433, %add3A_1701 : i32
        %swap3A_1703 = arith.index_cast %add3A_1702 : i32 to index
        %swap3A_1704 = arith.constant 112 : index
        %swap3A_1705 = tpu.vector_load %arg14[%swap3A_1703, %swap3A_1704] {strides = array<i32>} : memref<80x128xf32, #tpu.memory_space<vmem>>, vector<16xf32>,
        tpu.vector_store %arg14[%swap3A_1703, %swap3A_1704], %mul3A_1700 {strides = array<i32>} : memref<80x128xf32, #tpu.memory_space<vmem>>, vector<16xf32>,
        %slice3A_1706 = vector.extract_strided_slice %get3A_431 {offsets = [13], sizes = [1], strides = [1]} : vector<16xf32> to vector<1xf32>
        %squeeze3A_1707 = vector.extract %slice3A_1706[0] : f32 from vector<1xf32>
        %add3A_1708 = arith.constant 13 : i32
        %add3A_1709 = arith.addi %mul3A_433, %add3A_1708 : i32
        %get3A_1710 = arith.index_cast %add3A_1709 : i32 to index
        %get3A_1711 = arith.constant 0 : index
        %get3A_1712 = tpu.vector_load %arg14[%get3A_1710, %get3A_1711] {strides = array<i32>} : memref<80x128xf32, #tpu.memory_space<vmem>>, vector<16xf32>,
        %mul3A_1713 = vector.broadcast %squeeze3A_1707 : f32 to vector<16xf32>
        %mul3A_1714 = arith.mulf %get3A_1712, %mul3A_1713 : vector<16xf32>
        %add3A_1715 = arith.constant 13 : i32
        %add3A_1716 = arith.addi %mul3A_433, %add3A_1715 : i32
        %swap3A_1717 = arith.index_cast %add3A_1716 : i32 to index
        %swap3A_1718 = arith.constant 0 : index
        %swap3A_1719 = tpu.vector_load %arg14[%swap3A_1717, %swap3A_1718] {strides = array<i32>} : memref<80x128xf32, #tpu.memory_space<vmem>>, vector<16xf32>,
        tpu.vector_store %arg14[%swap3A_1717, %swap3A_1718], %mul3A_1714 {strides = array<i32>} : memref<80x128xf32, #tpu.memory_space<vmem>>, vector<16xf32>,
        %add3A_1720 = arith.constant 13 : i32
        %add3A_1721 = arith.addi %mul3A_433, %add3A_1720 : i32
        %get3A_1722 = arith.index_cast %add3A_1721 : i32 to index
        %get3A_1723 = arith.constant 16 : index
        %get3A_1724 = tpu.vector_load %arg14[%get3A_1722, %get3A_1723] {strides = array<i32>} : memref<80x128xf32, #tpu.memory_space<vmem>>, vector<16xf32>,
        %mul3A_1725 = vector.broadcast %squeeze3A_1707 : f32 to vector<16xf32>
        %mul3A_1726 = arith.mulf %get3A_1724, %mul3A_1725 : vector<16xf32>
        %add3A_1727 = arith.constant 13 : i32
        %add3A_1728 = arith.addi %mul3A_433, %add3A_1727 : i32
        %swap3A_1729 = arith.index_cast %add3A_1728 : i32 to index
        %swap3A_1730 = arith.constant 16 : index
        %swap3A_1731 = tpu.vector_load %arg14[%swap3A_1729, %swap3A_1730] {strides = array<i32>} : memref<80x128xf32, #tpu.memory_space<vmem>>, vector<16xf32>,
        tpu.vector_store %arg14[%swap3A_1729, %swap3A_1730], %mul3A_1726 {strides = array<i32>} : memref<80x128xf32, #tpu.memory_space<vmem>>, vector<16xf32>,
        %add3A_1732 = arith.constant 13 : i32
        %add3A_1733 = arith.addi %mul3A_433, %add3A_1732 : i32
        %get3A_1734 = arith.index_cast %add3A_1733 : i32 to index
        %get3A_1735 = arith.constant 32 : index
        %get3A_1736 = tpu.vector_load %arg14[%get3A_1734, %get3A_1735] {strides = array<i32>} : memref<80x128xf32, #tpu.memory_space<vmem>>, vector<16xf32>,
        %mul3A_1737 = vector.broadcast %squeeze3A_1707 : f32 to vector<16xf32>
        %mul3A_1738 = arith.mulf %get3A_1736, %mul3A_1737 : vector<16xf32>
        %add3A_1739 = arith.constant 13 : i32
        %add3A_1740 = arith.addi %mul3A_433, %add3A_1739 : i32
        %swap3A_1741 = arith.index_cast %add3A_1740 : i32 to index
        %swap3A_1742 = arith.constant 32 : index
        %swap3A_1743 = tpu.vector_load %arg14[%swap3A_1741, %swap3A_1742] {strides = array<i32>} : memref<80x128xf32, #tpu.memory_space<vmem>>, vector<16xf32>,
        tpu.vector_store %arg14[%swap3A_1741, %swap3A_1742], %mul3A_1738 {strides = array<i32>} : memref<80x128xf32, #tpu.memory_space<vmem>>, vector<16xf32>,
        %add3A_1744 = arith.constant 13 : i32
        %add3A_1745 = arith.addi %mul3A_433, %add3A_1744 : i32
        %get3A_1746 = arith.index_cast %add3A_1745 : i32 to index
        %get3A_1747 = arith.constant 48 : index
        %get3A_1748 = tpu.vector_load %arg14[%get3A_1746, %get3A_1747] {strides = array<i32>} : memref<80x128xf32, #tpu.memory_space<vmem>>, vector<16xf32>,
        %mul3A_1749 = vector.broadcast %squeeze3A_1707 : f32 to vector<16xf32>
        %mul3A_1750 = arith.mulf %get3A_1748, %mul3A_1749 : vector<16xf32>
        %add3A_1751 = arith.constant 13 : i32
        %add3A_1752 = arith.addi %mul3A_433, %add3A_1751 : i32
        %swap3A_1753 = arith.index_cast %add3A_1752 : i32 to index
        %swap3A_1754 = arith.constant 48 : index
        %swap3A_1755 = tpu.vector_load %arg14[%swap3A_1753, %swap3A_1754] {strides = array<i32>} : memref<80x128xf32, #tpu.memory_space<vmem>>, vector<16xf32>,
        tpu.vector_store %arg14[%swap3A_1753, %swap3A_1754], %mul3A_1750 {strides = array<i32>} : memref<80x128xf32, #tpu.memory_space<vmem>>, vector<16xf32>,
        %add3A_1756 = arith.constant 13 : i32
        %add3A_1757 = arith.addi %mul3A_433, %add3A_1756 : i32
        %get3A_1758 = arith.index_cast %add3A_1757 : i32 to index
        %get3A_1759 = arith.constant 64 : index
        %get3A_1760 = tpu.vector_load %arg14[%get3A_1758, %get3A_1759] {strides = array<i32>} : memref<80x128xf32, #tpu.memory_space<vmem>>, vector<16xf32>,
        %mul3A_1761 = vector.broadcast %squeeze3A_1707 : f32 to vector<16xf32>
        %mul3A_1762 = arith.mulf %get3A_1760, %mul3A_1761 : vector<16xf32>
        %add3A_1763 = arith.constant 13 : i32
        %add3A_1764 = arith.addi %mul3A_433, %add3A_1763 : i32
        %swap3A_1765 = arith.index_cast %add3A_1764 : i32 to index
        %swap3A_1766 = arith.constant 64 : index
        %swap3A_1767 = tpu.vector_load %arg14[%swap3A_1765, %swap3A_1766] {strides = array<i32>} : memref<80x128xf32, #tpu.memory_space<vmem>>, vector<16xf32>,
        tpu.vector_store %arg14[%swap3A_1765, %swap3A_1766], %mul3A_1762 {strides = array<i32>} : memref<80x128xf32, #tpu.memory_space<vmem>>, vector<16xf32>,
        %add3A_1768 = arith.constant 13 : i32
        %add3A_1769 = arith.addi %mul3A_433, %add3A_1768 : i32
        %get3A_1770 = arith.index_cast %add3A_1769 : i32 to index
        %get3A_1771 = arith.constant 80 : index
        %get3A_1772 = tpu.vector_load %arg14[%get3A_1770, %get3A_1771] {strides = array<i32>} : memref<80x128xf32, #tpu.memory_space<vmem>>, vector<16xf32>,
        %mul3A_1773 = vector.broadcast %squeeze3A_1707 : f32 to vector<16xf32>
        %mul3A_1774 = arith.mulf %get3A_1772, %mul3A_1773 : vector<16xf32>
        %add3A_1775 = arith.constant 13 : i32
        %add3A_1776 = arith.addi %mul3A_433, %add3A_1775 : i32
        %swap3A_1777 = arith.index_cast %add3A_1776 : i32 to index
        %swap3A_1778 = arith.constant 80 : index
        %swap3A_1779 = tpu.vector_load %arg14[%swap3A_1777, %swap3A_1778] {strides = array<i32>} : memref<80x128xf32, #tpu.memory_space<vmem>>, vector<16xf32>,
        tpu.vector_store %arg14[%swap3A_1777, %swap3A_1778], %mul3A_1774 {strides = array<i32>} : memref<80x128xf32, #tpu.memory_space<vmem>>, vector<16xf32>,
        %add3A_1780 = arith.constant 13 : i32
        %add3A_1781 = arith.addi %mul3A_433, %add3A_1780 : i32
        %get3A_1782 = arith.index_cast %add3A_1781 : i32 to index
        %get3A_1783 = arith.constant 96 : index
        %get3A_1784 = tpu.vector_load %arg14[%get3A_1782, %get3A_1783] {strides = array<i32>} : memref<80x128xf32, #tpu.memory_space<vmem>>, vector<16xf32>,
        %mul3A_1785 = vector.broadcast %squeeze3A_1707 : f32 to vector<16xf32>
        %mul3A_1786 = arith.mulf %get3A_1784, %mul3A_1785 : vector<16xf32>
        %add3A_1787 = arith.constant 13 : i32
        %add3A_1788 = arith.addi %mul3A_433, %add3A_1787 : i32
        %swap3A_1789 = arith.index_cast %add3A_1788 : i32 to index
        %swap3A_1790 = arith.constant 96 : index
        %swap3A_1791 = tpu.vector_load %arg14[%swap3A_1789, %swap3A_1790] {strides = array<i32>} : memref<80x128xf32, #tpu.memory_space<vmem>>, vector<16xf32>,
        tpu.vector_store %arg14[%swap3A_1789, %swap3A_1790], %mul3A_1786 {strides = array<i32>} : memref<80x128xf32, #tpu.memory_space<vmem>>, vector<16xf32>,
        %add3A_1792 = arith.constant 13 : i32
        %add3A_1793 = arith.addi %mul3A_433, %add3A_1792 : i32
        %get3A_1794 = arith.index_cast %add3A_1793 : i32 to index
        %get3A_1795 = arith.constant 112 : index
        %get3A_1796 = tpu.vector_load %arg14[%get3A_1794, %get3A_1795] {strides = array<i32>} : memref<80x128xf32, #tpu.memory_space<vmem>>, vector<16xf32>,
        %mul3A_1797 = vector.broadcast %squeeze3A_1707 : f32 to vector<16xf32>
        %mul3A_1798 = arith.mulf %get3A_1796, %mul3A_1797 : vector<16xf32>
        %add3A_1799 = arith.constant 13 : i32
        %add3A_1800 = arith.addi %mul3A_433, %add3A_1799 : i32
        %swap3A_1801 = arith.index_cast %add3A_1800 : i32 to index
        %swap3A_1802 = arith.constant 112 : index
        %swap3A_1803 = tpu.vector_load %arg14[%swap3A_1801, %swap3A_1802] {strides = array<i32>} : memref<80x128xf32, #tpu.memory_space<vmem>>, vector<16xf32>,
        tpu.vector_store %arg14[%swap3A_1801, %swap3A_1802], %mul3A_1798 {strides = array<i32>} : memref<80x128xf32, #tpu.memory_space<vmem>>, vector<16xf32>,
        %slice3A_1804 = vector.extract_strided_slice %get3A_431 {offsets = [14], sizes = [1], strides = [1]} : vector<16xf32> to vector<1xf32>
        %squeeze3A_1805 = vector.extract %slice3A_1804[0] : f32 from vector<1xf32>
        %add3A_1806 = arith.constant 14 : i32
        %add3A_1807 = arith.addi %mul3A_433, %add3A_1806 : i32
        %get3A_1808 = arith.index_cast %add3A_1807 : i32 to index
        %get3A_1809 = arith.constant 0 : index
        %get3A_1810 = tpu.vector_load %arg14[%get3A_1808, %get3A_1809] {strides = array<i32>} : memref<80x128xf32, #tpu.memory_space<vmem>>, vector<16xf32>,
        %mul3A_1811 = vector.broadcast %squeeze3A_1805 : f32 to vector<16xf32>
        %mul3A_1812 = arith.mulf %get3A_1810, %mul3A_1811 : vector<16xf32>
        %add3A_1813 = arith.constant 14 : i32
        %add3A_1814 = arith.addi %mul3A_433, %add3A_1813 : i32
        %swap3A_1815 = arith.index_cast %add3A_1814 : i32 to index
        %swap3A_1816 = arith.constant 0 : index
        %swap3A_1817 = tpu.vector_load %arg14[%swap3A_1815, %swap3A_1816] {strides = array<i32>} : memref<80x128xf32, #tpu.memory_space<vmem>>, vector<16xf32>,
        tpu.vector_store %arg14[%swap3A_1815, %swap3A_1816], %mul3A_1812 {strides = array<i32>} : memref<80x128xf32, #tpu.memory_space<vmem>>, vector<16xf32>,
        %add3A_1818 = arith.constant 14 : i32
        %add3A_1819 = arith.addi %mul3A_433, %add3A_1818 : i32
        %get3A_1820 = arith.index_cast %add3A_1819 : i32 to index
        %get3A_1821 = arith.constant 16 : index
        %get3A_1822 = tpu.vector_load %arg14[%get3A_1820, %get3A_1821] {strides = array<i32>} : memref<80x128xf32, #tpu.memory_space<vmem>>, vector<16xf32>,
        %mul3A_1823 = vector.broadcast %squeeze3A_1805 : f32 to vector<16xf32>
        %mul3A_1824 = arith.mulf %get3A_1822, %mul3A_1823 : vector<16xf32>
        %add3A_1825 = arith.constant 14 : i32
        %add3A_1826 = arith.addi %mul3A_433, %add3A_1825 : i32
        %swap3A_1827 = arith.index_cast %add3A_1826 : i32 to index
        %swap3A_1828 = arith.constant 16 : index
        %swap3A_1829 = tpu.vector_load %arg14[%swap3A_1827, %swap3A_1828] {strides = array<i32>} : memref<80x128xf32, #tpu.memory_space<vmem>>, vector<16xf32>,
        tpu.vector_store %arg14[%swap3A_1827, %swap3A_1828], %mul3A_1824 {strides = array<i32>} : memref<80x128xf32, #tpu.memory_space<vmem>>, vector<16xf32>,
        %add3A_1830 = arith.constant 14 : i32
        %add3A_1831 = arith.addi %mul3A_433, %add3A_1830 : i32
        %get3A_1832 = arith.index_cast %add3A_1831 : i32 to index
        %get3A_1833 = arith.constant 32 : index
        %get3A_1834 = tpu.vector_load %arg14[%get3A_1832, %get3A_1833] {strides = array<i32>} : memref<80x128xf32, #tpu.memory_space<vmem>>, vector<16xf32>,
        %mul3A_1835 = vector.broadcast %squeeze3A_1805 : f32 to vector<16xf32>
        %mul3A_1836 = arith.mulf %get3A_1834, %mul3A_1835 : vector<16xf32>
        %add3A_1837 = arith.constant 14 : i32
        %add3A_1838 = arith.addi %mul3A_433, %add3A_1837 : i32
        %swap3A_1839 = arith.index_cast %add3A_1838 : i32 to index
        %swap3A_1840 = arith.constant 32 : index
        %swap3A_1841 = tpu.vector_load %arg14[%swap3A_1839, %swap3A_1840] {strides = array<i32>} : memref<80x128xf32, #tpu.memory_space<vmem>>, vector<16xf32>,
        tpu.vector_store %arg14[%swap3A_1839, %swap3A_1840], %mul3A_1836 {strides = array<i32>} : memref<80x128xf32, #tpu.memory_space<vmem>>, vector<16xf32>,
        %add3A_1842 = arith.constant 14 : i32
        %add3A_1843 = arith.addi %mul3A_433, %add3A_1842 : i32
        %get3A_1844 = arith.index_cast %add3A_1843 : i32 to index
        %get3A_1845 = arith.constant 48 : index
        %get3A_1846 = tpu.vector_load %arg14[%get3A_1844, %get3A_1845] {strides = array<i32>} : memref<80x128xf32, #tpu.memory_space<vmem>>, vector<16xf32>,
        %mul3A_1847 = vector.broadcast %squeeze3A_1805 : f32 to vector<16xf32>
        %mul3A_1848 = arith.mulf %get3A_1846, %mul3A_1847 : vector<16xf32>
        %add3A_1849 = arith.constant 14 : i32
        %add3A_1850 = arith.addi %mul3A_433, %add3A_1849 : i32
        %swap3A_1851 = arith.index_cast %add3A_1850 : i32 to index
        %swap3A_1852 = arith.constant 48 : index
        %swap3A_1853 = tpu.vector_load %arg14[%swap3A_1851, %swap3A_1852] {strides = array<i32>} : memref<80x128xf32, #tpu.memory_space<vmem>>, vector<16xf32>,
        tpu.vector_store %arg14[%swap3A_1851, %swap3A_1852], %mul3A_1848 {strides = array<i32>} : memref<80x128xf32, #tpu.memory_space<vmem>>, vector<16xf32>,
        %add3A_1854 = arith.constant 14 : i32
        %add3A_1855 = arith.addi %mul3A_433, %add3A_1854 : i32
        %get3A_1856 = arith.index_cast %add3A_1855 : i32 to index
        %get3A_1857 = arith.constant 64 : index
        %get3A_1858 = tpu.vector_load %arg14[%get3A_1856, %get3A_1857] {strides = array<i32>} : memref<80x128xf32, #tpu.memory_space<vmem>>, vector<16xf32>,
        %mul3A_1859 = vector.broadcast %squeeze3A_1805 : f32 to vector<16xf32>
        %mul3A_1860 = arith.mulf %get3A_1858, %mul3A_1859 : vector<16xf32>
        %add3A_1861 = arith.constant 14 : i32
        %add3A_1862 = arith.addi %mul3A_433, %add3A_1861 : i32
        %swap3A_1863 = arith.index_cast %add3A_1862 : i32 to index
        %swap3A_1864 = arith.constant 64 : index
        %swap3A_1865 = tpu.vector_load %arg14[%swap3A_1863, %swap3A_1864] {strides = array<i32>} : memref<80x128xf32, #tpu.memory_space<vmem>>, vector<16xf32>,
        tpu.vector_store %arg14[%swap3A_1863, %swap3A_1864], %mul3A_1860 {strides = array<i32>} : memref<80x128xf32, #tpu.memory_space<vmem>>, vector<16xf32>,
        %add3A_1866 = arith.constant 14 : i32
        %add3A_1867 = arith.addi %mul3A_433, %add3A_1866 : i32
        %get3A_1868 = arith.index_cast %add3A_1867 : i32 to index
        %get3A_1869 = arith.constant 80 : index
        %get3A_1870 = tpu.vector_load %arg14[%get3A_1868, %get3A_1869] {strides = array<i32>} : memref<80x128xf32, #tpu.memory_space<vmem>>, vector<16xf32>,
        %mul3A_1871 = vector.broadcast %squeeze3A_1805 : f32 to vector<16xf32>
        %mul3A_1872 = arith.mulf %get3A_1870, %mul3A_1871 : vector<16xf32>
        %add3A_1873 = arith.constant 14 : i32
        %add3A_1874 = arith.addi %mul3A_433, %add3A_1873 : i32
        %swap3A_1875 = arith.index_cast %add3A_1874 : i32 to index
        %swap3A_1876 = arith.constant 80 : index
        %swap3A_1877 = tpu.vector_load %arg14[%swap3A_1875, %swap3A_1876] {strides = array<i32>} : memref<80x128xf32, #tpu.memory_space<vmem>>, vector<16xf32>,
        tpu.vector_store %arg14[%swap3A_1875, %swap3A_1876], %mul3A_1872 {strides = array<i32>} : memref<80x128xf32, #tpu.memory_space<vmem>>, vector<16xf32>,
        %add3A_1878 = arith.constant 14 : i32
        %add3A_1879 = arith.addi %mul3A_433, %add3A_1878 : i32
        %get3A_1880 = arith.index_cast %add3A_1879 : i32 to index
        %get3A_1881 = arith.constant 96 : index
        %get3A_1882 = tpu.vector_load %arg14[%get3A_1880, %get3A_1881] {strides = array<i32>} : memref<80x128xf32, #tpu.memory_space<vmem>>, vector<16xf32>,
        %mul3A_1883 = vector.broadcast %squeeze3A_1805 : f32 to vector<16xf32>
        %mul3A_1884 = arith.mulf %get3A_1882, %mul3A_1883 : vector<16xf32>
        %add3A_1885 = arith.constant 14 : i32
        %add3A_1886 = arith.addi %mul3A_433, %add3A_1885 : i32
        %swap3A_1887 = arith.index_cast %add3A_1886 : i32 to index
        %swap3A_1888 = arith.constant 96 : index
        %swap3A_1889 = tpu.vector_load %arg14[%swap3A_1887, %swap3A_1888] {strides = array<i32>} : memref<80x128xf32, #tpu.memory_space<vmem>>, vector<16xf32>,
        tpu.vector_store %arg14[%swap3A_1887, %swap3A_1888], %mul3A_1884 {strides = array<i32>} : memref<80x128xf32, #tpu.memory_space<vmem>>, vector<16xf32>,
        %add3A_1890 = arith.constant 14 : i32
        %add3A_1891 = arith.addi %mul3A_433, %add3A_1890 : i32
        %get3A_1892 = arith.index_cast %add3A_1891 : i32 to index
        %get3A_1893 = arith.constant 112 : index
        %get3A_1894 = tpu.vector_load %arg14[%get3A_1892, %get3A_1893] {strides = array<i32>} : memref<80x128xf32, #tpu.memory_space<vmem>>, vector<16xf32>,
        %mul3A_1895 = vector.broadcast %squeeze3A_1805 : f32 to vector<16xf32>
        %mul3A_1896 = arith.mulf %get3A_1894, %mul3A_1895 : vector<16xf32>
        %add3A_1897 = arith.constant 14 : i32
        %add3A_1898 = arith.addi %mul3A_433, %add3A_1897 : i32
        %swap3A_1899 = arith.index_cast %add3A_1898 : i32 to index
        %swap3A_1900 = arith.constant 112 : index
        %swap3A_1901 = tpu.vector_load %arg14[%swap3A_1899, %swap3A_1900] {strides = array<i32>} : memref<80x128xf32, #tpu.memory_space<vmem>>, vector<16xf32>,
        tpu.vector_store %arg14[%swap3A_1899, %swap3A_1900], %mul3A_1896 {strides = array<i32>} : memref<80x128xf32, #tpu.memory_space<vmem>>, vector<16xf32>,
        %slice3A_1902 = vector.extract_strided_slice %get3A_431 {offsets = [15], sizes = [1], strides = [1]} : vector<16xf32> to vector<1xf32>
        %squeeze3A_1903 = vector.extract %slice3A_1902[0] : f32 from vector<1xf32>
        %add3A_1904 = arith.constant 15 : i32
        %add3A_1905 = arith.addi %mul3A_433, %add3A_1904 : i32
        %get3A_1906 = arith.index_cast %add3A_1905 : i32 to index
        %get3A_1907 = arith.constant 0 : index
        %get3A_1908 = tpu.vector_load %arg14[%get3A_1906, %get3A_1907] {strides = array<i32>} : memref<80x128xf32, #tpu.memory_space<vmem>>, vector<16xf32>,
        %mul3A_1909 = vector.broadcast %squeeze3A_1903 : f32 to vector<16xf32>
        %mul3A_1910 = arith.mulf %get3A_1908, %mul3A_1909 : vector<16xf32>
        %add3A_1911 = arith.constant 15 : i32
        %add3A_1912 = arith.addi %mul3A_433, %add3A_1911 : i32
        %swap3A_1913 = arith.index_cast %add3A_1912 : i32 to index
        %swap3A_1914 = arith.constant 0 : index
        %swap3A_1915 = tpu.vector_load %arg14[%swap3A_1913, %swap3A_1914] {strides = array<i32>} : memref<80x128xf32, #tpu.memory_space<vmem>>, vector<16xf32>,
        tpu.vector_store %arg14[%swap3A_1913, %swap3A_1914], %mul3A_1910 {strides = array<i32>} : memref<80x128xf32, #tpu.memory_space<vmem>>, vector<16xf32>,
        %add3A_1916 = arith.constant 15 : i32
        %add3A_1917 = arith.addi %mul3A_433, %add3A_1916 : i32
        %get3A_1918 = arith.index_cast %add3A_1917 : i32 to index
        %get3A_1919 = arith.constant 16 : index
        %get3A_1920 = tpu.vector_load %arg14[%get3A_1918, %get3A_1919] {strides = array<i32>} : memref<80x128xf32, #tpu.memory_space<vmem>>, vector<16xf32>,
        %mul3A_1921 = vector.broadcast %squeeze3A_1903 : f32 to vector<16xf32>
        %mul3A_1922 = arith.mulf %get3A_1920, %mul3A_1921 : vector<16xf32>
        %add3A_1923 = arith.constant 15 : i32
        %add3A_1924 = arith.addi %mul3A_433, %add3A_1923 : i32
        %swap3A_1925 = arith.index_cast %add3A_1924 : i32 to index
        %swap3A_1926 = arith.constant 16 : index
        %swap3A_1927 = tpu.vector_load %arg14[%swap3A_1925, %swap3A_1926] {strides = array<i32>} : memref<80x128xf32, #tpu.memory_space<vmem>>, vector<16xf32>,
        tpu.vector_store %arg14[%swap3A_1925, %swap3A_1926], %mul3A_1922 {strides = array<i32>} : memref<80x128xf32, #tpu.memory_space<vmem>>, vector<16xf32>,
        %add3A_1928 = arith.constant 15 : i32
        %add3A_1929 = arith.addi %mul3A_433, %add3A_1928 : i32
        %get3A_1930 = arith.index_cast %add3A_1929 : i32 to index
        %get3A_1931 = arith.constant 32 : index
        %get3A_1932 = tpu.vector_load %arg14[%get3A_1930, %get3A_1931] {strides = array<i32>} : memref<80x128xf32, #tpu.memory_space<vmem>>, vector<16xf32>,
        %mul3A_1933 = vector.broadcast %squeeze3A_1903 : f32 to vector<16xf32>
        %mul3A_1934 = arith.mulf %get3A_1932, %mul3A_1933 : vector<16xf32>
        %add3A_1935 = arith.constant 15 : i32
        %add3A_1936 = arith.addi %mul3A_433, %add3A_1935 : i32
        %swap3A_1937 = arith.index_cast %add3A_1936 : i32 to index
        %swap3A_1938 = arith.constant 32 : index
        %swap3A_1939 = tpu.vector_load %arg14[%swap3A_1937, %swap3A_1938] {strides = array<i32>} : memref<80x128xf32, #tpu.memory_space<vmem>>, vector<16xf32>,
        tpu.vector_store %arg14[%swap3A_1937, %swap3A_1938], %mul3A_1934 {strides = array<i32>} : memref<80x128xf32, #tpu.memory_space<vmem>>, vector<16xf32>,
        %add3A_1940 = arith.constant 15 : i32
        %add3A_1941 = arith.addi %mul3A_433, %add3A_1940 : i32
        %get3A_1942 = arith.index_cast %add3A_1941 : i32 to index
        %get3A_1943 = arith.constant 48 : index
        %get3A_1944 = tpu.vector_load %arg14[%get3A_1942, %get3A_1943] {strides = array<i32>} : memref<80x128xf32, #tpu.memory_space<vmem>>, vector<16xf32>,
        %mul3A_1945 = vector.broadcast %squeeze3A_1903 : f32 to vector<16xf32>
        %mul3A_1946 = arith.mulf %get3A_1944, %mul3A_1945 : vector<16xf32>
        %add3A_1947 = arith.constant 15 : i32
        %add3A_1948 = arith.addi %mul3A_433, %add3A_1947 : i32
        %swap3A_1949 = arith.index_cast %add3A_1948 : i32 to index
        %swap3A_1950 = arith.constant 48 : index
        %swap3A_1951 = tpu.vector_load %arg14[%swap3A_1949, %swap3A_1950] {strides = array<i32>} : memref<80x128xf32, #tpu.memory_space<vmem>>, vector<16xf32>,
        tpu.vector_store %arg14[%swap3A_1949, %swap3A_1950], %mul3A_1946 {strides = array<i32>} : memref<80x128xf32, #tpu.memory_space<vmem>>, vector<16xf32>,
        %add3A_1952 = arith.constant 15 : i32
        %add3A_1953 = arith.addi %mul3A_433, %add3A_1952 : i32
        %get3A_1954 = arith.index_cast %add3A_1953 : i32 to index
        %get3A_1955 = arith.constant 64 : index
        %get3A_1956 = tpu.vector_load %arg14[%get3A_1954, %get3A_1955] {strides = array<i32>} : memref<80x128xf32, #tpu.memory_space<vmem>>, vector<16xf32>,
        %mul3A_1957 = vector.broadcast %squeeze3A_1903 : f32 to vector<16xf32>
        %mul3A_1958 = arith.mulf %get3A_1956, %mul3A_1957 : vector<16xf32>
        %add3A_1959 = arith.constant 15 : i32
        %add3A_1960 = arith.addi %mul3A_433, %add3A_1959 : i32
        %swap3A_1961 = arith.index_cast %add3A_1960 : i32 to index
        %swap3A_1962 = arith.constant 64 : index
        %swap3A_1963 = tpu.vector_load %arg14[%swap3A_1961, %swap3A_1962] {strides = array<i32>} : memref<80x128xf32, #tpu.memory_space<vmem>>, vector<16xf32>,
        tpu.vector_store %arg14[%swap3A_1961, %swap3A_1962], %mul3A_1958 {strides = array<i32>} : memref<80x128xf32, #tpu.memory_space<vmem>>, vector<16xf32>,
        %add3A_1964 = arith.constant 15 : i32
        %add3A_1965 = arith.addi %mul3A_433, %add3A_1964 : i32
        %get3A_1966 = arith.index_cast %add3A_1965 : i32 to index
        %get3A_1967 = arith.constant 80 : index
        %get3A_1968 = tpu.vector_load %arg14[%get3A_1966, %get3A_1967] {strides = array<i32>} : memref<80x128xf32, #tpu.memory_space<vmem>>, vector<16xf32>,
        %mul3A_1969 = vector.broadcast %squeeze3A_1903 : f32 to vector<16xf32>
        %mul3A_1970 = arith.mulf %get3A_1968, %mul3A_1969 : vector<16xf32>
        %add3A_1971 = arith.constant 15 : i32
        %add3A_1972 = arith.addi %mul3A_433, %add3A_1971 : i32
        %swap3A_1973 = arith.index_cast %add3A_1972 : i32 to index
        %swap3A_1974 = arith.constant 80 : index
        %swap3A_1975 = tpu.vector_load %arg14[%swap3A_1973, %swap3A_1974] {strides = array<i32>} : memref<80x128xf32, #tpu.memory_space<vmem>>, vector<16xf32>,
        tpu.vector_store %arg14[%swap3A_1973, %swap3A_1974], %mul3A_1970 {strides = array<i32>} : memref<80x128xf32, #tpu.memory_space<vmem>>, vector<16xf32>,
        %add3A_1976 = arith.constant 15 : i32
        %add3A_1977 = arith.addi %mul3A_433, %add3A_1976 : i32
        %get3A_1978 = arith.index_cast %add3A_1977 : i32 to index
        %get3A_1979 = arith.constant 96 : index
        %get3A_1980 = tpu.vector_load %arg14[%get3A_1978, %get3A_1979] {strides = array<i32>} : memref<80x128xf32, #tpu.memory_space<vmem>>, vector<16xf32>,
        %mul3A_1981 = vector.broadcast %squeeze3A_1903 : f32 to vector<16xf32>
        %mul3A_1982 = arith.mulf %get3A_1980, %mul3A_1981 : vector<16xf32>
        %add3A_1983 = arith.constant 15 : i32
        %add3A_1984 = arith.addi %mul3A_433, %add3A_1983 : i32
        %swap3A_1985 = arith.index_cast %add3A_1984 : i32 to index
        %swap3A_1986 = arith.constant 96 : index
        %swap3A_1987 = tpu.vector_load %arg14[%swap3A_1985, %swap3A_1986] {strides = array<i32>} : memref<80x128xf32, #tpu.memory_space<vmem>>, vector<16xf32>,
        tpu.vector_store %arg14[%swap3A_1985, %swap3A_1986], %mul3A_1982 {strides = array<i32>} : memref<80x128xf32, #tpu.memory_space<vmem>>, vector<16xf32>,
        %add3A_1988 = arith.constant 15 : i32
        %add3A_1989 = arith.addi %mul3A_433, %add3A_1988 : i32
        %get3A_1990 = arith.index_cast %add3A_1989 : i32 to index
        %get3A_1991 = arith.constant 112 : index
        %get3A_1992 = tpu.vector_load %arg14[%get3A_1990, %get3A_1991] {strides = array<i32>} : memref<80x128xf32, #tpu.memory_space<vmem>>, vector<16xf32>,
        %mul3A_1993 = vector.broadcast %squeeze3A_1903 : f32 to vector<16xf32>
        %mul3A_1994 = arith.mulf %get3A_1992, %mul3A_1993 : vector<16xf32>
        %add3A_1995 = arith.constant 15 : i32
        %add3A_1996 = arith.addi %mul3A_433, %add3A_1995 : i32
        %swap3A_1997 = arith.index_cast %add3A_1996 : i32 to index
        %swap3A_1998 = arith.constant 112 : index
        %swap3A_1999 = tpu.vector_load %arg14[%swap3A_1997, %swap3A_1998] {strides = array<i32>} : memref<80x128xf32, #tpu.memory_space<vmem>>, vector<16xf32>,
        tpu.vector_store %arg14[%swap3A_1997, %swap3A_1998], %mul3A_1994 {strides = array<i32>} : memref<80x128xf32, #tpu.memory_space<vmem>>, vector<16xf32>,
        %scan3A_2000 = arith.constant 0 : i32
        scf.yield %scan3A_2000 : i32
      }
      %scan3A_421 = arith.constant 5 : i32
      %dma_start3A_422 = arith.constant 0 : i32
      %dma_start3A_423 = arith.constant 0 : i32
      %dma_start3A_424 = tpu.memref_slice %arg6[%dma_start3A_422, %dma_start3A_423] : memref<10240x128xf32, #tpu.memory_space<vmem_shared>> -> memref<10240x128xf32, #tpu.memory_space<vmem_shared>>
      tpu.enqueue_indirect_dma source(%arg14 : memref<80x128xf32, #tpu.memory_space<vmem>>) target(%dma_start3A_424 : memref<10240x128xf32, #tpu.memory_space<vmem_shared>>) offsets(%arg10 : memref<80xi32, #tpu.memory_space<vmem>>) semaphore(%arg18 : memref<!tpu.dma_semaphore, #tpu.memory_space<semaphore_mem>>) {add = true}
      %scan3A_425 = arith.constant 0 : i32
      scf.yield %scan3A_425 : i32
    }
    %scan3A_86 = arith.constant 125 : i32
    %dma_wait3A_87 = arith.constant 0 : i32
    %dma_wait3A_88 = arith.constant 0 : i32
    %dma_wait3A_89 = arith.constant 0 : i32
    %dma_wait3A_90 = tpu.memref_slice %arg4[%dma_wait3A_87, %dma_wait3A_88, %dma_wait3A_89] : memref<2x10240x128xf32, #tpu.memory_space<hbm>> -> memref<1x80x128xf32, #tpu.memory_space<hbm>>
    %dma_wait3A_91 = tpu.memref_squeeze %dma_wait3A_90 : memref<1x80x128xf32, #tpu.memory_space<hbm>> -> memref<80x128xf32, #tpu.memory_space<hbm>>
    %dma_wait3A_92 = arith.constant 0 : i32
    %dma_wait3A_93 = arith.constant 0 : i32
    %dma_wait3A_94 = tpu.memref_slice %arg4[%dma_wait3A_87, %dma_wait3A_92, %dma_wait3A_93] : memref<2x10240x128xf32, #tpu.memory_space<hbm>> -> memref<1x80x128xf32, #tpu.memory_space<hbm>>
    %dma_wait3A_95 = tpu.memref_squeeze %dma_wait3A_94 : memref<1x80x128xf32, #tpu.memory_space<hbm>> -> memref<80x128xf32, #tpu.memory_space<hbm>>
    tpu.wait_dma2 semaphore(%arg18 : memref<!tpu.dma_semaphore, #tpu.memory_space<semaphore_mem>>) src(%dma_wait3A_95 : memref<80x128xf32, #tpu.memory_space<hbm>>) dst(%arg13 : memref<80x128xf32, #tpu.memory_space<vmem>>)
    %barrier3A_96 = arith.constant 0 : index
    tpu.barrier barrier_id(%barrier3A_96)
    %mul3A_97 = arith.constant 640 : i32
    %mul3A_98 = arith.muli %arg1, %mul3A_97 : i32
    %add3A_99 = arith.constant 0 : i32
    %add3A_100 = arith.addi %mul3A_98, %add3A_99 : i32
    "tpu.region"() ({
      %run_scoped3A = tpu.sem_alloc : memref<!tpu.dma_semaphore, #tpu.memory_space<semaphore_mem>>
      %dma_start3A_129 = arith.constant 0 : i32
      %dma_start3A_130 = tpu.memref_slice %arg6[%add3A_100, %dma_start3A_129] : memref<10240x128xf32, #tpu.memory_space<vmem_shared>> -> memref<80x128xf32, #tpu.memory_space<vmem_shared>>
      %dma_start3A_131 = arith.constant 0 : i32
      %dma_start3A_132 = tpu.memref_slice %arg6[%add3A_100, %dma_start3A_131] : memref<10240x128xf32, #tpu.memory_space<vmem_shared>> -> memref<80x128xf32, #tpu.memory_space<vmem_shared>>
      tpu.enqueue_dma source(%dma_start3A_132 : memref<80x128xf32, #tpu.memory_space<vmem_shared>>) target(%arg13 : memref<80x128xf32, #tpu.memory_space<vmem>>) target_semaphore(%run_scoped3A : memref<!tpu.dma_semaphore, #tpu.memory_space<semaphore_mem>>)
      %dma_wait3A_133 = arith.constant 0 : i32
      %dma_wait3A_134 = tpu.memref_slice %arg6[%add3A_100, %dma_wait3A_133] : memref<10240x128xf32, #tpu.memory_space<vmem_shared>> -> memref<80x128xf32, #tpu.memory_space<vmem_shared>>
      %dma_wait3A_135 = arith.constant 0 : i32
      %dma_wait3A_136 = tpu.memref_slice %arg6[%add3A_100, %dma_wait3A_135] : memref<10240x128xf32, #tpu.memory_space<vmem_shared>> -> memref<80x128xf32, #tpu.memory_space<vmem_shared>>
      tpu.wait_dma2 semaphore(%run_scoped3A : memref<!tpu.dma_semaphore, #tpu.memory_space<semaphore_mem>>) src(%dma_wait3A_136 : memref<80x128xf32, #tpu.memory_space<vmem_shared>>) dst(%arg13 : memref<80x128xf32, #tpu.memory_space<vmem>>)
      tpu.yield
    }) : () -> ()
    "tpu.region"() ({
      %run_scoped3A = tpu.sem_alloc : memref<!tpu.dma_semaphore, #tpu.memory_space<semaphore_mem>>
      %dma_start3A_129 = arith.constant 0 : i32
      %dma_start3A_130 = tpu.memref_slice %arg4[%arg0, %add3A_100, %dma_start3A_129] : memref<2x10240x128xf32, #tpu.memory_space<hbm>> -> memref<1x80x128xf32, #tpu.memory_space<hbm>>
      %dma_start3A_131 = tpu.memref_squeeze %dma_start3A_130 : memref<1x80x128xf32, #tpu.memory_space<hbm>> -> memref<80x128xf32, #tpu.memory_space<hbm>>
      %dma_start3A_132 = arith.constant 0 : i32
      %dma_start3A_133 = tpu.memref_slice %arg4[%arg0, %add3A_100, %dma_start3A_132] : memref<2x10240x128xf32, #tpu.memory_space<hbm>> -> memref<1x80x128xf32, #tpu.memory_space<hbm>>
      %dma_start3A_134 = tpu.memref_squeeze %dma_start3A_133 : memref<1x80x128xf32, #tpu.memory_space<hbm>> -> memref<80x128xf32, #tpu.memory_space<hbm>>
      tpu.enqueue_dma source(%arg13 : memref<80x128xf32, #tpu.memory_space<vmem>>) target(%dma_start3A_134 : memref<80x128xf32, #tpu.memory_space<hbm>>) target_semaphore(%run_scoped3A : memref<!tpu.dma_semaphore, #tpu.memory_space<semaphore_mem>>)
      %dma_wait3A_135 = arith.constant 0 : i32
      %dma_wait3A_136 = tpu.memref_slice %arg4[%arg0, %add3A_100, %dma_wait3A_135] : memref<2x10240x128xf32, #tpu.memory_space<hbm>> -> memref<1x80x128xf32, #tpu.memory_space<hbm>>
      %dma_wait3A_137 = tpu.memref_squeeze %dma_wait3A_136 : memref<1x80x128xf32, #tpu.memory_space<hbm>> -> memref<80x128xf32, #tpu.memory_space<hbm>>
      %dma_wait3A_138 = arith.constant 0 : i32
      %dma_wait3A_139 = tpu.memref_slice %arg4[%arg0, %add3A_100, %dma_wait3A_138] : memref<2x10240x128xf32, #tpu.memory_space<hbm>> -> memref<1x80x128xf32, #tpu.memory_space<hbm>>
      %dma_wait3A_140 = tpu.memref_squeeze %dma_wait3A_139 : memref<1x80x128xf32, #tpu.memory_space<hbm>> -> memref<80x128xf32, #tpu.memory_space<hbm>>
      tpu.wait_dma2 semaphore(%run_scoped3A : memref<!tpu.dma_semaphore, #tpu.memory_space<semaphore_mem>>) src(%arg13 : memref<80x128xf32, #tpu.memory_space<vmem>>) dst(%dma_wait3A_140 : memref<80x128xf32, #tpu.memory_space<hbm>>)
      tpu.yield
    }) : () -> ()
    %mul3A_101 = arith.constant 640 : i32
    %mul3A_102 = arith.muli %arg1, %mul3A_101 : i32
    %add3A_103 = arith.constant 80 : i32
    %add3A_104 = arith.addi %mul3A_102, %add3A_103 : i32
    "tpu.region"() ({
      %run_scoped3A = tpu.sem_alloc : memref<!tpu.dma_semaphore, #tpu.memory_space<semaphore_mem>>
      %dma_start3A_129 = arith.constant 0 : i32
      %dma_start3A_130 = tpu.memref_slice %arg6[%add3A_104, %dma_start3A_129] : memref<10240x128xf32, #tpu.memory_space<vmem_shared>> -> memref<80x128xf32, #tpu.memory_space<vmem_shared>>
      %dma_start3A_131 = arith.constant 0 : i32
      %dma_start3A_132 = tpu.memref_slice %arg6[%add3A_104, %dma_start3A_131] : memref<10240x128xf32, #tpu.memory_space<vmem_shared>> -> memref<80x128xf32, #tpu.memory_space<vmem_shared>>
      tpu.enqueue_dma source(%dma_start3A_132 : memref<80x128xf32, #tpu.memory_space<vmem_shared>>) target(%arg14 : memref<80x128xf32, #tpu.memory_space<vmem>>) target_semaphore(%run_scoped3A : memref<!tpu.dma_semaphore, #tpu.memory_space<semaphore_mem>>)
      %dma_wait3A_133 = arith.constant 0 : i32
      %dma_wait3A_134 = tpu.memref_slice %arg6[%add3A_104, %dma_wait3A_133] : memref<10240x128xf32, #tpu.memory_space<vmem_shared>> -> memref<80x128xf32, #tpu.memory_space<vmem_shared>>
      %dma_wait3A_135 = arith.constant 0 : i32
      %dma_wait3A_136 = tpu.memref_slice %arg6[%add3A_104, %dma_wait3A_135] : memref<10240x128xf32, #tpu.memory_space<vmem_shared>> -> memref<80x128xf32, #tpu.memory_space<vmem_shared>>
      tpu.wait_dma2 semaphore(%run_scoped3A : memref<!tpu.dma_semaphore, #tpu.memory_space<semaphore_mem>>) src(%dma_wait3A_136 : memref<80x128xf32, #tpu.memory_space<vmem_shared>>) dst(%arg14 : memref<80x128xf32, #tpu.memory_space<vmem>>)
      tpu.yield
    }) : () -> ()
    "tpu.region"() ({
      %run_scoped3A = tpu.sem_alloc : memref<!tpu.dma_semaphore, #tpu.memory_space<semaphore_mem>>
      %dma_start3A_129 = arith.constant 0 : i32
      %dma_start3A_130 = tpu.memref_slice %arg4[%arg0, %add3A_104, %dma_start3A_129] : memref<2x10240x128xf32, #tpu.memory_space<hbm>> -> memref<1x80x128xf32, #tpu.memory_space<hbm>>
      %dma_start3A_131 = tpu.memref_squeeze %dma_start3A_130 : memref<1x80x128xf32, #tpu.memory_space<hbm>> -> memref<80x128xf32, #tpu.memory_space<hbm>>
      %dma_start3A_132 = arith.constant 0 : i32
      %dma_start3A_133 = tpu.memref_slice %arg4[%arg0, %add3A_104, %dma_start3A_132] : memref<2x10240x128xf32, #tpu.memory_space<hbm>> -> memref<1x80x128xf32, #tpu.memory_space<hbm>>
      %dma_start3A_134 = tpu.memref_squeeze %dma_start3A_133 : memref<1x80x128xf32, #tpu.memory_space<hbm>> -> memref<80x128xf32, #tpu.memory_space<hbm>>
      tpu.enqueue_dma source(%arg14 : memref<80x128xf32, #tpu.memory_space<vmem>>) target(%dma_start3A_134 : memref<80x128xf32, #tpu.memory_space<hbm>>) target_semaphore(%run_scoped3A : memref<!tpu.dma_semaphore, #tpu.memory_space<semaphore_mem>>)
      %dma_wait3A_135 = arith.constant 0 : i32
      %dma_wait3A_136 = tpu.memref_slice %arg4[%arg0, %add3A_104, %dma_wait3A_135] : memref<2x10240x128xf32, #tpu.memory_space<hbm>> -> memref<1x80x128xf32, #tpu.memory_space<hbm>>
      %dma_wait3A_137 = tpu.memref_squeeze %dma_wait3A_136 : memref<1x80x128xf32, #tpu.memory_space<hbm>> -> memref<80x128xf32, #tpu.memory_space<hbm>>
      %dma_wait3A_138 = arith.constant 0 : i32
      %dma_wait3A_139 = tpu.memref_slice %arg4[%arg0, %add3A_104, %dma_wait3A_138] : memref<2x10240x128xf32, #tpu.memory_space<hbm>> -> memref<1x80x128xf32, #tpu.memory_space<hbm>>
      %dma_wait3A_140 = tpu.memref_squeeze %dma_wait3A_139 : memref<1x80x128xf32, #tpu.memory_space<hbm>> -> memref<80x128xf32, #tpu.memory_space<hbm>>
      tpu.wait_dma2 semaphore(%run_scoped3A : memref<!tpu.dma_semaphore, #tpu.memory_space<semaphore_mem>>) src(%arg14 : memref<80x128xf32, #tpu.memory_space<vmem>>) dst(%dma_wait3A_140 : memref<80x128xf32, #tpu.memory_space<hbm>>)
      tpu.yield
    }) : () -> ()
    %mul3A_105 = arith.constant 640 : i32
    %mul3A_106 = arith.muli %arg1, %mul3A_105 : i32
    %add3A_107 = arith.constant 160 : i32
    %add3A_108 = arith.addi %mul3A_106, %add3A_107 : i32
    "tpu.region"() ({
      %run_scoped3A = tpu.sem_alloc : memref<!tpu.dma_semaphore, #tpu.memory_space<semaphore_mem>>
      %dma_start3A_129 = arith.constant 0 : i32
      %dma_start3A_130 = tpu.memref_slice %arg6[%add3A_108, %dma_start3A_129] : memref<10240x128xf32, #tpu.memory_space<vmem_shared>> -> memref<80x128xf32, #tpu.memory_space<vmem_shared>>
      %dma_start3A_131 = arith.constant 0 : i32
      %dma_start3A_132 = tpu.memref_slice %arg6[%add3A_108, %dma_start3A_131] : memref<10240x128xf32, #tpu.memory_space<vmem_shared>> -> memref<80x128xf32, #tpu.memory_space<vmem_shared>>
      tpu.enqueue_dma source(%dma_start3A_132 : memref<80x128xf32, #tpu.memory_space<vmem_shared>>) target(%arg13 : memref<80x128xf32, #tpu.memory_space<vmem>>) target_semaphore(%run_scoped3A : memref<!tpu.dma_semaphore, #tpu.memory_space<semaphore_mem>>)
      %dma_wait3A_133 = arith.constant 0 : i32
      %dma_wait3A_134 = tpu.memref_slice %arg6[%add3A_108, %dma_wait3A_133] : memref<10240x128xf32, #tpu.memory_space<vmem_shared>> -> memref<80x128xf32, #tpu.memory_space<vmem_shared>>
      %dma_wait3A_135 = arith.constant 0 : i32
      %dma_wait3A_136 = tpu.memref_slice %arg6[%add3A_108, %dma_wait3A_135] : memref<10240x128xf32, #tpu.memory_space<vmem_shared>> -> memref<80x128xf32, #tpu.memory_space<vmem_shared>>
      tpu.wait_dma2 semaphore(%run_scoped3A : memref<!tpu.dma_semaphore, #tpu.memory_space<semaphore_mem>>) src(%dma_wait3A_136 : memref<80x128xf32, #tpu.memory_space<vmem_shared>>) dst(%arg13 : memref<80x128xf32, #tpu.memory_space<vmem>>)
      tpu.yield
    }) : () -> ()
    "tpu.region"() ({
      %run_scoped3A = tpu.sem_alloc : memref<!tpu.dma_semaphore, #tpu.memory_space<semaphore_mem>>
      %dma_start3A_129 = arith.constant 0 : i32
      %dma_start3A_130 = tpu.memref_slice %arg4[%arg0, %add3A_108, %dma_start3A_129] : memref<2x10240x128xf32, #tpu.memory_space<hbm>> -> memref<1x80x128xf32, #tpu.memory_space<hbm>>
      %dma_start3A_131 = tpu.memref_squeeze %dma_start3A_130 : memref<1x80x128xf32, #tpu.memory_space<hbm>> -> memref<80x128xf32, #tpu.memory_space<hbm>>
      %dma_start3A_132 = arith.constant 0 : i32
      %dma_start3A_133 = tpu.memref_slice %arg4[%arg0, %add3A_108, %dma_start3A_132] : memref<2x10240x128xf32, #tpu.memory_space<hbm>> -> memref<1x80x128xf32, #tpu.memory_space<hbm>>
      %dma_start3A_134 = tpu.memref_squeeze %dma_start3A_133 : memref<1x80x128xf32, #tpu.memory_space<hbm>> -> memref<80x128xf32, #tpu.memory_space<hbm>>
      tpu.enqueue_dma source(%arg13 : memref<80x128xf32, #tpu.memory_space<vmem>>) target(%dma_start3A_134 : memref<80x128xf32, #tpu.memory_space<hbm>>) target_semaphore(%run_scoped3A : memref<!tpu.dma_semaphore, #tpu.memory_space<semaphore_mem>>)
      %dma_wait3A_135 = arith.constant 0 : i32
      %dma_wait3A_136 = tpu.memref_slice %arg4[%arg0, %add3A_108, %dma_wait3A_135] : memref<2x10240x128xf32, #tpu.memory_space<hbm>> -> memref<1x80x128xf32, #tpu.memory_space<hbm>>
      %dma_wait3A_137 = tpu.memref_squeeze %dma_wait3A_136 : memref<1x80x128xf32, #tpu.memory_space<hbm>> -> memref<80x128xf32, #tpu.memory_space<hbm>>
      %dma_wait3A_138 = arith.constant 0 : i32
      %dma_wait3A_139 = tpu.memref_slice %arg4[%arg0, %add3A_108, %dma_wait3A_138] : memref<2x10240x128xf32, #tpu.memory_space<hbm>> -> memref<1x80x128xf32, #tpu.memory_space<hbm>>
      %dma_wait3A_140 = tpu.memref_squeeze %dma_wait3A_139 : memref<1x80x128xf32, #tpu.memory_space<hbm>> -> memref<80x128xf32, #tpu.memory_space<hbm>>
      tpu.wait_dma2 semaphore(%run_scoped3A : memref<!tpu.dma_semaphore, #tpu.memory_space<semaphore_mem>>) src(%arg13 : memref<80x128xf32, #tpu.memory_space<vmem>>) dst(%dma_wait3A_140 : memref<80x128xf32, #tpu.memory_space<hbm>>)
      tpu.yield
    }) : () -> ()
    %mul3A_109 = arith.constant 640 : i32
    %mul3A_110 = arith.muli %arg1, %mul3A_109 : i32
    %add3A_111 = arith.constant 240 : i32
    %add3A_112 = arith.addi %mul3A_110, %add3A_111 : i32
    "tpu.region"() ({
      %run_scoped3A = tpu.sem_alloc : memref<!tpu.dma_semaphore, #tpu.memory_space<semaphore_mem>>
      %dma_start3A_129 = arith.constant 0 : i32
      %dma_start3A_130 = tpu.memref_slice %arg6[%add3A_112, %dma_start3A_129] : memref<10240x128xf32, #tpu.memory_space<vmem_shared>> -> memref<80x128xf32, #tpu.memory_space<vmem_shared>>
      %dma_start3A_131 = arith.constant 0 : i32
      %dma_start3A_132 = tpu.memref_slice %arg6[%add3A_112, %dma_start3A_131] : memref<10240x128xf32, #tpu.memory_space<vmem_shared>> -> memref<80x128xf32, #tpu.memory_space<vmem_shared>>
      tpu.enqueue_dma source(%dma_start3A_132 : memref<80x128xf32, #tpu.memory_space<vmem_shared>>) target(%arg14 : memref<80x128xf32, #tpu.memory_space<vmem>>) target_semaphore(%run_scoped3A : memref<!tpu.dma_semaphore, #tpu.memory_space<semaphore_mem>>)
      %dma_wait3A_133 = arith.constant 0 : i32
      %dma_wait3A_134 = tpu.memref_slice %arg6[%add3A_112, %dma_wait3A_133] : memref<10240x128xf32, #tpu.memory_space<vmem_shared>> -> memref<80x128xf32, #tpu.memory_space<vmem_shared>>
      %dma_wait3A_135 = arith.constant 0 : i32
      %dma_wait3A_136 = tpu.memref_slice %arg6[%add3A_112, %dma_wait3A_135] : memref<10240x128xf32, #tpu.memory_space<vmem_shared>> -> memref<80x128xf32, #tpu.memory_space<vmem_shared>>
      tpu.wait_dma2 semaphore(%run_scoped3A : memref<!tpu.dma_semaphore, #tpu.memory_space<semaphore_mem>>) src(%dma_wait3A_136 : memref<80x128xf32, #tpu.memory_space<vmem_shared>>) dst(%arg14 : memref<80x128xf32, #tpu.memory_space<vmem>>)
      tpu.yield
    }) : () -> ()
    "tpu.region"() ({
      %run_scoped3A = tpu.sem_alloc : memref<!tpu.dma_semaphore, #tpu.memory_space<semaphore_mem>>
      %dma_start3A_129 = arith.constant 0 : i32
      %dma_start3A_130 = tpu.memref_slice %arg4[%arg0, %add3A_112, %dma_start3A_129] : memref<2x10240x128xf32, #tpu.memory_space<hbm>> -> memref<1x80x128xf32, #tpu.memory_space<hbm>>
      %dma_start3A_131 = tpu.memref_squeeze %dma_start3A_130 : memref<1x80x128xf32, #tpu.memory_space<hbm>> -> memref<80x128xf32, #tpu.memory_space<hbm>>
      %dma_start3A_132 = arith.constant 0 : i32
      %dma_start3A_133 = tpu.memref_slice %arg4[%arg0, %add3A_112, %dma_start3A_132] : memref<2x10240x128xf32, #tpu.memory_space<hbm>> -> memref<1x80x128xf32, #tpu.memory_space<hbm>>
      %dma_start3A_134 = tpu.memref_squeeze %dma_start3A_133 : memref<1x80x128xf32, #tpu.memory_space<hbm>> -> memref<80x128xf32, #tpu.memory_space<hbm>>
      tpu.enqueue_dma source(%arg14 : memref<80x128xf32, #tpu.memory_space<vmem>>) target(%dma_start3A_134 : memref<80x128xf32, #tpu.memory_space<hbm>>) target_semaphore(%run_scoped3A : memref<!tpu.dma_semaphore, #tpu.memory_space<semaphore_mem>>)
      %dma_wait3A_135 = arith.constant 0 : i32
      %dma_wait3A_136 = tpu.memref_slice %arg4[%arg0, %add3A_112, %dma_wait3A_135] : memref<2x10240x128xf32, #tpu.memory_space<hbm>> -> memref<1x80x128xf32, #tpu.memory_space<hbm>>
      %dma_wait3A_137 = tpu.memref_squeeze %dma_wait3A_136 : memref<1x80x128xf32, #tpu.memory_space<hbm>> -> memref<80x128xf32, #tpu.memory_space<hbm>>
      %dma_wait3A_138 = arith.constant 0 : i32
      %dma_wait3A_139 = tpu.memref_slice %arg4[%arg0, %add3A_112, %dma_wait3A_138] : memref<2x10240x128xf32, #tpu.memory_space<hbm>> -> memref<1x80x128xf32, #tpu.memory_space<hbm>>
      %dma_wait3A_140 = tpu.memref_squeeze %dma_wait3A_139 : memref<1x80x128xf32, #tpu.memory_space<hbm>> -> memref<80x128xf32, #tpu.memory_space<hbm>>
      tpu.wait_dma2 semaphore(%run_scoped3A : memref<!tpu.dma_semaphore, #tpu.memory_space<semaphore_mem>>) src(%arg14 : memref<80x128xf32, #tpu.memory_space<vmem>>) dst(%dma_wait3A_140 : memref<80x128xf32, #tpu.memory_space<hbm>>)
      tpu.yield
    }) : () -> ()
    %mul3A_113 = arith.constant 640 : i32
    %mul3A_114 = arith.muli %arg1, %mul3A_113 : i32
    %add3A_115 = arith.constant 320 : i32
    %add3A_116 = arith.addi %mul3A_114, %add3A_115 : i32
    "tpu.region"() ({
      %run_scoped3A = tpu.sem_alloc : memref<!tpu.dma_semaphore, #tpu.memory_space<semaphore_mem>>
      %dma_start3A_129 = arith.constant 0 : i32
      %dma_start3A_130 = tpu.memref_slice %arg6[%add3A_116, %dma_start3A_129] : memref<10240x128xf32, #tpu.memory_space<vmem_shared>> -> memref<80x128xf32, #tpu.memory_space<vmem_shared>>
      %dma_start3A_131 = arith.constant 0 : i32
      %dma_start3A_132 = tpu.memref_slice %arg6[%add3A_116, %dma_start3A_131] : memref<10240x128xf32, #tpu.memory_space<vmem_shared>> -> memref<80x128xf32, #tpu.memory_space<vmem_shared>>
      tpu.enqueue_dma source(%dma_start3A_132 : memref<80x128xf32, #tpu.memory_space<vmem_shared>>) target(%arg13 : memref<80x128xf32, #tpu.memory_space<vmem>>) target_semaphore(%run_scoped3A : memref<!tpu.dma_semaphore, #tpu.memory_space<semaphore_mem>>)
      %dma_wait3A_133 = arith.constant 0 : i32
      %dma_wait3A_134 = tpu.memref_slice %arg6[%add3A_116, %dma_wait3A_133] : memref<10240x128xf32, #tpu.memory_space<vmem_shared>> -> memref<80x128xf32, #tpu.memory_space<vmem_shared>>
      %dma_wait3A_135 = arith.constant 0 : i32
      %dma_wait3A_136 = tpu.memref_slice %arg6[%add3A_116, %dma_wait3A_135] : memref<10240x128xf32, #tpu.memory_space<vmem_shared>> -> memref<80x128xf32, #tpu.memory_space<vmem_shared>>
      tpu.wait_dma2 semaphore(%run_scoped3A : memref<!tpu.dma_semaphore, #tpu.memory_space<semaphore_mem>>) src(%dma_wait3A_136 : memref<80x128xf32, #tpu.memory_space<vmem_shared>>) dst(%arg13 : memref<80x128xf32, #tpu.memory_space<vmem>>)
      tpu.yield
    }) : () -> ()
    "tpu.region"() ({
      %run_scoped3A = tpu.sem_alloc : memref<!tpu.dma_semaphore, #tpu.memory_space<semaphore_mem>>
      %dma_start3A_129 = arith.constant 0 : i32
      %dma_start3A_130 = tpu.memref_slice %arg4[%arg0, %add3A_116, %dma_start3A_129] : memref<2x10240x128xf32, #tpu.memory_space<hbm>> -> memref<1x80x128xf32, #tpu.memory_space<hbm>>
      %dma_start3A_131 = tpu.memref_squeeze %dma_start3A_130 : memref<1x80x128xf32, #tpu.memory_space<hbm>> -> memref<80x128xf32, #tpu.memory_space<hbm>>
      %dma_start3A_132 = arith.constant 0 : i32
      %dma_start3A_133 = tpu.memref_slice %arg4[%arg0, %add3A_116, %dma_start3A_132] : memref<2x10240x128xf32, #tpu.memory_space<hbm>> -> memref<1x80x128xf32, #tpu.memory_space<hbm>>
      %dma_start3A_134 = tpu.memref_squeeze %dma_start3A_133 : memref<1x80x128xf32, #tpu.memory_space<hbm>> -> memref<80x128xf32, #tpu.memory_space<hbm>>
      tpu.enqueue_dma source(%arg13 : memref<80x128xf32, #tpu.memory_space<vmem>>) target(%dma_start3A_134 : memref<80x128xf32, #tpu.memory_space<hbm>>) target_semaphore(%run_scoped3A : memref<!tpu.dma_semaphore, #tpu.memory_space<semaphore_mem>>)
      %dma_wait3A_135 = arith.constant 0 : i32
      %dma_wait3A_136 = tpu.memref_slice %arg4[%arg0, %add3A_116, %dma_wait3A_135] : memref<2x10240x128xf32, #tpu.memory_space<hbm>> -> memref<1x80x128xf32, #tpu.memory_space<hbm>>
      %dma_wait3A_137 = tpu.memref_squeeze %dma_wait3A_136 : memref<1x80x128xf32, #tpu.memory_space<hbm>> -> memref<80x128xf32, #tpu.memory_space<hbm>>
      %dma_wait3A_138 = arith.constant 0 : i32
      %dma_wait3A_139 = tpu.memref_slice %arg4[%arg0, %add3A_116, %dma_wait3A_138] : memref<2x10240x128xf32, #tpu.memory_space<hbm>> -> memref<1x80x128xf32, #tpu.memory_space<hbm>>
      %dma_wait3A_140 = tpu.memref_squeeze %dma_wait3A_139 : memref<1x80x128xf32, #tpu.memory_space<hbm>> -> memref<80x128xf32, #tpu.memory_space<hbm>>
      tpu.wait_dma2 semaphore(%run_scoped3A : memref<!tpu.dma_semaphore, #tpu.memory_space<semaphore_mem>>) src(%arg13 : memref<80x128xf32, #tpu.memory_space<vmem>>) dst(%dma_wait3A_140 : memref<80x128xf32, #tpu.memory_space<hbm>>)
      tpu.yield
    }) : () -> ()
    %mul3A_117 = arith.constant 640 : i32
    %mul3A_118 = arith.muli %arg1, %mul3A_117 : i32
    %add3A_119 = arith.constant 400 : i32
    %add3A_120 = arith.addi %mul3A_118, %add3A_119 : i32
    "tpu.region"() ({
      %run_scoped3A = tpu.sem_alloc : memref<!tpu.dma_semaphore, #tpu.memory_space<semaphore_mem>>
      %dma_start3A_129 = arith.constant 0 : i32
      %dma_start3A_130 = tpu.memref_slice %arg6[%add3A_120, %dma_start3A_129] : memref<10240x128xf32, #tpu.memory_space<vmem_shared>> -> memref<80x128xf32, #tpu.memory_space<vmem_shared>>
      %dma_start3A_131 = arith.constant 0 : i32
      %dma_start3A_132 = tpu.memref_slice %arg6[%add3A_120, %dma_start3A_131] : memref<10240x128xf32, #tpu.memory_space<vmem_shared>> -> memref<80x128xf32, #tpu.memory_space<vmem_shared>>
      tpu.enqueue_dma source(%dma_start3A_132 : memref<80x128xf32, #tpu.memory_space<vmem_shared>>) target(%arg14 : memref<80x128xf32, #tpu.memory_space<vmem>>) target_semaphore(%run_scoped3A : memref<!tpu.dma_semaphore, #tpu.memory_space<semaphore_mem>>)
      %dma_wait3A_133 = arith.constant 0 : i32
      %dma_wait3A_134 = tpu.memref_slice %arg6[%add3A_120, %dma_wait3A_133] : memref<10240x128xf32, #tpu.memory_space<vmem_shared>> -> memref<80x128xf32, #tpu.memory_space<vmem_shared>>
      %dma_wait3A_135 = arith.constant 0 : i32
      %dma_wait3A_136 = tpu.memref_slice %arg6[%add3A_120, %dma_wait3A_135] : memref<10240x128xf32, #tpu.memory_space<vmem_shared>> -> memref<80x128xf32, #tpu.memory_space<vmem_shared>>
      tpu.wait_dma2 semaphore(%run_scoped3A : memref<!tpu.dma_semaphore, #tpu.memory_space<semaphore_mem>>) src(%dma_wait3A_136 : memref<80x128xf32, #tpu.memory_space<vmem_shared>>) dst(%arg14 : memref<80x128xf32, #tpu.memory_space<vmem>>)
      tpu.yield
    }) : () -> ()
    "tpu.region"() ({
      %run_scoped3A = tpu.sem_alloc : memref<!tpu.dma_semaphore, #tpu.memory_space<semaphore_mem>>
      %dma_start3A_129 = arith.constant 0 : i32
      %dma_start3A_130 = tpu.memref_slice %arg4[%arg0, %add3A_120, %dma_start3A_129] : memref<2x10240x128xf32, #tpu.memory_space<hbm>> -> memref<1x80x128xf32, #tpu.memory_space<hbm>>
      %dma_start3A_131 = tpu.memref_squeeze %dma_start3A_130 : memref<1x80x128xf32, #tpu.memory_space<hbm>> -> memref<80x128xf32, #tpu.memory_space<hbm>>
      %dma_start3A_132 = arith.constant 0 : i32
      %dma_start3A_133 = tpu.memref_slice %arg4[%arg0, %add3A_120, %dma_start3A_132] : memref<2x10240x128xf32, #tpu.memory_space<hbm>> -> memref<1x80x128xf32, #tpu.memory_space<hbm>>
      %dma_start3A_134 = tpu.memref_squeeze %dma_start3A_133 : memref<1x80x128xf32, #tpu.memory_space<hbm>> -> memref<80x128xf32, #tpu.memory_space<hbm>>
      tpu.enqueue_dma source(%arg14 : memref<80x128xf32, #tpu.memory_space<vmem>>) target(%dma_start3A_134 : memref<80x128xf32, #tpu.memory_space<hbm>>) target_semaphore(%run_scoped3A : memref<!tpu.dma_semaphore, #tpu.memory_space<semaphore_mem>>)
      %dma_wait3A_135 = arith.constant 0 : i32
      %dma_wait3A_136 = tpu.memref_slice %arg4[%arg0, %add3A_120, %dma_wait3A_135] : memref<2x10240x128xf32, #tpu.memory_space<hbm>> -> memref<1x80x128xf32, #tpu.memory_space<hbm>>
      %dma_wait3A_137 = tpu.memref_squeeze %dma_wait3A_136 : memref<1x80x128xf32, #tpu.memory_space<hbm>> -> memref<80x128xf32, #tpu.memory_space<hbm>>
      %dma_wait3A_138 = arith.constant 0 : i32
      %dma_wait3A_139 = tpu.memref_slice %arg4[%arg0, %add3A_120, %dma_wait3A_138] : memref<2x10240x128xf32, #tpu.memory_space<hbm>> -> memref<1x80x128xf32, #tpu.memory_space<hbm>>
      %dma_wait3A_140 = tpu.memref_squeeze %dma_wait3A_139 : memref<1x80x128xf32, #tpu.memory_space<hbm>> -> memref<80x128xf32, #tpu.memory_space<hbm>>
      tpu.wait_dma2 semaphore(%run_scoped3A : memref<!tpu.dma_semaphore, #tpu.memory_space<semaphore_mem>>) src(%arg14 : memref<80x128xf32, #tpu.memory_space<vmem>>) dst(%dma_wait3A_140 : memref<80x128xf32, #tpu.memory_space<hbm>>)
      tpu.yield
    }) : () -> ()
    %mul3A_121 = arith.constant 640 : i32
    %mul3A_122 = arith.muli %arg1, %mul3A_121 : i32
    %add3A_123 = arith.constant 480 : i32
    %add3A_124 = arith.addi %mul3A_122, %add3A_123 : i32
    "tpu.region"() ({
      %run_scoped3A = tpu.sem_alloc : memref<!tpu.dma_semaphore, #tpu.memory_space<semaphore_mem>>
      %dma_start3A_129 = arith.constant 0 : i32
      %dma_start3A_130 = tpu.memref_slice %arg6[%add3A_124, %dma_start3A_129] : memref<10240x128xf32, #tpu.memory_space<vmem_shared>> -> memref<80x128xf32, #tpu.memory_space<vmem_shared>>
      %dma_start3A_131 = arith.constant 0 : i32
      %dma_start3A_132 = tpu.memref_slice %arg6[%add3A_124, %dma_start3A_131] : memref<10240x128xf32, #tpu.memory_space<vmem_shared>> -> memref<80x128xf32, #tpu.memory_space<vmem_shared>>
      tpu.enqueue_dma source(%dma_start3A_132 : memref<80x128xf32, #tpu.memory_space<vmem_shared>>) target(%arg13 : memref<80x128xf32, #tpu.memory_space<vmem>>) target_semaphore(%run_scoped3A : memref<!tpu.dma_semaphore, #tpu.memory_space<semaphore_mem>>)
      %dma_wait3A_133 = arith.constant 0 : i32
      %dma_wait3A_134 = tpu.memref_slice %arg6[%add3A_124, %dma_wait3A_133] : memref<10240x128xf32, #tpu.memory_space<vmem_shared>> -> memref<80x128xf32, #tpu.memory_space<vmem_shared>>
      %dma_wait3A_135 = arith.constant 0 : i32
      %dma_wait3A_136 = tpu.memref_slice %arg6[%add3A_124, %dma_wait3A_135] : memref<10240x128xf32, #tpu.memory_space<vmem_shared>> -> memref<80x128xf32, #tpu.memory_space<vmem_shared>>
      tpu.wait_dma2 semaphore(%run_scoped3A : memref<!tpu.dma_semaphore, #tpu.memory_space<semaphore_mem>>) src(%dma_wait3A_136 : memref<80x128xf32, #tpu.memory_space<vmem_shared>>) dst(%arg13 : memref<80x128xf32, #tpu.memory_space<vmem>>)
      tpu.yield
    }) : () -> ()
    "tpu.region"() ({
      %run_scoped3A = tpu.sem_alloc : memref<!tpu.dma_semaphore, #tpu.memory_space<semaphore_mem>>
      %dma_start3A_129 = arith.constant 0 : i32
      %dma_start3A_130 = tpu.memref_slice %arg4[%arg0, %add3A_124, %dma_start3A_129] : memref<2x10240x128xf32, #tpu.memory_space<hbm>> -> memref<1x80x128xf32, #tpu.memory_space<hbm>>
      %dma_start3A_131 = tpu.memref_squeeze %dma_start3A_130 : memref<1x80x128xf32, #tpu.memory_space<hbm>> -> memref<80x128xf32, #tpu.memory_space<hbm>>
      %dma_start3A_132 = arith.constant 0 : i32
      %dma_start3A_133 = tpu.memref_slice %arg4[%arg0, %add3A_124, %dma_start3A_132] : memref<2x10240x128xf32, #tpu.memory_space<hbm>> -> memref<1x80x128xf32, #tpu.memory_space<hbm>>
      %dma_start3A_134 = tpu.memref_squeeze %dma_start3A_133 : memref<1x80x128xf32, #tpu.memory_space<hbm>> -> memref<80x128xf32, #tpu.memory_space<hbm>>
      tpu.enqueue_dma source(%arg13 : memref<80x128xf32, #tpu.memory_space<vmem>>) target(%dma_start3A_134 : memref<80x128xf32, #tpu.memory_space<hbm>>) target_semaphore(%run_scoped3A : memref<!tpu.dma_semaphore, #tpu.memory_space<semaphore_mem>>)
      %dma_wait3A_135 = arith.constant 0 : i32
      %dma_wait3A_136 = tpu.memref_slice %arg4[%arg0, %add3A_124, %dma_wait3A_135] : memref<2x10240x128xf32, #tpu.memory_space<hbm>> -> memref<1x80x128xf32, #tpu.memory_space<hbm>>
      %dma_wait3A_137 = tpu.memref_squeeze %dma_wait3A_136 : memref<1x80x128xf32, #tpu.memory_space<hbm>> -> memref<80x128xf32, #tpu.memory_space<hbm>>
      %dma_wait3A_138 = arith.constant 0 : i32
      %dma_wait3A_139 = tpu.memref_slice %arg4[%arg0, %add3A_124, %dma_wait3A_138] : memref<2x10240x128xf32, #tpu.memory_space<hbm>> -> memref<1x80x128xf32, #tpu.memory_space<hbm>>
      %dma_wait3A_140 = tpu.memref_squeeze %dma_wait3A_139 : memref<1x80x128xf32, #tpu.memory_space<hbm>> -> memref<80x128xf32, #tpu.memory_space<hbm>>
      tpu.wait_dma2 semaphore(%run_scoped3A : memref<!tpu.dma_semaphore, #tpu.memory_space<semaphore_mem>>) src(%arg13 : memref<80x128xf32, #tpu.memory_space<vmem>>) dst(%dma_wait3A_140 : memref<80x128xf32, #tpu.memory_space<hbm>>)
      tpu.yield
    }) : () -> ()
    %mul3A_125 = arith.constant 640 : i32
    %mul3A_126 = arith.muli %arg1, %mul3A_125 : i32
    %add3A_127 = arith.constant 560 : i32
    %add3A_128 = arith.addi %mul3A_126, %add3A_127 : i32
    "tpu.region"() ({
      %run_scoped3A = tpu.sem_alloc : memref<!tpu.dma_semaphore, #tpu.memory_space<semaphore_mem>>
      %dma_start3A_129 = arith.constant 0 : i32
      %dma_start3A_130 = tpu.memref_slice %arg6[%add3A_128, %dma_start3A_129] : memref<10240x128xf32, #tpu.memory_space<vmem_shared>> -> memref<80x128xf32, #tpu.memory_space<vmem_shared>>
      %dma_start3A_131 = arith.constant 0 : i32
      %dma_start3A_132 = tpu.memref_slice %arg6[%add3A_128, %dma_start3A_131] : memref<10240x128xf32, #tpu.memory_space<vmem_shared>> -> memref<80x128xf32, #tpu.memory_space<vmem_shared>>
      tpu.enqueue_dma source(%dma_start3A_132 : memref<80x128xf32, #tpu.memory_space<vmem_shared>>) target(%arg14 : memref<80x128xf32, #tpu.memory_space<vmem>>) target_semaphore(%run_scoped3A : memref<!tpu.dma_semaphore, #tpu.memory_space<semaphore_mem>>)
      %dma_wait3A_133 = arith.constant 0 : i32
      %dma_wait3A_134 = tpu.memref_slice %arg6[%add3A_128, %dma_wait3A_133] : memref<10240x128xf32, #tpu.memory_space<vmem_shared>> -> memref<80x128xf32, #tpu.memory_space<vmem_shared>>
      %dma_wait3A_135 = arith.constant 0 : i32
      %dma_wait3A_136 = tpu.memref_slice %arg6[%add3A_128, %dma_wait3A_135] : memref<10240x128xf32, #tpu.memory_space<vmem_shared>> -> memref<80x128xf32, #tpu.memory_space<vmem_shared>>
      tpu.wait_dma2 semaphore(%run_scoped3A : memref<!tpu.dma_semaphore, #tpu.memory_space<semaphore_mem>>) src(%dma_wait3A_136 : memref<80x128xf32, #tpu.memory_space<vmem_shared>>) dst(%arg14 : memref<80x128xf32, #tpu.memory_space<vmem>>)
      tpu.yield
    }) : () -> ()
    "tpu.region"() ({
      %run_scoped3A = tpu.sem_alloc : memref<!tpu.dma_semaphore, #tpu.memory_space<semaphore_mem>>
      %dma_start3A_129 = arith.constant 0 : i32
      %dma_start3A_130 = tpu.memref_slice %arg4[%arg0, %add3A_128, %dma_start3A_129] : memref<2x10240x128xf32, #tpu.memory_space<hbm>> -> memref<1x80x128xf32, #tpu.memory_space<hbm>>
      %dma_start3A_131 = tpu.memref_squeeze %dma_start3A_130 : memref<1x80x128xf32, #tpu.memory_space<hbm>> -> memref<80x128xf32, #tpu.memory_space<hbm>>
      %dma_start3A_132 = arith.constant 0 : i32
      %dma_start3A_133 = tpu.memref_slice %arg4[%arg0, %add3A_128, %dma_start3A_132] : memref<2x10240x128xf32, #tpu.memory_space<hbm>> -> memref<1x80x128xf32, #tpu.memory_space<hbm>>
      %dma_start3A_134 = tpu.memref_squeeze %dma_start3A_133 : memref<1x80x128xf32, #tpu.memory_space<hbm>> -> memref<80x128xf32, #tpu.memory_space<hbm>>
      tpu.enqueue_dma source(%arg14 : memref<80x128xf32, #tpu.memory_space<vmem>>) target(%dma_start3A_134 : memref<80x128xf32, #tpu.memory_space<hbm>>) target_semaphore(%run_scoped3A : memref<!tpu.dma_semaphore, #tpu.memory_space<semaphore_mem>>)
      %dma_wait3A_135 = arith.constant 0 : i32
      %dma_wait3A_136 = tpu.memref_slice %arg4[%arg0, %add3A_128, %dma_wait3A_135] : memref<2x10240x128xf32, #tpu.memory_space<hbm>> -> memref<1x80x128xf32, #tpu.memory_space<hbm>>
      %dma_wait3A_137 = tpu.memref_squeeze %dma_wait3A_136 : memref<1x80x128xf32, #tpu.memory_space<hbm>> -> memref<80x128xf32, #tpu.memory_space<hbm>>
      %dma_wait3A_138 = arith.constant 0 : i32
      %dma_wait3A_139 = tpu.memref_slice %arg4[%arg0, %add3A_128, %dma_wait3A_138] : memref<2x10240x128xf32, #tpu.memory_space<hbm>> -> memref<1x80x128xf32, #tpu.memory_space<hbm>>
      %dma_wait3A_140 = tpu.memref_squeeze %dma_wait3A_139 : memref<1x80x128xf32, #tpu.memory_space<hbm>> -> memref<80x128xf32, #tpu.memory_space<hbm>>
      tpu.wait_dma2 semaphore(%run_scoped3A : memref<!tpu.dma_semaphore, #tpu.memory_space<semaphore_mem>>) src(%arg14 : memref<80x128xf32, #tpu.memory_space<vmem>>) dst(%dma_wait3A_140 : memref<80x128xf32, #tpu.memory_space<hbm>>)
      tpu.yield
    }) : () -> ()
    "tpu.region"() ({
      %run_scoped3A = tpu.sem_alloc : memref<!tpu.dma_semaphore, #tpu.memory_space<semaphore_mem>>
      %dma_start3A_129 = arith.constant 0 : i32
      %dma_start3A_130 = tpu.memref_slice %arg5[%add3A, %dma_start3A_129] : memref<32x10000xf32, #tpu.memory_space<hbm>> -> memref<1x10000xf32, #tpu.memory_space<hbm>>
      %dma_start3A_131 = tpu.memref_squeeze %dma_start3A_130 : memref<1x10000xf32, #tpu.memory_space<hbm>> -> memref<10000xf32, #tpu.memory_space<hbm>>
      %dma_start3A_132 = arith.constant 0 : i32
      %dma_start3A_133 = tpu.memref_slice %arg5[%add3A, %dma_start3A_132] : memref<32x10000xf32, #tpu.memory_space<hbm>> -> memref<1x10000xf32, #tpu.memory_space<hbm>>
      %dma_start3A_134 = tpu.memref_squeeze %dma_start3A_133 : memref<1x10000xf32, #tpu.memory_space<hbm>> -> memref<10000xf32, #tpu.memory_space<hbm>>
      tpu.enqueue_dma source(%arg15 : memref<10000xf32, #tpu.memory_space<vmem>>) target(%dma_start3A_134 : memref<10000xf32, #tpu.memory_space<hbm>>) target_semaphore(%run_scoped3A : memref<!tpu.dma_semaphore, #tpu.memory_space<semaphore_mem>>)
      %dma_wait3A_135 = arith.constant 0 : i32
      %dma_wait3A_136 = tpu.memref_slice %arg5[%add3A, %dma_wait3A_135] : memref<32x10000xf32, #tpu.memory_space<hbm>> -> memref<1x10000xf32, #tpu.memory_space<hbm>>
      %dma_wait3A_137 = tpu.memref_squeeze %dma_wait3A_136 : memref<1x10000xf32, #tpu.memory_space<hbm>> -> memref<10000xf32, #tpu.memory_space<hbm>>
      %dma_wait3A_138 = arith.constant 0 : i32
      %dma_wait3A_139 = tpu.memref_slice %arg5[%add3A, %dma_wait3A_138] : memref<32x10000xf32, #tpu.memory_space<hbm>> -> memref<1x10000xf32, #tpu.memory_space<hbm>>
      %dma_wait3A_140 = tpu.memref_squeeze %dma_wait3A_139 : memref<1x10000xf32, #tpu.memory_space<hbm>> -> memref<10000xf32, #tpu.memory_space<hbm>>
      tpu.wait_dma2 semaphore(%run_scoped3A : memref<!tpu.dma_semaphore, #tpu.memory_space<semaphore_mem>>) src(%arg15 : memref<10000xf32, #tpu.memory_space<vmem>>) dst(%dma_wait3A_140 : memref<10000xf32, #tpu.memory_space<hbm>>)
      tpu.yield
    }) : () -> ()
    return
  }
}

module attributes {stable_mosaic.version = 14 : i64} {
  func.func @_mlp_kernel(%arg0: i32, %arg1: memref<1000x128xf32, #tpu.memory_space<vmem>>, %arg2: memref<128x256xf32, #tpu.memory_space<vmem>>, %arg3: memref<1x256xf32, #tpu.memory_space<vmem>>, %arg4: memref<256x128xf32, #tpu.memory_space<vmem>>, %arg5: memref<1x128xf32, #tpu.memory_space<vmem>>, %arg6: memref<1x128xf32, #tpu.memory_space<vmem>>, %arg7: memref<128x256xf32, #tpu.memory_space<vmem>>, %arg8: memref<1x256xf32, #tpu.memory_space<vmem>>, %arg9: memref<256x128xf32, #tpu.memory_space<vmem>>, %arg10: memref<1x128xf32, #tpu.memory_space<vmem>>, %arg11: memref<1000x128xf32, #tpu.memory_space<vmem>>, %arg12: memref<1x128xf32, #tpu.memory_space<vmem>>) attributes {dimension_semantics = [#tpu.dimension_semantics<arbitrary>], iteration_bounds = array<i64: 10>, scalar_prefetch = 0 : i64, scratch_operands = 0 : i64, tpu.core_type = #tpu.core_type<tc>, window_params = [{transform_indices = @transform_0, window_bounds = array<i64: 1000, 128>}, {pipeline_mode = #tpu.pipeline_mode<synchronous>, transform_indices = @transform_1, window_bounds = array<i64: 128, 256>}, {pipeline_mode = #tpu.pipeline_mode<synchronous>, transform_indices = @transform_2, window_bounds = array<i64: 1, 256>}, {pipeline_mode = #tpu.pipeline_mode<synchronous>, transform_indices = @transform_3, window_bounds = array<i64: 256, 128>}, {pipeline_mode = #tpu.pipeline_mode<synchronous>, transform_indices = @transform_4, window_bounds = array<i64: 1, 128>}, {pipeline_mode = #tpu.pipeline_mode<synchronous>, transform_indices = @transform_5, window_bounds = array<i64: 1, 128>}, {pipeline_mode = #tpu.pipeline_mode<synchronous>, transform_indices = @transform_6, window_bounds = array<i64: 128, 256>}, {pipeline_mode = #tpu.pipeline_mode<synchronous>, transform_indices = @transform_7, window_bounds = array<i64: 1, 256>}, {pipeline_mode = #tpu.pipeline_mode<synchronous>, transform_indices = @transform_8, window_bounds = array<i64: 256, 128>}, {pipeline_mode = #tpu.pipeline_mode<synchronous>, transform_indices = @transform_9, window_bounds = array<i64: 1, 128>}, {transform_indices = @transform_10, window_bounds = array<i64: 1000, 128>}, {pipeline_mode = #tpu.pipeline_mode<synchronous>, transform_indices = @transform_11, window_bounds = array<i64: 1, 128>}]} {
    %get3A = arith.constant 0 : index
    %get3A_0 = arith.constant 0 : index
    %get3A_1 = vector.load %arg1[%get3A, %get3A_0] : memref<1000x128xf32, #tpu.memory_space<vmem>>, vector<1000x128xf32>
    %get3A_2 = arith.constant 0 : index
    %get3A_3 = arith.constant 0 : index
    %get3A_4 = vector.load %arg2[%get3A_2, %get3A_3] : memref<128x256xf32, #tpu.memory_space<vmem>>, vector<128x256xf32>
    %dot_general3A = arith.constant dense<0.000000e+00> : vector<1000x256xf32>
    %dot_general3A_5 = tpu.matmul %get3A_1, %get3A_4, %dot_general3A {dimension_numbers = #tpu.dot_dimension_numbers<[1], [0], [0], [1], [0, 0, 1, 1], [], []>, transpose_lhs_hint = false} : vector<1000x128xf32>, vector<128x256xf32>, vector<1000x256xf32> -> vector<1000x256xf32>
    %get3A_6 = arith.constant 0 : index
    %get3A_7 = arith.constant 0 : index
    %get3A_8 = vector.load %arg3[%get3A_6, %get3A_7] : memref<1x256xf32, #tpu.memory_space<vmem>>, vector<1x256xf32>
    %add3A = vector.broadcast %get3A_8 : vector<1x256xf32> to vector<1000x256xf32>
    %add3A_9 = arith.addf %dot_general3A_5, %add3A : vector<1000x256xf32>
    %max3A = arith.constant 0.000000e+00 : f32
    %max3A_10 = vector.broadcast %max3A : f32 to vector<1000x256xf32>
    %max3A_11 = arith.maximumf %add3A_9, %max3A_10 : vector<1000x256xf32>
    %get3A_12 = arith.constant 0 : index
    %get3A_13 = arith.constant 0 : index
    %get3A_14 = vector.load %arg4[%get3A_12, %get3A_13] : memref<256x128xf32, #tpu.memory_space<vmem>>, vector<256x128xf32>
    %dot_general3A_15 = arith.constant dense<0.000000e+00> : vector<1000x128xf32>
    %dot_general3A_16 = tpu.matmul %max3A_11, %get3A_14, %dot_general3A_15 {dimension_numbers = #tpu.dot_dimension_numbers<[1], [0], [0], [1], [0, 0, 1, 1], [], []>, transpose_lhs_hint = false} : vector<1000x256xf32>, vector<256x128xf32>, vector<1000x128xf32> -> vector<1000x128xf32>
    %get3A_17 = arith.constant 0 : index
    %get3A_18 = arith.constant 0 : index
    %get3A_19 = vector.load %arg5[%get3A_17, %get3A_18] : memref<1x128xf32, #tpu.memory_space<vmem>>, vector<1x128xf32>
    %add3A_20 = vector.broadcast %get3A_19 : vector<1x128xf32> to vector<1000x128xf32>
    %add3A_21 = arith.addf %dot_general3A_16, %add3A_20 : vector<1000x128xf32>
    %swap3A = arith.constant 0 : index
    %swap3A_22 = arith.constant 0 : index
    %swap3A_23 = vector.load %arg11[%swap3A, %swap3A_22] : memref<1000x128xf32, #tpu.memory_space<vmem>>, vector<1000x128xf32>
    tpu.vector_store %arg11[%swap3A, %swap3A_22], %add3A_21 {strides = array<i32>} : memref<1000x128xf32, #tpu.memory_space<vmem>>, vector<1000x128xf32>,
    %eq3A = arith.constant 0 : i32
    %eq3A_24 = arith.cmpi eq, %arg0, %eq3A : i32
    %convert_element_type3A = arith.extui %eq3A_24 : i1 to i32
    %cond3A = arith.constant 0 : i32
    %cond3A_25 = arith.cmpi ne, %convert_element_type3A, %cond3A : i32
    scf.if %cond3A_25 {
      %get3A_26 = arith.constant 0 : index
      %get3A_27 = arith.constant 0 : index
      %get3A_28 = vector.load %arg6[%get3A_26, %get3A_27] : memref<1x128xf32, #tpu.memory_space<vmem>>, vector<1x128xf32>
      %get3A_29 = arith.constant 0 : index
      %get3A_30 = arith.constant 0 : index
      %get3A_31 = vector.load %arg7[%get3A_29, %get3A_30] : memref<128x256xf32, #tpu.memory_space<vmem>>, vector<128x256xf32>
      %dot_general3A_32 = arith.constant dense<0.000000e+00> : vector<1x256xf32>
      %dot_general3A_33 = tpu.matmul %get3A_28, %get3A_31, %dot_general3A_32 {dimension_numbers = #tpu.dot_dimension_numbers<[1], [0], [0], [1], [0, 0, 1, 1], [], []>, transpose_lhs_hint = false} : vector<1x128xf32>, vector<128x256xf32>, vector<1x256xf32> -> vector<1x256xf32>
      %get3A_34 = arith.constant 0 : index
      %get3A_35 = arith.constant 0 : index
      %get3A_36 = vector.load %arg8[%get3A_34, %get3A_35] : memref<1x256xf32, #tpu.memory_space<vmem>>, vector<1x256xf32>
      %add3A_37 = arith.addf %dot_general3A_33, %get3A_36 : vector<1x256xf32>
      %max3A_38 = arith.constant 0.000000e+00 : f32
      %max3A_39 = vector.broadcast %max3A_38 : f32 to vector<1x256xf32>
      %max3A_40 = arith.maximumf %add3A_37, %max3A_39 : vector<1x256xf32>
      %get3A_41 = arith.constant 0 : index
      %get3A_42 = arith.constant 0 : index
      %get3A_43 = vector.load %arg9[%get3A_41, %get3A_42] : memref<256x128xf32, #tpu.memory_space<vmem>>, vector<256x128xf32>
      %dot_general3A_44 = arith.constant dense<0.000000e+00> : vector<1x128xf32>
      %dot_general3A_45 = tpu.matmul %max3A_40, %get3A_43, %dot_general3A_44 {dimension_numbers = #tpu.dot_dimension_numbers<[1], [0], [0], [1], [0, 0, 1, 1], [], []>, transpose_lhs_hint = false} : vector<1x256xf32>, vector<256x128xf32>, vector<1x128xf32> -> vector<1x128xf32>
      %get3A_46 = arith.constant 0 : index
      %get3A_47 = arith.constant 0 : index
      %get3A_48 = vector.load %arg10[%get3A_46, %get3A_47] : memref<1x128xf32, #tpu.memory_space<vmem>>, vector<1x128xf32>
      %add3A_49 = arith.addf %dot_general3A_45, %get3A_48 : vector<1x128xf32>
      %swap3A_50 = arith.constant 0 : index
      %swap3A_51 = arith.constant 0 : index
      %swap3A_52 = vector.load %arg12[%swap3A_50, %swap3A_51] : memref<1x128xf32, #tpu.memory_space<vmem>>, vector<1x128xf32>
      tpu.vector_store %arg12[%swap3A_50, %swap3A_51], %add3A_49 {strides = array<i32>} : memref<1x128xf32, #tpu.memory_space<vmem>>, vector<1x128xf32>,
    } else {
    }
    return
  }
  func.func @transform_0(%arg0: i32) -> (i32, i32) {
    %c0_i32 = arith.constant 0 : i32
    %c0_i32_0 = arith.constant 0 : i32
    return %arg0, %c0_i32 : i32, i32
  }
  func.func @transform_1(%arg0: i32) -> (i32, i32) {
    %c0_i32 = arith.constant 0 : i32
    %c0_i32_0 = arith.constant 0 : i32
    %c0_i32_1 = arith.constant 0 : i32
    return %c0_i32, %c0_i32_0 : i32, i32
  }
  func.func @transform_2(%arg0: i32) -> (i32, i32) {
    %c0_i32 = arith.constant 0 : i32
    %c0_i32_0 = arith.constant 0 : i32
    %c0_i32_1 = arith.constant 0 : i32
    return %c0_i32, %c0_i32_0 : i32, i32
  }
  func.func @transform_3(%arg0: i32) -> (i32, i32) {
    %c0_i32 = arith.constant 0 : i32
    %c0_i32_0 = arith.constant 0 : i32
    %c0_i32_1 = arith.constant 0 : i32
    return %c0_i32, %c0_i32_0 : i32, i32
  }
  func.func @transform_4(%arg0: i32) -> (i32, i32) {
    %c0_i32 = arith.constant 0 : i32
    %c0_i32_0 = arith.constant 0 : i32
    %c0_i32_1 = arith.constant 0 : i32
    return %c0_i32, %c0_i32_0 : i32, i32
  }
  func.func @transform_5(%arg0: i32) -> (i32, i32) {
    %c0_i32 = arith.constant 0 : i32
    %c0_i32_0 = arith.constant 0 : i32
    %c0_i32_1 = arith.constant 0 : i32
    return %c0_i32, %c0_i32_0 : i32, i32
  }
  func.func @transform_6(%arg0: i32) -> (i32, i32) {
    %c0_i32 = arith.constant 0 : i32
    %c0_i32_0 = arith.constant 0 : i32
    %c0_i32_1 = arith.constant 0 : i32
    return %c0_i32, %c0_i32_0 : i32, i32
  }
  func.func @transform_7(%arg0: i32) -> (i32, i32) {
    %c0_i32 = arith.constant 0 : i32
    %c0_i32_0 = arith.constant 0 : i32
    %c0_i32_1 = arith.constant 0 : i32
    return %c0_i32, %c0_i32_0 : i32, i32
  }
  func.func @transform_8(%arg0: i32) -> (i32, i32) {
    %c0_i32 = arith.constant 0 : i32
    %c0_i32_0 = arith.constant 0 : i32
    %c0_i32_1 = arith.constant 0 : i32
    return %c0_i32, %c0_i32_0 : i32, i32
  }
  func.func @transform_9(%arg0: i32) -> (i32, i32) {
    %c0_i32 = arith.constant 0 : i32
    %c0_i32_0 = arith.constant 0 : i32
    %c0_i32_1 = arith.constant 0 : i32
    return %c0_i32, %c0_i32_0 : i32, i32
  }
  func.func @transform_10(%arg0: i32) -> (i32, i32) {
    %c0_i32 = arith.constant 0 : i32
    %c0_i32_0 = arith.constant 0 : i32
    return %arg0, %c0_i32 : i32, i32
  }
  func.func @transform_11(%arg0: i32) -> (i32, i32) {
    %c0_i32 = arith.constant 0 : i32
    %c0_i32_0 = arith.constant 0 : i32
    %c0_i32_1 = arith.constant 0 : i32
    return %c0_i32, %c0_i32_0 : i32, i32
  }
}

module attributes {stable_mosaic.version = 14 : i64} {
  func.func @_combine_kernel(%arg0: i32, %arg1: memref<1000x128xf32, #tpu.memory_space<vmem>>, %arg2: memref<2x1000x128xf32, #tpu.memory_space<vmem>>, %arg3: memref<1000x32xf32, #tpu.memory_space<vmem>>, %arg4: memref<1x128xf32, #tpu.memory_space<vmem>>, %arg5: memref<128x256xf32, #tpu.memory_space<vmem>>, %arg6: memref<1x256xf32, #tpu.memory_space<vmem>>, %arg7: memref<256x128xf32, #tpu.memory_space<vmem>>, %arg8: memref<1x128xf32, #tpu.memory_space<vmem>>, %arg9: memref<1000x128xf32, #tpu.memory_space<vmem>>) attributes {dimension_semantics = [#tpu.dimension_semantics<arbitrary>], iteration_bounds = array<i64: 10>, scalar_prefetch = 0 : i64, scratch_operands = 0 : i64, tpu.core_type = #tpu.core_type<tc>, window_params = [{transform_indices = @transform_0, window_bounds = array<i64: 1000, 128>}, {transform_indices = @transform_1, window_bounds = array<i64: 2, 1000, 128>}, {transform_indices = @transform_2, window_bounds = array<i64: 1000, 32>}, {pipeline_mode = #tpu.pipeline_mode<synchronous>, transform_indices = @transform_3, window_bounds = array<i64: 1, 128>}, {pipeline_mode = #tpu.pipeline_mode<synchronous>, transform_indices = @transform_4, window_bounds = array<i64: 128, 256>}, {pipeline_mode = #tpu.pipeline_mode<synchronous>, transform_indices = @transform_5, window_bounds = array<i64: 1, 256>}, {pipeline_mode = #tpu.pipeline_mode<synchronous>, transform_indices = @transform_6, window_bounds = array<i64: 256, 128>}, {pipeline_mode = #tpu.pipeline_mode<synchronous>, transform_indices = @transform_7, window_bounds = array<i64: 1, 128>}, {transform_indices = @transform_8, window_bounds = array<i64: 1000, 128>}]} {
    %get3A = arith.constant 0 : index
    %get3A_0 = arith.constant 0 : index
    %get3A_1 = vector.load %arg1[%get3A, %get3A_0] : memref<1000x128xf32, #tpu.memory_space<vmem>>, vector<1000x128xf32>
    %get3A_2 = arith.constant 0 : index
    %get3A_3 = arith.constant 0 : index
    %get3A_4 = vector.load %arg5[%get3A_2, %get3A_3] : memref<128x256xf32, #tpu.memory_space<vmem>>, vector<128x256xf32>
    %dot_general3A = arith.constant dense<0.000000e+00> : vector<1000x256xf32>
    %dot_general3A_5 = tpu.matmul %get3A_1, %get3A_4, %dot_general3A {dimension_numbers = #tpu.dot_dimension_numbers<[1], [0], [0], [1], [0, 0, 1, 1], [], []>, transpose_lhs_hint = false} : vector<1000x128xf32>, vector<128x256xf32>, vector<1000x256xf32> -> vector<1000x256xf32>
    %get3A_6 = arith.constant 0 : index
    %get3A_7 = arith.constant 0 : index
    %get3A_8 = vector.load %arg6[%get3A_6, %get3A_7] : memref<1x256xf32, #tpu.memory_space<vmem>>, vector<1x256xf32>
    %add3A = vector.broadcast %get3A_8 : vector<1x256xf32> to vector<1000x256xf32>
    %add3A_9 = arith.addf %dot_general3A_5, %add3A : vector<1000x256xf32>
    %max3A = arith.constant 0.000000e+00 : f32
    %max3A_10 = vector.broadcast %max3A : f32 to vector<1000x256xf32>
    %max3A_11 = arith.maximumf %add3A_9, %max3A_10 : vector<1000x256xf32>
    %get3A_12 = arith.constant 0 : index
    %get3A_13 = arith.constant 0 : index
    %get3A_14 = vector.load %arg7[%get3A_12, %get3A_13] : memref<256x128xf32, #tpu.memory_space<vmem>>, vector<256x128xf32>
    %dot_general3A_15 = arith.constant dense<0.000000e+00> : vector<1000x128xf32>
    %dot_general3A_16 = tpu.matmul %max3A_11, %get3A_14, %dot_general3A_15 {dimension_numbers = #tpu.dot_dimension_numbers<[1], [0], [0], [1], [0, 0, 1, 1], [], []>, transpose_lhs_hint = false} : vector<1000x256xf32>, vector<256x128xf32>, vector<1000x128xf32> -> vector<1000x128xf32>
    %get3A_17 = arith.constant 0 : index
    %get3A_18 = arith.constant 0 : index
    %get3A_19 = vector.load %arg8[%get3A_17, %get3A_18] : memref<1x128xf32, #tpu.memory_space<vmem>>, vector<1x128xf32>
    %add3A_20 = vector.broadcast %get3A_19 : vector<1x128xf32> to vector<1000x128xf32>
    %add3A_21 = arith.addf %dot_general3A_16, %add3A_20 : vector<1000x128xf32>
    %get3A_22 = arith.constant 0 : index
    %get3A_23 = arith.constant 0 : index
    %get3A_24 = arith.constant 0 : index
    %get3A_25 = vector.load %arg2[%get3A_22, %get3A_23, %get3A_24] : memref<2x1000x128xf32, #tpu.memory_space<vmem>>, vector<1x1000x128xf32>
    %get3A_26 = vector.shape_cast %get3A_25 : vector<1x1000x128xf32> to vector<1000x128xf32>
    %get3A_27 = arith.constant 1 : index
    %get3A_28 = arith.constant 0 : index
    %get3A_29 = arith.constant 0 : index
    %get3A_30 = vector.load %arg2[%get3A_27, %get3A_28, %get3A_29] : memref<2x1000x128xf32, #tpu.memory_space<vmem>>, vector<1x1000x128xf32>
    %get3A_31 = vector.shape_cast %get3A_30 : vector<1x1000x128xf32> to vector<1000x128xf32>
    %add3A_32 = arith.addf %get3A_26, %get3A_31 : vector<1000x128xf32>
    %get3A_33 = arith.constant 0 : index
    %get3A_34 = arith.constant 0 : index
    %get3A_35 = vector.load %arg3[%get3A_33, %get3A_34] : memref<1000x32xf32, #tpu.memory_space<vmem>>, vector<1000x32xf32>
    %reduce_sum3A = arith.constant dense<0.000000e+00> : vector<1000xf32>
    %reduce_sum3A_36 = vector.multi_reduction <add>, %get3A_35, %reduce_sum3A [1] : vector<1000x32xf32> to vector<1000xf32>
    %broadcast_in_dim3A = vector.shape_cast %reduce_sum3A_36 : vector<1000xf32> to vector<1000x1xf32>
    %add3A_37 = arith.constant 1.000000e-07 : f32
    %add3A_38 = vector.broadcast %add3A_37 : f32 to vector<1000x1xf32>
    %add3A_39 = arith.addf %broadcast_in_dim3A, %add3A_38 : vector<1000x1xf32>
    %div3A = vector.broadcast %add3A_39 : vector<1000x1xf32> to vector<1000x128xf32>
    %div3A_40 = arith.divf %add3A_32, %div3A : vector<1000x128xf32>
    %add3A_41 = arith.addf %add3A_21, %div3A_40 : vector<1000x128xf32>
    %get3A_42 = arith.constant 0 : index
    %get3A_43 = arith.constant 0 : index
    %get3A_44 = vector.load %arg4[%get3A_42, %get3A_43] : memref<1x128xf32, #tpu.memory_space<vmem>>, vector<1x128xf32>
    %add3A_45 = vector.broadcast %get3A_44 : vector<1x128xf32> to vector<1000x128xf32>
    %add3A_46 = arith.addf %add3A_41, %add3A_45 : vector<1000x128xf32>
    %reduce_sum3A_47 = arith.constant dense<0.000000e+00> : vector<1000xf32>
    %reduce_sum3A_48 = vector.multi_reduction <add>, %add3A_46, %reduce_sum3A_47 [1] : vector<1000x128xf32> to vector<1000xf32>
    %broadcast_in_dim3A_49 = vector.shape_cast %reduce_sum3A_48 : vector<1000xf32> to vector<1000x1xf32>
    %div3A_50 = arith.constant 1.280000e+02 : f32
    %div3A_51 = vector.broadcast %div3A_50 : f32 to vector<1000x1xf32>
    %div3A_52 = arith.divf %broadcast_in_dim3A_49, %div3A_51 : vector<1000x1xf32>
    %sub3A = vector.broadcast %div3A_52 : vector<1000x1xf32> to vector<1000x128xf32>
    %sub3A_53 = arith.subf %add3A_46, %sub3A : vector<1000x128xf32>
    %integer_pow3A = arith.mulf %sub3A_53, %sub3A_53 : vector<1000x128xf32>
    %reduce_sum3A_54 = arith.constant dense<0.000000e+00> : vector<1000xf32>
    %reduce_sum3A_55 = vector.multi_reduction <add>, %integer_pow3A, %reduce_sum3A_54 [1] : vector<1000x128xf32> to vector<1000xf32>
    %broadcast_in_dim3A_56 = vector.shape_cast %reduce_sum3A_55 : vector<1000xf32> to vector<1000x1xf32>
    %div3A_57 = arith.constant 1.280000e+02 : f32
    %div3A_58 = vector.broadcast %div3A_57 : f32 to vector<1000x1xf32>
    %div3A_59 = arith.divf %broadcast_in_dim3A_56, %div3A_58 : vector<1000x1xf32>
    %sub3A_60 = vector.broadcast %div3A_52 : vector<1000x1xf32> to vector<1000x128xf32>
    %sub3A_61 = arith.subf %add3A_46, %sub3A_60 : vector<1000x128xf32>
    %add3A_62 = arith.constant 9.99999974E-6 : f32
    %add3A_63 = vector.broadcast %add3A_62 : f32 to vector<1000x1xf32>
    %add3A_64 = arith.addf %div3A_59, %add3A_63 : vector<1000x1xf32>
    %rsqrt3A = math.rsqrt %add3A_64 : vector<1000x1xf32>
    %mul3A = vector.broadcast %rsqrt3A : vector<1000x1xf32> to vector<1000x128xf32>
    %mul3A_65 = arith.mulf %sub3A_61, %mul3A : vector<1000x128xf32>
    %max3A_66 = arith.constant 0.000000e+00 : f32
    %max3A_67 = vector.broadcast %max3A_66 : f32 to vector<1000x128xf32>
    %max3A_68 = arith.maximumf %mul3A_65, %max3A_67 : vector<1000x128xf32>
    %add3A_69 = arith.addf %get3A_1, %max3A_68 : vector<1000x128xf32>
    %swap3A = arith.constant 0 : index
    %swap3A_70 = arith.constant 0 : index
    %swap3A_71 = vector.load %arg9[%swap3A, %swap3A_70] : memref<1000x128xf32, #tpu.memory_space<vmem>>, vector<1000x128xf32>
    tpu.vector_store %arg9[%swap3A, %swap3A_70], %add3A_69 {strides = array<i32>} : memref<1000x128xf32, #tpu.memory_space<vmem>>, vector<1000x128xf32>,
    return
  }
  func.func @transform_0(%arg0: i32) -> (i32, i32) {
    %c0_i32 = arith.constant 0 : i32
    %c0_i32_0 = arith.constant 0 : i32
    return %arg0, %c0_i32 : i32, i32
  }
  func.func @transform_1(%arg0: i32) -> (i32, i32, i32) {
    %c0_i32 = arith.constant 0 : i32
    %c0_i32_0 = arith.constant 0 : i32
    %c0_i32_1 = arith.constant 0 : i32
    return %c0_i32, %arg0, %c0_i32_0 : i32, i32, i32
  }
  func.func @transform_2(%arg0: i32) -> (i32, i32) {
    %c0_i32 = arith.constant 0 : i32
    %c0_i32_0 = arith.constant 0 : i32
    return %arg0, %c0_i32 : i32, i32
  }
  func.func @transform_3(%arg0: i32) -> (i32, i32) {
    %c0_i32 = arith.constant 0 : i32
    %c0_i32_0 = arith.constant 0 : i32
    %c0_i32_1 = arith.constant 0 : i32
    return %c0_i32, %c0_i32_0 : i32, i32
  }
  func.func @transform_4(%arg0: i32) -> (i32, i32) {
    %c0_i32 = arith.constant 0 : i32
    %c0_i32_0 = arith.constant 0 : i32
    %c0_i32_1 = arith.constant 0 : i32
    return %c0_i32, %c0_i32_0 : i32, i32
  }
  func.func @transform_5(%arg0: i32) -> (i32, i32) {
    %c0_i32 = arith.constant 0 : i32
    %c0_i32_0 = arith.constant 0 : i32
    %c0_i32_1 = arith.constant 0 : i32
    return %c0_i32, %c0_i32_0 : i32, i32
  }
  func.func @transform_6(%arg0: i32) -> (i32, i32) {
    %c0_i32 = arith.constant 0 : i32
    %c0_i32_0 = arith.constant 0 : i32
    %c0_i32_1 = arith.constant 0 : i32
    return %c0_i32, %c0_i32_0 : i32, i32
  }
  func.func @transform_7(%arg0: i32) -> (i32, i32) {
    %c0_i32 = arith.constant 0 : i32
    %c0_i32_0 = arith.constant 0 : i32
    %c0_i32_1 = arith.constant 0 : i32
    return %c0_i32, %c0_i32_0 : i32, i32
  }
  func.func @transform_8(%arg0: i32) -> (i32, i32) {
    %c0_i32 = arith.constant 0 : i32
    %c0_i32_0 = arith.constant 0 : i32
    return %arg0, %c0_i32 : i32, i32
  }
}

</mosaic_0001>

<sc_bundles>
// kernel: kernel.5.cloned.1.call-start
scs
__scs_entry_jumppad:
0x0: {  	(pc) =	sbr.rel $0x88, $3  }
0x1: {  	(tag) =	ssettag $0x0;
	lr =	simm.s32 $0x1  }
0x2: {  	[smem:$0x3F91] =	sst lr;
	_ =	strace $0xD0000000  }
0x3: {  	_ = 	snop  }
0x4: {  	_ = 	snop  }
0x5: {  	_ = 	snop  }
0x6: {  	_ = 	snop  }
0x7: {  	_ = 	snop  }
__scs_overlays_trampoline_lowered:
0x8: {  	[smem:$0x3FA0] =	sst s0  }
0x9: {  	[smem:$0x3FA1] =	sst s1  }
0xa: {  	[smem:$0x3FA2] =	sst s2  }
0xb: {  	[smem:$0x3FA3] =	sst s3  }
0xc: {  	[smem:$0x3FA4] =	sst s4  }
0xd: {  	[smem:$0x3FA5] =	sst s5  }
0xe: {  	[smem:$0x3FA6] =	sst s6  }
0xf: {  	[smem:$0x3FA7] =	sst s7  }
0x10: {  	[smem:$0x3FA8] =	sst s8  }
0x11: {  	[smem:$0x3FA9] =	sst s9;
	s0 =	simm.s32 @!p0 $0x0  }
0x12: {  	s1 =	sld [smem:$0x3F8F];
	s0 =	simm.s32 @p0 $0x1  }
0x13: {  	[smem:$0x3FAA] =	sst s0;
	s0 =	simm.s32 @!p1 $0x0  }
0x14: {  	s2 =	sld [smem:$0x3F8E];
	s0 =	simm.s32 @p1 $0x1  }
0x15: {  	[smem:$0x3FAB] =	sst s0;
	s0 =	simm.s32 @!p2 $0x0  }
0x16: {  	s3 =	sld [smem:$0x3FDB];
	s0 =	simm.s32 @p2 $0x1  }
0x17: {  	s4 =	simm.s32 $0x1BF5;
	[smem:$0x3FAD] =	sst s0  }
0x18: {  	s0 =	sld [smem:$0x3F90];
	_ =	swait.ge [sflag:s4], $0x0  }
0x19: {  	s7 =	sld [smem:$0x3F91]  }
0x1a: {  	s8 =	sadd.s32 $0xFFFFE003, lr  }
0x1b: {  	s9 =	sadd.s32 $0xFFFFFEF7, lr;
	s5 =	simm.s32 $0xFFFFFFFF;
	p2 =	slt.u32 s8, $0xFFFFF086  }
0x1c: {  	p1 =	slt.u32 s9, $0xF7A;
	s5 =	simm.s32 @!p2 $0x0  }
0x1d: {  	s5 =	simm.s32 @p1 $0x1;
	p0 =	seq.s32 s7, s2  }
0x1e: {  	s7 =	smul.u32 @!p0 $0xF7A, s2;
	p2 =	seq.s32 @!p0 s5, $0x0  }
0x1f: {  	s9 =	smul.u32 $0xF7A, s1;
	s8 =	simm.s32 @!p0 $0x1BF5;
	p2 =	por !p2, p0  }
0x20: {  	[sflag:s8] =	ssyncset.s32 @!p0 $0xFFFFF086;
	s6 =	sadd.s32 @!p0 s3, s7;
	s7 =	simm.s32 @!p0 $0x108  }
0x21: {  	s3 =	sadd.s32 s3, s9;
	s6 =	sadd.s32 @!p0 $0x88, s6;
	s7 =	simm.s32 @p2 $0x1082  }
0x22: {  	[simem:s7], [sflag:s8] =	dma.local @!p0 [hbm:s6], $0xF7A  }
0x23: {  	s9 =	sor.u32 $0xD0000000, s2;
	s6 =	simm.s32 $0x108;
	_ =	swait.ge @!p0 [sflag:s8], $0x0  }
0x24: {  	s3 =	sadd.s32 $0x88, s3;
	s6 =	simm.s32 @!p1 $0x1082;
	[sflag:s4] =	ssyncset.s32 $0xFFFFF086  }
0x25: {  	[simem:s6], [sflag:s4] =	dma.local [hbm:s3], $0xF7A  }
0x26: {  	[smem:$0x3F91] =	sst s1;
	(tag) =	ssettag s2;
	_ =	strace s9  }
0x27: {  	s1 =	sld [smem:$0x3FA1]  }
0x28: {  	s2 =	sld [smem:$0x3FA2]  }
0x29: {  	s4 =	sld [smem:$0x3FA4]  }
0x2a: {  	p0 =	seq.s32 s5, $0x0;
	s5 =	sld [smem:$0x3FA5]  }
0x2b: {  	s6 =	sld [smem:$0x3FA6]  }
0x2c: {  	s7 =	sld [smem:$0x3FA7]  }
0x2d: {  	s3 =	simm.s32 $0x108;
	s8 =	sld [smem:$0x3FA8]  }
0x2e: {  	s3 =	simm.s32 @!p0 $0x1082;
	s9 =	sld [smem:$0x3FA9]  }
0x2f: {  	lr =	sadd.s32 s0, s3;
	s0 =	sld [smem:$0x3FA0]  }
0x30: {  	s3 =	sld [smem:$0x3FA3]  }
0x31: {  	[smem:$0x3FAC] =	sst s10  }
0x32: {  	s10 =	sld [smem:$0x3FAA];
	_ =	sdelay $0x3  }
0x33: {  	p0 =	seq.s32 s10, $0x1;
	s10 =	sld [smem:$0x3FAC];
	_ =	sdelay $0x3  }
0x34: {  	[smem:$0x3FAC] =	sst s10  }
0x35: {  	s10 =	sld [smem:$0x3FAB];
	_ =	sdelay $0x3  }
0x36: {  	p1 =	seq.s32 s10, $0x1;
	s10 =	sld [smem:$0x3FAC];
	_ =	sdelay $0x3  }
0x37: {  	[smem:$0x3FAC] =	sst s10  }
0x38: {  	s10 =	sld [smem:$0x3FAD]  }
0x39: {  	_ = 	snop;
	(pc) =	sbr.ind lr, $3  }
0x3a: {  	_ = 	snop  }
0x3b: {  	_ = 	snop  }
0x3c: {  	p2 =	seq.s32 s10, $0x1;
	s10 =	sld [smem:$0x3FAC]  }
0x3d: {  	_ =	shalt  }
0x3e: {  	_ =	shalt  }
0x3f: {  	_ =	shalt  }
0x40: {  	_ =	shalt  }
0x41: {  	_ =	shalt  }
0x42: {  	_ =	shalt  }
0x43: {  	_ =	shalt  }
0x44: {  	_ =	shalt  }
0x45: {  	_ =	shalt  }
0x46: {  	_ =	shalt  }
0x47: {  	_ =	shalt  }
0x48: {  	_ =	shalt  }
0x49: {  	_ =	shalt  }
0x4a: {  	_ =	shalt  }
0x4b: {  	_ =	shalt  }
0x4c: {  	_ =	shalt  }
0x4d: {  	_ =	shalt  }
0x4e: {  	_ =	shalt  }
0x4f: {  	_ =	shalt  }
0x50: {  	_ =	shalt  }
0x51: {  	_ =	shalt  }
0x52: {  	_ =	shalt  }
0x53: {  	_ =	shalt  }
0x54: {  	_ =	shalt  }
0x55: {  	_ =	shalt  }
0x56: {  	_ =	shalt  }
0x57: {  	_ =	shalt  }
0x58: {  	_ =	shalt  }
0x59: {  	_ =	shalt  }
0x5a: {  	_ =	shalt  }
0x5b: {  	_ =	shalt  }
0x5c: {  	_ =	shalt  }
0x5d: {  	_ =	shalt  }
0x5e: {  	_ =	shalt  }
0x5f: {  	_ =	shalt  }
0x60: {  	_ =	shalt  }
0x61: {  	_ =	shalt  }
0x62: {  	_ =	shalt  }
0x63: {  	_ =	shalt  }
0x64: {  	_ =	shalt  }
0x65: {  	_ =	shalt  }
0x66: {  	_ =	shalt  }
0x67: {  	_ =	shalt  }
0x68: {  	_ =	shalt  }
0x69: {  	_ =	shalt  }
0x6a: {  	_ =	shalt  }
0x6b: {  	_ =	shalt  }
0x6c: {  	_ =	shalt  }
0x6d: {  	_ =	shalt  }
0x6e: {  	_ =	shalt  }
0x6f: {  	_ =	shalt  }
0x70: {  	_ =	shalt  }
0x71: {  	_ =	shalt  }
0x72: {  	_ =	shalt  }
0x73: {  	_ =	shalt  }
0x74: {  	_ =	shalt  }
0x75: {  	_ =	shalt  }
0x76: {  	_ =	shalt  }
0x77: {  	_ =	shalt  }
0x78: {  	_ =	shalt  }
0x79: {  	_ =	shalt  }
0x7a: {  	_ =	shalt  }
0x7b: {  	_ =	shalt  }
0x7c: {  	_ =	shalt  }
0x7d: {  	_ =	shalt  }
0x7e: {  	_ =	shalt  }
0x7f: {  	_ =	shalt  }
0x80: {  	_ =	shalt  }
0x81: {  	_ =	shalt  }
0x82: {  	_ =	shalt  }
0x83: {  	_ =	shalt  }
0x84: {  	_ =	shalt  }
0x85: {  	_ =	shalt  }
0x86: {  	_ =	shalt  }
0x87: {  	_ =	shalt  }
.Lfunc_end0:
.L_simem_size_0:
called_computation_lowered:
.L_overlay_start_0:
0x88: {  	s2 =	sld [smem:$0x3FD9]  }
0x89: {  	s3 =	sld [smem:$0x3FFE];
	_ =	sdelay $0x1  }
0x8a: {  	s1 =	srdreg.scid  }
0x8b: {  	s0 =	sand.u32 $0x1, s1  }
0x8c: {  	s17 =	sshll.u32 s0, $0xA;
	s2 =	sadd.s32 s3, s2  }
0x8d: {  	s2 =	sadd.s32 s2, s17  }
0x8e: {  	[smem:$0x3FB8] =	sst s2  }
0x8f: {  	_ = 	snop  }
0x90: {  	s2 =	sld [smem:$0x3FD0];
	(tm) =	ssettm $0x1  }
0x91: {  	s18 =	sld [smem:$0x3FFB];
	_ =	sdelay $0x3  }
0x92: {  	_ =	strace s18  }
0x93: {  	s3 =	sld [smem:$0x3FFC];
	_ =	sdelay $0x3  }
0x94: {  	_ =	strace s3  }
0x95: {  	s3 =	sld [smem:$0x3FFD];
	_ =	sdelay $0x3  }
0x96: {  	_ =	strace s3  }
0x97: {  	_ =	strace $0x8FFFFFFF  }
0x98: {  	s19 =	sld [smem:$0x3FDB];
	_ =	sdelay $0x1  }
0x99: {  	s4 =	simm.s32 $_scs_section_size  }
0x9a: {  	s5 =	simm.s32 $_size__tile_overlayer_lowered;
	s6 =	simm.s32 $_tile_overlayer_lowered  }
0x9b: {  	s22 =	simm.s32 $0x1BFF;
	s21 =	sshll.u32 s6, $0x1;
	s3 =	sadd.s32 s4, s19  }
0x9c: {  	s7 =	simm.s32 $0x0;
	s20 =	sshll.u32 s5, $0x1;
	s5 =	sadd.s32 s21, s3  }
0x9d: {  	[timem:s7], [sflag:s22] =	dma.local [hbm:s5], s20  }
0x9e: {  	_ =	swait.ge [sflag:s22], s20  }
0x9f: {  	s4 =	ssub.s32 $0x0, s20;
	[sflag:s22] =	ssyncset.done $0x0  }
0xa0: {  	[sflag:s22] =	ssyncadd.s32 s4;
	_ =	sdelay $0x1  }
0xa1: {  	s23 =	simm.s32 $0x1B8B  }
0xa2: {  	_ =	swait.ge [sflag:s23], $0x1  }
0xa3: {  	[sflag:s23] =	ssyncset.done $0x0  }
0xa4: {  	s25 =	simm.s32 $0x1B8E;
	s24 =	sld [smem:$0x3FFE];
	[sflag:s23] =	ssyncadd.s32 $0xFFFFFFFF  }
0xa5: {  	s26 =	simm.s32 $execute0_lowered;
	[smem:$0x3FD2] =	sst s25  }
0xa6: {  	s5 =	sshll.u32 s26, $0x1;
	_ =	strace $0x80000046;
	[dreg:$0x1] =	wrdreg $0xFFFFFFFF  }
0xa7: {  	s28 =	simm.s32 $_size_execute0_lowered;
	s3 =	sadd.s32 s3, s5;
	[dreg:$0x0] =	wrdreg $0x0  }
0xa8: {  	s5 =	sshll.u32 s28, $0x1;
	[dreg:$0x2] =	wrdreg s3  }
0xa9: {  	[dreg:$0x3] =	wrdreg s5  }
0xaa: {  	[dreg:$0x4] =	wrdreg $0xC0  }
0xab: {  	_ =	task [dreg:s7], $0x5FFFF  }
0xac: {  	[dreg:$0x1] =	wrdreg $0xFFFFFFFF  }
0xad: {  	[dreg:$0x0] =	wrdreg $0x60  }
0xae: {  	[dreg:$0x2] =	wrdreg s2  }
0xaf: {  	[dreg:$0x3] =	wrdreg s24  }
0xb0: {  	[dreg:$0x4] =	wrdreg $0x0  }
0xb1: {  	[dreg:$0x5] =	wrdreg $0x9  }
0xb2: {  	_ =	task.clear_ibuf [dreg:s7], $0x6FFFF;
	_ =	strace $0x90000046  }
0xb3: {  	s29 =	simm.s32 $0x9;
	_ =	strace $0x80000048  }
0xb4: {  	_ =	swait.ge [sflag:s29], $0x1  }
0xb5: {  	[sflag:s29] =	ssyncadd.s32 $0xFFFFFFFF  }
0xb6: {  	_ =	strace $0x90000048  }
0xb7: {  	_ =	sfence  }
0xb8: {  	s30 =	sld [smem:$0x0];
	_ =	sdelay $0x2  }
0xb9: {  	s31 =	sshll.u32 s1, $0xD;
	s1 =	sshrl.u32 s1, $0x2  }
0xba: {  	s3 =	sand.u32 $0x4000, s31;
	s1 =	sadd.s32 s1, s30  }
0xbb: {  	s0 =	sor.u32 s3, s0;
	s1 =	sshll.u32 s1, $0x11  }
0xbc: {  	s0 =	sor.u32 s1, s0  }
0xbd: {  	s0 =	sadd.s32 $0x8F2B, s0  }
0xbe: {  	[sflag:s0] =	ssyncadd.remote.s32 $0x1  }
0xbf: {  	_ =	sfence.sel $0xFFFF  }
0xc0: {  	[dreg:$0x0] =	wrdreg $0xFFFFFFFF;
	(pc) =	sbr.abs _section_cstart, $3  }
0xc1: {  	[dreg:$0x1] =	wrdreg $0xFFFFFFFF  }
0xc2: {  	_ =	task.clear_ibuf [dreg:s7], $0x2FFFF;
	_ =	strace $0x9FFFFFFF  }
0xc3: {  	(tm) =	ssettm $0x7FFFFFFF  }
tec
execute0_lowered:
.L_overlay_start_1:
0x0: {  	(tag) =	ssettag $0x1  }
0x1: {  	s0 =	rddreg [dreg:$0x0]  }
0x2: {  	s1 =	srdreg.scid;
	s2 =	rddreg [dreg:$0x1]  }
0x3: {  	s3 =	rddreg [dreg:$0x2];
	s7 =	stileid.u32;
	s4 =	simm.s32 $0x0  }
0x4: {  	s29 =	simm.s32 $0x14320;
	s30 =	simm.s32 $0x4;
	s31 =	simm.s32 $0x2  }
0x5: {  	s1 =	sand.u32 $0x1, s1;
	[smem:$0x7FF] =	sst s4;
	s13 =	smul.u32 $0x14000, s7  }
0x6: {  	s15 =	sadd.s32 $0x46C00, s2;
	s5 =	sshll.u32 s1, $0x4;
	_ =	strace $0x80000047  }
0x7: {  	s24 =	ssub.s32 $0x2, s1;
	s1 =	smul.u32 $0x140000, s1;
	s14 =	sor.u32 s7, s5  }
0x8: {  	s5 =	sadd.s32 $0x2400, s2;
	s25 =	sshrl.u32 s24, $0x1;
	s16 =	sor.u32 $0x2800, s13  }
0x9: {  	s18 =	sadd.s32 $0x5000, s13;
	s19 =	sadd.s32 $0x7800, s13;
	s20 =	sadd.s32 $0xA000, s13  }
0xa: {  	s21 =	sadd.s32 $0xC800, s13;
	s22 =	sadd.s32 $0xF000, s13;
	s23 =	sadd.s32 $0x11800, s13  }
0xb: {  	s6 =	smul.u32 $0x4E2, s14;
	s17 =	ssub.s32 s24, s25;
	s7 =	sadd.s32 s16, s3  }
0xc: {  	s8 =	sadd.s32 s18, s3;
	s9 =	sadd.s32 s19, s3;
	s10 =	sadd.s32 s20, s3  }
0xd: {  	s11 =	sadd.s32 s21, s3;
	s12 =	sadd.s32 s22, s3;
	s24 =	sadd.s32 s13, s1  }
0xe: {  	s16 =	sadd.s32 s1, s16;
	s18 =	sadd.s32 s1, s18;
	s19 =	sadd.s32 s1, s19  }
0xf: {  	s20 =	sadd.s32 s1, s20;
	s21 =	sadd.s32 s1, s21;
	s22 =	sadd.s32 s1, s22  }
0x10: {  	s1 =	sadd.s32 s1, s23;
	s14 =	smul.u32 $0xEA60, s14;
	s26 =	sshrl.u32 s24, $0x3  }
0x11: {  	s16 =	sshrl.u32 s16, $0x3;
	s28 =	sshrl.u32 s18, $0x3;
	s18 =	sshrl.u32 s19, $0x3  }
0x12: {  	s19 =	sshrl.u32 s20, $0x3;
	s21 =	sshrl.u32 s21, $0x3;
	s2 =	sadd.s32 s6, s2  }
0x13: {  	s6 =	sadd.s32 s13, s3;
	s13 =	sadd.s32 s23, s3;
	s23 =	sadd.s32 s15, s26  }
0x14: {  	s1 =	sshrl.u32 s1, $0x3;
	s16 =	sadd.s32 s15, s16;
	[dreg:$0x4] =	wrdreg s23  }
0x15: {  	s20 =	sadd.s32 s15, s19;
	s1 =	sadd.s32 s15, s1;
	[dreg:$0x5] =	wrdreg s16  }
0x16: {  	s24 =	sshrl.u32 s14, $0x3;
	s26 =	smax.u32 s17, $0x1;
	[dreg:$0x8] =	wrdreg s20  }
0x17: {  	s17 =	simm.s32 $0x141E0;
	s19 =	simm.s32 $0x3;
	[dreg:$0xb] =	wrdreg s1  }
0x18: {  	s16 =	sadd.s32 s15, s28;
	s23 =	sshrl.u32 s22, $0x3;
	[dreg:$0xd] =	wrdreg s26  }
0x19: {  	s22 =	sadd.s32 s5, s24;
	s25 =	sadd.s32 $0x3CE00, s2;
	[dreg:$0x6] =	wrdreg s16  }
0x1a: {  	s24 =	sadd.s32 $0x2D0, s14;
	s16 =	sadd.s32 s15, s18;
	[dreg:$0xc] =	wrdreg s25  }
0x1b: {  	s1 =	simm.s32 $0x1;
	s28 =	sadd.s32 $0x1E, s22;
	[dreg:$0x7] =	wrdreg s16  }
0x1c: {  	s2 =	simm.s32 $0x50;
	s16 =	sadd.s32 s15, s21;
	[dreg:$0xe] =	wrdreg s28  }
0x1d: {  	s20 =	simm.s32 $0x0;
	s18 =	simm.s32 $0x14230;
	[dreg:$0x9] =	wrdreg s16  }
0x1e: {  	s16 =	sadd.s32 s15, s23;
	s23 =	sadd.s32 $0x1E0, s14;
	s14 =	simm.s32 $0x19320  }
0x1f: {  	v0 =	vimm.f32 $0.0e+00;
	s15 =	simm.s32 $0x14140;
	[dreg:$0xa] =	wrdreg s16;
	s16 =	simm.s32 $0x16B20  }
.LBB2_1:
0x20: {  	s21 =	simm.s32 $0x0  }
.LBB2_2:
0x21: {  	p0 =	sne.s32 s21, $0x9C00  }
.Ltmp0:
0x22: {  	_ = 	snop;
	(pc) =	sbr.rel @p0 .LBB2_2-.Ltmp0, $3  }
0x23: {  	_ =	sdelay $0x1  }
0x24: {  	s25 =	sshra.s32 s21, $0x2  }
0x25: {  	s21 =	sadd.s32 $0x40, s21;
	[tilespmem:s25+$0x19320] =	vst v0  }
0x26: {  	s21 =	simm.s32 $0x0;
	s25 =	simm.s32 $0x200  }
.LBB2_4:
0x27: {  	p0 =	sne.s32 s25, $0x9E00;
	[tilespmem:s21+$0x14390] =	vst v0  }
0x28: {  	[tilespmem:s21+$0x14320] =	vst v0  }
0x29: {  	[tilespmem:s21+$0x14330] =	vst v0  }
.Ltmp1:
0x2a: {  	[tilespmem:s21+$0x14340] =	vst v0;
	(pc) =	sbr.rel @p0 .LBB2_4-.Ltmp1, $4  }
0x2b: {  	[tilespmem:s21+$0x14350] =	vst v0  }
0x2c: {  	[tilespmem:s21+$0x14360] =	vst v0  }
0x2d: {  	[tilespmem:s21+$0x14370] =	vst v0  }
0x2e: {  	[tilespmem:s21+$0x14380] =	vst v0;
	s21 =	sshra.s32 s25, $0x2;
	s25 =	sadd.s32 $0x200, s25  }
0x2f: {  	[tilespmem:s21+$0x14390] =	vst v0  }
0x30: {  	[tilespmem:s21+$0x14320] =	vst v0  }
0x31: {  	[tilespmem:s21+$0x14330] =	vst v0  }
0x32: {  	[tilespmem:s21+$0x14340] =	vst v0  }
0x33: {  	[tilespmem:s21+$0x14350] =	vst v0  }
0x34: {  	[tilespmem:s21+$0x14360] =	vst v0  }
0x35: {  	[tilespmem:s21+$0x14370] =	vst v0  }
0x36: {  	[tilespmem:s21+$0x14380] =	vst v0  }
0x37: {  	[spmem:s6] =	stream.linear.scatter [tilespmem:s29], [sflag:$0x4], $0x2800, $0x38;
	[tilespmem:$0x1BA30] =	vst v63  }
0x38: {  	_ =	swait.ge [sflag:s30], $0x2800  }
0x39: {  	[sflag:s30] =	ssyncset.done $0x0  }
0x3a: {  	[sflag:s30] =	ssyncadd.s32 $0xFFFFD800  }
0x3b: {  	[spmem:s7] =	stream.linear.scatter [tilespmem:s29], [sflag:$0x4], $0x2800, $0x38;
	[tilespmem:$0x1BA30] =	vst v63  }
0x3c: {  	_ =	swait.ge [sflag:s30], $0x2800  }
0x3d: {  	[sflag:s30] =	ssyncset.done $0x0  }
0x3e: {  	[sflag:s30] =	ssyncadd.s32 $0xFFFFD800  }
0x3f: {  	[spmem:s8] =	stream.linear.scatter [tilespmem:s29], [sflag:$0x4], $0x2800, $0x38;
	[tilespmem:$0x1BA30] =	vst v63  }
0x40: {  	_ =	swait.ge [sflag:s30], $0x2800  }
0x41: {  	[sflag:s30] =	ssyncset.done $0x0  }
0x42: {  	[sflag:s30] =	ssyncadd.s32 $0xFFFFD800  }
0x43: {  	[spmem:s9] =	stream.linear.scatter [tilespmem:s29], [sflag:$0x4], $0x2800, $0x38;
	[tilespmem:$0x1BA30] =	vst v63  }
0x44: {  	_ =	swait.ge [sflag:s30], $0x2800  }
0x45: {  	[sflag:s30] =	ssyncset.done $0x0  }
0x46: {  	[sflag:s30] =	ssyncadd.s32 $0xFFFFD800  }
0x47: {  	[spmem:s10] =	stream.linear.scatter [tilespmem:s29], [sflag:$0x4], $0x2800, $0x38;
	[tilespmem:$0x1BA30] =	vst v63  }
0x48: {  	_ =	swait.ge [sflag:s30], $0x2800  }
0x49: {  	[sflag:s30] =	ssyncset.done $0x0  }
0x4a: {  	[sflag:s30] =	ssyncadd.s32 $0xFFFFD800  }
0x4b: {  	[spmem:s11] =	stream.linear.scatter [tilespmem:s29], [sflag:$0x4], $0x2800, $0x38;
	[tilespmem:$0x1BA30] =	vst v63  }
0x4c: {  	_ =	swait.ge [sflag:s30], $0x2800  }
0x4d: {  	[sflag:s30] =	ssyncset.done $0x0  }
0x4e: {  	[sflag:s30] =	ssyncadd.s32 $0xFFFFD800  }
0x4f: {  	[spmem:s12] =	stream.linear.scatter [tilespmem:s29], [sflag:$0x4], $0x2800, $0x38;
	[tilespmem:$0x1BA30] =	vst v63  }
0x50: {  	_ =	swait.ge [sflag:s30], $0x2800  }
0x51: {  	[sflag:s30] =	ssyncset.done $0x0  }
0x52: {  	[sflag:s30] =	ssyncadd.s32 $0xFFFFD800  }
0x53: {  	[spmem:s13] =	stream.linear.scatter [tilespmem:s29], [sflag:$0x4], $0x2800, $0x38;
	[tilespmem:$0x1BA30] =	vst v63  }
0x54: {  	_ =	swait.ge [sflag:s30], $0x2800  }
0x55: {  	[sflag:s30] =	ssyncset.done $0x0  }
0x56: {  	[sflag:s30] =	ssyncadd.s32 $0xFFFFD800  }
0x57: {  	s21 =	simm.s32 $0x0;
	s25 =	simm.s32 $0x14000;
	[bflag:$0x0] =	sbarrier.arrive $0xFFFF  }
0x58: {  	[tilespmem:s25], [sflag:$0x1] =	stream.linear.gather [hbm4b:s22+s21], $0xF0, $0x38;
	[tilespmem:$0x1BA30] =	vst v63  }
0x59: {  	_ =	swait.ge [sflag:s1], $0xF0  }
0x5a: {  	[sflag:s1] =	ssyncset.done $0x0  }
0x5b: {  	s26 =	simm.s32 $0x14050;
	[sflag:s1] =	ssyncadd.s32 $0xFFFFFF10  }
0x5c: {  	[tilespmem:s29], [sflag:$0x2] =	stream.indirect.gather [hbm4b:s0+s2], $0x80, s26, s2, $0xb8;
	[tilespmem:$0x1BA30] =	vst v63  }
0x5d: {  	s28 =	rddreg [dreg:$0xe];
	s26 =	simm.s32 $0x140F0  }
0x5e: {  	[tilespmem:s26], [sflag:$0x1] =	stream.linear.gather [hbm4b:s28+s21], $0xF0, $0x38;
	[tilespmem:$0x1BA30] =	vst v63  }
.LBB2_6:
0x5f: {  	_ =	swait.ge [sflag:s31], $0x2800  }
0x60: {  	[sflag:s31] =	ssyncset.done $0x0  }
0x61: {  	[sflag:s31] =	ssyncadd.s32 $0xFFFFD800  }
0x62: {  	v1 =	vld [tilespmem:$0x140A0];
	_ =	sdelay $0x4  }
0x63: {  	v1 =	vsub.f32 $0.0e+00, v1;
	_ =	sdelay $0x1  }
0x64: {  	v1 =	vmul.f32 $1.442695020e+00, v1;
	_ =	sdelay $0x1  }
0x65: {  	(erf) = vpow2.f32 v1;
	_ =	sdelay $0x8  }
0x66: {  	v1 =	vpop (erf)  }
0x67: {  	v1 =	vadd.f32 $1.000000000e+00, v1;
	_ =	sdelay $0x1  }
0x68: {  	(erf) = vrcp.f32 v1;
	_ =	sdelay $0x2  }
0x69: {  	v1 =	vld [tilespmem:$0x14000];
	_ =	sdelay $0x5  }
0x6a: {  	[tilespmem:$0x141E0] =	vst v1;
	v2 =	vpop (erf)  }
0x6b: {  	[tilespmem:$0x14280] =	vst v2  }
0x6c: {  	[tilespmem:v1+s14+$0x0] =	vst.idx.add.f32.msk $0xffff, v2  }
0x6d: {  	v1 =	vld [tilespmem:$0x140B0];
	_ =	sdelay $0x4  }
0x6e: {  	v1 =	vsub.f32 $0.0e+00, v1;
	_ =	sdelay $0x1  }
0x6f: {  	v1 =	vmul.f32 $1.442695020e+00, v1;
	_ =	sdelay $0x1  }
0x70: {  	(erf) = vpow2.f32 v1;
	_ =	sdelay $0x8  }
0x71: {  	v1 =	vpop (erf)  }
0x72: {  	v1 =	vadd.f32 $1.000000000e+00, v1;
	_ =	sdelay $0x1  }
0x73: {  	(erf) = vrcp.f32 v1;
	_ =	sdelay $0x2  }
0x74: {  	v1 =	vld [tilespmem:$0x14010];
	_ =	sdelay $0x5  }
0x75: {  	[tilespmem:$0x141F0] =	vst v1;
	v2 =	vpop (erf)  }
0x76: {  	[tilespmem:$0x14290] =	vst v2  }
0x77: {  	[tilespmem:v1+s14+$0x0] =	vst.idx.add.f32.msk $0xffff, v2  }
0x78: {  	v1 =	vld [tilespmem:$0x140C0];
	_ =	sdelay $0x4  }
0x79: {  	v1 =	vsub.f32 $0.0e+00, v1;
	_ =	sdelay $0x1  }
0x7a: {  	v1 =	vmul.f32 $1.442695020e+00, v1;
	_ =	sdelay $0x1  }
0x7b: {  	(erf) = vpow2.f32 v1;
	_ =	sdelay $0x8  }
0x7c: {  	v1 =	vpop (erf)  }
0x7d: {  	v1 =	vadd.f32 $1.000000000e+00, v1;
	_ =	sdelay $0x1  }
0x7e: {  	(erf) = vrcp.f32 v1;
	_ =	sdelay $0x2  }
0x7f: {  	v1 =	vld [tilespmem:$0x14020];
	_ =	sdelay $0x5  }
0x80: {  	[tilespmem:$0x14200] =	vst v1;
	v2 =	vpop (erf)  }
0x81: {  	[tilespmem:$0x142A0] =	vst v2  }
0x82: {  	[tilespmem:v1+s14+$0x0] =	vst.idx.add.f32.msk $0xffff, v2  }
0x83: {  	v1 =	vld [tilespmem:$0x140D0];
	_ =	sdelay $0x4  }
0x84: {  	v1 =	vsub.f32 $0.0e+00, v1;
	_ =	sdelay $0x1  }
0x85: {  	v1 =	vmul.f32 $1.442695020e+00, v1;
	_ =	sdelay $0x1  }
0x86: {  	(erf) = vpow2.f32 v1;
	_ =	sdelay $0x8  }
0x87: {  	v1 =	vpop (erf)  }
0x88: {  	v1 =	vadd.f32 $1.000000000e+00, v1;
	_ =	sdelay $0x1  }
0x89: {  	(erf) = vrcp.f32 v1;
	_ =	sdelay $0x2  }
0x8a: {  	v1 =	vld [tilespmem:$0x14030];
	_ =	sdelay $0x5  }
0x8b: {  	[tilespmem:$0x14210] =	vst v1;
	v2 =	vpop (erf)  }
0x8c: {  	[tilespmem:$0x142B0] =	vst v2  }
0x8d: {  	[tilespmem:v1+s14+$0x0] =	vst.idx.add.f32.msk $0xffff, v2  }
0x8e: {  	v1 =	vld [tilespmem:$0x140E0];
	_ =	sdelay $0x4  }
0x8f: {  	v1 =	vsub.f32 $0.0e+00, v1;
	_ =	sdelay $0x1  }
0x90: {  	v1 =	vmul.f32 $1.442695020e+00, v1;
	_ =	sdelay $0x1  }
0x91: {  	(erf) = vpow2.f32 v1;
	_ =	sdelay $0x8  }
0x92: {  	v1 =	vpop (erf)  }
0x93: {  	v1 =	vadd.f32 $1.000000000e+00, v1;
	_ =	sdelay $0x1  }
0x94: {  	(erf) = vrcp.f32 v1;
	_ =	sdelay $0x2  }
0x95: {  	v1 =	vld [tilespmem:$0x14040];
	_ =	sdelay $0x2  }
0x96: {  	p0 =	seq.s32 s21, $0x7C  }
0x97: {  	s25 =	smul.u32 @!p0 $0x1E0, s21;
	_ =	sdelay $0x1  }
0x98: {  	s25 =	sadd.s32 @!p0 s25, s23;
	[tilespmem:$0x14220] =	vst v1;
	v2 =	vpop (erf)  }
0x99: {  	s26 =	simm.s32 @!p0 $0x0;
	s25 =	sshrl.u32 @!p0 s25, $0x3;
	[tilespmem:$0x142C0] =	vst v2  }
0x9a: {  	s28 =	simm.s32 @!p0 $0x14000;
	p1 =	seq.s32 @!p0 s21, $0x0;
	s25 =	sadd.s32 @!p0 s5, s25;
	[tilespmem:v1+s14+$0x0] =	vst.idx.add.f32.msk $0xffff, v2  }
0x9b: {  	[tilespmem:s28], [sflag:$0x1] =	stream.linear.gather @!p0 [hbm4b:s25+s26], $0xF0, $0x38;
	[tilespmem:$0x1BA30] =	vst v63  }
0x9c: {  	p0 =	por p0, !p1  }
0x9d: {  	_ =	swait.ge @p0 [sflag:s19], $0x2800  }
0x9e: {  	[sflag:s19] =	ssyncset.done @p0 $0x0  }
0x9f: {  	[sflag:s19] =	ssyncadd.s32 @p0 $0xFFFFD800  }
0xa0: {  	_ =	swait.ge [sflag:s1], $0xF0  }
0xa1: {  	s26 =	simm.s32 $0x0;
	[sflag:s1] =	ssyncset.done $0x0  }
0xa2: {  	s25 =	sand.u32 $0x3FFFFFF0, s26;
	[sflag:s1] =	ssyncadd.s32 $0xFFFFFF10  }
0xa3: {  	[tilespmem:s16], [sflag:$0x2] =	stream.indirect.gather [hbm4b:s0+s2], $0x80, s15, s2, $0xb8;
	[tilespmem:$0x1BA30] =	vst v63  }
0xa4: {  	s28 =	simm.s32 $0x0;
	v1 =	vld [tilespmem:s25+$0x14280]  }
0xa5: {  	s25 =	sand.u32 $0x3FFFF800, s28  }
0xa6: {  	v3 =	vld [tilespmem:s25+$0x14340]  }
0xa7: {  	v4 =	vld [tilespmem:s25+$0x14350]  }
0xa8: {  	v10 =	vld [tilespmem:s25+$0x14380]  }
0xa9: {  	v11 =	vld [tilespmem:s25+$0x14390];
	v2 =	vbroadcast v1, $0x0  }
0xaa: {  	v12 =	vld [tilespmem:s25+$0x143A0]  }
0xab: {  	v13 =	vld [tilespmem:s25+$0x143B0];
	v3 =	vmul.f32 v3, v2  }
0xac: {  	v14 =	vld [tilespmem:s25+$0x143C0];
	v4 =	vmul.f32 v4, v2  }
0xad: {  	v9 =	vld [tilespmem:s25+$0x143D0];
	v23 =	vbroadcast v1, $0x1;
	v22 =	vmul.f32 v10, v2;
	[tilespmem:s25+$0x14340] =	vst v3  }
0xae: {  	v7 =	vld [tilespmem:s25+$0x143E0];
	v11 =	vmul.f32 v11, v2;
	[tilespmem:s25+$0x14350] =	vst v4  }
0xaf: {  	v8 =	vld [tilespmem:s25+$0x143F0];
	v12 =	vmul.f32 v12, v23;
	[tilespmem:s25+$0x14380] =	vst v22  }
0xb0: {  	v25 =	vld [tilespmem:s25+$0x14410];
	v13 =	vmul.f32 v13, v23;
	[tilespmem:s25+$0x14390] =	vst v11  }
0xb1: {  	v26 =	vld [tilespmem:s25+$0x14420];
	v14 =	vmul.f32 v14, v23;
	[tilespmem:s25+$0x143A0] =	vst v12  }
0xb2: {  	v27 =	vld [tilespmem:s25+$0x14430];
	v9 =	vmul.f32 v9, v23;
	[tilespmem:s25+$0x143B0] =	vst v13  }
0xb3: {  	v6 =	vld [tilespmem:s25+$0x14890];
	v7 =	vmul.f32 v7, v23;
	[tilespmem:s25+$0x143C0] =	vst v14  }
0xb4: {  	v24 =	vld [tilespmem:s25+$0x14400];
	v15 =	vbroadcast v1, $0x2;
	v8 =	vmul.f32 v8, v23;
	[tilespmem:s25+$0x143D0] =	vst v9  }
0xb5: {  	v28 =	vld [tilespmem:s25+$0x14440];
	v10 =	vmul.f32 v25, v23;
	[tilespmem:s25+$0x143E0] =	vst v7  }
0xb6: {  	v29 =	vld [tilespmem:s25+$0x14450];
	v5 =	vbroadcast v1, $0xA;
	v32 =	vmul.f32 v26, v15;
	[tilespmem:s25+$0x143F0] =	vst v8  }
0xb7: {  	v30 =	vld [tilespmem:s25+$0x14460];
	v34 =	vmul.f32 v27, v15;
	[tilespmem:s25+$0x14410] =	vst v10  }
0xb8: {  	v33 =	vld [tilespmem:s25+$0x14480];
	v3 =	vmul.f32 v6, v5;
	[tilespmem:s25+$0x14420] =	vst v32  }
0xb9: {  	v35 =	vld [tilespmem:s25+$0x14490];
	v11 =	vmul.f32 v24, v23;
	[tilespmem:s25+$0x14430] =	vst v34  }
0xba: {  	v36 =	vld [tilespmem:s25+$0x144A0];
	v9 =	vmul.f32 v28, v15;
	[tilespmem:s25+$0x14890] =	vst v3  }
0xbb: {  	v31 =	vld [tilespmem:s25+$0x14470];
	v7 =	vmul.f32 v29, v15;
	[tilespmem:s25+$0x14400] =	vst v11  }
0xbc: {  	v37 =	vld [tilespmem:s25+$0x144B0];
	v8 =	vmul.f32 v30, v15;
	[tilespmem:s25+$0x14440] =	vst v9  }
0xbd: {  	v38 =	vld [tilespmem:s25+$0x144C0];
	v41 =	vbroadcast v1, $0x3;
	v10 =	vmul.f32 v33, v15;
	[tilespmem:s25+$0x14450] =	vst v7  }
0xbe: {  	v39 =	vld [tilespmem:s25+$0x144D0];
	v12 =	vmul.f32 v35, v15;
	[tilespmem:s25+$0x14460] =	vst v8  }
0xbf: {  	v42 =	vld [tilespmem:s25+$0x144F0];
	v13 =	vmul.f32 v36, v41;
	[tilespmem:s25+$0x14480] =	vst v10  }
0xc0: {  	v43 =	vld [tilespmem:s25+$0x14500];
	v11 =	vmul.f32 v31, v15;
	[tilespmem:s25+$0x14490] =	vst v12  }
0xc1: {  	v44 =	vld [tilespmem:s25+$0x14510];
	v9 =	vmul.f32 v37, v41;
	[tilespmem:s25+$0x144A0] =	vst v13  }
0xc2: {  	v40 =	vld [tilespmem:s25+$0x144E0];
	v7 =	vmul.f32 v38, v41;
	[tilespmem:s25+$0x14470] =	vst v11  }
0xc3: {  	v45 =	vld [tilespmem:s25+$0x14520];
	v8 =	vmul.f32 v39, v41;
	[tilespmem:s25+$0x144B0] =	vst v9  }
0xc4: {  	v46 =	vld [tilespmem:s25+$0x14530];
	v10 =	vmul.f32 v42, v41;
	[tilespmem:s25+$0x144C0] =	vst v7  }
0xc5: {  	v47 =	vld [tilespmem:s25+$0x14540];
	v12 =	vmul.f32 v43, v41;
	[tilespmem:s25+$0x144D0] =	vst v8  }
0xc6: {  	v49 =	vld [tilespmem:s25+$0x14560];
	v50 =	vbroadcast v1, $0x4;
	v13 =	vmul.f32 v44, v41;
	[tilespmem:s25+$0x144F0] =	vst v10  }
0xc7: {  	v51 =	vld [tilespmem:s25+$0x14570];
	v11 =	vmul.f32 v40, v41;
	[tilespmem:s25+$0x14500] =	vst v12  }
0xc8: {  	v52 =	vld [tilespmem:s25+$0x14580];
	v9 =	vmul.f32 v45, v50;
	[tilespmem:s25+$0x14510] =	vst v13  }
0xc9: {  	v48 =	vld [tilespmem:s25+$0x14550];
	v7 =	vmul.f32 v46, v50;
	[tilespmem:s25+$0x144E0] =	vst v11  }
0xca: {  	v53 =	vld [tilespmem:s25+$0x14590];
	v8 =	vmul.f32 v47, v50;
	[tilespmem:s25+$0x14520] =	vst v9  }
0xcb: {  	v54 =	vld [tilespmem:s25+$0x145A0];
	v10 =	vmul.f32 v49, v50;
	[tilespmem:s25+$0x14530] =	vst v7  }
0xcc: {  	v55 =	vld [tilespmem:s25+$0x145B0];
	v12 =	vmul.f32 v51, v50;
	[tilespmem:s25+$0x14540] =	vst v8  }
0xcd: {  	v57 =	vld [tilespmem:s25+$0x145D0];
	v13 =	vmul.f32 v52, v50;
	[tilespmem:s25+$0x14560] =	vst v10  }
0xce: {  	v58 =	vld [tilespmem:s25+$0x145E0];
	v59 =	vbroadcast v1, $0x5;
	v11 =	vmul.f32 v48, v50;
	[tilespmem:s25+$0x14570] =	vst v12  }
0xcf: {  	v60 =	vld [tilespmem:s25+$0x145F0];
	v9 =	vmul.f32 v53, v50;
	[tilespmem:s25+$0x14580] =	vst v13  }
0xd0: {  	v56 =	vld [tilespmem:s25+$0x145C0];
	v7 =	vmul.f32 v54, v59;
	[tilespmem:s25+$0x14550] =	vst v11  }
0xd1: {  	v61 =	vld [tilespmem:s25+$0x14600];
	v8 =	vmul.f32 v55, v59;
	[tilespmem:s25+$0x14590] =	vst v9  }
0xd2: {  	v62 =	vld [tilespmem:s25+$0x14610];
	v10 =	vmul.f32 v57, v59;
	[tilespmem:s25+$0x145A0] =	vst v7  }
0xd3: {  	v63 =	vld [tilespmem:s25+$0x14620];
	v12 =	vmul.f32 v58, v59;
	[tilespmem:s25+$0x145B0] =	vst v8  }
0xd4: {  	v19 =	vld [tilespmem:s25+$0x14640];
	v13 =	vmul.f32 v60, v59;
	[tilespmem:s25+$0x145D0] =	vst v10  }
0xd5: {  	v20 =	vld [tilespmem:s25+$0x14650];
	v11 =	vmul.f32 v56, v59;
	[tilespmem:s25+$0x145E0] =	vst v12  }
0xd6: {  	v21 =	vld [tilespmem:s25+$0x14660];
	v22 =	vbroadcast v1, $0x6;
	v9 =	vmul.f32 v61, v59;
	[tilespmem:s25+$0x145F0] =	vst v13  }
0xd7: {  	v18 =	vld [tilespmem:s25+$0x14630];
	v7 =	vmul.f32 v62, v59;
	[tilespmem:s25+$0x145C0] =	vst v11  }
0xd8: {  	v23 =	vld [tilespmem:s25+$0x14670];
	v8 =	vmul.f32 v63, v22;
	[tilespmem:s25+$0x14600] =	vst v9  }
0xd9: {  	v24 =	vld [tilespmem:s25+$0x14680];
	v10 =	vmul.f32 v19, v22;
	[tilespmem:s25+$0x14610] =	vst v7  }
0xda: {  	v25 =	vld [tilespmem:s25+$0x14690];
	v12 =	vmul.f32 v20, v22;
	[tilespmem:s25+$0x14620] =	vst v8  }
0xdb: {  	v27 =	vld [tilespmem:s25+$0x146B0];
	v13 =	vmul.f32 v21, v22;
	[tilespmem:s25+$0x14640] =	vst v10  }
0xdc: {  	v28 =	vld [tilespmem:s25+$0x146C0];
	v11 =	vmul.f32 v18, v22;
	[tilespmem:s25+$0x14650] =	vst v12  }
0xdd: {  	v29 =	vld [tilespmem:s25+$0x146D0];
	v9 =	vmul.f32 v23, v22;
	[tilespmem:s25+$0x14660] =	vst v13  }
0xde: {  	v31 =	vbroadcast v1, $0x7;
	v53 =	vld [tilespmem:s25+$0x14820];
	v7 =	vmul.f32 v24, v22;
	[tilespmem:s25+$0x14630] =	vst v11  }
0xdf: {  	v57 =	vld [tilespmem:s25+$0x14860];
	v8 =	vmul.f32 v25, v22;
	[tilespmem:s25+$0x14670] =	vst v9  }
0xe0: {  	v58 =	vld [tilespmem:s25+$0x14870];
	v10 =	vmul.f32 v27, v31;
	[tilespmem:s25+$0x14680] =	vst v7  }
0xe1: {  	v26 =	vld [tilespmem:s25+$0x146A0];
	v12 =	vmul.f32 v28, v31;
	[tilespmem:s25+$0x14690] =	vst v8  }
0xe2: {  	v30 =	vld [tilespmem:s25+$0x146E0];
	v13 =	vmul.f32 v29, v31;
	[tilespmem:s25+$0x146B0] =	vst v10  }
0xe3: {  	v32 =	vld [tilespmem:s25+$0x146F0];
	v59 =	vmul.f32 v53, v5;
	[tilespmem:s25+$0x146C0] =	vst v12  }
0xe4: {  	v33 =	vld [tilespmem:s25+$0x14700];
	v18 =	vmul.f32 v57, v5;
	[tilespmem:s25+$0x146D0] =	vst v13  }
0xe5: {  	v35 =	vld [tilespmem:s25+$0x14720];
	v20 =	vmul.f32 v58, v5;
	[tilespmem:s25+$0x14820] =	vst v59  }
0xe6: {  	v36 =	vld [tilespmem:s25+$0x14730];
	v11 =	vmul.f32 v26, v31;
	[tilespmem:s25+$0x14860] =	vst v18  }
0xe7: {  	v37 =	vld [tilespmem:s25+$0x14740];
	v9 =	vmul.f32 v30, v31;
	[tilespmem:s25+$0x14870] =	vst v20  }
0xe8: {  	v4 =	vld [tilespmem:s25+$0x148A0];
	v40 =	vbroadcast v1, $0x8;
	v7 =	vmul.f32 v32, v31;
	[tilespmem:s25+$0x146A0] =	vst v11  }
0xe9: {  	v6 =	vld [tilespmem:s25+$0x148B0];
	v8 =	vmul.f32 v33, v31;
	[tilespmem:s25+$0x146E0] =	vst v9  }
0xea: {  	v3 =	vld [tilespmem:s25+$0x14AF0];
	v10 =	vmul.f32 v35, v40;
	[tilespmem:s25+$0x146F0] =	vst v7  }
0xeb: {  	v61 =	vld [tilespmem:s25+$0x14320];
	v23 =	vbroadcast v1, $0xB;
	v12 =	vmul.f32 v36, v40;
	[tilespmem:s25+$0x14700] =	vst v8  }
0xec: {  	v34 =	vld [tilespmem:s25+$0x14710];
	v13 =	vmul.f32 v37, v40;
	[tilespmem:s25+$0x14720] =	vst v10  }
0xed: {  	v38 =	vld [tilespmem:s25+$0x14750];
	v27 =	vbroadcast v1, $0xF;
	v4 =	vmul.f32 v4, v23;
	[tilespmem:s25+$0x14730] =	vst v12  }
0xee: {  	v39 =	vld [tilespmem:s25+$0x14760];
	v6 =	vmul.f32 v6, v23;
	[tilespmem:s25+$0x14740] =	vst v13  }
0xef: {  	v41 =	vld [tilespmem:s25+$0x14770];
	v3 =	vmul.f32 v3, v27;
	[tilespmem:s25+$0x148A0] =	vst v4  }
0xf0: {  	v43 =	vld [tilespmem:s25+$0x14790];
	v24 =	vmul.f32 v2, v61;
	[tilespmem:s25+$0x148B0] =	vst v6  }
0xf1: {  	v44 =	vld [tilespmem:s25+$0x147A0];
	v11 =	vmul.f32 v34, v31;
	[tilespmem:s25+$0x14AF0] =	vst v3  }
0xf2: {  	v45 =	vld [tilespmem:s25+$0x147B0];
	v9 =	vmul.f32 v38, v40;
	[tilespmem:s25+$0x14320] =	vst v24  }
0xf3: {  	v63 =	vld [tilespmem:s25+$0x14360];
	v7 =	vmul.f32 v39, v40;
	[tilespmem:s25+$0x14710] =	vst v11  }
0xf4: {  	v49 =	vbroadcast v1, $0x9;
	v29 =	vld [tilespmem:s25+$0x14910];
	v8 =	vmul.f32 v41, v40;
	[tilespmem:s25+$0x14750] =	vst v9  }
0xf5: {  	v42 =	vld [tilespmem:s25+$0x14780];
	v10 =	vmul.f32 v43, v40;
	[tilespmem:s25+$0x14760] =	vst v7  }
0xf6: {  	v46 =	vld [tilespmem:s25+$0x147C0];
	v12 =	vmul.f32 v44, v49;
	[tilespmem:s25+$0x14770] =	vst v8  }
0xf7: {  	v47 =	vld [tilespmem:s25+$0x147D0];
	v13 =	vmul.f32 v45, v49;
	[tilespmem:s25+$0x14790] =	vst v10  }
0xf8: {  	v48 =	vld [tilespmem:s25+$0x147E0];
	v3 =	vmul.f32 v63, v2;
	[tilespmem:s25+$0x147A0] =	vst v12  }
0xf9: {  	v51 =	vld [tilespmem:s25+$0x14800];
	v6 =	vmul.f32 v29, v23;
	[tilespmem:s25+$0x147B0] =	vst v13  }
0xfa: {  	v52 =	vld [tilespmem:s25+$0x14810];
	v11 =	vmul.f32 v42, v40;
	[tilespmem:s25+$0x14360] =	vst v3  }
0xfb: {  	v28 =	vld [tilespmem:s25+$0x14900];
	v9 =	vmul.f32 v46, v49;
	[tilespmem:s25+$0x14910] =	vst v6  }
0xfc: {  	v26 =	vld [tilespmem:s25+$0x148F0];
	v7 =	vmul.f32 v47, v49;
	[tilespmem:s25+$0x14780] =	vst v11  }
0xfd: {  	v30 =	vld [tilespmem:s25+$0x14920];
	v8 =	vmul.f32 v48, v49;
	[tilespmem:s25+$0x147C0] =	vst v9  }
0xfe: {  	v50 =	vld [tilespmem:s25+$0x147F0];
	v10 =	vmul.f32 v51, v49;
	[tilespmem:s25+$0x147D0] =	vst v7  }
0xff: {  	v54 =	vld [tilespmem:s25+$0x14830];
	v12 =	vmul.f32 v52, v49;
	[tilespmem:s25+$0x147E0] =	vst v8  }
0x100: {  	v55 =	vld [tilespmem:s25+$0x14840];
	v35 =	vbroadcast v1, $0xC;
	v40 =	vmul.f32 v28, v23;
	[tilespmem:s25+$0x14800] =	vst v10  }
0x101: {  	v56 =	vld [tilespmem:s25+$0x14850];
	v32 =	vmul.f32 v26, v23;
	[tilespmem:s25+$0x14810] =	vst v12  }
0x102: {  	v60 =	vld [tilespmem:s25+$0x14880];
	v15 =	vmul.f32 v30, v35;
	[tilespmem:s25+$0x14900] =	vst v40  }
0x103: {  	v62 =	vld [tilespmem:s25+$0x14330];
	v11 =	vmul.f32 v50, v49;
	[tilespmem:s25+$0x148F0] =	vst v32  }
0x104: {  	v19 =	vld [tilespmem:s25+$0x14370];
	v9 =	vmul.f32 v54, v5;
	[tilespmem:s25+$0x14920] =	vst v15  }
0x105: {  	v33 =	vld [tilespmem:s25+$0x14950];
	v7 =	vmul.f32 v55, v5;
	[tilespmem:s25+$0x147F0] =	vst v11  }
0x106: {  	v61 =	vld [tilespmem:s25+$0x14B10];
	v8 =	vmul.f32 v56, v5;
	[tilespmem:s25+$0x14830] =	vst v9  }
0x107: {  	v38 =	vld [tilespmem:s25+$0x14990];
	v5 =	vmul.f32 v60, v5;
	[tilespmem:s25+$0x14840] =	vst v7  }
0x108: {  	v21 =	vld [tilespmem:s25+$0x148C0];
	v12 =	vmul.f32 v62, v2;
	[tilespmem:s25+$0x14850] =	vst v8  }
0x109: {  	v22 =	vld [tilespmem:s25+$0x148D0];
	v2 =	vmul.f32 v19, v2;
	[tilespmem:s25+$0x14880] =	vst v5  }
0x10a: {  	v25 =	vld [tilespmem:s25+$0x148E0];
	v62 =	vmul.f32 v33, v35;
	[tilespmem:s25+$0x14330] =	vst v12  }
0x10b: {  	v31 =	vld [tilespmem:s25+$0x14930];
	v63 =	vmul.f32 v61, v27;
	[tilespmem:s25+$0x14370] =	vst v2  }
0x10c: {  	v34 =	vld [tilespmem:s25+$0x14960];
	v15 =	vmul.f32 v38, v35;
	[tilespmem:s25+$0x14950] =	vst v62  }
0x10d: {  	v41 =	vld [tilespmem:s25+$0x149C0];
	v7 =	vmul.f32 v21, v23;
	[tilespmem:s25+$0x14B10] =	vst v63  }
0x10e: {  	v46 =	vld [tilespmem:s25+$0x14A00];
	v8 =	vmul.f32 v22, v23;
	[tilespmem:s25+$0x14990] =	vst v15  }
0x10f: {  	v36 =	vld [tilespmem:s25+$0x14970];
	v5 =	vmul.f32 v25, v23;
	[tilespmem:s25+$0x148C0] =	vst v7  }
0x110: {  	v44 =	vbroadcast v1, $0xD;
	v9 =	vmul.f32 v31, v35;
	v2 =	vld [tilespmem:s25+$0x149B0];
	[tilespmem:s25+$0x148D0] =	vst v8  }
0x111: {  	v37 =	vld [tilespmem:s25+$0x14980];
	v12 =	vmul.f32 v34, v35;
	[tilespmem:s25+$0x148E0] =	vst v5  }
0x112: {  	v39 =	vld [tilespmem:s25+$0x149A0];
	v11 =	vmul.f32 v41, v44;
	[tilespmem:s25+$0x14930] =	vst v9  }
0x113: {  	v42 =	vld [tilespmem:s25+$0x149D0];
	v51 =	vmul.f32 v46, v44;
	[tilespmem:s25+$0x14960] =	vst v12  }
0x114: {  	v48 =	vld [tilespmem:s25+$0x14A30];
	v8 =	vmul.f32 v36, v35;
	[tilespmem:s25+$0x149C0] =	vst v11  }
0x115: {  	v49 =	vld [tilespmem:s25+$0x14A40];
	[tilespmem:s25+$0x14A00] =	vst v51;
	v2 =	vmul.f32 v2, v44  }
0x116: {  	v50 =	vld [tilespmem:s25+$0x14A50];
	v5 =	vmul.f32 v37, v35;
	[tilespmem:s25+$0x14970] =	vst v8  }
0x117: {  	v1 =	vbroadcast v1, $0xE;
	v9 =	vmul.f32 v39, v44;
	[tilespmem:s25+$0x149B0] =	vst v2;
	v2 =	vld [tilespmem:s25+$0x14A20]  }
0x118: {  	v60 =	vld [tilespmem:s25+$0x14B00];
	v12 =	vmul.f32 v42, v44;
	[tilespmem:s25+$0x14980] =	vst v5  }
0x119: {  	v45 =	vld [tilespmem:s25+$0x149F0];
	v11 =	vmul.f32 v48, v1;
	[tilespmem:s25+$0x149A0] =	vst v9  }
0x11a: {  	v47 =	vld [tilespmem:s25+$0x14A10];
	v10 =	vmul.f32 v49, v1;
	[tilespmem:s25+$0x149D0] =	vst v12  }
0x11b: {  	v43 =	vld [tilespmem:s25+$0x149E0];
	v6 =	vmul.f32 v50, v1;
	[tilespmem:s25+$0x14A30] =	vst v11  }
0x11c: {  	v55 =	vld [tilespmem:s25+$0x14AA0];
	[tilespmem:s25+$0x14A40] =	vst v10;
	v2 =	vmul.f32 v2, v1  }
0x11d: {  	v57 =	vld [tilespmem:s25+$0x14AC0];
	v4 =	vmul.f32 v60, v27;
	[tilespmem:s25+$0x14A50] =	vst v6  }
0x11e: {  	v5 =	vmul.f32 v45, v44;
	[tilespmem:s25+$0x14A20] =	vst v2;
	v2 =	vld [tilespmem:s25+$0x14A90]  }
0x11f: {  	v52 =	vld [tilespmem:s25+$0x14A60];
	v9 =	vmul.f32 v47, v44;
	[tilespmem:s25+$0x14B00] =	vst v4  }
0x120: {  	v56 =	vld [tilespmem:s25+$0x14AB0];
	v8 =	vmul.f32 v43, v44;
	[tilespmem:s25+$0x149F0] =	vst v5  }
0x121: {  	v54 =	vld [tilespmem:s25+$0x14A80];
	v11 =	vmul.f32 v55, v27;
	[tilespmem:s25+$0x14A10] =	vst v9  }
0x122: {  	v58 =	vld [tilespmem:s25+$0x14AD0];
	v6 =	vmul.f32 v57, v27;
	[tilespmem:s25+$0x149E0] =	vst v8  }
0x123: {  	v53 =	vld [tilespmem:s25+$0x14A70];
	[tilespmem:s25+$0x14AA0] =	vst v11;
	v2 =	vmul.f32 v2, v1  }
0x124: {  	v59 =	vld [tilespmem:s25+$0x14AE0];
	v5 =	vmul.f32 v52, v1;
	[tilespmem:s25+$0x14AC0] =	vst v6  }
0x125: {  	[tilespmem:s25+$0x14A90] =	vst v2;
	v2 =	vmul.f32 v56, v27  }
0x126: {  	v3 =	vld [tilespmem:s25+$0x14940];
	v9 =	vmul.f32 v54, v1;
	[tilespmem:s25+$0x14A60] =	vst v5  }
0x127: {  	[tilespmem:s25+$0x14AB0] =	vst v2;
	v2 =	vmul.f32 v58, v27  }
0x128: {  	[tilespmem:s25+$0x14A80] =	vst v9;
	v1 =	vmul.f32 v53, v1  }
0x129: {  	[tilespmem:s25+$0x14AD0] =	vst v2;
	v2 =	vmul.f32 v59, v27  }
0x12a: {  	[tilespmem:s25+$0x14A70] =	vst v1  }
0x12b: {  	s26 =	simm.s32 $0x1;
	[tilespmem:s25+$0x14AE0] =	vst v2;
	v2 =	vmul.f32 v3, v35  }
.LBB2_7:
0x12c: {  	s28 =	sshll.u32 s26, $0x4  }
0x12d: {  	p0 =	sne.s32 s26, $0x4;
	[tilespmem:s25+$0x14940] =	vst v2;
	s25 =	smov.u32 s26;
	s26 =	sadd.s32 $0x1, s26  }
0x12e: {  	s28 =	sand.u32 $0x3FFFFFF0, s28  }
0x12f: {  	s25 =	sshll.u32 s25, $0xB;
	v1 =	vld [tilespmem:s28+$0x14280]  }
0x130: {  	s25 =	sand.u32 $0x3FFFF800, s25  }
0x131: {  	v8 =	vld [tilespmem:s25+$0x143E0]  }
0x132: {  	v9 =	vld [tilespmem:s25+$0x143F0]  }
0x133: {  	v10 =	vld [tilespmem:s25+$0x143D0]  }
0x134: {  	v2 =	vbroadcast v1, $0x0;
	v3 =	vld [tilespmem:s25+$0x14340];
	v7 =	vbroadcast v1, $0x4  }
0x135: {  	v5 =	vld [tilespmem:s25+$0x14350]  }
0x136: {  	v6 =	vld [tilespmem:s25+$0x14890]  }
0x137: {  	v11 =	vld [tilespmem:s25+$0x14380]  }
0x138: {  	v12 =	vld [tilespmem:s25+$0x14390]  }
0x139: {  	v4 =	vbroadcast v1, $0xA;
	v3 =	vmul.f32 v3, v2;
	v13 =	vld [tilespmem:s25+$0x143A0]  }
0x13a: {  	v5 =	vmul.f32 v5, v2;
	v14 =	vld [tilespmem:s25+$0x143B0]  }
0x13b: {  	[tilespmem:s25+$0x14340] =	vst v3;
	v15 =	vld [tilespmem:s25+$0x143C0];
	v3 =	vmul.f32 v6, v4  }
0x13c: {  	[tilespmem:s25+$0x14350] =	vst v5;
	v6 =	vmul.f32 v11, v2;
	v11 =	vbroadcast v1, $0x1;
	v5 =	vld [tilespmem:s25+$0x148A0]  }
0x13d: {  	v12 =	vmul.f32 v12, v2;
	[tilespmem:s25+$0x14890] =	vst v3;
	v3 =	vld [tilespmem:s25+$0x14AF0]  }
0x13e: {  	[tilespmem:s25+$0x14380] =	vst v6;
	v13 =	vmul.f32 v13, v11;
	v6 =	vld [tilespmem:s25+$0x148B0]  }
0x13f: {  	[tilespmem:s25+$0x14390] =	vst v12;
	v12 =	vmul.f32 v14, v11;
	v14 =	vld [tilespmem:s25+$0x14400]  }
0x140: {  	[tilespmem:s25+$0x143A0] =	vst v13;
	v13 =	vmul.f32 v15, v11;
	v15 =	vld [tilespmem:s25+$0x14410]  }
0x141: {  	v10 =	vmul.f32 v10, v11;
	[tilespmem:s25+$0x143B0] =	vst v12;
	v12 =	vld [tilespmem:s25+$0x14420]  }
0x142: {  	v8 =	vmul.f32 v8, v11;
	[tilespmem:s25+$0x143C0] =	vst v13;
	v13 =	vld [tilespmem:s25+$0x14430]  }
0x143: {  	v9 =	vmul.f32 v9, v11;
	[tilespmem:s25+$0x143D0] =	vst v10;
	v10 =	vld [tilespmem:s25+$0x14440]  }
0x144: {  	[tilespmem:s25+$0x143E0] =	vst v8;
	v8 =	vmul.f32 v14, v11;
	v14 =	vbroadcast v1, $0x2;
	v16 =	vld [tilespmem:s25+$0x14450]  }
0x145: {  	[tilespmem:s25+$0x143F0] =	vst v9;
	v9 =	vmul.f32 v15, v11;
	v11 =	vld [tilespmem:s25+$0x14460]  }
0x146: {  	[tilespmem:s25+$0x14400] =	vst v8;
	v8 =	vmul.f32 v12, v14;
	v12 =	vld [tilespmem:s25+$0x14470]  }
0x147: {  	[tilespmem:s25+$0x14410] =	vst v9;
	v9 =	vmul.f32 v13, v14;
	v13 =	vld [tilespmem:s25+$0x14480]  }
0x148: {  	[tilespmem:s25+$0x14420] =	vst v8;
	v8 =	vmul.f32 v10, v14;
	v10 =	vld [tilespmem:s25+$0x14490]  }
0x149: {  	[tilespmem:s25+$0x14430] =	vst v9;
	v9 =	vmul.f32 v16, v14;
	v15 =	vld [tilespmem:s25+$0x144A0]  }
0x14a: {  	[tilespmem:s25+$0x14440] =	vst v8;
	v8 =	vmul.f32 v11, v14;
	v11 =	vld [tilespmem:s25+$0x144B0]  }
0x14b: {  	[tilespmem:s25+$0x14450] =	vst v9;
	v9 =	vmul.f32 v12, v14;
	v12 =	vld [tilespmem:s25+$0x144C0]  }
0x14c: {  	[tilespmem:s25+$0x14460] =	vst v8;
	v8 =	vmul.f32 v13, v14;
	v13 =	vbroadcast v1, $0x3;
	v16 =	vld [tilespmem:s25+$0x144D0]  }
0x14d: {  	[tilespmem:s25+$0x14470] =	vst v9;
	v9 =	vmul.f32 v10, v14;
	v10 =	vld [tilespmem:s25+$0x144E0]  }
0x14e: {  	[tilespmem:s25+$0x14480] =	vst v8;
	v8 =	vmul.f32 v15, v13;
	v14 =	vld [tilespmem:s25+$0x144F0]  }
0x14f: {  	[tilespmem:s25+$0x14490] =	vst v9;
	v9 =	vmul.f32 v11, v13;
	v11 =	vld [tilespmem:s25+$0x14500]  }
0x150: {  	[tilespmem:s25+$0x144A0] =	vst v8;
	v8 =	vmul.f32 v12, v13;
	v12 =	vld [tilespmem:s25+$0x14510]  }
0x151: {  	[tilespmem:s25+$0x144B0] =	vst v9;
	v9 =	vmul.f32 v16, v13;
	v15 =	vld [tilespmem:s25+$0x14520]  }
0x152: {  	[tilespmem:s25+$0x144C0] =	vst v8;
	v8 =	vmul.f32 v10, v13;
	v10 =	vld [tilespmem:s25+$0x14530]  }
0x153: {  	[tilespmem:s25+$0x144D0] =	vst v9;
	v9 =	vmul.f32 v14, v13;
	v14 =	vld [tilespmem:s25+$0x14540]  }
0x154: {  	[tilespmem:s25+$0x144E0] =	vst v8;
	v8 =	vmul.f32 v11, v13;
	v11 =	vld [tilespmem:s25+$0x14550]  }
0x155: {  	[tilespmem:s25+$0x144F0] =	vst v9;
	v9 =	vmul.f32 v12, v13;
	v12 =	vld [tilespmem:s25+$0x14560]  }
0x156: {  	[tilespmem:s25+$0x14500] =	vst v8;
	v8 =	vmul.f32 v15, v7;
	v13 =	vld [tilespmem:s25+$0x14570]  }
0x157: {  	[tilespmem:s25+$0x14510] =	vst v9;
	v9 =	vmul.f32 v10, v7;
	v10 =	vld [tilespmem:s25+$0x14580]  }
0x158: {  	[tilespmem:s25+$0x14520] =	vst v8;
	v8 =	vmul.f32 v14, v7;
	v14 =	vld [tilespmem:s25+$0x14590]  }
0x159: {  	[tilespmem:s25+$0x14530] =	vst v9;
	v9 =	vmul.f32 v11, v7;
	v11 =	vld [tilespmem:s25+$0x145A0]  }
0x15a: {  	[tilespmem:s25+$0x14540] =	vst v8;
	v8 =	vmul.f32 v12, v7;
	v12 =	vld [tilespmem:s25+$0x145B0]  }
0x15b: {  	[tilespmem:s25+$0x14550] =	vst v9;
	v9 =	vmul.f32 v13, v7;
	v13 =	vld [tilespmem:s25+$0x145C0]  }
0x15c: {  	[tilespmem:s25+$0x14560] =	vst v8;
	v8 =	vmul.f32 v10, v7;
	v10 =	vbroadcast v1, $0x5;
	v15 =	vld [tilespmem:s25+$0x145D0]  }
0x15d: {  	[tilespmem:s25+$0x14570] =	vst v9;
	v7 =	vmul.f32 v14, v7;
	v9 =	vld [tilespmem:s25+$0x145E0]  }
0x15e: {  	[tilespmem:s25+$0x14580] =	vst v8;
	v8 =	vmul.f32 v11, v10;
	v11 =	vld [tilespmem:s25+$0x145F0]  }
0x15f: {  	[tilespmem:s25+$0x14590] =	vst v7;
	v7 =	vmul.f32 v12, v10;
	v12 =	vld [tilespmem:s25+$0x14600]  }
0x160: {  	[tilespmem:s25+$0x145A0] =	vst v8;
	v8 =	vmul.f32 v13, v10;
	v13 =	vld [tilespmem:s25+$0x14610]  }
0x161: {  	[tilespmem:s25+$0x145B0] =	vst v7;
	v7 =	vmul.f32 v15, v10;
	v14 =	vld [tilespmem:s25+$0x14620]  }
0x162: {  	[tilespmem:s25+$0x145C0] =	vst v8;
	v8 =	vmul.f32 v9, v10;
	v9 =	vld [tilespmem:s25+$0x14630]  }
0x163: {  	[tilespmem:s25+$0x145D0] =	vst v7;
	v7 =	vmul.f32 v11, v10;
	v11 =	vld [tilespmem:s25+$0x14640]  }
0x164: {  	[tilespmem:s25+$0x145E0] =	vst v8;
	v8 =	vmul.f32 v12, v10;
	v12 =	vbroadcast v1, $0x6;
	v15 =	vld [tilespmem:s25+$0x14650]  }
0x165: {  	[tilespmem:s25+$0x145F0] =	vst v7;
	v7 =	vmul.f32 v13, v10;
	v10 =	vld [tilespmem:s25+$0x14660]  }
0x166: {  	[tilespmem:s25+$0x14600] =	vst v8;
	v8 =	vmul.f32 v14, v12;
	v13 =	vld [tilespmem:s25+$0x14670]  }
0x167: {  	[tilespmem:s25+$0x14610] =	vst v7;
	v7 =	vmul.f32 v9, v12;
	v9 =	vld [tilespmem:s25+$0x14680]  }
0x168: {  	[tilespmem:s25+$0x14620] =	vst v8;
	v8 =	vmul.f32 v11, v12;
	v11 =	vld [tilespmem:s25+$0x14690]  }
0x169: {  	[tilespmem:s25+$0x14630] =	vst v7;
	v7 =	vmul.f32 v15, v12;
	v14 =	vld [tilespmem:s25+$0x146A0]  }
0x16a: {  	[tilespmem:s25+$0x14640] =	vst v8;
	v8 =	vmul.f32 v10, v12;
	v10 =	vld [tilespmem:s25+$0x146B0]  }
0x16b: {  	[tilespmem:s25+$0x14650] =	vst v7;
	v7 =	vmul.f32 v13, v12;
	v13 =	vld [tilespmem:s25+$0x146C0]  }
0x16c: {  	[tilespmem:s25+$0x14660] =	vst v8;
	v8 =	vmul.f32 v9, v12;
	v9 =	vbroadcast v1, $0x7;
	v15 =	vld [tilespmem:s25+$0x146D0]  }
0x16d: {  	[tilespmem:s25+$0x14670] =	vst v7;
	v7 =	vmul.f32 v11, v12;
	v11 =	vld [tilespmem:s25+$0x146E0]  }
0x16e: {  	[tilespmem:s25+$0x14680] =	vst v8;
	v8 =	vmul.f32 v14, v9;
	v12 =	vld [tilespmem:s25+$0x146F0]  }
0x16f: {  	[tilespmem:s25+$0x14690] =	vst v7;
	v7 =	vmul.f32 v10, v9;
	v10 =	vld [tilespmem:s25+$0x14700]  }
0x170: {  	[tilespmem:s25+$0x146A0] =	vst v8;
	v8 =	vmul.f32 v13, v9;
	v13 =	vld [tilespmem:s25+$0x14710]  }
0x171: {  	[tilespmem:s25+$0x146B0] =	vst v7;
	v7 =	vmul.f32 v15, v9;
	v14 =	vld [tilespmem:s25+$0x14720]  }
0x172: {  	[tilespmem:s25+$0x146C0] =	vst v8;
	v8 =	vmul.f32 v11, v9;
	v11 =	vld [tilespmem:s25+$0x14730]  }
0x173: {  	[tilespmem:s25+$0x146D0] =	vst v7;
	v7 =	vmul.f32 v12, v9;
	v12 =	vld [tilespmem:s25+$0x14740]  }
0x174: {  	[tilespmem:s25+$0x146E0] =	vst v8;
	v8 =	vmul.f32 v10, v9;
	v10 =	vbroadcast v1, $0x8;
	v15 =	vld [tilespmem:s25+$0x14750]  }
0x175: {  	[tilespmem:s25+$0x146F0] =	vst v7;
	v7 =	vmul.f32 v13, v9;
	v9 =	vld [tilespmem:s25+$0x14760]  }
0x176: {  	[tilespmem:s25+$0x14700] =	vst v8;
	v8 =	vmul.f32 v14, v10;
	v13 =	vld [tilespmem:s25+$0x14770]  }
0x177: {  	[tilespmem:s25+$0x14710] =	vst v7;
	v7 =	vmul.f32 v11, v10;
	v11 =	vld [tilespmem:s25+$0x14780]  }
0x178: {  	[tilespmem:s25+$0x14720] =	vst v8;
	v8 =	vmul.f32 v12, v10;
	v12 =	vld [tilespmem:s25+$0x14790]  }
0x179: {  	[tilespmem:s25+$0x14730] =	vst v7;
	v7 =	vmul.f32 v15, v10;
	v14 =	vld [tilespmem:s25+$0x147A0]  }
0x17a: {  	[tilespmem:s25+$0x14740] =	vst v8;
	v8 =	vmul.f32 v9, v10;
	v9 =	vld [tilespmem:s25+$0x147B0]  }
0x17b: {  	[tilespmem:s25+$0x14750] =	vst v7;
	v7 =	vmul.f32 v13, v10;
	v13 =	vld [tilespmem:s25+$0x147C0]  }
0x17c: {  	[tilespmem:s25+$0x14760] =	vst v8;
	v8 =	vmul.f32 v11, v10;
	v11 =	vbroadcast v1, $0x9;
	v15 =	vld [tilespmem:s25+$0x147D0]  }
0x17d: {  	[tilespmem:s25+$0x14770] =	vst v7;
	v7 =	vmul.f32 v12, v10;
	v10 =	vld [tilespmem:s25+$0x147E0]  }
0x17e: {  	[tilespmem:s25+$0x14780] =	vst v8;
	v8 =	vmul.f32 v14, v11;
	v12 =	vld [tilespmem:s25+$0x147F0]  }
0x17f: {  	[tilespmem:s25+$0x14790] =	vst v7;
	v7 =	vmul.f32 v9, v11;
	v9 =	vld [tilespmem:s25+$0x14800]  }
0x180: {  	[tilespmem:s25+$0x147A0] =	vst v8;
	v8 =	vmul.f32 v13, v11;
	v13 =	vld [tilespmem:s25+$0x14810]  }
0x181: {  	[tilespmem:s25+$0x147B0] =	vst v7;
	v7 =	vmul.f32 v15, v11;
	v14 =	vld [tilespmem:s25+$0x14820]  }
0x182: {  	[tilespmem:s25+$0x147C0] =	vst v8;
	v8 =	vmul.f32 v10, v11;
	v10 =	vld [tilespmem:s25+$0x14830]  }
0x183: {  	[tilespmem:s25+$0x147D0] =	vst v7;
	v7 =	vmul.f32 v12, v11;
	v12 =	vld [tilespmem:s25+$0x14840]  }
0x184: {  	[tilespmem:s25+$0x147E0] =	vst v8;
	v8 =	vmul.f32 v9, v11;
	v9 =	vld [tilespmem:s25+$0x14850]  }
0x185: {  	[tilespmem:s25+$0x147F0] =	vst v7;
	v7 =	vmul.f32 v13, v11;
	v11 =	vld [tilespmem:s25+$0x14860]  }
0x186: {  	[tilespmem:s25+$0x14800] =	vst v8;
	v8 =	vmul.f32 v14, v4;
	v13 =	vld [tilespmem:s25+$0x14870]  }
0x187: {  	[tilespmem:s25+$0x14810] =	vst v7;
	v7 =	vmul.f32 v10, v4;
	v10 =	vld [tilespmem:s25+$0x14880]  }
0x188: {  	v14 =	vld [tilespmem:s25+$0x14320];
	[tilespmem:s25+$0x14820] =	vst v8;
	v8 =	vmul.f32 v12, v4  }
0x189: {  	v12 =	vld [tilespmem:s25+$0x14330];
	[tilespmem:s25+$0x14830] =	vst v7;
	v7 =	vmul.f32 v9, v4  }
0x18a: {  	v9 =	vld [tilespmem:s25+$0x14360];
	[tilespmem:s25+$0x14840] =	vst v8;
	v8 =	vmul.f32 v11, v4  }
0x18b: {  	v11 =	vld [tilespmem:s25+$0x14370];
	[tilespmem:s25+$0x14850] =	vst v7;
	v7 =	vmul.f32 v13, v4  }
0x18c: {  	[tilespmem:s25+$0x14860] =	vst v8;
	v8 =	vmul.f32 v10, v4;
	v10 =	vbroadcast v1, $0xB;
	v13 =	vld [tilespmem:s25+$0x148C0]  }
0x18d: {  	v4 =	vbroadcast v1, $0xF;
	v14 =	vmul.f32 v2, v14;
	[tilespmem:s25+$0x14870] =	vst v7;
	v7 =	vld [tilespmem:s25+$0x148D0]  }
0x18e: {  	v12 =	vmul.f32 v12, v2;
	[tilespmem:s25+$0x14880] =	vst v8;
	v5 =	vmul.f32 v5, v10;
	v8 =	vld [tilespmem:s25+$0x148E0]  }
0x18f: {  	v6 =	vmul.f32 v6, v10;
	[tilespmem:s25+$0x14320] =	vst v14;
	v9 =	vmul.f32 v9, v2;
	v14 =	vld [tilespmem:s25+$0x148F0]  }
0x190: {  	v3 =	vmul.f32 v3, v4;
	v11 =	vmul.f32 v11, v2;
	[tilespmem:s25+$0x148A0] =	vst v5;
	v2 =	vld [tilespmem:s25+$0x14900]  }
0x191: {  	[tilespmem:s25+$0x148B0] =	vst v6;
	v5 =	vmul.f32 v13, v10;
	v6 =	vld [tilespmem:s25+$0x14910]  }
0x192: {  	v7 =	vmul.f32 v7, v10;
	v13 =	vld [tilespmem:s25+$0x14920];
	[tilespmem:s25+$0x14AF0] =	vst v3  }
0x193: {  	[tilespmem:s25+$0x14330] =	vst v12;
	v3 =	vmul.f32 v8, v10;
	v8 =	vld [tilespmem:s25+$0x14930]  }
0x194: {  	[tilespmem:s25+$0x14360] =	vst v9;
	v9 =	vmul.f32 v14, v10;
	v12 =	vld [tilespmem:s25+$0x14940]  }
0x195: {  	v14 =	vbroadcast v1, $0xC;
	[tilespmem:s25+$0x148C0] =	vst v5;
	v5 =	vmul.f32 v2, v10;
	v15 =	vld [tilespmem:s25+$0x14950]  }
0x196: {  	[tilespmem:s25+$0x148F0] =	vst v9;
	v6 =	vmul.f32 v6, v10;
	v9 =	vld [tilespmem:s25+$0x14960]  }
0x197: {  	[tilespmem:s25+$0x148D0] =	vst v7;
	v2 =	vmul.f32 v13, v14;
	v7 =	vld [tilespmem:s25+$0x14970]  }
0x198: {  	[tilespmem:s25+$0x148E0] =	vst v3;
	v3 =	vmul.f32 v8, v14;
	v8 =	vld [tilespmem:s25+$0x14980]  }
0x199: {  	[tilespmem:s25+$0x14920] =	vst v2;
	v2 =	vmul.f32 v12, v14;
	v10 =	vld [tilespmem:s25+$0x14990]  }
0x19a: {  	[tilespmem:s25+$0x14930] =	vst v3;
	v3 =	vld [tilespmem:s25+$0x149A0]  }
0x19b: {  	[tilespmem:s25+$0x14370] =	vst v11;
	v9 =	vmul.f32 v9, v14;
	v11 =	vld [tilespmem:s25+$0x149B0]  }
0x19c: {  	[tilespmem:s25+$0x14900] =	vst v5;
	v5 =	vmul.f32 v7, v14;
	v7 =	vld [tilespmem:s25+$0x149C0]  }
0x19d: {  	[tilespmem:s25+$0x14960] =	vst v9;
	v8 =	vmul.f32 v8, v14;
	v9 =	vbroadcast v1, $0xD;
	v12 =	vld [tilespmem:s25+$0x149D0]  }
0x19e: {  	[tilespmem:s25+$0x14970] =	vst v5;
	v5 =	vmul.f32 v10, v14;
	v10 =	vld [tilespmem:s25+$0x149E0]  }
0x19f: {  	[tilespmem:s25+$0x14980] =	vst v8;
	v3 =	vmul.f32 v3, v9;
	v8 =	vld [tilespmem:s25+$0x149F0]  }
0x1a0: {  	[tilespmem:s25+$0x14990] =	vst v5;
	v5 =	vmul.f32 v11, v9;
	v11 =	vld [tilespmem:s25+$0x14A00]  }
0x1a1: {  	[tilespmem:s25+$0x149A0] =	vst v3;
	v3 =	vmul.f32 v7, v9;
	v7 =	vld [tilespmem:s25+$0x14A10]  }
0x1a2: {  	[tilespmem:s25+$0x149B0] =	vst v5;
	v5 =	vmul.f32 v12, v9;
	v12 =	vld [tilespmem:s25+$0x14A20]  }
0x1a3: {  	[tilespmem:s25+$0x149C0] =	vst v3;
	v3 =	vmul.f32 v10, v9;
	v10 =	vld [tilespmem:s25+$0x14A30]  }
0x1a4: {  	[tilespmem:s25+$0x149D0] =	vst v5;
	v5 =	vmul.f32 v8, v9;
	v8 =	vld [tilespmem:s25+$0x14A40]  }
0x1a5: {  	v1 =	vbroadcast v1, $0xE;
	[tilespmem:s25+$0x14910] =	vst v6;
	v6 =	vmul.f32 v11, v9;
	v11 =	vld [tilespmem:s25+$0x14A50]  }
0x1a6: {  	[tilespmem:s25+$0x149F0] =	vst v5;
	v5 =	vmul.f32 v7, v9;
	v7 =	vld [tilespmem:s25+$0x14A60]  }
0x1a7: {  	[tilespmem:s25+$0x14A00] =	vst v6;
	v6 =	vmul.f32 v12, v1;
	v9 =	vld [tilespmem:s25+$0x14A70]  }
0x1a8: {  	[tilespmem:s25+$0x14A10] =	vst v5;
	v5 =	vmul.f32 v10, v1;
	v10 =	vld [tilespmem:s25+$0x14A80]  }
0x1a9: {  	[tilespmem:s25+$0x14A20] =	vst v6;
	v6 =	vmul.f32 v8, v1;
	v8 =	vld [tilespmem:s25+$0x14A90]  }
0x1aa: {  	[tilespmem:s25+$0x14A30] =	vst v5;
	v5 =	vmul.f32 v11, v1;
	v11 =	vld [tilespmem:s25+$0x14AA0]  }
0x1ab: {  	[tilespmem:s25+$0x14A40] =	vst v6;
	v6 =	vmul.f32 v7, v1;
	v7 =	vld [tilespmem:s25+$0x14AB0]  }
0x1ac: {  	[tilespmem:s25+$0x14A50] =	vst v5;
	v5 =	vmul.f32 v9, v1;
	v9 =	vld [tilespmem:s25+$0x14AC0]  }
0x1ad: {  	[tilespmem:s25+$0x14A60] =	vst v6;
	v6 =	vmul.f32 v10, v1;
	v10 =	vld [tilespmem:s25+$0x14AD0]  }
0x1ae: {  	[tilespmem:s25+$0x149E0] =	vst v3;
	v1 =	vmul.f32 v8, v1;
	v3 =	vld [tilespmem:s25+$0x14AE0]  }
0x1af: {  	[tilespmem:s25+$0x14A80] =	vst v6;
	v6 =	vmul.f32 v11, v4;
	v8 =	vld [tilespmem:s25+$0x14B00]  }
0x1b0: {  	[tilespmem:s25+$0x14A90] =	vst v1;
	v1 =	vmul.f32 v7, v4;
	v7 =	vld [tilespmem:s25+$0x14B10]  }
0x1b1: {  	[tilespmem:s25+$0x14AA0] =	vst v6;
	v6 =	vmul.f32 v9, v4  }
0x1b2: {  	[tilespmem:s25+$0x14AB0] =	vst v1;
	v1 =	vmul.f32 v10, v4  }
0x1b3: {  	v9 =	vmul.f32 v15, v14;
	[tilespmem:s25+$0x14AC0] =	vst v6  }
0x1b4: {  	[tilespmem:s25+$0x14AD0] =	vst v1;
	v1 =	vmul.f32 v3, v4  }
.Ltmp2:
0x1b5: {  	[tilespmem:s25+$0x14950] =	vst v9;
	v3 =	vmul.f32 v7, v4;
	(pc) =	sbr.rel @p0 .LBB2_7-.Ltmp2, $4  }
0x1b6: {  	[tilespmem:s25+$0x14AE0] =	vst v1  }
0x1b7: {  	v1 =	vmul.f32 v8, v4;
	[tilespmem:s25+$0x14B10] =	vst v3  }
0x1b8: {  	[tilespmem:s25+$0x14A70] =	vst v5  }
0x1b9: {  	[tilespmem:s25+$0x14B00] =	vst v1  }
0x1ba: {  	[tilespmem:s25+$0x14940] =	vst v2  }
0x1bb: {  	[spmem:s3] =	stream.indirect.scatter.add.f32 [tilespmem:s29], [sflag:$0x3], $0x80, s17, s2, $0xb8;
	[tilespmem:$0x1BA30] =	vst v63  }
0x1bc: {  	_ =	swait.ge [sflag:s31], $0x2800  }
0x1bd: {  	[sflag:s31] =	ssyncset.done $0x0  }
0x1be: {  	[sflag:s31] =	ssyncadd.s32 $0xFFFFD800  }
0x1bf: {  	v1 =	vld [tilespmem:$0x14190];
	_ =	sdelay $0x4  }
0x1c0: {  	v1 =	vsub.f32 $0.0e+00, v1;
	_ =	sdelay $0x1  }
0x1c1: {  	v1 =	vmul.f32 $1.442695020e+00, v1;
	_ =	sdelay $0x1  }
0x1c2: {  	(erf) = vpow2.f32 v1;
	_ =	sdelay $0x8  }
0x1c3: {  	v1 =	vpop (erf)  }
0x1c4: {  	v1 =	vadd.f32 $1.000000000e+00, v1;
	_ =	sdelay $0x1  }
0x1c5: {  	(erf) = vrcp.f32 v1;
	_ =	sdelay $0x2  }
0x1c6: {  	v1 =	vld [tilespmem:$0x140F0];
	_ =	sdelay $0x5  }
0x1c7: {  	[tilespmem:$0x14230] =	vst v1;
	v2 =	vpop (erf)  }
0x1c8: {  	[tilespmem:$0x142D0] =	vst v2  }
0x1c9: {  	[tilespmem:v1+s14+$0x0] =	vst.idx.add.f32.msk $0xffff, v2  }
0x1ca: {  	v1 =	vld [tilespmem:$0x141A0];
	_ =	sdelay $0x4  }
0x1cb: {  	v1 =	vsub.f32 $0.0e+00, v1;
	_ =	sdelay $0x1  }
0x1cc: {  	v1 =	vmul.f32 $1.442695020e+00, v1;
	_ =	sdelay $0x1  }
0x1cd: {  	(erf) = vpow2.f32 v1;
	_ =	sdelay $0x8  }
0x1ce: {  	v1 =	vpop (erf)  }
0x1cf: {  	v1 =	vadd.f32 $1.000000000e+00, v1;
	_ =	sdelay $0x1  }
0x1d0: {  	(erf) = vrcp.f32 v1;
	_ =	sdelay $0x2  }
0x1d1: {  	v1 =	vld [tilespmem:$0x14100];
	_ =	sdelay $0x5  }
0x1d2: {  	[tilespmem:$0x14240] =	vst v1;
	v2 =	vpop (erf)  }
0x1d3: {  	[tilespmem:$0x142E0] =	vst v2  }
0x1d4: {  	[tilespmem:v1+s14+$0x0] =	vst.idx.add.f32.msk $0xffff, v2  }
0x1d5: {  	v1 =	vld [tilespmem:$0x141B0];
	_ =	sdelay $0x4  }
0x1d6: {  	v1 =	vsub.f32 $0.0e+00, v1;
	_ =	sdelay $0x1  }
0x1d7: {  	v1 =	vmul.f32 $1.442695020e+00, v1;
	_ =	sdelay $0x1  }
0x1d8: {  	(erf) = vpow2.f32 v1;
	_ =	sdelay $0x8  }
0x1d9: {  	v1 =	vpop (erf)  }
0x1da: {  	v1 =	vadd.f32 $1.000000000e+00, v1;
	_ =	sdelay $0x1  }
0x1db: {  	(erf) = vrcp.f32 v1;
	_ =	sdelay $0x2  }
0x1dc: {  	v1 =	vld [tilespmem:$0x14110];
	_ =	sdelay $0x5  }
0x1dd: {  	[tilespmem:$0x14250] =	vst v1;
	v2 =	vpop (erf)  }
0x1de: {  	[tilespmem:$0x142F0] =	vst v2  }
0x1df: {  	[tilespmem:v1+s14+$0x0] =	vst.idx.add.f32.msk $0xffff, v2  }
0x1e0: {  	v1 =	vld [tilespmem:$0x141C0];
	_ =	sdelay $0x4  }
0x1e1: {  	v1 =	vsub.f32 $0.0e+00, v1;
	_ =	sdelay $0x1  }
0x1e2: {  	v1 =	vmul.f32 $1.442695020e+00, v1;
	_ =	sdelay $0x1  }
0x1e3: {  	(erf) = vpow2.f32 v1;
	_ =	sdelay $0x8  }
0x1e4: {  	v1 =	vpop (erf)  }
0x1e5: {  	v1 =	vadd.f32 $1.000000000e+00, v1;
	_ =	sdelay $0x1  }
0x1e6: {  	(erf) = vrcp.f32 v1;
	_ =	sdelay $0x2  }
0x1e7: {  	v1 =	vld [tilespmem:$0x14120];
	_ =	sdelay $0x5  }
0x1e8: {  	[tilespmem:$0x14260] =	vst v1;
	v2 =	vpop (erf)  }
0x1e9: {  	[tilespmem:$0x14300] =	vst v2  }
0x1ea: {  	[tilespmem:v1+s14+$0x0] =	vst.idx.add.f32.msk $0xffff, v2  }
0x1eb: {  	v1 =	vld [tilespmem:$0x141D0];
	_ =	sdelay $0x4  }
0x1ec: {  	v1 =	vsub.f32 $0.0e+00, v1;
	_ =	sdelay $0x1  }
0x1ed: {  	v1 =	vmul.f32 $1.442695020e+00, v1;
	_ =	sdelay $0x1  }
0x1ee: {  	(erf) = vpow2.f32 v1;
	_ =	sdelay $0x8  }
0x1ef: {  	v1 =	vpop (erf)  }
0x1f0: {  	v1 =	vadd.f32 $1.000000000e+00, v1;
	_ =	sdelay $0x1  }
0x1f1: {  	(erf) = vrcp.f32 v1;
	_ =	sdelay $0x2  }
0x1f2: {  	v1 =	vld [tilespmem:$0x14130];
	_ =	sdelay $0x2  }
0x1f3: {  	p0 =	sne.s32 s21, $0x7C  }
0x1f4: {  	s25 =	smul.u32 @p0 $0x1E0, s21;
	_ =	sdelay $0x1  }
0x1f5: {  	s25 =	sadd.s32 @p0 s25, s24;
	[tilespmem:$0x14270] =	vst v1;
	v2 =	vpop (erf)  }
0x1f6: {  	s25 =	sshrl.u32 @p0 s25, $0x3;
	[tilespmem:$0x14310] =	vst v2  }
0x1f7: {  	s26 =	simm.s32 @p0 $0x0;
	s28 =	simm.s32 @p0 $0x140F0;
	s25 =	sadd.s32 @p0 s5, s25;
	[tilespmem:v1+s14+$0x0] =	vst.idx.add.f32.msk $0xffff, v2  }
0x1f8: {  	[tilespmem:s28], [sflag:$0x1] =	stream.linear.gather @p0 [hbm4b:s25+s26], $0xF0, $0x38;
	[tilespmem:$0x1BA30] =	vst v63  }
0x1f9: {  	s25 =	simm.s32 @p0 $0x3  }
0x1fa: {  	_ =	swait.ge @p0 [sflag:s25], $0x2800  }
0x1fb: {  	[sflag:s25] =	ssyncset.done @p0 $0x0  }
0x1fc: {  	[sflag:s25] =	ssyncadd.s32 @p0 $0xFFFFD800;
	s25 =	simm.s32 @p0 $0x1  }
0x1fd: {  	_ =	swait.ge @p0 [sflag:s25], $0xF0  }
0x1fe: {  	s26 =	simm.s32 @p0 $0x14050;
	[sflag:s25] =	ssyncset.done @p0 $0x0  }
0x1ff: {  	s28 =	simm.s32 @p0 $0x14320;
	[sflag:s25] =	ssyncadd.s32 @p0 $0xFFFFFF10;
	s25 =	simm.s32 @p0 $0x50  }
0x200: {  	[tilespmem:s28], [sflag:$0x2] =	stream.indirect.gather @p0 [hbm4b:s0+s25], $0x80, s26, s25, $0xb8;
	[tilespmem:$0x1BA30] =	vst v63  }
0x201: {  	s25 =	simm.s32 @!p0 $0x3  }
0x202: {  	_ =	swait.ge @!p0 [sflag:s25], $0x2800  }
0x203: {  	s28 =	simm.s32 $0x0;
	[sflag:s25] =	ssyncset.done @!p0 $0x0  }
0x204: {  	s26 =	sand.u32 $0x3FFFFFF0, s28;
	[sflag:s25] =	ssyncadd.s32 @!p0 $0xFFFFD800  }
0x205: {  	s28 =	simm.s32 $0x0;
	v1 =	vld [tilespmem:s26+$0x142D0]  }
0x206: {  	s25 =	sand.u32 $0x3FFFF800, s28  }
0x207: {  	v3 =	vld [tilespmem:s25+$0x16B40]  }
0x208: {  	v4 =	vld [tilespmem:s25+$0x16B50]  }
0x209: {  	v10 =	vld [tilespmem:s25+$0x16B80]  }
0x20a: {  	v11 =	vld [tilespmem:s25+$0x16B90];
	v2 =	vbroadcast v1, $0x0  }
0x20b: {  	v12 =	vld [tilespmem:s25+$0x16BA0]  }
0x20c: {  	v13 =	vld [tilespmem:s25+$0x16BB0];
	v3 =	vmul.f32 v3, v2  }
0x20d: {  	v14 =	vld [tilespmem:s25+$0x16BC0];
	v4 =	vmul.f32 v4, v2  }
0x20e: {  	v9 =	vld [tilespmem:s25+$0x16BD0];
	v23 =	vbroadcast v1, $0x1;
	v22 =	vmul.f32 v10, v2;
	[tilespmem:s25+$0x16B40] =	vst v3  }
0x20f: {  	v7 =	vld [tilespmem:s25+$0x16BE0];
	v11 =	vmul.f32 v11, v2;
	[tilespmem:s25+$0x16B50] =	vst v4  }
0x210: {  	v8 =	vld [tilespmem:s25+$0x16BF0];
	v12 =	vmul.f32 v12, v23;
	[tilespmem:s25+$0x16B80] =	vst v22  }
0x211: {  	v25 =	vld [tilespmem:s25+$0x16C10];
	v13 =	vmul.f32 v13, v23;
	[tilespmem:s25+$0x16B90] =	vst v11  }
0x212: {  	v26 =	vld [tilespmem:s25+$0x16C20];
	v14 =	vmul.f32 v14, v23;
	[tilespmem:s25+$0x16BA0] =	vst v12  }
0x213: {  	v27 =	vld [tilespmem:s25+$0x16C30];
	v9 =	vmul.f32 v9, v23;
	[tilespmem:s25+$0x16BB0] =	vst v13  }
0x214: {  	v6 =	vld [tilespmem:s25+$0x17090];
	v7 =	vmul.f32 v7, v23;
	[tilespmem:s25+$0x16BC0] =	vst v14  }
0x215: {  	v24 =	vld [tilespmem:s25+$0x16C00];
	v15 =	vbroadcast v1, $0x2;
	v8 =	vmul.f32 v8, v23;
	[tilespmem:s25+$0x16BD0] =	vst v9  }
0x216: {  	v28 =	vld [tilespmem:s25+$0x16C40];
	v10 =	vmul.f32 v25, v23;
	[tilespmem:s25+$0x16BE0] =	vst v7  }
0x217: {  	v29 =	vld [tilespmem:s25+$0x16C50];
	v5 =	vbroadcast v1, $0xA;
	v32 =	vmul.f32 v26, v15;
	[tilespmem:s25+$0x16BF0] =	vst v8  }
0x218: {  	v30 =	vld [tilespmem:s25+$0x16C60];
	v34 =	vmul.f32 v27, v15;
	[tilespmem:s25+$0x16C10] =	vst v10  }
0x219: {  	v33 =	vld [tilespmem:s25+$0x16C80];
	v3 =	vmul.f32 v6, v5;
	[tilespmem:s25+$0x16C20] =	vst v32  }
0x21a: {  	v35 =	vld [tilespmem:s25+$0x16C90];
	v11 =	vmul.f32 v24, v23;
	[tilespmem:s25+$0x16C30] =	vst v34  }
0x21b: {  	v36 =	vld [tilespmem:s25+$0x16CA0];
	v9 =	vmul.f32 v28, v15;
	[tilespmem:s25+$0x17090] =	vst v3  }
0x21c: {  	v31 =	vld [tilespmem:s25+$0x16C70];
	v7 =	vmul.f32 v29, v15;
	[tilespmem:s25+$0x16C00] =	vst v11  }
0x21d: {  	v37 =	vld [tilespmem:s25+$0x16CB0];
	v8 =	vmul.f32 v30, v15;
	[tilespmem:s25+$0x16C40] =	vst v9  }
0x21e: {  	v38 =	vld [tilespmem:s25+$0x16CC0];
	v41 =	vbroadcast v1, $0x3;
	v10 =	vmul.f32 v33, v15;
	[tilespmem:s25+$0x16C50] =	vst v7  }
0x21f: {  	v39 =	vld [tilespmem:s25+$0x16CD0];
	v12 =	vmul.f32 v35, v15;
	[tilespmem:s25+$0x16C60] =	vst v8  }
0x220: {  	v42 =	vld [tilespmem:s25+$0x16CF0];
	v13 =	vmul.f32 v36, v41;
	[tilespmem:s25+$0x16C80] =	vst v10  }
0x221: {  	v43 =	vld [tilespmem:s25+$0x16D00];
	v11 =	vmul.f32 v31, v15;
	[tilespmem:s25+$0x16C90] =	vst v12  }
0x222: {  	v44 =	vld [tilespmem:s25+$0x16D10];
	v9 =	vmul.f32 v37, v41;
	[tilespmem:s25+$0x16CA0] =	vst v13  }
0x223: {  	v40 =	vld [tilespmem:s25+$0x16CE0];
	v7 =	vmul.f32 v38, v41;
	[tilespmem:s25+$0x16C70] =	vst v11  }
0x224: {  	v45 =	vld [tilespmem:s25+$0x16D20];
	v8 =	vmul.f32 v39, v41;
	[tilespmem:s25+$0x16CB0] =	vst v9  }
0x225: {  	v46 =	vld [tilespmem:s25+$0x16D30];
	v10 =	vmul.f32 v42, v41;
	[tilespmem:s25+$0x16CC0] =	vst v7  }
0x226: {  	v47 =	vld [tilespmem:s25+$0x16D40];
	v12 =	vmul.f32 v43, v41;
	[tilespmem:s25+$0x16CD0] =	vst v8  }
0x227: {  	v49 =	vld [tilespmem:s25+$0x16D60];
	v50 =	vbroadcast v1, $0x4;
	v13 =	vmul.f32 v44, v41;
	[tilespmem:s25+$0x16CF0] =	vst v10  }
0x228: {  	v51 =	vld [tilespmem:s25+$0x16D70];
	v11 =	vmul.f32 v40, v41;
	[tilespmem:s25+$0x16D00] =	vst v12  }
0x229: {  	v52 =	vld [tilespmem:s25+$0x16D80];
	v9 =	vmul.f32 v45, v50;
	[tilespmem:s25+$0x16D10] =	vst v13  }
0x22a: {  	v48 =	vld [tilespmem:s25+$0x16D50];
	v7 =	vmul.f32 v46, v50;
	[tilespmem:s25+$0x16CE0] =	vst v11  }
0x22b: {  	v53 =	vld [tilespmem:s25+$0x16D90];
	v8 =	vmul.f32 v47, v50;
	[tilespmem:s25+$0x16D20] =	vst v9  }
0x22c: {  	v54 =	vld [tilespmem:s25+$0x16DA0];
	v10 =	vmul.f32 v49, v50;
	[tilespmem:s25+$0x16D30] =	vst v7  }
0x22d: {  	v55 =	vld [tilespmem:s25+$0x16DB0];
	v12 =	vmul.f32 v51, v50;
	[tilespmem:s25+$0x16D40] =	vst v8  }
0x22e: {  	v57 =	vld [tilespmem:s25+$0x16DD0];
	v13 =	vmul.f32 v52, v50;
	[tilespmem:s25+$0x16D60] =	vst v10  }
0x22f: {  	v58 =	vld [tilespmem:s25+$0x16DE0];
	v59 =	vbroadcast v1, $0x5;
	v11 =	vmul.f32 v48, v50;
	[tilespmem:s25+$0x16D70] =	vst v12  }
0x230: {  	v60 =	vld [tilespmem:s25+$0x16DF0];
	v9 =	vmul.f32 v53, v50;
	[tilespmem:s25+$0x16D80] =	vst v13  }
0x231: {  	v56 =	vld [tilespmem:s25+$0x16DC0];
	v7 =	vmul.f32 v54, v59;
	[tilespmem:s25+$0x16D50] =	vst v11  }
0x232: {  	v61 =	vld [tilespmem:s25+$0x16E00];
	v8 =	vmul.f32 v55, v59;
	[tilespmem:s25+$0x16D90] =	vst v9  }
0x233: {  	v62 =	vld [tilespmem:s25+$0x16E10];
	v10 =	vmul.f32 v57, v59;
	[tilespmem:s25+$0x16DA0] =	vst v7  }
0x234: {  	v63 =	vld [tilespmem:s25+$0x16E20];
	v12 =	vmul.f32 v58, v59;
	[tilespmem:s25+$0x16DB0] =	vst v8  }
0x235: {  	v19 =	vld [tilespmem:s25+$0x16E40];
	v13 =	vmul.f32 v60, v59;
	[tilespmem:s25+$0x16DD0] =	vst v10  }
0x236: {  	v20 =	vld [tilespmem:s25+$0x16E50];
	v11 =	vmul.f32 v56, v59;
	[tilespmem:s25+$0x16DE0] =	vst v12  }
0x237: {  	v21 =	vld [tilespmem:s25+$0x16E60];
	v22 =	vbroadcast v1, $0x6;
	v9 =	vmul.f32 v61, v59;
	[tilespmem:s25+$0x16DF0] =	vst v13  }
0x238: {  	v18 =	vld [tilespmem:s25+$0x16E30];
	v7 =	vmul.f32 v62, v59;
	[tilespmem:s25+$0x16DC0] =	vst v11  }
0x239: {  	v23 =	vld [tilespmem:s25+$0x16E70];
	v8 =	vmul.f32 v63, v22;
	[tilespmem:s25+$0x16E00] =	vst v9  }
0x23a: {  	v24 =	vld [tilespmem:s25+$0x16E80];
	v10 =	vmul.f32 v19, v22;
	[tilespmem:s25+$0x16E10] =	vst v7  }
0x23b: {  	v25 =	vld [tilespmem:s25+$0x16E90];
	v12 =	vmul.f32 v20, v22;
	[tilespmem:s25+$0x16E20] =	vst v8  }
0x23c: {  	v27 =	vld [tilespmem:s25+$0x16EB0];
	v13 =	vmul.f32 v21, v22;
	[tilespmem:s25+$0x16E40] =	vst v10  }
0x23d: {  	v28 =	vld [tilespmem:s25+$0x16EC0];
	v11 =	vmul.f32 v18, v22;
	[tilespmem:s25+$0x16E50] =	vst v12  }
0x23e: {  	v29 =	vld [tilespmem:s25+$0x16ED0];
	v9 =	vmul.f32 v23, v22;
	[tilespmem:s25+$0x16E60] =	vst v13  }
0x23f: {  	v31 =	vbroadcast v1, $0x7;
	v53 =	vld [tilespmem:s25+$0x17020];
	v7 =	vmul.f32 v24, v22;
	[tilespmem:s25+$0x16E30] =	vst v11  }
0x240: {  	v57 =	vld [tilespmem:s25+$0x17060];
	v8 =	vmul.f32 v25, v22;
	[tilespmem:s25+$0x16E70] =	vst v9  }
0x241: {  	v58 =	vld [tilespmem:s25+$0x17070];
	v10 =	vmul.f32 v27, v31;
	[tilespmem:s25+$0x16E80] =	vst v7  }
0x242: {  	v26 =	vld [tilespmem:s25+$0x16EA0];
	v12 =	vmul.f32 v28, v31;
	[tilespmem:s25+$0x16E90] =	vst v8  }
0x243: {  	v30 =	vld [tilespmem:s25+$0x16EE0];
	v13 =	vmul.f32 v29, v31;
	[tilespmem:s25+$0x16EB0] =	vst v10  }
0x244: {  	v32 =	vld [tilespmem:s25+$0x16EF0];
	v59 =	vmul.f32 v53, v5;
	[tilespmem:s25+$0x16EC0] =	vst v12  }
0x245: {  	v33 =	vld [tilespmem:s25+$0x16F00];
	v18 =	vmul.f32 v57, v5;
	[tilespmem:s25+$0x16ED0] =	vst v13  }
0x246: {  	v35 =	vld [tilespmem:s25+$0x16F20];
	v20 =	vmul.f32 v58, v5;
	[tilespmem:s25+$0x17020] =	vst v59  }
0x247: {  	v36 =	vld [tilespmem:s25+$0x16F30];
	v11 =	vmul.f32 v26, v31;
	[tilespmem:s25+$0x17060] =	vst v18  }
0x248: {  	v37 =	vld [tilespmem:s25+$0x16F40];
	v9 =	vmul.f32 v30, v31;
	[tilespmem:s25+$0x17070] =	vst v20  }
0x249: {  	v4 =	vld [tilespmem:s25+$0x170A0];
	v40 =	vbroadcast v1, $0x8;
	v7 =	vmul.f32 v32, v31;
	[tilespmem:s25+$0x16EA0] =	vst v11  }
0x24a: {  	v6 =	vld [tilespmem:s25+$0x170B0];
	v8 =	vmul.f32 v33, v31;
	[tilespmem:s25+$0x16EE0] =	vst v9  }
0x24b: {  	v3 =	vld [tilespmem:s25+$0x172F0];
	v10 =	vmul.f32 v35, v40;
	[tilespmem:s25+$0x16EF0] =	vst v7  }
0x24c: {  	v61 =	vld [tilespmem:s25+$0x16B20];
	v23 =	vbroadcast v1, $0xB;
	v12 =	vmul.f32 v36, v40;
	[tilespmem:s25+$0x16F00] =	vst v8  }
0x24d: {  	v34 =	vld [tilespmem:s25+$0x16F10];
	v13 =	vmul.f32 v37, v40;
	[tilespmem:s25+$0x16F20] =	vst v10  }
0x24e: {  	v38 =	vld [tilespmem:s25+$0x16F50];
	v27 =	vbroadcast v1, $0xF;
	v4 =	vmul.f32 v4, v23;
	[tilespmem:s25+$0x16F30] =	vst v12  }
0x24f: {  	v39 =	vld [tilespmem:s25+$0x16F60];
	v6 =	vmul.f32 v6, v23;
	[tilespmem:s25+$0x16F40] =	vst v13  }
0x250: {  	v41 =	vld [tilespmem:s25+$0x16F70];
	v3 =	vmul.f32 v3, v27;
	[tilespmem:s25+$0x170A0] =	vst v4  }
0x251: {  	v43 =	vld [tilespmem:s25+$0x16F90];
	v24 =	vmul.f32 v2, v61;
	[tilespmem:s25+$0x170B0] =	vst v6  }
0x252: {  	v44 =	vld [tilespmem:s25+$0x16FA0];
	v11 =	vmul.f32 v34, v31;
	[tilespmem:s25+$0x172F0] =	vst v3  }
0x253: {  	v45 =	vld [tilespmem:s25+$0x16FB0];
	v9 =	vmul.f32 v38, v40;
	[tilespmem:s25+$0x16B20] =	vst v24  }
0x254: {  	v63 =	vld [tilespmem:s25+$0x16B60];
	v7 =	vmul.f32 v39, v40;
	[tilespmem:s25+$0x16F10] =	vst v11  }
0x255: {  	v49 =	vbroadcast v1, $0x9;
	v29 =	vld [tilespmem:s25+$0x17110];
	v8 =	vmul.f32 v41, v40;
	[tilespmem:s25+$0x16F50] =	vst v9  }
0x256: {  	v42 =	vld [tilespmem:s25+$0x16F80];
	v10 =	vmul.f32 v43, v40;
	[tilespmem:s25+$0x16F60] =	vst v7  }
0x257: {  	v46 =	vld [tilespmem:s25+$0x16FC0];
	v12 =	vmul.f32 v44, v49;
	[tilespmem:s25+$0x16F70] =	vst v8  }
0x258: {  	v47 =	vld [tilespmem:s25+$0x16FD0];
	v13 =	vmul.f32 v45, v49;
	[tilespmem:s25+$0x16F90] =	vst v10  }
0x259: {  	v48 =	vld [tilespmem:s25+$0x16FE0];
	v3 =	vmul.f32 v63, v2;
	[tilespmem:s25+$0x16FA0] =	vst v12  }
0x25a: {  	v51 =	vld [tilespmem:s25+$0x17000];
	v6 =	vmul.f32 v29, v23;
	[tilespmem:s25+$0x16FB0] =	vst v13  }
0x25b: {  	v52 =	vld [tilespmem:s25+$0x17010];
	v11 =	vmul.f32 v42, v40;
	[tilespmem:s25+$0x16B60] =	vst v3  }
0x25c: {  	v28 =	vld [tilespmem:s25+$0x17100];
	v9 =	vmul.f32 v46, v49;
	[tilespmem:s25+$0x17110] =	vst v6  }
0x25d: {  	v26 =	vld [tilespmem:s25+$0x170F0];
	v7 =	vmul.f32 v47, v49;
	[tilespmem:s25+$0x16F80] =	vst v11  }
0x25e: {  	v30 =	vld [tilespmem:s25+$0x17120];
	v8 =	vmul.f32 v48, v49;
	[tilespmem:s25+$0x16FC0] =	vst v9  }
0x25f: {  	v50 =	vld [tilespmem:s25+$0x16FF0];
	v10 =	vmul.f32 v51, v49;
	[tilespmem:s25+$0x16FD0] =	vst v7  }
0x260: {  	v54 =	vld [tilespmem:s25+$0x17030];
	v12 =	vmul.f32 v52, v49;
	[tilespmem:s25+$0x16FE0] =	vst v8  }
0x261: {  	v55 =	vld [tilespmem:s25+$0x17040];
	v35 =	vbroadcast v1, $0xC;
	v40 =	vmul.f32 v28, v23;
	[tilespmem:s25+$0x17000] =	vst v10  }
0x262: {  	v56 =	vld [tilespmem:s25+$0x17050];
	v32 =	vmul.f32 v26, v23;
	[tilespmem:s25+$0x17010] =	vst v12  }
0x263: {  	v60 =	vld [tilespmem:s25+$0x17080];
	v15 =	vmul.f32 v30, v35;
	[tilespmem:s25+$0x17100] =	vst v40  }
0x264: {  	v62 =	vld [tilespmem:s25+$0x16B30];
	v11 =	vmul.f32 v50, v49;
	[tilespmem:s25+$0x170F0] =	vst v32  }
0x265: {  	v19 =	vld [tilespmem:s25+$0x16B70];
	v9 =	vmul.f32 v54, v5;
	[tilespmem:s25+$0x17120] =	vst v15  }
0x266: {  	v33 =	vld [tilespmem:s25+$0x17150];
	v7 =	vmul.f32 v55, v5;
	[tilespmem:s25+$0x16FF0] =	vst v11  }
0x267: {  	v61 =	vld [tilespmem:s25+$0x17310];
	v8 =	vmul.f32 v56, v5;
	[tilespmem:s25+$0x17030] =	vst v9  }
0x268: {  	v38 =	vld [tilespmem:s25+$0x17190];
	v5 =	vmul.f32 v60, v5;
	[tilespmem:s25+$0x17040] =	vst v7  }
0x269: {  	v21 =	vld [tilespmem:s25+$0x170C0];
	v12 =	vmul.f32 v62, v2;
	[tilespmem:s25+$0x17050] =	vst v8  }
0x26a: {  	v22 =	vld [tilespmem:s25+$0x170D0];
	v2 =	vmul.f32 v19, v2;
	[tilespmem:s25+$0x17080] =	vst v5  }
0x26b: {  	v25 =	vld [tilespmem:s25+$0x170E0];
	v62 =	vmul.f32 v33, v35;
	[tilespmem:s25+$0x16B30] =	vst v12  }
0x26c: {  	v31 =	vld [tilespmem:s25+$0x17130];
	v63 =	vmul.f32 v61, v27;
	[tilespmem:s25+$0x16B70] =	vst v2  }
0x26d: {  	v34 =	vld [tilespmem:s25+$0x17160];
	v15 =	vmul.f32 v38, v35;
	[tilespmem:s25+$0x17150] =	vst v62  }
0x26e: {  	v41 =	vld [tilespmem:s25+$0x171C0];
	v7 =	vmul.f32 v21, v23;
	[tilespmem:s25+$0x17310] =	vst v63  }
0x26f: {  	v46 =	vld [tilespmem:s25+$0x17200];
	v8 =	vmul.f32 v22, v23;
	[tilespmem:s25+$0x17190] =	vst v15  }
0x270: {  	v36 =	vld [tilespmem:s25+$0x17170];
	v5 =	vmul.f32 v25, v23;
	[tilespmem:s25+$0x170C0] =	vst v7  }
0x271: {  	v44 =	vbroadcast v1, $0xD;
	v9 =	vmul.f32 v31, v35;
	v2 =	vld [tilespmem:s25+$0x171B0];
	[tilespmem:s25+$0x170D0] =	vst v8  }
0x272: {  	v37 =	vld [tilespmem:s25+$0x17180];
	v12 =	vmul.f32 v34, v35;
	[tilespmem:s25+$0x170E0] =	vst v5  }
0x273: {  	v39 =	vld [tilespmem:s25+$0x171A0];
	v11 =	vmul.f32 v41, v44;
	[tilespmem:s25+$0x17130] =	vst v9  }
0x274: {  	v42 =	vld [tilespmem:s25+$0x171D0];
	v51 =	vmul.f32 v46, v44;
	[tilespmem:s25+$0x17160] =	vst v12  }
0x275: {  	v48 =	vld [tilespmem:s25+$0x17230];
	v8 =	vmul.f32 v36, v35;
	[tilespmem:s25+$0x171C0] =	vst v11  }
0x276: {  	v49 =	vld [tilespmem:s25+$0x17240];
	[tilespmem:s25+$0x17200] =	vst v51;
	v2 =	vmul.f32 v2, v44  }
0x277: {  	v50 =	vld [tilespmem:s25+$0x17250];
	v5 =	vmul.f32 v37, v35;
	[tilespmem:s25+$0x17170] =	vst v8  }
0x278: {  	v1 =	vbroadcast v1, $0xE;
	v9 =	vmul.f32 v39, v44;
	[tilespmem:s25+$0x171B0] =	vst v2;
	v2 =	vld [tilespmem:s25+$0x17220]  }
0x279: {  	v60 =	vld [tilespmem:s25+$0x17300];
	v12 =	vmul.f32 v42, v44;
	[tilespmem:s25+$0x17180] =	vst v5  }
0x27a: {  	v45 =	vld [tilespmem:s25+$0x171F0];
	v11 =	vmul.f32 v48, v1;
	[tilespmem:s25+$0x171A0] =	vst v9  }
0x27b: {  	v47 =	vld [tilespmem:s25+$0x17210];
	v10 =	vmul.f32 v49, v1;
	[tilespmem:s25+$0x171D0] =	vst v12  }
0x27c: {  	v43 =	vld [tilespmem:s25+$0x171E0];
	v6 =	vmul.f32 v50, v1;
	[tilespmem:s25+$0x17230] =	vst v11  }
0x27d: {  	v55 =	vld [tilespmem:s25+$0x172A0];
	[tilespmem:s25+$0x17240] =	vst v10;
	v2 =	vmul.f32 v2, v1  }
0x27e: {  	v57 =	vld [tilespmem:s25+$0x172C0];
	v4 =	vmul.f32 v60, v27;
	[tilespmem:s25+$0x17250] =	vst v6  }
0x27f: {  	v5 =	vmul.f32 v45, v44;
	[tilespmem:s25+$0x17220] =	vst v2;
	v2 =	vld [tilespmem:s25+$0x17290]  }
0x280: {  	v52 =	vld [tilespmem:s25+$0x17260];
	v9 =	vmul.f32 v47, v44;
	[tilespmem:s25+$0x17300] =	vst v4  }
0x281: {  	v56 =	vld [tilespmem:s25+$0x172B0];
	v8 =	vmul.f32 v43, v44;
	[tilespmem:s25+$0x171F0] =	vst v5  }
0x282: {  	v54 =	vld [tilespmem:s25+$0x17280];
	v11 =	vmul.f32 v55, v27;
	[tilespmem:s25+$0x17210] =	vst v9  }
0x283: {  	v58 =	vld [tilespmem:s25+$0x172D0];
	v6 =	vmul.f32 v57, v27;
	[tilespmem:s25+$0x171E0] =	vst v8  }
0x284: {  	v53 =	vld [tilespmem:s25+$0x17270];
	[tilespmem:s25+$0x172A0] =	vst v11;
	v2 =	vmul.f32 v2, v1  }
0x285: {  	v59 =	vld [tilespmem:s25+$0x172E0];
	v5 =	vmul.f32 v52, v1;
	[tilespmem:s25+$0x172C0] =	vst v6  }
0x286: {  	[tilespmem:s25+$0x17290] =	vst v2;
	v2 =	vmul.f32 v56, v27  }
0x287: {  	v3 =	vld [tilespmem:s25+$0x17140];
	v9 =	vmul.f32 v54, v1;
	[tilespmem:s25+$0x17260] =	vst v5  }
0x288: {  	[tilespmem:s25+$0x172B0] =	vst v2;
	v2 =	vmul.f32 v58, v27  }
0x289: {  	[tilespmem:s25+$0x17280] =	vst v9;
	v1 =	vmul.f32 v53, v1  }
0x28a: {  	[tilespmem:s25+$0x172D0] =	vst v2;
	v2 =	vmul.f32 v59, v27  }
0x28b: {  	[tilespmem:s25+$0x17270] =	vst v1  }
0x28c: {  	s26 =	simm.s32 $0x1;
	[tilespmem:s25+$0x172E0] =	vst v2;
	v2 =	vmul.f32 v3, v35  }
.LBB2_9:
0x28d: {  	s28 =	sshll.u32 s26, $0x4  }
0x28e: {  	p0 =	sne.s32 s26, $0x4;
	[tilespmem:s25+$0x17140] =	vst v2;
	s25 =	smov.u32 s26;
	s26 =	sadd.s32 $0x1, s26  }
0x28f: {  	s28 =	sand.u32 $0x3FFFFFF0, s28  }
0x290: {  	s25 =	sshll.u32 s25, $0xB;
	v1 =	vld [tilespmem:s28+$0x142D0]  }
0x291: {  	s25 =	sand.u32 $0x3FFFF800, s25  }
0x292: {  	v8 =	vld [tilespmem:s25+$0x16BE0]  }
0x293: {  	v9 =	vld [tilespmem:s25+$0x16BF0]  }
0x294: {  	v10 =	vld [tilespmem:s25+$0x16BD0]  }
0x295: {  	v2 =	vbroadcast v1, $0x0;
	v3 =	vld [tilespmem:s25+$0x16B40];
	v7 =	vbroadcast v1, $0x4  }
0x296: {  	v5 =	vld [tilespmem:s25+$0x16B50]  }
0x297: {  	v6 =	vld [tilespmem:s25+$0x17090]  }
0x298: {  	v11 =	vld [tilespmem:s25+$0x16B80]  }
0x299: {  	v12 =	vld [tilespmem:s25+$0x16B90]  }
0x29a: {  	v4 =	vbroadcast v1, $0xA;
	v3 =	vmul.f32 v3, v2;
	v13 =	vld [tilespmem:s25+$0x16BA0]  }
0x29b: {  	v5 =	vmul.f32 v5, v2;
	v14 =	vld [tilespmem:s25+$0x16BB0]  }
0x29c: {  	[tilespmem:s25+$0x16B40] =	vst v3;
	v15 =	vld [tilespmem:s25+$0x16BC0];
	v3 =	vmul.f32 v6, v4  }
0x29d: {  	[tilespmem:s25+$0x16B50] =	vst v5;
	v6 =	vmul.f32 v11, v2;
	v11 =	vbroadcast v1, $0x1;
	v5 =	vld [tilespmem:s25+$0x170A0]  }
0x29e: {  	v12 =	vmul.f32 v12, v2;
	[tilespmem:s25+$0x17090] =	vst v3;
	v3 =	vld [tilespmem:s25+$0x172F0]  }
0x29f: {  	[tilespmem:s25+$0x16B80] =	vst v6;
	v13 =	vmul.f32 v13, v11;
	v6 =	vld [tilespmem:s25+$0x170B0]  }
0x2a0: {  	[tilespmem:s25+$0x16B90] =	vst v12;
	v12 =	vmul.f32 v14, v11;
	v14 =	vld [tilespmem:s25+$0x16C00]  }
0x2a1: {  	[tilespmem:s25+$0x16BA0] =	vst v13;
	v13 =	vmul.f32 v15, v11;
	v15 =	vld [tilespmem:s25+$0x16C10]  }
0x2a2: {  	v10 =	vmul.f32 v10, v11;
	[tilespmem:s25+$0x16BB0] =	vst v12;
	v12 =	vld [tilespmem:s25+$0x16C20]  }
0x2a3: {  	v8 =	vmul.f32 v8, v11;
	[tilespmem:s25+$0x16BC0] =	vst v13;
	v13 =	vld [tilespmem:s25+$0x16C30]  }
0x2a4: {  	v9 =	vmul.f32 v9, v11;
	[tilespmem:s25+$0x16BD0] =	vst v10;
	v10 =	vld [tilespmem:s25+$0x16C40]  }
0x2a5: {  	[tilespmem:s25+$0x16BE0] =	vst v8;
	v8 =	vmul.f32 v14, v11;
	v14 =	vbroadcast v1, $0x2;
	v16 =	vld [tilespmem:s25+$0x16C50]  }
0x2a6: {  	[tilespmem:s25+$0x16BF0] =	vst v9;
	v9 =	vmul.f32 v15, v11;
	v11 =	vld [tilespmem:s25+$0x16C60]  }
0x2a7: {  	[tilespmem:s25+$0x16C00] =	vst v8;
	v8 =	vmul.f32 v12, v14;
	v12 =	vld [tilespmem:s25+$0x16C70]  }
0x2a8: {  	[tilespmem:s25+$0x16C10] =	vst v9;
	v9 =	vmul.f32 v13, v14;
	v13 =	vld [tilespmem:s25+$0x16C80]  }
0x2a9: {  	[tilespmem:s25+$0x16C20] =	vst v8;
	v8 =	vmul.f32 v10, v14;
	v10 =	vld [tilespmem:s25+$0x16C90]  }
0x2aa: {  	[tilespmem:s25+$0x16C30] =	vst v9;
	v9 =	vmul.f32 v16, v14;
	v15 =	vld [tilespmem:s25+$0x16CA0]  }
0x2ab: {  	[tilespmem:s25+$0x16C40] =	vst v8;
	v8 =	vmul.f32 v11, v14;
	v11 =	vld [tilespmem:s25+$0x16CB0]  }
0x2ac: {  	[tilespmem:s25+$0x16C50] =	vst v9;
	v9 =	vmul.f32 v12, v14;
	v12 =	vld [tilespmem:s25+$0x16CC0]  }
0x2ad: {  	[tilespmem:s25+$0x16C60] =	vst v8;
	v8 =	vmul.f32 v13, v14;
	v13 =	vbroadcast v1, $0x3;
	v16 =	vld [tilespmem:s25+$0x16CD0]  }
0x2ae: {  	[tilespmem:s25+$0x16C70] =	vst v9;
	v9 =	vmul.f32 v10, v14;
	v10 =	vld [tilespmem:s25+$0x16CE0]  }
0x2af: {  	[tilespmem:s25+$0x16C80] =	vst v8;
	v8 =	vmul.f32 v15, v13;
	v14 =	vld [tilespmem:s25+$0x16CF0]  }
0x2b0: {  	[tilespmem:s25+$0x16C90] =	vst v9;
	v9 =	vmul.f32 v11, v13;
	v11 =	vld [tilespmem:s25+$0x16D00]  }
0x2b1: {  	[tilespmem:s25+$0x16CA0] =	vst v8;
	v8 =	vmul.f32 v12, v13;
	v12 =	vld [tilespmem:s25+$0x16D10]  }
0x2b2: {  	[tilespmem:s25+$0x16CB0] =	vst v9;
	v9 =	vmul.f32 v16, v13;
	v15 =	vld [tilespmem:s25+$0x16D20]  }
0x2b3: {  	[tilespmem:s25+$0x16CC0] =	vst v8;
	v8 =	vmul.f32 v10, v13;
	v10 =	vld [tilespmem:s25+$0x16D30]  }
0x2b4: {  	[tilespmem:s25+$0x16CD0] =	vst v9;
	v9 =	vmul.f32 v14, v13;
	v14 =	vld [tilespmem:s25+$0x16D40]  }
0x2b5: {  	[tilespmem:s25+$0x16CE0] =	vst v8;
	v8 =	vmul.f32 v11, v13;
	v11 =	vld [tilespmem:s25+$0x16D50]  }
0x2b6: {  	[tilespmem:s25+$0x16CF0] =	vst v9;
	v9 =	vmul.f32 v12, v13;
	v12 =	vld [tilespmem:s25+$0x16D60]  }
0x2b7: {  	[tilespmem:s25+$0x16D00] =	vst v8;
	v8 =	vmul.f32 v15, v7;
	v13 =	vld [tilespmem:s25+$0x16D70]  }
0x2b8: {  	[tilespmem:s25+$0x16D10] =	vst v9;
	v9 =	vmul.f32 v10, v7;
	v10 =	vld [tilespmem:s25+$0x16D80]  }
0x2b9: {  	[tilespmem:s25+$0x16D20] =	vst v8;
	v8 =	vmul.f32 v14, v7;
	v14 =	vld [tilespmem:s25+$0x16D90]  }
0x2ba: {  	[tilespmem:s25+$0x16D30] =	vst v9;
	v9 =	vmul.f32 v11, v7;
	v11 =	vld [tilespmem:s25+$0x16DA0]  }
0x2bb: {  	[tilespmem:s25+$0x16D40] =	vst v8;
	v8 =	vmul.f32 v12, v7;
	v12 =	vld [tilespmem:s25+$0x16DB0]  }
0x2bc: {  	[tilespmem:s25+$0x16D50] =	vst v9;
	v9 =	vmul.f32 v13, v7;
	v13 =	vld [tilespmem:s25+$0x16DC0]  }
0x2bd: {  	[tilespmem:s25+$0x16D60] =	vst v8;
	v8 =	vmul.f32 v10, v7;
	v10 =	vbroadcast v1, $0x5;
	v15 =	vld [tilespmem:s25+$0x16DD0]  }
0x2be: {  	[tilespmem:s25+$0x16D70] =	vst v9;
	v7 =	vmul.f32 v14, v7;
	v9 =	vld [tilespmem:s25+$0x16DE0]  }
0x2bf: {  	[tilespmem:s25+$0x16D80] =	vst v8;
	v8 =	vmul.f32 v11, v10;
	v11 =	vld [tilespmem:s25+$0x16DF0]  }
0x2c0: {  	[tilespmem:s25+$0x16D90] =	vst v7;
	v7 =	vmul.f32 v12, v10;
	v12 =	vld [tilespmem:s25+$0x16E00]  }
0x2c1: {  	[tilespmem:s25+$0x16DA0] =	vst v8;
	v8 =	vmul.f32 v13, v10;
	v13 =	vld [tilespmem:s25+$0x16E10]  }
0x2c2: {  	[tilespmem:s25+$0x16DB0] =	vst v7;
	v7 =	vmul.f32 v15, v10;
	v14 =	vld [tilespmem:s25+$0x16E20]  }
0x2c3: {  	[tilespmem:s25+$0x16DC0] =	vst v8;
	v8 =	vmul.f32 v9, v10;
	v9 =	vld [tilespmem:s25+$0x16E30]  }
0x2c4: {  	[tilespmem:s25+$0x16DD0] =	vst v7;
	v7 =	vmul.f32 v11, v10;
	v11 =	vld [tilespmem:s25+$0x16E40]  }
0x2c5: {  	[tilespmem:s25+$0x16DE0] =	vst v8;
	v8 =	vmul.f32 v12, v10;
	v12 =	vbroadcast v1, $0x6;
	v15 =	vld [tilespmem:s25+$0x16E50]  }
0x2c6: {  	[tilespmem:s25+$0x16DF0] =	vst v7;
	v7 =	vmul.f32 v13, v10;
	v10 =	vld [tilespmem:s25+$0x16E60]  }
0x2c7: {  	[tilespmem:s25+$0x16E00] =	vst v8;
	v8 =	vmul.f32 v14, v12;
	v13 =	vld [tilespmem:s25+$0x16E70]  }
0x2c8: {  	[tilespmem:s25+$0x16E10] =	vst v7;
	v7 =	vmul.f32 v9, v12;
	v9 =	vld [tilespmem:s25+$0x16E80]  }
0x2c9: {  	[tilespmem:s25+$0x16E20] =	vst v8;
	v8 =	vmul.f32 v11, v12;
	v11 =	vld [tilespmem:s25+$0x16E90]  }
0x2ca: {  	[tilespmem:s25+$0x16E30] =	vst v7;
	v7 =	vmul.f32 v15, v12;
	v14 =	vld [tilespmem:s25+$0x16EA0]  }
0x2cb: {  	[tilespmem:s25+$0x16E40] =	vst v8;
	v8 =	vmul.f32 v10, v12;
	v10 =	vld [tilespmem:s25+$0x16EB0]  }
0x2cc: {  	[tilespmem:s25+$0x16E50] =	vst v7;
	v7 =	vmul.f32 v13, v12;
	v13 =	vld [tilespmem:s25+$0x16EC0]  }
0x2cd: {  	[tilespmem:s25+$0x16E60] =	vst v8;
	v8 =	vmul.f32 v9, v12;
	v9 =	vbroadcast v1, $0x7;
	v15 =	vld [tilespmem:s25+$0x16ED0]  }
0x2ce: {  	[tilespmem:s25+$0x16E70] =	vst v7;
	v7 =	vmul.f32 v11, v12;
	v11 =	vld [tilespmem:s25+$0x16EE0]  }
0x2cf: {  	[tilespmem:s25+$0x16E80] =	vst v8;
	v8 =	vmul.f32 v14, v9;
	v12 =	vld [tilespmem:s25+$0x16EF0]  }
0x2d0: {  	[tilespmem:s25+$0x16E90] =	vst v7;
	v7 =	vmul.f32 v10, v9;
	v10 =	vld [tilespmem:s25+$0x16F00]  }
0x2d1: {  	[tilespmem:s25+$0x16EA0] =	vst v8;
	v8 =	vmul.f32 v13, v9;
	v13 =	vld [tilespmem:s25+$0x16F10]  }
0x2d2: {  	[tilespmem:s25+$0x16EB0] =	vst v7;
	v7 =	vmul.f32 v15, v9;
	v14 =	vld [tilespmem:s25+$0x16F20]  }
0x2d3: {  	[tilespmem:s25+$0x16EC0] =	vst v8;
	v8 =	vmul.f32 v11, v9;
	v11 =	vld [tilespmem:s25+$0x16F30]  }
0x2d4: {  	[tilespmem:s25+$0x16ED0] =	vst v7;
	v7 =	vmul.f32 v12, v9;
	v12 =	vld [tilespmem:s25+$0x16F40]  }
0x2d5: {  	[tilespmem:s25+$0x16EE0] =	vst v8;
	v8 =	vmul.f32 v10, v9;
	v10 =	vbroadcast v1, $0x8;
	v15 =	vld [tilespmem:s25+$0x16F50]  }
0x2d6: {  	[tilespmem:s25+$0x16EF0] =	vst v7;
	v7 =	vmul.f32 v13, v9;
	v9 =	vld [tilespmem:s25+$0x16F60]  }
0x2d7: {  	[tilespmem:s25+$0x16F00] =	vst v8;
	v8 =	vmul.f32 v14, v10;
	v13 =	vld [tilespmem:s25+$0x16F70]  }
0x2d8: {  	[tilespmem:s25+$0x16F10] =	vst v7;
	v7 =	vmul.f32 v11, v10;
	v11 =	vld [tilespmem:s25+$0x16F80]  }
0x2d9: {  	[tilespmem:s25+$0x16F20] =	vst v8;
	v8 =	vmul.f32 v12, v10;
	v12 =	vld [tilespmem:s25+$0x16F90]  }
0x2da: {  	[tilespmem:s25+$0x16F30] =	vst v7;
	v7 =	vmul.f32 v15, v10;
	v14 =	vld [tilespmem:s25+$0x16FA0]  }
0x2db: {  	[tilespmem:s25+$0x16F40] =	vst v8;
	v8 =	vmul.f32 v9, v10;
	v9 =	vld [tilespmem:s25+$0x16FB0]  }
0x2dc: {  	[tilespmem:s25+$0x16F50] =	vst v7;
	v7 =	vmul.f32 v13, v10;
	v13 =	vld [tilespmem:s25+$0x16FC0]  }
0x2dd: {  	[tilespmem:s25+$0x16F60] =	vst v8;
	v8 =	vmul.f32 v11, v10;
	v11 =	vbroadcast v1, $0x9;
	v15 =	vld [tilespmem:s25+$0x16FD0]  }
0x2de: {  	[tilespmem:s25+$0x16F70] =	vst v7;
	v7 =	vmul.f32 v12, v10;
	v10 =	vld [tilespmem:s25+$0x16FE0]  }
0x2df: {  	[tilespmem:s25+$0x16F80] =	vst v8;
	v8 =	vmul.f32 v14, v11;
	v12 =	vld [tilespmem:s25+$0x16FF0]  }
0x2e0: {  	[tilespmem:s25+$0x16F90] =	vst v7;
	v7 =	vmul.f32 v9, v11;
	v9 =	vld [tilespmem:s25+$0x17000]  }
0x2e1: {  	[tilespmem:s25+$0x16FA0] =	vst v8;
	v8 =	vmul.f32 v13, v11;
	v13 =	vld [tilespmem:s25+$0x17010]  }
0x2e2: {  	[tilespmem:s25+$0x16FB0] =	vst v7;
	v7 =	vmul.f32 v15, v11;
	v14 =	vld [tilespmem:s25+$0x17020]  }
0x2e3: {  	[tilespmem:s25+$0x16FC0] =	vst v8;
	v8 =	vmul.f32 v10, v11;
	v10 =	vld [tilespmem:s25+$0x17030]  }
0x2e4: {  	[tilespmem:s25+$0x16FD0] =	vst v7;
	v7 =	vmul.f32 v12, v11;
	v12 =	vld [tilespmem:s25+$0x17040]  }
0x2e5: {  	[tilespmem:s25+$0x16FE0] =	vst v8;
	v8 =	vmul.f32 v9, v11;
	v9 =	vld [tilespmem:s25+$0x17050]  }
0x2e6: {  	[tilespmem:s25+$0x16FF0] =	vst v7;
	v7 =	vmul.f32 v13, v11;
	v11 =	vld [tilespmem:s25+$0x17060]  }
0x2e7: {  	[tilespmem:s25+$0x17000] =	vst v8;
	v8 =	vmul.f32 v14, v4;
	v13 =	vld [tilespmem:s25+$0x17070]  }
0x2e8: {  	[tilespmem:s25+$0x17010] =	vst v7;
	v7 =	vmul.f32 v10, v4;
	v10 =	vld [tilespmem:s25+$0x17080]  }
0x2e9: {  	v14 =	vld [tilespmem:s25+$0x16B20];
	[tilespmem:s25+$0x17020] =	vst v8;
	v8 =	vmul.f32 v12, v4  }
0x2ea: {  	v12 =	vld [tilespmem:s25+$0x16B30];
	[tilespmem:s25+$0x17030] =	vst v7;
	v7 =	vmul.f32 v9, v4  }
0x2eb: {  	v9 =	vld [tilespmem:s25+$0x16B60];
	[tilespmem:s25+$0x17040] =	vst v8;
	v8 =	vmul.f32 v11, v4  }
0x2ec: {  	v11 =	vld [tilespmem:s25+$0x16B70];
	[tilespmem:s25+$0x17050] =	vst v7;
	v7 =	vmul.f32 v13, v4  }
0x2ed: {  	[tilespmem:s25+$0x17060] =	vst v8;
	v8 =	vmul.f32 v10, v4;
	v10 =	vbroadcast v1, $0xB;
	v13 =	vld [tilespmem:s25+$0x170C0]  }
0x2ee: {  	v4 =	vbroadcast v1, $0xF;
	v14 =	vmul.f32 v2, v14;
	[tilespmem:s25+$0x17070] =	vst v7;
	v7 =	vld [tilespmem:s25+$0x170D0]  }
0x2ef: {  	v12 =	vmul.f32 v12, v2;
	[tilespmem:s25+$0x17080] =	vst v8;
	v5 =	vmul.f32 v5, v10;
	v8 =	vld [tilespmem:s25+$0x170E0]  }
0x2f0: {  	v6 =	vmul.f32 v6, v10;
	[tilespmem:s25+$0x16B20] =	vst v14;
	v9 =	vmul.f32 v9, v2;
	v14 =	vld [tilespmem:s25+$0x170F0]  }
0x2f1: {  	v3 =	vmul.f32 v3, v4;
	v11 =	vmul.f32 v11, v2;
	[tilespmem:s25+$0x170A0] =	vst v5;
	v2 =	vld [tilespmem:s25+$0x17100]  }
0x2f2: {  	[tilespmem:s25+$0x170B0] =	vst v6;
	v5 =	vmul.f32 v13, v10;
	v6 =	vld [tilespmem:s25+$0x17110]  }
0x2f3: {  	v7 =	vmul.f32 v7, v10;
	v13 =	vld [tilespmem:s25+$0x17120];
	[tilespmem:s25+$0x172F0] =	vst v3  }
0x2f4: {  	[tilespmem:s25+$0x16B30] =	vst v12;
	v3 =	vmul.f32 v8, v10;
	v8 =	vld [tilespmem:s25+$0x17130]  }
0x2f5: {  	[tilespmem:s25+$0x16B60] =	vst v9;
	v9 =	vmul.f32 v14, v10;
	v12 =	vld [tilespmem:s25+$0x17140]  }
0x2f6: {  	v14 =	vbroadcast v1, $0xC;
	[tilespmem:s25+$0x170C0] =	vst v5;
	v5 =	vmul.f32 v2, v10;
	v15 =	vld [tilespmem:s25+$0x17150]  }
0x2f7: {  	[tilespmem:s25+$0x170F0] =	vst v9;
	v6 =	vmul.f32 v6, v10;
	v9 =	vld [tilespmem:s25+$0x17160]  }
0x2f8: {  	[tilespmem:s25+$0x170D0] =	vst v7;
	v2 =	vmul.f32 v13, v14;
	v7 =	vld [tilespmem:s25+$0x17170]  }
0x2f9: {  	[tilespmem:s25+$0x170E0] =	vst v3;
	v3 =	vmul.f32 v8, v14;
	v8 =	vld [tilespmem:s25+$0x17180]  }
0x2fa: {  	[tilespmem:s25+$0x17120] =	vst v2;
	v2 =	vmul.f32 v12, v14;
	v10 =	vld [tilespmem:s25+$0x17190]  }
0x2fb: {  	[tilespmem:s25+$0x17130] =	vst v3;
	v3 =	vld [tilespmem:s25+$0x171A0]  }
0x2fc: {  	[tilespmem:s25+$0x16B70] =	vst v11;
	v9 =	vmul.f32 v9, v14;
	v11 =	vld [tilespmem:s25+$0x171B0]  }
0x2fd: {  	[tilespmem:s25+$0x17100] =	vst v5;
	v5 =	vmul.f32 v7, v14;
	v7 =	vld [tilespmem:s25+$0x171C0]  }
0x2fe: {  	[tilespmem:s25+$0x17160] =	vst v9;
	v8 =	vmul.f32 v8, v14;
	v9 =	vbroadcast v1, $0xD;
	v12 =	vld [tilespmem:s25+$0x171D0]  }
0x2ff: {  	[tilespmem:s25+$0x17170] =	vst v5;
	v5 =	vmul.f32 v10, v14;
	v10 =	vld [tilespmem:s25+$0x171E0]  }
0x300: {  	[tilespmem:s25+$0x17180] =	vst v8;
	v3 =	vmul.f32 v3, v9;
	v8 =	vld [tilespmem:s25+$0x171F0]  }
0x301: {  	[tilespmem:s25+$0x17190] =	vst v5;
	v5 =	vmul.f32 v11, v9;
	v11 =	vld [tilespmem:s25+$0x17200]  }
0x302: {  	[tilespmem:s25+$0x171A0] =	vst v3;
	v3 =	vmul.f32 v7, v9;
	v7 =	vld [tilespmem:s25+$0x17210]  }
0x303: {  	[tilespmem:s25+$0x171B0] =	vst v5;
	v5 =	vmul.f32 v12, v9;
	v12 =	vld [tilespmem:s25+$0x17220]  }
0x304: {  	[tilespmem:s25+$0x171C0] =	vst v3;
	v3 =	vmul.f32 v10, v9;
	v10 =	vld [tilespmem:s25+$0x17230]  }
0x305: {  	[tilespmem:s25+$0x171D0] =	vst v5;
	v5 =	vmul.f32 v8, v9;
	v8 =	vld [tilespmem:s25+$0x17240]  }
0x306: {  	v1 =	vbroadcast v1, $0xE;
	[tilespmem:s25+$0x17110] =	vst v6;
	v6 =	vmul.f32 v11, v9;
	v11 =	vld [tilespmem:s25+$0x17250]  }
0x307: {  	[tilespmem:s25+$0x171F0] =	vst v5;
	v5 =	vmul.f32 v7, v9;
	v7 =	vld [tilespmem:s25+$0x17260]  }
0x308: {  	[tilespmem:s25+$0x17200] =	vst v6;
	v6 =	vmul.f32 v12, v1;
	v9 =	vld [tilespmem:s25+$0x17270]  }
0x309: {  	[tilespmem:s25+$0x17210] =	vst v5;
	v5 =	vmul.f32 v10, v1;
	v10 =	vld [tilespmem:s25+$0x17280]  }
0x30a: {  	[tilespmem:s25+$0x17220] =	vst v6;
	v6 =	vmul.f32 v8, v1;
	v8 =	vld [tilespmem:s25+$0x17290]  }
0x30b: {  	[tilespmem:s25+$0x17230] =	vst v5;
	v5 =	vmul.f32 v11, v1;
	v11 =	vld [tilespmem:s25+$0x172A0]  }
0x30c: {  	[tilespmem:s25+$0x17240] =	vst v6;
	v6 =	vmul.f32 v7, v1;
	v7 =	vld [tilespmem:s25+$0x172B0]  }
0x30d: {  	[tilespmem:s25+$0x17250] =	vst v5;
	v5 =	vmul.f32 v9, v1;
	v9 =	vld [tilespmem:s25+$0x172C0]  }
0x30e: {  	[tilespmem:s25+$0x17260] =	vst v6;
	v6 =	vmul.f32 v10, v1;
	v10 =	vld [tilespmem:s25+$0x172D0]  }
0x30f: {  	[tilespmem:s25+$0x171E0] =	vst v3;
	v1 =	vmul.f32 v8, v1;
	v3 =	vld [tilespmem:s25+$0x172E0]  }
0x310: {  	[tilespmem:s25+$0x17280] =	vst v6;
	v6 =	vmul.f32 v11, v4;
	v8 =	vld [tilespmem:s25+$0x17300]  }
0x311: {  	[tilespmem:s25+$0x17290] =	vst v1;
	v1 =	vmul.f32 v7, v4;
	v7 =	vld [tilespmem:s25+$0x17310]  }
0x312: {  	[tilespmem:s25+$0x172A0] =	vst v6;
	v6 =	vmul.f32 v9, v4  }
0x313: {  	[tilespmem:s25+$0x172B0] =	vst v1;
	v1 =	vmul.f32 v10, v4  }
0x314: {  	v9 =	vmul.f32 v15, v14;
	[tilespmem:s25+$0x172C0] =	vst v6  }
0x315: {  	[tilespmem:s25+$0x172D0] =	vst v1;
	v1 =	vmul.f32 v3, v4  }
.Ltmp3:
0x316: {  	[tilespmem:s25+$0x17150] =	vst v9;
	v3 =	vmul.f32 v7, v4;
	(pc) =	sbr.rel @p0 .LBB2_9-.Ltmp3, $4  }
0x317: {  	[tilespmem:s25+$0x172E0] =	vst v1  }
0x318: {  	v1 =	vmul.f32 v8, v4;
	[tilespmem:s25+$0x17310] =	vst v3  }
0x319: {  	[tilespmem:s25+$0x17270] =	vst v5  }
0x31a: {  	[tilespmem:s25+$0x17300] =	vst v1  }
0x31b: {  	s21 =	sadd.s32 $0x1, s21  }
0x31c: {  	p0 =	sne.s32 s21, $0x7D  }
.Ltmp4:
0x31d: {  	_ = 	snop;
	(pc) =	sbr.rel @p0 .LBB2_6-.Ltmp4, $3  }
0x31e: {  	_ =	sdelay $0x1  }
0x31f: {  	[tilespmem:s25+$0x17140] =	vst v2  }
0x320: {  	[spmem:s3] =	stream.indirect.scatter.add.f32 [tilespmem:s16], [sflag:$0x3], $0x80, s18, s2, $0xb8;
	[tilespmem:$0x1BA30] =	vst v63  }
0x321: {  	_ =	swait.ge [sflag:s19], $0x2800  }
0x322: {  	[sflag:s19] =	ssyncset.done $0x0  }
0x323: {  	[sflag:s19] =	ssyncadd.s32 $0xFFFFD800  }
0x324: {  	[bflag:$0x0] =	sbarrier.arrive $0xFFFF  }
0x325: {  	[tilespmem:s29], [sflag:$0x4] =	stream.linear.gather [spmem:s6], $0x2800, $0x38;
	[tilespmem:$0x1BA30] =	vst v63  }
0x326: {  	_ =	swait.ge [sflag:s30], $0x2800  }
0x327: {  	[sflag:s30] =	ssyncset.done $0x0  }
0x328: {  	s21 =	rddreg [dreg:$0x4];
	[sflag:s30] =	ssyncadd.s32 $0xFFFFD800  }
0x329: {  	[hbm4b:s21+s4] =	stream.linear.scatter [tilespmem:s29], [sflag:$0x4], $0x2800, $0x38;
	[tilespmem:$0x1BA30] =	vst v63  }
0x32a: {  	_ =	swait.ge [sflag:s30], $0x2800  }
0x32b: {  	[sflag:s30] =	ssyncset.done $0x0  }
0x32c: {  	[sflag:s30] =	ssyncadd.s32 $0xFFFFD800  }
0x32d: {  	[tilespmem:s16], [sflag:$0x4] =	stream.linear.gather [spmem:s7], $0x2800, $0x38;
	[tilespmem:$0x1BA30] =	vst v63  }
0x32e: {  	_ =	swait.ge [sflag:s30], $0x2800  }
0x32f: {  	[sflag:s30] =	ssyncset.done $0x0  }
0x330: {  	s25 =	rddreg [dreg:$0x5];
	[sflag:s30] =	ssyncadd.s32 $0xFFFFD800  }
0x331: {  	[hbm4b:s25+s4] =	stream.linear.scatter [tilespmem:s16], [sflag:$0x4], $0x2800, $0x38;
	[tilespmem:$0x1BA30] =	vst v63  }
0x332: {  	_ =	swait.ge [sflag:s30], $0x2800  }
0x333: {  	[sflag:s30] =	ssyncset.done $0x0  }
0x334: {  	[sflag:s30] =	ssyncadd.s32 $0xFFFFD800  }
0x335: {  	[tilespmem:s29], [sflag:$0x4] =	stream.linear.gather [spmem:s8], $0x2800, $0x38;
	[tilespmem:$0x1BA30] =	vst v63  }
0x336: {  	_ =	swait.ge [sflag:s30], $0x2800  }
0x337: {  	[sflag:s30] =	ssyncset.done $0x0  }
0x338: {  	s26 =	rddreg [dreg:$0x6];
	[sflag:s30] =	ssyncadd.s32 $0xFFFFD800  }
0x339: {  	[hbm4b:s26+s4] =	stream.linear.scatter [tilespmem:s29], [sflag:$0x4], $0x2800, $0x38;
	[tilespmem:$0x1BA30] =	vst v63  }
0x33a: {  	_ =	swait.ge [sflag:s30], $0x2800  }
0x33b: {  	[sflag:s30] =	ssyncset.done $0x0  }
0x33c: {  	[sflag:s30] =	ssyncadd.s32 $0xFFFFD800  }
0x33d: {  	[tilespmem:s16], [sflag:$0x4] =	stream.linear.gather [spmem:s9], $0x2800, $0x38;
	[tilespmem:$0x1BA30] =	vst v63  }
0x33e: {  	_ =	swait.ge [sflag:s30], $0x2800  }
0x33f: {  	[sflag:s30] =	ssyncset.done $0x0  }
0x340: {  	s28 =	rddreg [dreg:$0x7];
	[sflag:s30] =	ssyncadd.s32 $0xFFFFD800  }
0x341: {  	[hbm4b:s28+s4] =	stream.linear.scatter [tilespmem:s16], [sflag:$0x4], $0x2800, $0x38;
	[tilespmem:$0x1BA30] =	vst v63  }
0x342: {  	_ =	swait.ge [sflag:s30], $0x2800  }
0x343: {  	[sflag:s30] =	ssyncset.done $0x0  }
0x344: {  	[sflag:s30] =	ssyncadd.s32 $0xFFFFD800  }
0x345: {  	[tilespmem:s29], [sflag:$0x4] =	stream.linear.gather [spmem:s10], $0x2800, $0x38;
	[tilespmem:$0x1BA30] =	vst v63  }
0x346: {  	_ =	swait.ge [sflag:s30], $0x2800  }
0x347: {  	[sflag:s30] =	ssyncset.done $0x0  }
0x348: {  	s25 =	rddreg [dreg:$0x8];
	[sflag:s30] =	ssyncadd.s32 $0xFFFFD800  }
0x349: {  	[hbm4b:s25+s4] =	stream.linear.scatter [tilespmem:s29], [sflag:$0x4], $0x2800, $0x38;
	[tilespmem:$0x1BA30] =	vst v63  }
0x34a: {  	_ =	swait.ge [sflag:s30], $0x2800  }
0x34b: {  	[sflag:s30] =	ssyncset.done $0x0  }
0x34c: {  	[sflag:s30] =	ssyncadd.s32 $0xFFFFD800  }
0x34d: {  	[tilespmem:s16], [sflag:$0x4] =	stream.linear.gather [spmem:s11], $0x2800, $0x38;
	[tilespmem:$0x1BA30] =	vst v63  }
0x34e: {  	_ =	swait.ge [sflag:s30], $0x2800  }
0x34f: {  	[sflag:s30] =	ssyncset.done $0x0  }
0x350: {  	s26 =	rddreg [dreg:$0x9];
	[sflag:s30] =	ssyncadd.s32 $0xFFFFD800  }
0x351: {  	[hbm4b:s26+s4] =	stream.linear.scatter [tilespmem:s16], [sflag:$0x4], $0x2800, $0x38;
	[tilespmem:$0x1BA30] =	vst v63  }
0x352: {  	_ =	swait.ge [sflag:s30], $0x2800  }
0x353: {  	[sflag:s30] =	ssyncset.done $0x0  }
0x354: {  	[sflag:s30] =	ssyncadd.s32 $0xFFFFD800  }
0x355: {  	[tilespmem:s29], [sflag:$0x4] =	stream.linear.gather [spmem:s12], $0x2800, $0x38;
	[tilespmem:$0x1BA30] =	vst v63  }
0x356: {  	_ =	swait.ge [sflag:s30], $0x2800  }
0x357: {  	[sflag:s30] =	ssyncset.done $0x0  }
0x358: {  	s28 =	rddreg [dreg:$0xa];
	[sflag:s30] =	ssyncadd.s32 $0xFFFFD800  }
0x359: {  	[hbm4b:s28+s4] =	stream.linear.scatter [tilespmem:s29], [sflag:$0x4], $0x2800, $0x38;
	[tilespmem:$0x1BA30] =	vst v63  }
0x35a: {  	_ =	swait.ge [sflag:s30], $0x2800  }
0x35b: {  	[sflag:s30] =	ssyncset.done $0x0  }
0x35c: {  	[sflag:s30] =	ssyncadd.s32 $0xFFFFD800  }
0x35d: {  	[tilespmem:s16], [sflag:$0x4] =	stream.linear.gather [spmem:s13], $0x2800, $0x38;
	[tilespmem:$0x1BA30] =	vst v63  }
0x35e: {  	_ =	swait.ge [sflag:s30], $0x2800  }
0x35f: {  	[sflag:s30] =	ssyncset.done $0x0  }
0x360: {  	s25 =	rddreg [dreg:$0xb];
	[sflag:s30] =	ssyncadd.s32 $0xFFFFD800  }
0x361: {  	[hbm4b:s25+s4] =	stream.linear.scatter [tilespmem:s16], [sflag:$0x4], $0x2800, $0x38;
	[tilespmem:$0x1BA30] =	vst v63  }
0x362: {  	_ =	swait.ge [sflag:s30], $0x2800  }
0x363: {  	[sflag:s30] =	ssyncset.done $0x0  }
0x364: {  	s26 =	rddreg [dreg:$0xc];
	[sflag:s30] =	ssyncadd.s32 $0xFFFFD800  }
0x365: {  	[hbm4b:s26+s4] =	stream.linear.scatter [tilespmem:s14], [sflag:$0x4], $0x2710, $0x38;
	[tilespmem:$0x1BA30] =	vst v63  }
0x366: {  	_ =	swait.ge [sflag:s30], $0x2710  }
0x367: {  	s20 =	sadd.s32 $0x1, s20;
	s28 =	rddreg [dreg:$0xd]  }
0x368: {  	p0 =	sne.s32 s20, s28  }
.Ltmp5:
0x369: {  	_ = 	snop;
	(pc) =	sbr.rel @p0 .LBB2_1-.Ltmp5, $3  }
0x36a: {  	_ =	sdelay $0x1  }
0x36b: {  	[sflag:s30] =	ssyncset.done $0x0  }
0x36c: {  	[sflag:s30] =	ssyncadd.s32 $0xFFFFD8F0  }
0x36d: {  	_ =	sfence.sel $0x180000  }
0x36e: {  	[bflag:$0x0] =	sbarrier.arrive $0xFFFF  }
0x36f: {  	_ =	strace $0x90000047  }
0x370: {  	s0 =	stileid.u32;
	[bflag:$0x2] =	sbarrier.arrive $0xFFFF  }
0x371: {  	p0 =	sne.s32 s0, $0x0;
	s0 =	rddreg [dreg:$0x3]  }
0x372: {  	s0 =	sadd.s32 @!p0 $0x100000, s0  }
0x373: {  	[sflag:s0] =	ssyncadd.tile.s32 @!p0 $0x1;
	_ =	shalt  }
.Lfunc_end2:
_tile_overlayer_lowered:
.L_overlay_start_2:
0x374: {  	(tag) =	ssettag $0x2  }
0x375: {  	s0 =	rddreg [dreg:$0x0];
	s2 =	stileid.u32  }
0x376: {  	s1 =	rddreg [dreg:$0x1];
	p0 =	sne.s32 s2, $0x0  }
0x377: {  	s3 =	rddreg [dreg:$0x2];
	[bflag:$0x3] =	sbarrier.arrive $0xFFFF;
	s2 =	simm.s32 @!p0 $0x1C04  }
0x378: {  	[timem:s3], [sflag:s2] =	dma.local @!p0 [hbm:s0], s1  }
0x379: {  	s0 =	simm.s32 @!p0 $0x4  }
0x37a: {  	_ =	swait.ge @!p0 [sflag:s0], s1  }
0x37b: {  	s1 =	ssub.s32 @!p0 $0x0, s1;
	[sflag:s0] =	ssyncset.done @!p0 $0x0  }
0x37c: {  	[sflag:s0] =	ssyncadd.s32 @!p0 s1  }
0x37d: {  	[bflag:$0x3] =	sbarrier.arrive $0xFFFF  }
0x37e: {  	_ =	shalt  }

</sc_bundles>
